<compile_context>
chip_gen: v7x
topology: tpu7x:2x2x1
jax: 0.10.2.dev20260603
libtpu: 0.0.44.dev20260713+nightly
codegen_flags: <defaults>
</compile_context>

<pallas_src>
import jax
import jax.numpy as jnp
from jax import lax
from jax.experimental import pallas as pl
from jax.experimental.pallas import tpu as pltpu
from jax.experimental.pallas import tpu_sc as plsc

NUM_SIGNALS = 1000000
CODE_DIM = 32
BATCH = 16384

_PACK = 128 // CODE_DIM
_NLINES = NUM_SIGNALS // _PACK

_NC = 2
_NS = 16
_NW = _NC * _NS
_BPW = BATCH // _NW
_CHUNK = 128
_NCHUNK = _BPW // _CHUNK

_NTILES = NUM_SIGNALS // 128
_TAIL = NUM_SIGNALS - _NTILES * 128
_TPW = _NTILES // _NW
_TC = 4
_NCH = _TPW // _TC
_EXTRA = _NTILES - _TPW * _NW
_CW = _TC * 128
_CWP = _CW
_CR = _TC * 32


def _reformat_body(tableT_hbm, tail_hbm, scratch_hbm, blk_v, s_v,
                   in_sem, out_sem):
    wid = lax.axis_index("s") * _NC + lax.axis_index("c")
    j0 = wid * _TPW
    iota = lax.iota(jnp.int32, 16)
    rids = (iota, iota + 16)

    def start_in(u, b):
        pltpu.async_copy(
            tableT_hbm.at[:, pl.ds((j0 + u * _TC) * 128, _CW)],
            blk_v.at[b, :, pl.ds(0, _CW)], in_sem)

    def wait_in(b):
        pltpu.make_async_copy(
            tableT_hbm.at[:, pl.ds(0, _CW)],
            blk_v.at[b, :, pl.ds(0, _CW)], in_sem).wait()

    def start_out(u, b):
        pltpu.async_copy(
            s_v.at[b], scratch_hbm.at[pl.ds((j0 + u * _TC) * 32, _CR), :],
            out_sem)

    def wait_out(b):
        pltpu.make_async_copy(
            s_v.at[b], scratch_hbm.at[pl.ds(0, _CR), :], out_sem).wait()

    def compute(b):
        @plsc.parallel_loop(0, _CR, unroll=2)
        def rows(s):
            col = (s // 32) * 128 + 4 * (s % 32)
            for u in range(4):
                cid = jnp.full((16,), 0, jnp.int32) + (col + u)
                for h in range(2):
                    s_v[b, s, pl.ds(16 * (2 * u + h), 16)] = (
                        plsc.load_gather(blk_v.at[b], [rids[h], cid]))

    start_in(0, 0)
    start_in(1, 1)
    wait_in(0)
    compute(0)
    start_out(0, 0)
    start_in(2, 0)
    wait_in(1)
    compute(1)
    start_out(1, 1)
    start_in(3, 1)

    def step(g, _):
        for b in range(2):
            u = g * 2 + b
            wait_out(b)
            wait_in(b)
            compute(b)
            start_out(u, b)

            @pl.when(u + 2 <= _NCH - 1)
            def _more():
                start_in(u + 2, b)
        return _

    lax.fori_loop(1, (_NCH - 1) // 2, step, None)
    wait_out(0)
    wait_in(0)
    compute(0)
    start_out(_NCH - 1, 0)
    wait_out(1)
    wait_out(0)

    @pl.when(wid < _EXTRA)
    def _leftover():
        j = _NTILES - _EXTRA + wid
        pltpu.sync_copy(tableT_hbm.at[:, pl.ds(j * 128, 128)],
                        blk_v.at[0, :, pl.ds(0, 128)])

        def rows(s, _):
            col = 4 * s
            for u in range(4):
                cid = jnp.full((16,), 0, jnp.int32) + (col + u)
                for h in range(2):
                    s_v[0, s, pl.ds(16 * (2 * u + h), 16)] = (
                        plsc.load_gather(blk_v.at[0], [rids[h], cid]))
            return _

        lax.fori_loop(0, 32, rows, None)
        pltpu.sync_copy(s_v.at[0, pl.ds(0, 32), :],
                        scratch_hbm.at[pl.ds(j * 32, 32), :])

    @pl.when(wid == _NW - 1)
    def _tail():
        pltpu.sync_copy(tail_hbm, s_v.at[0, pl.ds(0, _TAIL // 4), :])
        pltpu.sync_copy(s_v.at[0, pl.ds(0, _TAIL // 4), :],
                        scratch_hbm.at[pl.ds(_NTILES * 32, _TAIL // 4), :])


def _gather_body(idx_hbm, table_hbm, outT_hbm,
                 idx_v, line_v, off_v, rows_v, out_v, sem):
    wid = lax.axis_index("s") * _NC + lax.axis_index("c")
    base = wid * _BPW
    pltpu.sync_copy(idx_hbm.at[pl.ds(base, _BPW)], idx_v)
    for k in range(_BPW // 16):
        v = idx_v[pl.ds(k * 16, 16)]
        line_v[k // 8, pl.ds((k * 16) % _CHUNK, 16)] = v >> 2
        off_v[pl.ds(k * 16, 16)] = (v & 3) << 5
    copies = [
        pltpu.async_copy(
            table_hbm.at[line_v.at[j]],
            rows_v.at[pl.ds(j * _CHUNK, _CHUNK)],
            sem,
        )
        for j in range(_NCHUNK)
    ]
    for c in copies:
        c.wait()

    @plsc.parallel_loop(0, _BPW // 16, unroll=2)
    def extract(mb):
        s = pl.multiple_of(mb * 16, 16)
        bvec = lax.iota(jnp.int32, 16) + mb * 16
        offv = off_v[pl.ds(s, 16)]
        for c in range(CODE_DIM):
            vals = plsc.load_gather(rows_v, [bvec, offv + c])
            out_v[c, pl.ds(s, 16)] = vals
    pltpu.sync_copy(out_v, outT_hbm.at[:, pl.ds(base, _BPW)])


_mesh = plsc.VectorSubcoreMesh(core_axis_name="c", subcore_axis_name="s")
_params = pltpu.CompilerParams(
    needs_layout_passes=False, use_tc_tiling_on_sc=True,
    disable_bounds_checks=True)


@jax.jit
def _run(idx, tableT, tail16):
    scratch = pl.kernel(
        _reformat_body,
        mesh=_mesh,
        out_type=jax.ShapeDtypeStruct((_NLINES, 128), jnp.float32),
        scratch_types=[
            pltpu.VMEM((2, CODE_DIM, _CWP), jnp.float32),
            pltpu.VMEM((2, _CR, 128), jnp.float32),
            pltpu.SemaphoreType.DMA,
            pltpu.SemaphoreType.DMA,
        ],
        compiler_params=_params,
    )(tableT, tail16)
    return pl.kernel(
        _gather_body,
        mesh=_mesh,
        out_type=jax.ShapeDtypeStruct((CODE_DIM, BATCH), jnp.float32),
        scratch_types=[
            pltpu.VMEM((_BPW,), jnp.int32),
            pltpu.VMEM((_NCHUNK, _CHUNK), jnp.int32),
            pltpu.VMEM((_BPW,), jnp.int32),
            pltpu.VMEM((_BPW, 128), jnp.float32),
            pltpu.VMEM((CODE_DIM, _BPW), jnp.float32),
            pltpu.SemaphoreType.DMA,
        ],
        compiler_params=_params,
    )(idx, scratch)


def kernel(signal_indices, codes):
    idx = signal_indices.astype(jnp.int32)
    tail16 = codes[_NTILES * 128:, :].reshape(_TAIL // 4, 128)
    out_t = _run(idx, codes.T, tail16)
    return out_t.T

# --- scband reference (transcript-rebuilt; emitter-appended) ---
"""Pipeline reference for scband-auto-decoder-25477746000480 (READ-ONLY COPY).

The authoritative reference and input builder live on the scoring server;
editing this copy changes nothing except your own understanding.
"""

import jax, jax.numpy as jnp
import numpy as np

NUM_SIGNALS = 1000000
CODE_DIM = 32
BATCH = 16384

def setup_inputs(seed: int = 0) -> dict:
    key = jax.random.key(seed)
    k1, k2 = jax.random.split(key)
    signal_indices = jax.random.randint(k1, (BATCH,), 0, NUM_SIGNALS, dtype=jnp.int64 if jax.config.jax_enable_x64 else jnp.int32)
    codes = jax.random.normal(k2, (NUM_SIGNALS, CODE_DIM), dtype=jnp.float32)
    return {"signal_indices": signal_indices, "codes": codes}

def reference(signal_indices, codes):
    # AutoDecoder.get_modulations: per-signal learned code lookup
    modulations = jnp.take(codes, signal_indices, axis=0)
    return modulations

if __name__ == "__main__":
    import jax
    _d = setup_inputs()
    print(jax.jit(kernel)(*tuple(_d.values())))

</pallas_src>

<mosaic_0001>
#map = affine_map<(d0, d1) -> (0, 0)>
module attributes {stable_mosaic.version = 14 : i64} {
  func.func @_reformat_body(%arg0: i32, %arg1: i32, %arg2: memref<32x1000000xf32, #tpu.memory_space<hbm>>, %arg3: memref<16x128xf32, #tpu.memory_space<hbm>>, %arg4: memref<250000x128xf32, #tpu.memory_space<hbm>>, %arg5: memref<2x32x512xf32, #tpu.memory_space<vmem>>, %arg6: memref<2x128x128xf32, #tpu.memory_space<vmem>>, %arg7: memref<!tpu.dma_semaphore, #tpu.memory_space<semaphore_mem>>, %arg8: memref<!tpu.dma_semaphore, #tpu.memory_space<semaphore_mem>>) attributes {dimension_semantics = [#tpu.dimension_semantics<core_parallel>, #tpu.dimension_semantics<subcore_parallel>], iteration_bounds = array<i64: 2, 16>, scalar_prefetch = 0 : i64, scratch_operands = 4 : i64, tpu.core_type = #tpu.core_type<sc_vector_subcore>, window_params = [{transform_indices = #map}, {transform_indices = #map}, {transform_indices = #map}]} {
    %mul3A = arith.constant 2 : i32
    %mul3A_0 = arith.muli %arg1, %mul3A : i32
    %add3A = arith.addi %mul3A_0, %arg0 : i32
    %mul3A_1 = arith.constant 244 : i32
    %mul3A_2 = arith.muli %add3A, %mul3A_1 : i32
    %iota3A = tpu.iota {dimensions = array<i32: 0>} : vector<16xi32>
    %add3A_3 = arith.constant 16 : i32
    %add3A_4 = vector.broadcast %add3A_3 : i32 to vector<16xi32>
    %add3A_5 = arith.addi %iota3A, %add3A_4 : vector<16xi32>
    %add3A_6 = arith.constant 0 : i32
    %add3A_7 = arith.addi %mul3A_2, %add3A_6 : i32
    %mul3A_8 = arith.constant 128 : i32
    %mul3A_9 = arith.muli %add3A_7, %mul3A_8 : i32
    %dma_start3A = arith.constant 0 : i32
    %dma_start3A_10 = arith.constant 0 : i32
    %dma_start3A_11 = arith.constant 0 : i32
    %dma_start3A_12 = tpu.memref_slice %arg5[%dma_start3A, %dma_start3A_10, %dma_start3A_11] : memref<2x32x512xf32, #tpu.memory_space<vmem>> -> memref<1x32x512xf32, #tpu.memory_space<vmem>>
    %dma_start3A_13 = tpu.memref_squeeze %dma_start3A_12 : memref<1x32x512xf32, #tpu.memory_space<vmem>> -> memref<32x512xf32, #tpu.memory_space<vmem>>
    %dma_start3A_14 = arith.constant 0 : i32
    %dma_start3A_15 = tpu.memref_slice %arg2[%dma_start3A_14, %mul3A_9] : memref<32x1000000xf32, #tpu.memory_space<hbm>> -> memref<32x512xf32, #tpu.memory_space<hbm>>
    %dma_start3A_16 = arith.constant 0 : i32
    %dma_start3A_17 = arith.constant 0 : i32
    %dma_start3A_18 = tpu.memref_slice %arg5[%dma_start3A, %dma_start3A_16, %dma_start3A_17] : memref<2x32x512xf32, #tpu.memory_space<vmem>> -> memref<1x32x512xf32, #tpu.memory_space<vmem>>
    %dma_start3A_19 = tpu.memref_squeeze %dma_start3A_18 : memref<1x32x512xf32, #tpu.memory_space<vmem>> -> memref<32x512xf32, #tpu.memory_space<vmem>>
    %dma_start3A_20 = arith.constant 0 : i32
    %dma_start3A_21 = tpu.memref_slice %arg2[%dma_start3A_20, %mul3A_9] : memref<32x1000000xf32, #tpu.memory_space<hbm>> -> memref<32x512xf32, #tpu.memory_space<hbm>>
    tpu.enqueue_dma source(%dma_start3A_21 : memref<32x512xf32, #tpu.memory_space<hbm>>) target(%dma_start3A_19 : memref<32x512xf32, #tpu.memory_space<vmem>>) target_semaphore(%arg7 : memref<!tpu.dma_semaphore, #tpu.memory_space<semaphore_mem>>)
    %add3A_22 = arith.constant 4 : i32
    %add3A_23 = arith.addi %mul3A_2, %add3A_22 : i32
    %mul3A_24 = arith.constant 128 : i32
    %mul3A_25 = arith.muli %add3A_23, %mul3A_24 : i32
    %dma_start3A_26 = arith.constant 1 : i32
    %dma_start3A_27 = arith.constant 0 : i32
    %dma_start3A_28 = arith.constant 0 : i32
    %dma_start3A_29 = tpu.memref_slice %arg5[%dma_start3A_26, %dma_start3A_27, %dma_start3A_28] : memref<2x32x512xf32, #tpu.memory_space<vmem>> -> memref<1x32x512xf32, #tpu.memory_space<vmem>>
    %dma_start3A_30 = tpu.memref_squeeze %dma_start3A_29 : memref<1x32x512xf32, #tpu.memory_space<vmem>> -> memref<32x512xf32, #tpu.memory_space<vmem>>
    %dma_start3A_31 = arith.constant 0 : i32
    %dma_start3A_32 = tpu.memref_slice %arg2[%dma_start3A_31, %mul3A_25] : memref<32x1000000xf32, #tpu.memory_space<hbm>> -> memref<32x512xf32, #tpu.memory_space<hbm>>
    %dma_start3A_33 = arith.constant 0 : i32
    %dma_start3A_34 = arith.constant 0 : i32
    %dma_start3A_35 = tpu.memref_slice %arg5[%dma_start3A_26, %dma_start3A_33, %dma_start3A_34] : memref<2x32x512xf32, #tpu.memory_space<vmem>> -> memref<1x32x512xf32, #tpu.memory_space<vmem>>
    %dma_start3A_36 = tpu.memref_squeeze %dma_start3A_35 : memref<1x32x512xf32, #tpu.memory_space<vmem>> -> memref<32x512xf32, #tpu.memory_space<vmem>>
    %dma_start3A_37 = arith.constant 0 : i32
    %dma_start3A_38 = tpu.memref_slice %arg2[%dma_start3A_37, %mul3A_25] : memref<32x1000000xf32, #tpu.memory_space<hbm>> -> memref<32x512xf32, #tpu.memory_space<hbm>>
    tpu.enqueue_dma source(%dma_start3A_38 : memref<32x512xf32, #tpu.memory_space<hbm>>) target(%dma_start3A_36 : memref<32x512xf32, #tpu.memory_space<vmem>>) target_semaphore(%arg7 : memref<!tpu.dma_semaphore, #tpu.memory_space<semaphore_mem>>)
    %dma_wait3A = arith.constant 0 : i32
    %dma_wait3A_39 = arith.constant 0 : i32
    %dma_wait3A_40 = arith.constant 0 : i32
    %dma_wait3A_41 = tpu.memref_slice %arg5[%dma_wait3A, %dma_wait3A_39, %dma_wait3A_40] : memref<2x32x512xf32, #tpu.memory_space<vmem>> -> memref<1x32x512xf32, #tpu.memory_space<vmem>>
    %dma_wait3A_42 = tpu.memref_squeeze %dma_wait3A_41 : memref<1x32x512xf32, #tpu.memory_space<vmem>> -> memref<32x512xf32, #tpu.memory_space<vmem>>
    %dma_wait3A_43 = arith.constant 0 : i32
    %dma_wait3A_44 = arith.constant 0 : i32
    %dma_wait3A_45 = tpu.memref_slice %arg2[%dma_wait3A_43, %dma_wait3A_44] : memref<32x1000000xf32, #tpu.memory_space<hbm>> -> memref<32x512xf32, #tpu.memory_space<hbm>>
    %dma_wait3A_46 = arith.constant 0 : i32
    %dma_wait3A_47 = arith.constant 0 : i32
    %dma_wait3A_48 = tpu.memref_slice %arg5[%dma_wait3A, %dma_wait3A_46, %dma_wait3A_47] : memref<2x32x512xf32, #tpu.memory_space<vmem>> -> memref<1x32x512xf32, #tpu.memory_space<vmem>>
    %dma_wait3A_49 = tpu.memref_squeeze %dma_wait3A_48 : memref<1x32x512xf32, #tpu.memory_space<vmem>> -> memref<32x512xf32, #tpu.memory_space<vmem>>
    %dma_wait3A_50 = arith.constant 0 : i32
    %dma_wait3A_51 = arith.constant 0 : i32
    %dma_wait3A_52 = tpu.memref_slice %arg2[%dma_wait3A_50, %dma_wait3A_51] : memref<32x1000000xf32, #tpu.memory_space<hbm>> -> memref<32x512xf32, #tpu.memory_space<hbm>>
    tpu.wait_dma2 semaphore(%arg7 : memref<!tpu.dma_semaphore, #tpu.memory_space<semaphore_mem>>) src(%dma_wait3A_52 : memref<32x512xf32, #tpu.memory_space<hbm>>) dst(%dma_wait3A_49 : memref<32x512xf32, #tpu.memory_space<vmem>>)
    %parallel_loop3A = arith.constant 0 : i32
    %parallel_loop3A_53 = arith.constant 128 : i32
    %parallel_loop3A_54 = arith.constant 1 : i32
    scf.for %parallel_loop3A_231 = %parallel_loop3A to %parallel_loop3A_53 step %parallel_loop3A_54  : i32 {
      %parallel_loop3A_232 = arith.constant 32 : i32
      %parallel_loop3A_233 = arith.divsi %parallel_loop3A_231, %parallel_loop3A_232 : i32
      %parallel_loop3A_234 = arith.constant 0 : i32
      %parallel_loop3A_235 = arith.cmpi sgt, %parallel_loop3A_231, %parallel_loop3A_234 : i32
      %parallel_loop3A_236 = arith.extui %parallel_loop3A_235 : i1 to i32
      %parallel_loop3A_237 = arith.constant 0 : i32
      %parallel_loop3A_238 = arith.cmpi slt, %parallel_loop3A_231, %parallel_loop3A_237 : i32
      %parallel_loop3A_239 = arith.extui %parallel_loop3A_238 : i1 to i32
      %parallel_loop3A_240 = arith.subi %parallel_loop3A_236, %parallel_loop3A_239 : i32
      %parallel_loop3A_241 = arith.constant 0 : i32
      %parallel_loop3A_242 = arith.cmpi sgt, %parallel_loop3A_232, %parallel_loop3A_241 : i32
      %parallel_loop3A_243 = arith.extui %parallel_loop3A_242 : i1 to i32
      %parallel_loop3A_244 = arith.constant 0 : i32
      %parallel_loop3A_245 = arith.cmpi slt, %parallel_loop3A_232, %parallel_loop3A_244 : i32
      %parallel_loop3A_246 = arith.extui %parallel_loop3A_245 : i1 to i32
      %parallel_loop3A_247 = arith.subi %parallel_loop3A_243, %parallel_loop3A_246 : i32
      %parallel_loop3A_248 = arith.cmpi ne, %parallel_loop3A_240, %parallel_loop3A_247 : i32
      %parallel_loop3A_249 = arith.remsi %parallel_loop3A_231, %parallel_loop3A_232 : i32
      %parallel_loop3A_250 = arith.constant 0 : i32
      %parallel_loop3A_251 = arith.cmpi ne, %parallel_loop3A_249, %parallel_loop3A_250 : i32
      %parallel_loop3A_252 = arith.andi %parallel_loop3A_248, %parallel_loop3A_251 : i1
      %parallel_loop3A_253 = arith.constant 1 : i32
      %parallel_loop3A_254 = arith.subi %parallel_loop3A_233, %parallel_loop3A_253 : i32
      %parallel_loop3A_255 = arith.select %parallel_loop3A_252, %parallel_loop3A_254, %parallel_loop3A_233 : i32
      %parallel_loop3A_256 = arith.constant 128 : i32
      %parallel_loop3A_257 = arith.muli %parallel_loop3A_255, %parallel_loop3A_256 : i32
      %parallel_loop3A_258 = arith.constant 32 : i32
      %parallel_loop3A_259 = arith.constant 0 : i32
      %parallel_loop3A_260 = arith.cmpi eq, %parallel_loop3A_258, %parallel_loop3A_259 : i32
      %parallel_loop3A_261 = arith.constant 1 : i32
      %parallel_loop3A_262 = arith.select %parallel_loop3A_260, %parallel_loop3A_261, %parallel_loop3A_258 : i32
      %parallel_loop3A_263 = arith.remsi %parallel_loop3A_231, %parallel_loop3A_262 : i32
      %parallel_loop3A_264 = arith.constant 0 : i32
      %parallel_loop3A_265 = arith.cmpi ne, %parallel_loop3A_263, %parallel_loop3A_264 : i32
      %parallel_loop3A_266 = arith.constant 0 : i32
      %parallel_loop3A_267 = arith.cmpi slt, %parallel_loop3A_263, %parallel_loop3A_266 : i32
      %parallel_loop3A_268 = arith.constant 0 : i32
      %parallel_loop3A_269 = arith.cmpi slt, %parallel_loop3A_262, %parallel_loop3A_268 : i32
      %parallel_loop3A_270 = arith.xori %parallel_loop3A_267, %parallel_loop3A_269 : i1
      %parallel_loop3A_271 = arith.andi %parallel_loop3A_270, %parallel_loop3A_265 : i1
      %parallel_loop3A_272 = arith.addi %parallel_loop3A_263, %parallel_loop3A_262 : i32
      %parallel_loop3A_273 = arith.select %parallel_loop3A_271, %parallel_loop3A_272, %parallel_loop3A_263 : i32
      %parallel_loop3A_274 = arith.constant 4 : i32
      %parallel_loop3A_275 = arith.muli %parallel_loop3A_274, %parallel_loop3A_273 : i32
      %parallel_loop3A_276 = arith.addi %parallel_loop3A_257, %parallel_loop3A_275 : i32
      %parallel_loop3A_277 = arith.constant 0 : i32
      %parallel_loop3A_278 = vector.broadcast %parallel_loop3A_277 : i32 to vector<16xi32>
      %parallel_loop3A_279 = arith.constant 0 : i32
      %parallel_loop3A_280 = arith.addi %parallel_loop3A_276, %parallel_loop3A_279 : i32
      %parallel_loop3A_281 = vector.broadcast %parallel_loop3A_280 : i32 to vector<16xi32>
      %parallel_loop3A_282 = arith.addi %parallel_loop3A_278, %parallel_loop3A_281 : vector<16xi32>
      %parallel_loop3A_283 = arith.constant 0 : i32
      %parallel_loop3A_284 = arith.constant 0 : i32
      %parallel_loop3A_285 = arith.constant 0 : i32
      %parallel_loop3A_286 = tpu.memref_slice %arg5[%parallel_loop3A_283, %parallel_loop3A_284, %parallel_loop3A_285] : memref<2x32x512xf32, #tpu.memory_space<vmem>> -> memref<1x32x512xf32, #tpu.memory_space<vmem>>
      %parallel_loop3A_287 = tpu.memref_squeeze %parallel_loop3A_286 : memref<1x32x512xf32, #tpu.memory_space<vmem>> -> memref<32x512xf32, #tpu.memory_space<vmem>>
      %parallel_loop3A_288 = tpu.vector_load_idx %parallel_loop3A_287[%iota3A, %parallel_loop3A_282] : memref<32x512xf32, #tpu.memory_space<vmem>>[vector<16xi32>, vector<16xi32>], vector<16xf32>,
      %parallel_loop3A_289 = arith.constant 0 : i32
      %parallel_loop3A_290 = arith.index_cast %parallel_loop3A_289 : i32 to index
      %parallel_loop3A_291 = arith.index_cast %parallel_loop3A_231 : i32 to index
      %parallel_loop3A_292 = arith.constant 0 : index
      %parallel_loop3A_293 = tpu.vector_load %arg6[%parallel_loop3A_290, %parallel_loop3A_291, %parallel_loop3A_292] {strides = array<i32>} : memref<2x128x128xf32, #tpu.memory_space<vmem>>, vector<16xf32>,
      tpu.vector_store %arg6[%parallel_loop3A_290, %parallel_loop3A_291, %parallel_loop3A_292], %parallel_loop3A_288 {strides = array<i32>} : memref<2x128x128xf32, #tpu.memory_space<vmem>>, vector<16xf32>,
      %parallel_loop3A_294 = arith.constant 0 : i32
      %parallel_loop3A_295 = arith.constant 0 : i32
      %parallel_loop3A_296 = arith.constant 0 : i32
      %parallel_loop3A_297 = tpu.memref_slice %arg5[%parallel_loop3A_294, %parallel_loop3A_295, %parallel_loop3A_296] : memref<2x32x512xf32, #tpu.memory_space<vmem>> -> memref<1x32x512xf32, #tpu.memory_space<vmem>>
      %parallel_loop3A_298 = tpu.memref_squeeze %parallel_loop3A_297 : memref<1x32x512xf32, #tpu.memory_space<vmem>> -> memref<32x512xf32, #tpu.memory_space<vmem>>
      %parallel_loop3A_299 = tpu.vector_load_idx %parallel_loop3A_298[%add3A_5, %parallel_loop3A_282] : memref<32x512xf32, #tpu.memory_space<vmem>>[vector<16xi32>, vector<16xi32>], vector<16xf32>,
      %parallel_loop3A_300 = arith.constant 0 : i32
      %parallel_loop3A_301 = arith.index_cast %parallel_loop3A_300 : i32 to index
      %parallel_loop3A_302 = arith.index_cast %parallel_loop3A_231 : i32 to index
      %parallel_loop3A_303 = arith.constant 16 : index
      %parallel_loop3A_304 = tpu.vector_load %arg6[%parallel_loop3A_301, %parallel_loop3A_302, %parallel_loop3A_303] {strides = array<i32>} : memref<2x128x128xf32, #tpu.memory_space<vmem>>, vector<16xf32>,
      tpu.vector_store %arg6[%parallel_loop3A_301, %parallel_loop3A_302, %parallel_loop3A_303], %parallel_loop3A_299 {strides = array<i32>} : memref<2x128x128xf32, #tpu.memory_space<vmem>>, vector<16xf32>,
      %parallel_loop3A_305 = arith.constant 0 : i32
      %parallel_loop3A_306 = vector.broadcast %parallel_loop3A_305 : i32 to vector<16xi32>
      %parallel_loop3A_307 = arith.constant 1 : i32
      %parallel_loop3A_308 = arith.addi %parallel_loop3A_276, %parallel_loop3A_307 : i32
      %parallel_loop3A_309 = vector.broadcast %parallel_loop3A_308 : i32 to vector<16xi32>
      %parallel_loop3A_310 = arith.addi %parallel_loop3A_306, %parallel_loop3A_309 : vector<16xi32>
      %parallel_loop3A_311 = arith.constant 0 : i32
      %parallel_loop3A_312 = arith.constant 0 : i32
      %parallel_loop3A_313 = arith.constant 0 : i32
      %parallel_loop3A_314 = tpu.memref_slice %arg5[%parallel_loop3A_311, %parallel_loop3A_312, %parallel_loop3A_313] : memref<2x32x512xf32, #tpu.memory_space<vmem>> -> memref<1x32x512xf32, #tpu.memory_space<vmem>>
      %parallel_loop3A_315 = tpu.memref_squeeze %parallel_loop3A_314 : memref<1x32x512xf32, #tpu.memory_space<vmem>> -> memref<32x512xf32, #tpu.memory_space<vmem>>
      %parallel_loop3A_316 = tpu.vector_load_idx %parallel_loop3A_315[%iota3A, %parallel_loop3A_310] : memref<32x512xf32, #tpu.memory_space<vmem>>[vector<16xi32>, vector<16xi32>], vector<16xf32>,
      %parallel_loop3A_317 = arith.constant 0 : i32
      %parallel_loop3A_318 = arith.index_cast %parallel_loop3A_317 : i32 to index
      %parallel_loop3A_319 = arith.index_cast %parallel_loop3A_231 : i32 to index
      %parallel_loop3A_320 = arith.constant 32 : index
      %parallel_loop3A_321 = tpu.vector_load %arg6[%parallel_loop3A_318, %parallel_loop3A_319, %parallel_loop3A_320] {strides = array<i32>} : memref<2x128x128xf32, #tpu.memory_space<vmem>>, vector<16xf32>,
      tpu.vector_store %arg6[%parallel_loop3A_318, %parallel_loop3A_319, %parallel_loop3A_320], %parallel_loop3A_316 {strides = array<i32>} : memref<2x128x128xf32, #tpu.memory_space<vmem>>, vector<16xf32>,
      %parallel_loop3A_322 = arith.constant 0 : i32
      %parallel_loop3A_323 = arith.constant 0 : i32
      %parallel_loop3A_324 = arith.constant 0 : i32
      %parallel_loop3A_325 = tpu.memref_slice %arg5[%parallel_loop3A_322, %parallel_loop3A_323, %parallel_loop3A_324] : memref<2x32x512xf32, #tpu.memory_space<vmem>> -> memref<1x32x512xf32, #tpu.memory_space<vmem>>
      %parallel_loop3A_326 = tpu.memref_squeeze %parallel_loop3A_325 : memref<1x32x512xf32, #tpu.memory_space<vmem>> -> memref<32x512xf32, #tpu.memory_space<vmem>>
      %parallel_loop3A_327 = tpu.vector_load_idx %parallel_loop3A_326[%add3A_5, %parallel_loop3A_310] : memref<32x512xf32, #tpu.memory_space<vmem>>[vector<16xi32>, vector<16xi32>], vector<16xf32>,
      %parallel_loop3A_328 = arith.constant 0 : i32
      %parallel_loop3A_329 = arith.index_cast %parallel_loop3A_328 : i32 to index
      %parallel_loop3A_330 = arith.index_cast %parallel_loop3A_231 : i32 to index
      %parallel_loop3A_331 = arith.constant 48 : index
      %parallel_loop3A_332 = tpu.vector_load %arg6[%parallel_loop3A_329, %parallel_loop3A_330, %parallel_loop3A_331] {strides = array<i32>} : memref<2x128x128xf32, #tpu.memory_space<vmem>>, vector<16xf32>,
      tpu.vector_store %arg6[%parallel_loop3A_329, %parallel_loop3A_330, %parallel_loop3A_331], %parallel_loop3A_327 {strides = array<i32>} : memref<2x128x128xf32, #tpu.memory_space<vmem>>, vector<16xf32>,
      %parallel_loop3A_333 = arith.constant 0 : i32
      %parallel_loop3A_334 = vector.broadcast %parallel_loop3A_333 : i32 to vector<16xi32>
      %parallel_loop3A_335 = arith.constant 2 : i32
      %parallel_loop3A_336 = arith.addi %parallel_loop3A_276, %parallel_loop3A_335 : i32
      %parallel_loop3A_337 = vector.broadcast %parallel_loop3A_336 : i32 to vector<16xi32>
      %parallel_loop3A_338 = arith.addi %parallel_loop3A_334, %parallel_loop3A_337 : vector<16xi32>
      %parallel_loop3A_339 = arith.constant 0 : i32
      %parallel_loop3A_340 = arith.constant 0 : i32
      %parallel_loop3A_341 = arith.constant 0 : i32
      %parallel_loop3A_342 = tpu.memref_slice %arg5[%parallel_loop3A_339, %parallel_loop3A_340, %parallel_loop3A_341] : memref<2x32x512xf32, #tpu.memory_space<vmem>> -> memref<1x32x512xf32, #tpu.memory_space<vmem>>
      %parallel_loop3A_343 = tpu.memref_squeeze %parallel_loop3A_342 : memref<1x32x512xf32, #tpu.memory_space<vmem>> -> memref<32x512xf32, #tpu.memory_space<vmem>>
      %parallel_loop3A_344 = tpu.vector_load_idx %parallel_loop3A_343[%iota3A, %parallel_loop3A_338] : memref<32x512xf32, #tpu.memory_space<vmem>>[vector<16xi32>, vector<16xi32>], vector<16xf32>,
      %parallel_loop3A_345 = arith.constant 0 : i32
      %parallel_loop3A_346 = arith.index_cast %parallel_loop3A_345 : i32 to index
      %parallel_loop3A_347 = arith.index_cast %parallel_loop3A_231 : i32 to index
      %parallel_loop3A_348 = arith.constant 64 : index
      %parallel_loop3A_349 = tpu.vector_load %arg6[%parallel_loop3A_346, %parallel_loop3A_347, %parallel_loop3A_348] {strides = array<i32>} : memref<2x128x128xf32, #tpu.memory_space<vmem>>, vector<16xf32>,
      tpu.vector_store %arg6[%parallel_loop3A_346, %parallel_loop3A_347, %parallel_loop3A_348], %parallel_loop3A_344 {strides = array<i32>} : memref<2x128x128xf32, #tpu.memory_space<vmem>>, vector<16xf32>,
      %parallel_loop3A_350 = arith.constant 0 : i32
      %parallel_loop3A_351 = arith.constant 0 : i32
      %parallel_loop3A_352 = arith.constant 0 : i32
      %parallel_loop3A_353 = tpu.memref_slice %arg5[%parallel_loop3A_350, %parallel_loop3A_351, %parallel_loop3A_352] : memref<2x32x512xf32, #tpu.memory_space<vmem>> -> memref<1x32x512xf32, #tpu.memory_space<vmem>>
      %parallel_loop3A_354 = tpu.memref_squeeze %parallel_loop3A_353 : memref<1x32x512xf32, #tpu.memory_space<vmem>> -> memref<32x512xf32, #tpu.memory_space<vmem>>
      %parallel_loop3A_355 = tpu.vector_load_idx %parallel_loop3A_354[%add3A_5, %parallel_loop3A_338] : memref<32x512xf32, #tpu.memory_space<vmem>>[vector<16xi32>, vector<16xi32>], vector<16xf32>,
      %parallel_loop3A_356 = arith.constant 0 : i32
      %parallel_loop3A_357 = arith.index_cast %parallel_loop3A_356 : i32 to index
      %parallel_loop3A_358 = arith.index_cast %parallel_loop3A_231 : i32 to index
      %parallel_loop3A_359 = arith.constant 80 : index
      %parallel_loop3A_360 = tpu.vector_load %arg6[%parallel_loop3A_357, %parallel_loop3A_358, %parallel_loop3A_359] {strides = array<i32>} : memref<2x128x128xf32, #tpu.memory_space<vmem>>, vector<16xf32>,
      tpu.vector_store %arg6[%parallel_loop3A_357, %parallel_loop3A_358, %parallel_loop3A_359], %parallel_loop3A_355 {strides = array<i32>} : memref<2x128x128xf32, #tpu.memory_space<vmem>>, vector<16xf32>,
      %parallel_loop3A_361 = arith.constant 0 : i32
      %parallel_loop3A_362 = vector.broadcast %parallel_loop3A_361 : i32 to vector<16xi32>
      %parallel_loop3A_363 = arith.constant 3 : i32
      %parallel_loop3A_364 = arith.addi %parallel_loop3A_276, %parallel_loop3A_363 : i32
      %parallel_loop3A_365 = vector.broadcast %parallel_loop3A_364 : i32 to vector<16xi32>
      %parallel_loop3A_366 = arith.addi %parallel_loop3A_362, %parallel_loop3A_365 : vector<16xi32>
      %parallel_loop3A_367 = arith.constant 0 : i32
      %parallel_loop3A_368 = arith.constant 0 : i32
      %parallel_loop3A_369 = arith.constant 0 : i32
      %parallel_loop3A_370 = tpu.memref_slice %arg5[%parallel_loop3A_367, %parallel_loop3A_368, %parallel_loop3A_369] : memref<2x32x512xf32, #tpu.memory_space<vmem>> -> memref<1x32x512xf32, #tpu.memory_space<vmem>>
      %parallel_loop3A_371 = tpu.memref_squeeze %parallel_loop3A_370 : memref<1x32x512xf32, #tpu.memory_space<vmem>> -> memref<32x512xf32, #tpu.memory_space<vmem>>
      %parallel_loop3A_372 = tpu.vector_load_idx %parallel_loop3A_371[%iota3A, %parallel_loop3A_366] : memref<32x512xf32, #tpu.memory_space<vmem>>[vector<16xi32>, vector<16xi32>], vector<16xf32>,
      %parallel_loop3A_373 = arith.constant 0 : i32
      %parallel_loop3A_374 = arith.index_cast %parallel_loop3A_373 : i32 to index
      %parallel_loop3A_375 = arith.index_cast %parallel_loop3A_231 : i32 to index
      %parallel_loop3A_376 = arith.constant 96 : index
      %parallel_loop3A_377 = tpu.vector_load %arg6[%parallel_loop3A_374, %parallel_loop3A_375, %parallel_loop3A_376] {strides = array<i32>} : memref<2x128x128xf32, #tpu.memory_space<vmem>>, vector<16xf32>,
      tpu.vector_store %arg6[%parallel_loop3A_374, %parallel_loop3A_375, %parallel_loop3A_376], %parallel_loop3A_372 {strides = array<i32>} : memref<2x128x128xf32, #tpu.memory_space<vmem>>, vector<16xf32>,
      %parallel_loop3A_378 = arith.constant 0 : i32
      %parallel_loop3A_379 = arith.constant 0 : i32
      %parallel_loop3A_380 = arith.constant 0 : i32
      %parallel_loop3A_381 = tpu.memref_slice %arg5[%parallel_loop3A_378, %parallel_loop3A_379, %parallel_loop3A_380] : memref<2x32x512xf32, #tpu.memory_space<vmem>> -> memref<1x32x512xf32, #tpu.memory_space<vmem>>
      %parallel_loop3A_382 = tpu.memref_squeeze %parallel_loop3A_381 : memref<1x32x512xf32, #tpu.memory_space<vmem>> -> memref<32x512xf32, #tpu.memory_space<vmem>>
      %parallel_loop3A_383 = tpu.vector_load_idx %parallel_loop3A_382[%add3A_5, %parallel_loop3A_366] : memref<32x512xf32, #tpu.memory_space<vmem>>[vector<16xi32>, vector<16xi32>], vector<16xf32>,
      %parallel_loop3A_384 = arith.constant 0 : i32
      %parallel_loop3A_385 = arith.index_cast %parallel_loop3A_384 : i32 to index
      %parallel_loop3A_386 = arith.index_cast %parallel_loop3A_231 : i32 to index
      %parallel_loop3A_387 = arith.constant 112 : index
      %parallel_loop3A_388 = tpu.vector_load %arg6[%parallel_loop3A_385, %parallel_loop3A_386, %parallel_loop3A_387] {strides = array<i32>} : memref<2x128x128xf32, #tpu.memory_space<vmem>>, vector<16xf32>,
      tpu.vector_store %arg6[%parallel_loop3A_385, %parallel_loop3A_386, %parallel_loop3A_387], %parallel_loop3A_383 {strides = array<i32>} : memref<2x128x128xf32, #tpu.memory_space<vmem>>, vector<16xf32>,
    } {sc.loop_unroll_factor = 2 : i64, sc.parallel_access}
    %add3A_55 = arith.constant 0 : i32
    %add3A_56 = arith.addi %mul3A_2, %add3A_55 : i32
    %mul3A_57 = arith.constant 32 : i32
    %mul3A_58 = arith.muli %add3A_56, %mul3A_57 : i32
    %dma_start3A_59 = arith.constant 0 : i32
    %dma_start3A_60 = arith.constant 0 : i32
    %dma_start3A_61 = arith.constant 0 : i32
    %dma_start3A_62 = tpu.memref_slice %arg6[%dma_start3A_59, %dma_start3A_60, %dma_start3A_61] : memref<2x128x128xf32, #tpu.memory_space<vmem>> -> memref<1x128x128xf32, #tpu.memory_space<vmem>>
    %dma_start3A_63 = tpu.memref_squeeze %dma_start3A_62 : memref<1x128x128xf32, #tpu.memory_space<vmem>> -> memref<128x128xf32, #tpu.memory_space<vmem>>
    %dma_start3A_64 = arith.constant 0 : i32
    %dma_start3A_65 = tpu.memref_slice %arg4[%mul3A_58, %dma_start3A_64] : memref<250000x128xf32, #tpu.memory_space<hbm>> -> memref<128x128xf32, #tpu.memory_space<hbm>>
    %dma_start3A_66 = arith.constant 0 : i32
    %dma_start3A_67 = tpu.memref_slice %arg4[%mul3A_58, %dma_start3A_66] : memref<250000x128xf32, #tpu.memory_space<hbm>> -> memref<128x128xf32, #tpu.memory_space<hbm>>
    %dma_start3A_68 = arith.constant 0 : i32
    %dma_start3A_69 = arith.constant 0 : i32
    %dma_start3A_70 = tpu.memref_slice %arg6[%dma_start3A_59, %dma_start3A_68, %dma_start3A_69] : memref<2x128x128xf32, #tpu.memory_space<vmem>> -> memref<1x128x128xf32, #tpu.memory_space<vmem>>
    %dma_start3A_71 = tpu.memref_squeeze %dma_start3A_70 : memref<1x128x128xf32, #tpu.memory_space<vmem>> -> memref<128x128xf32, #tpu.memory_space<vmem>>
    tpu.enqueue_dma source(%dma_start3A_71 : memref<128x128xf32, #tpu.memory_space<vmem>>) target(%dma_start3A_67 : memref<128x128xf32, #tpu.memory_space<hbm>>) target_semaphore(%arg8 : memref<!tpu.dma_semaphore, #tpu.memory_space<semaphore_mem>>)
    %add3A_72 = arith.constant 8 : i32
    %add3A_73 = arith.addi %mul3A_2, %add3A_72 : i32
    %mul3A_74 = arith.constant 128 : i32
    %mul3A_75 = arith.muli %add3A_73, %mul3A_74 : i32
    %dma_start3A_76 = arith.constant 0 : i32
    %dma_start3A_77 = arith.constant 0 : i32
    %dma_start3A_78 = arith.constant 0 : i32
    %dma_start3A_79 = tpu.memref_slice %arg5[%dma_start3A_76, %dma_start3A_77, %dma_start3A_78] : memref<2x32x512xf32, #tpu.memory_space<vmem>> -> memref<1x32x512xf32, #tpu.memory_space<vmem>>
    %dma_start3A_80 = tpu.memref_squeeze %dma_start3A_79 : memref<1x32x512xf32, #tpu.memory_space<vmem>> -> memref<32x512xf32, #tpu.memory_space<vmem>>
    %dma_start3A_81 = arith.constant 0 : i32
    %dma_start3A_82 = tpu.memref_slice %arg2[%dma_start3A_81, %mul3A_75] : memref<32x1000000xf32, #tpu.memory_space<hbm>> -> memref<32x512xf32, #tpu.memory_space<hbm>>
    %dma_start3A_83 = arith.constant 0 : i32
    %dma_start3A_84 = arith.constant 0 : i32
    %dma_start3A_85 = tpu.memref_slice %arg5[%dma_start3A_76, %dma_start3A_83, %dma_start3A_84] : memref<2x32x512xf32, #tpu.memory_space<vmem>> -> memref<1x32x512xf32, #tpu.memory_space<vmem>>
    %dma_start3A_86 = tpu.memref_squeeze %dma_start3A_85 : memref<1x32x512xf32, #tpu.memory_space<vmem>> -> memref<32x512xf32, #tpu.memory_space<vmem>>
    %dma_start3A_87 = arith.constant 0 : i32
    %dma_start3A_88 = tpu.memref_slice %arg2[%dma_start3A_87, %mul3A_75] : memref<32x1000000xf32, #tpu.memory_space<hbm>> -> memref<32x512xf32, #tpu.memory_space<hbm>>
    tpu.enqueue_dma source(%dma_start3A_88 : memref<32x512xf32, #tpu.memory_space<hbm>>) target(%dma_start3A_86 : memref<32x512xf32, #tpu.memory_space<vmem>>) target_semaphore(%arg7 : memref<!tpu.dma_semaphore, #tpu.memory_space<semaphore_mem>>)
    %dma_wait3A_89 = arith.constant 1 : i32
    %dma_wait3A_90 = arith.constant 0 : i32
    %dma_wait3A_91 = arith.constant 0 : i32
    %dma_wait3A_92 = tpu.memref_slice %arg5[%dma_wait3A_89, %dma_wait3A_90, %dma_wait3A_91] : memref<2x32x512xf32, #tpu.memory_space<vmem>> -> memref<1x32x512xf32, #tpu.memory_space<vmem>>
    %dma_wait3A_93 = tpu.memref_squeeze %dma_wait3A_92 : memref<1x32x512xf32, #tpu.memory_space<vmem>> -> memref<32x512xf32, #tpu.memory_space<vmem>>
    %dma_wait3A_94 = arith.constant 0 : i32
    %dma_wait3A_95 = arith.constant 0 : i32
    %dma_wait3A_96 = tpu.memref_slice %arg2[%dma_wait3A_94, %dma_wait3A_95] : memref<32x1000000xf32, #tpu.memory_space<hbm>> -> memref<32x512xf32, #tpu.memory_space<hbm>>
    %dma_wait3A_97 = arith.constant 0 : i32
    %dma_wait3A_98 = arith.constant 0 : i32
    %dma_wait3A_99 = tpu.memref_slice %arg5[%dma_wait3A_89, %dma_wait3A_97, %dma_wait3A_98] : memref<2x32x512xf32, #tpu.memory_space<vmem>> -> memref<1x32x512xf32, #tpu.memory_space<vmem>>
    %dma_wait3A_100 = tpu.memref_squeeze %dma_wait3A_99 : memref<1x32x512xf32, #tpu.memory_space<vmem>> -> memref<32x512xf32, #tpu.memory_space<vmem>>
    %dma_wait3A_101 = arith.constant 0 : i32
    %dma_wait3A_102 = arith.constant 0 : i32
    %dma_wait3A_103 = tpu.memref_slice %arg2[%dma_wait3A_101, %dma_wait3A_102] : memref<32x1000000xf32, #tpu.memory_space<hbm>> -> memref<32x512xf32, #tpu.memory_space<hbm>>
    tpu.wait_dma2 semaphore(%arg7 : memref<!tpu.dma_semaphore, #tpu.memory_space<semaphore_mem>>) src(%dma_wait3A_103 : memref<32x512xf32, #tpu.memory_space<hbm>>) dst(%dma_wait3A_100 : memref<32x512xf32, #tpu.memory_space<vmem>>)
    %parallel_loop3A_104 = arith.constant 0 : i32
    %parallel_loop3A_105 = arith.constant 128 : i32
    %parallel_loop3A_106 = arith.constant 1 : i32
    scf.for %parallel_loop3A_231 = %parallel_loop3A_104 to %parallel_loop3A_105 step %parallel_loop3A_106  : i32 {
      %parallel_loop3A_232 = arith.constant 32 : i32
      %parallel_loop3A_233 = arith.divsi %parallel_loop3A_231, %parallel_loop3A_232 : i32
      %parallel_loop3A_234 = arith.constant 0 : i32
      %parallel_loop3A_235 = arith.cmpi sgt, %parallel_loop3A_231, %parallel_loop3A_234 : i32
      %parallel_loop3A_236 = arith.extui %parallel_loop3A_235 : i1 to i32
      %parallel_loop3A_237 = arith.constant 0 : i32
      %parallel_loop3A_238 = arith.cmpi slt, %parallel_loop3A_231, %parallel_loop3A_237 : i32
      %parallel_loop3A_239 = arith.extui %parallel_loop3A_238 : i1 to i32
      %parallel_loop3A_240 = arith.subi %parallel_loop3A_236, %parallel_loop3A_239 : i32
      %parallel_loop3A_241 = arith.constant 0 : i32
      %parallel_loop3A_242 = arith.cmpi sgt, %parallel_loop3A_232, %parallel_loop3A_241 : i32
      %parallel_loop3A_243 = arith.extui %parallel_loop3A_242 : i1 to i32
      %parallel_loop3A_244 = arith.constant 0 : i32
      %parallel_loop3A_245 = arith.cmpi slt, %parallel_loop3A_232, %parallel_loop3A_244 : i32
      %parallel_loop3A_246 = arith.extui %parallel_loop3A_245 : i1 to i32
      %parallel_loop3A_247 = arith.subi %parallel_loop3A_243, %parallel_loop3A_246 : i32
      %parallel_loop3A_248 = arith.cmpi ne, %parallel_loop3A_240, %parallel_loop3A_247 : i32
      %parallel_loop3A_249 = arith.remsi %parallel_loop3A_231, %parallel_loop3A_232 : i32
      %parallel_loop3A_250 = arith.constant 0 : i32
      %parallel_loop3A_251 = arith.cmpi ne, %parallel_loop3A_249, %parallel_loop3A_250 : i32
      %parallel_loop3A_252 = arith.andi %parallel_loop3A_248, %parallel_loop3A_251 : i1
      %parallel_loop3A_253 = arith.constant 1 : i32
      %parallel_loop3A_254 = arith.subi %parallel_loop3A_233, %parallel_loop3A_253 : i32
      %parallel_loop3A_255 = arith.select %parallel_loop3A_252, %parallel_loop3A_254, %parallel_loop3A_233 : i32
      %parallel_loop3A_256 = arith.constant 128 : i32
      %parallel_loop3A_257 = arith.muli %parallel_loop3A_255, %parallel_loop3A_256 : i32
      %parallel_loop3A_258 = arith.constant 32 : i32
      %parallel_loop3A_259 = arith.constant 0 : i32
      %parallel_loop3A_260 = arith.cmpi eq, %parallel_loop3A_258, %parallel_loop3A_259 : i32
      %parallel_loop3A_261 = arith.constant 1 : i32
      %parallel_loop3A_262 = arith.select %parallel_loop3A_260, %parallel_loop3A_261, %parallel_loop3A_258 : i32
      %parallel_loop3A_263 = arith.remsi %parallel_loop3A_231, %parallel_loop3A_262 : i32
      %parallel_loop3A_264 = arith.constant 0 : i32
      %parallel_loop3A_265 = arith.cmpi ne, %parallel_loop3A_263, %parallel_loop3A_264 : i32
      %parallel_loop3A_266 = arith.constant 0 : i32
      %parallel_loop3A_267 = arith.cmpi slt, %parallel_loop3A_263, %parallel_loop3A_266 : i32
      %parallel_loop3A_268 = arith.constant 0 : i32
      %parallel_loop3A_269 = arith.cmpi slt, %parallel_loop3A_262, %parallel_loop3A_268 : i32
      %parallel_loop3A_270 = arith.xori %parallel_loop3A_267, %parallel_loop3A_269 : i1
      %parallel_loop3A_271 = arith.andi %parallel_loop3A_270, %parallel_loop3A_265 : i1
      %parallel_loop3A_272 = arith.addi %parallel_loop3A_263, %parallel_loop3A_262 : i32
      %parallel_loop3A_273 = arith.select %parallel_loop3A_271, %parallel_loop3A_272, %parallel_loop3A_263 : i32
      %parallel_loop3A_274 = arith.constant 4 : i32
      %parallel_loop3A_275 = arith.muli %parallel_loop3A_274, %parallel_loop3A_273 : i32
      %parallel_loop3A_276 = arith.addi %parallel_loop3A_257, %parallel_loop3A_275 : i32
      %parallel_loop3A_277 = arith.constant 0 : i32
      %parallel_loop3A_278 = vector.broadcast %parallel_loop3A_277 : i32 to vector<16xi32>
      %parallel_loop3A_279 = arith.constant 0 : i32
      %parallel_loop3A_280 = arith.addi %parallel_loop3A_276, %parallel_loop3A_279 : i32
      %parallel_loop3A_281 = vector.broadcast %parallel_loop3A_280 : i32 to vector<16xi32>
      %parallel_loop3A_282 = arith.addi %parallel_loop3A_278, %parallel_loop3A_281 : vector<16xi32>
      %parallel_loop3A_283 = arith.constant 1 : i32
      %parallel_loop3A_284 = arith.constant 0 : i32
      %parallel_loop3A_285 = arith.constant 0 : i32
      %parallel_loop3A_286 = tpu.memref_slice %arg5[%parallel_loop3A_283, %parallel_loop3A_284, %parallel_loop3A_285] : memref<2x32x512xf32, #tpu.memory_space<vmem>> -> memref<1x32x512xf32, #tpu.memory_space<vmem>>
      %parallel_loop3A_287 = tpu.memref_squeeze %parallel_loop3A_286 : memref<1x32x512xf32, #tpu.memory_space<vmem>> -> memref<32x512xf32, #tpu.memory_space<vmem>>
      %parallel_loop3A_288 = tpu.vector_load_idx %parallel_loop3A_287[%iota3A, %parallel_loop3A_282] : memref<32x512xf32, #tpu.memory_space<vmem>>[vector<16xi32>, vector<16xi32>], vector<16xf32>,
      %parallel_loop3A_289 = arith.constant 1 : i32
      %parallel_loop3A_290 = arith.index_cast %parallel_loop3A_289 : i32 to index
      %parallel_loop3A_291 = arith.index_cast %parallel_loop3A_231 : i32 to index
      %parallel_loop3A_292 = arith.constant 0 : index
      %parallel_loop3A_293 = tpu.vector_load %arg6[%parallel_loop3A_290, %parallel_loop3A_291, %parallel_loop3A_292] {strides = array<i32>} : memref<2x128x128xf32, #tpu.memory_space<vmem>>, vector<16xf32>,
      tpu.vector_store %arg6[%parallel_loop3A_290, %parallel_loop3A_291, %parallel_loop3A_292], %parallel_loop3A_288 {strides = array<i32>} : memref<2x128x128xf32, #tpu.memory_space<vmem>>, vector<16xf32>,
      %parallel_loop3A_294 = arith.constant 1 : i32
      %parallel_loop3A_295 = arith.constant 0 : i32
      %parallel_loop3A_296 = arith.constant 0 : i32
      %parallel_loop3A_297 = tpu.memref_slice %arg5[%parallel_loop3A_294, %parallel_loop3A_295, %parallel_loop3A_296] : memref<2x32x512xf32, #tpu.memory_space<vmem>> -> memref<1x32x512xf32, #tpu.memory_space<vmem>>
      %parallel_loop3A_298 = tpu.memref_squeeze %parallel_loop3A_297 : memref<1x32x512xf32, #tpu.memory_space<vmem>> -> memref<32x512xf32, #tpu.memory_space<vmem>>
      %parallel_loop3A_299 = tpu.vector_load_idx %parallel_loop3A_298[%add3A_5, %parallel_loop3A_282] : memref<32x512xf32, #tpu.memory_space<vmem>>[vector<16xi32>, vector<16xi32>], vector<16xf32>,
      %parallel_loop3A_300 = arith.constant 1 : i32
      %parallel_loop3A_301 = arith.index_cast %parallel_loop3A_300 : i32 to index
      %parallel_loop3A_302 = arith.index_cast %parallel_loop3A_231 : i32 to index
      %parallel_loop3A_303 = arith.constant 16 : index
      %parallel_loop3A_304 = tpu.vector_load %arg6[%parallel_loop3A_301, %parallel_loop3A_302, %parallel_loop3A_303] {strides = array<i32>} : memref<2x128x128xf32, #tpu.memory_space<vmem>>, vector<16xf32>,
      tpu.vector_store %arg6[%parallel_loop3A_301, %parallel_loop3A_302, %parallel_loop3A_303], %parallel_loop3A_299 {strides = array<i32>} : memref<2x128x128xf32, #tpu.memory_space<vmem>>, vector<16xf32>,
      %parallel_loop3A_305 = arith.constant 0 : i32
      %parallel_loop3A_306 = vector.broadcast %parallel_loop3A_305 : i32 to vector<16xi32>
      %parallel_loop3A_307 = arith.constant 1 : i32
      %parallel_loop3A_308 = arith.addi %parallel_loop3A_276, %parallel_loop3A_307 : i32
      %parallel_loop3A_309 = vector.broadcast %parallel_loop3A_308 : i32 to vector<16xi32>
      %parallel_loop3A_310 = arith.addi %parallel_loop3A_306, %parallel_loop3A_309 : vector<16xi32>
      %parallel_loop3A_311 = arith.constant 1 : i32
      %parallel_loop3A_312 = arith.constant 0 : i32
      %parallel_loop3A_313 = arith.constant 0 : i32
      %parallel_loop3A_314 = tpu.memref_slice %arg5[%parallel_loop3A_311, %parallel_loop3A_312, %parallel_loop3A_313] : memref<2x32x512xf32, #tpu.memory_space<vmem>> -> memref<1x32x512xf32, #tpu.memory_space<vmem>>
      %parallel_loop3A_315 = tpu.memref_squeeze %parallel_loop3A_314 : memref<1x32x512xf32, #tpu.memory_space<vmem>> -> memref<32x512xf32, #tpu.memory_space<vmem>>
      %parallel_loop3A_316 = tpu.vector_load_idx %parallel_loop3A_315[%iota3A, %parallel_loop3A_310] : memref<32x512xf32, #tpu.memory_space<vmem>>[vector<16xi32>, vector<16xi32>], vector<16xf32>,
      %parallel_loop3A_317 = arith.constant 1 : i32
      %parallel_loop3A_318 = arith.index_cast %parallel_loop3A_317 : i32 to index
      %parallel_loop3A_319 = arith.index_cast %parallel_loop3A_231 : i32 to index
      %parallel_loop3A_320 = arith.constant 32 : index
      %parallel_loop3A_321 = tpu.vector_load %arg6[%parallel_loop3A_318, %parallel_loop3A_319, %parallel_loop3A_320] {strides = array<i32>} : memref<2x128x128xf32, #tpu.memory_space<vmem>>, vector<16xf32>,
      tpu.vector_store %arg6[%parallel_loop3A_318, %parallel_loop3A_319, %parallel_loop3A_320], %parallel_loop3A_316 {strides = array<i32>} : memref<2x128x128xf32, #tpu.memory_space<vmem>>, vector<16xf32>,
      %parallel_loop3A_322 = arith.constant 1 : i32
      %parallel_loop3A_323 = arith.constant 0 : i32
      %parallel_loop3A_324 = arith.constant 0 : i32
      %parallel_loop3A_325 = tpu.memref_slice %arg5[%parallel_loop3A_322, %parallel_loop3A_323, %parallel_loop3A_324] : memref<2x32x512xf32, #tpu.memory_space<vmem>> -> memref<1x32x512xf32, #tpu.memory_space<vmem>>
      %parallel_loop3A_326 = tpu.memref_squeeze %parallel_loop3A_325 : memref<1x32x512xf32, #tpu.memory_space<vmem>> -> memref<32x512xf32, #tpu.memory_space<vmem>>
      %parallel_loop3A_327 = tpu.vector_load_idx %parallel_loop3A_326[%add3A_5, %parallel_loop3A_310] : memref<32x512xf32, #tpu.memory_space<vmem>>[vector<16xi32>, vector<16xi32>], vector<16xf32>,
      %parallel_loop3A_328 = arith.constant 1 : i32
      %parallel_loop3A_329 = arith.index_cast %parallel_loop3A_328 : i32 to index
      %parallel_loop3A_330 = arith.index_cast %parallel_loop3A_231 : i32 to index
      %parallel_loop3A_331 = arith.constant 48 : index
      %parallel_loop3A_332 = tpu.vector_load %arg6[%parallel_loop3A_329, %parallel_loop3A_330, %parallel_loop3A_331] {strides = array<i32>} : memref<2x128x128xf32, #tpu.memory_space<vmem>>, vector<16xf32>,
      tpu.vector_store %arg6[%parallel_loop3A_329, %parallel_loop3A_330, %parallel_loop3A_331], %parallel_loop3A_327 {strides = array<i32>} : memref<2x128x128xf32, #tpu.memory_space<vmem>>, vector<16xf32>,
      %parallel_loop3A_333 = arith.constant 0 : i32
      %parallel_loop3A_334 = vector.broadcast %parallel_loop3A_333 : i32 to vector<16xi32>
      %parallel_loop3A_335 = arith.constant 2 : i32
      %parallel_loop3A_336 = arith.addi %parallel_loop3A_276, %parallel_loop3A_335 : i32
      %parallel_loop3A_337 = vector.broadcast %parallel_loop3A_336 : i32 to vector<16xi32>
      %parallel_loop3A_338 = arith.addi %parallel_loop3A_334, %parallel_loop3A_337 : vector<16xi32>
      %parallel_loop3A_339 = arith.constant 1 : i32
      %parallel_loop3A_340 = arith.constant 0 : i32
      %parallel_loop3A_341 = arith.constant 0 : i32
      %parallel_loop3A_342 = tpu.memref_slice %arg5[%parallel_loop3A_339, %parallel_loop3A_340, %parallel_loop3A_341] : memref<2x32x512xf32, #tpu.memory_space<vmem>> -> memref<1x32x512xf32, #tpu.memory_space<vmem>>
      %parallel_loop3A_343 = tpu.memref_squeeze %parallel_loop3A_342 : memref<1x32x512xf32, #tpu.memory_space<vmem>> -> memref<32x512xf32, #tpu.memory_space<vmem>>
      %parallel_loop3A_344 = tpu.vector_load_idx %parallel_loop3A_343[%iota3A, %parallel_loop3A_338] : memref<32x512xf32, #tpu.memory_space<vmem>>[vector<16xi32>, vector<16xi32>], vector<16xf32>,
      %parallel_loop3A_345 = arith.constant 1 : i32
      %parallel_loop3A_346 = arith.index_cast %parallel_loop3A_345 : i32 to index
      %parallel_loop3A_347 = arith.index_cast %parallel_loop3A_231 : i32 to index
      %parallel_loop3A_348 = arith.constant 64 : index
      %parallel_loop3A_349 = tpu.vector_load %arg6[%parallel_loop3A_346, %parallel_loop3A_347, %parallel_loop3A_348] {strides = array<i32>} : memref<2x128x128xf32, #tpu.memory_space<vmem>>, vector<16xf32>,
      tpu.vector_store %arg6[%parallel_loop3A_346, %parallel_loop3A_347, %parallel_loop3A_348], %parallel_loop3A_344 {strides = array<i32>} : memref<2x128x128xf32, #tpu.memory_space<vmem>>, vector<16xf32>,
      %parallel_loop3A_350 = arith.constant 1 : i32
      %parallel_loop3A_351 = arith.constant 0 : i32
      %parallel_loop3A_352 = arith.constant 0 : i32
      %parallel_loop3A_353 = tpu.memref_slice %arg5[%parallel_loop3A_350, %parallel_loop3A_351, %parallel_loop3A_352] : memref<2x32x512xf32, #tpu.memory_space<vmem>> -> memref<1x32x512xf32, #tpu.memory_space<vmem>>
      %parallel_loop3A_354 = tpu.memref_squeeze %parallel_loop3A_353 : memref<1x32x512xf32, #tpu.memory_space<vmem>> -> memref<32x512xf32, #tpu.memory_space<vmem>>
      %parallel_loop3A_355 = tpu.vector_load_idx %parallel_loop3A_354[%add3A_5, %parallel_loop3A_338] : memref<32x512xf32, #tpu.memory_space<vmem>>[vector<16xi32>, vector<16xi32>], vector<16xf32>,
      %parallel_loop3A_356 = arith.constant 1 : i32
      %parallel_loop3A_357 = arith.index_cast %parallel_loop3A_356 : i32 to index
      %parallel_loop3A_358 = arith.index_cast %parallel_loop3A_231 : i32 to index
      %parallel_loop3A_359 = arith.constant 80 : index
      %parallel_loop3A_360 = tpu.vector_load %arg6[%parallel_loop3A_357, %parallel_loop3A_358, %parallel_loop3A_359] {strides = array<i32>} : memref<2x128x128xf32, #tpu.memory_space<vmem>>, vector<16xf32>,
      tpu.vector_store %arg6[%parallel_loop3A_357, %parallel_loop3A_358, %parallel_loop3A_359], %parallel_loop3A_355 {strides = array<i32>} : memref<2x128x128xf32, #tpu.memory_space<vmem>>, vector<16xf32>,
      %parallel_loop3A_361 = arith.constant 0 : i32
      %parallel_loop3A_362 = vector.broadcast %parallel_loop3A_361 : i32 to vector<16xi32>
      %parallel_loop3A_363 = arith.constant 3 : i32
      %parallel_loop3A_364 = arith.addi %parallel_loop3A_276, %parallel_loop3A_363 : i32
      %parallel_loop3A_365 = vector.broadcast %parallel_loop3A_364 : i32 to vector<16xi32>
      %parallel_loop3A_366 = arith.addi %parallel_loop3A_362, %parallel_loop3A_365 : vector<16xi32>
      %parallel_loop3A_367 = arith.constant 1 : i32
      %parallel_loop3A_368 = arith.constant 0 : i32
      %parallel_loop3A_369 = arith.constant 0 : i32
      %parallel_loop3A_370 = tpu.memref_slice %arg5[%parallel_loop3A_367, %parallel_loop3A_368, %parallel_loop3A_369] : memref<2x32x512xf32, #tpu.memory_space<vmem>> -> memref<1x32x512xf32, #tpu.memory_space<vmem>>
      %parallel_loop3A_371 = tpu.memref_squeeze %parallel_loop3A_370 : memref<1x32x512xf32, #tpu.memory_space<vmem>> -> memref<32x512xf32, #tpu.memory_space<vmem>>
      %parallel_loop3A_372 = tpu.vector_load_idx %parallel_loop3A_371[%iota3A, %parallel_loop3A_366] : memref<32x512xf32, #tpu.memory_space<vmem>>[vector<16xi32>, vector<16xi32>], vector<16xf32>,
      %parallel_loop3A_373 = arith.constant 1 : i32
      %parallel_loop3A_374 = arith.index_cast %parallel_loop3A_373 : i32 to index
      %parallel_loop3A_375 = arith.index_cast %parallel_loop3A_231 : i32 to index
      %parallel_loop3A_376 = arith.constant 96 : index
      %parallel_loop3A_377 = tpu.vector_load %arg6[%parallel_loop3A_374, %parallel_loop3A_375, %parallel_loop3A_376] {strides = array<i32>} : memref<2x128x128xf32, #tpu.memory_space<vmem>>, vector<16xf32>,
      tpu.vector_store %arg6[%parallel_loop3A_374, %parallel_loop3A_375, %parallel_loop3A_376], %parallel_loop3A_372 {strides = array<i32>} : memref<2x128x128xf32, #tpu.memory_space<vmem>>, vector<16xf32>,
      %parallel_loop3A_378 = arith.constant 1 : i32
      %parallel_loop3A_379 = arith.constant 0 : i32
      %parallel_loop3A_380 = arith.constant 0 : i32
      %parallel_loop3A_381 = tpu.memref_slice %arg5[%parallel_loop3A_378, %parallel_loop3A_379, %parallel_loop3A_380] : memref<2x32x512xf32, #tpu.memory_space<vmem>> -> memref<1x32x512xf32, #tpu.memory_space<vmem>>
      %parallel_loop3A_382 = tpu.memref_squeeze %parallel_loop3A_381 : memref<1x32x512xf32, #tpu.memory_space<vmem>> -> memref<32x512xf32, #tpu.memory_space<vmem>>
      %parallel_loop3A_383 = tpu.vector_load_idx %parallel_loop3A_382[%add3A_5, %parallel_loop3A_366] : memref<32x512xf32, #tpu.memory_space<vmem>>[vector<16xi32>, vector<16xi32>], vector<16xf32>,
      %parallel_loop3A_384 = arith.constant 1 : i32
      %parallel_loop3A_385 = arith.index_cast %parallel_loop3A_384 : i32 to index
      %parallel_loop3A_386 = arith.index_cast %parallel_loop3A_231 : i32 to index
      %parallel_loop3A_387 = arith.constant 112 : index
      %parallel_loop3A_388 = tpu.vector_load %arg6[%parallel_loop3A_385, %parallel_loop3A_386, %parallel_loop3A_387] {strides = array<i32>} : memref<2x128x128xf32, #tpu.memory_space<vmem>>, vector<16xf32>,
      tpu.vector_store %arg6[%parallel_loop3A_385, %parallel_loop3A_386, %parallel_loop3A_387], %parallel_loop3A_383 {strides = array<i32>} : memref<2x128x128xf32, #tpu.memory_space<vmem>>, vector<16xf32>,
    } {sc.loop_unroll_factor = 2 : i64, sc.parallel_access}
    %add3A_107 = arith.constant 4 : i32
    %add3A_108 = arith.addi %mul3A_2, %add3A_107 : i32
    %mul3A_109 = arith.constant 32 : i32
    %mul3A_110 = arith.muli %add3A_108, %mul3A_109 : i32
    %dma_start3A_111 = arith.constant 1 : i32
    %dma_start3A_112 = arith.constant 0 : i32
    %dma_start3A_113 = arith.constant 0 : i32
    %dma_start3A_114 = tpu.memref_slice %arg6[%dma_start3A_111, %dma_start3A_112, %dma_start3A_113] : memref<2x128x128xf32, #tpu.memory_space<vmem>> -> memref<1x128x128xf32, #tpu.memory_space<vmem>>
    %dma_start3A_115 = tpu.memref_squeeze %dma_start3A_114 : memref<1x128x128xf32, #tpu.memory_space<vmem>> -> memref<128x128xf32, #tpu.memory_space<vmem>>
    %dma_start3A_116 = arith.constant 0 : i32
    %dma_start3A_117 = tpu.memref_slice %arg4[%mul3A_110, %dma_start3A_116] : memref<250000x128xf32, #tpu.memory_space<hbm>> -> memref<128x128xf32, #tpu.memory_space<hbm>>
    %dma_start3A_118 = arith.constant 0 : i32
    %dma_start3A_119 = tpu.memref_slice %arg4[%mul3A_110, %dma_start3A_118] : memref<250000x128xf32, #tpu.memory_space<hbm>> -> memref<128x128xf32, #tpu.memory_space<hbm>>
    %dma_start3A_120 = arith.constant 0 : i32
    %dma_start3A_121 = arith.constant 0 : i32
    %dma_start3A_122 = tpu.memref_slice %arg6[%dma_start3A_111, %dma_start3A_120, %dma_start3A_121] : memref<2x128x128xf32, #tpu.memory_space<vmem>> -> memref<1x128x128xf32, #tpu.memory_space<vmem>>
    %dma_start3A_123 = tpu.memref_squeeze %dma_start3A_122 : memref<1x128x128xf32, #tpu.memory_space<vmem>> -> memref<128x128xf32, #tpu.memory_space<vmem>>
    tpu.enqueue_dma source(%dma_start3A_123 : memref<128x128xf32, #tpu.memory_space<vmem>>) target(%dma_start3A_119 : memref<128x128xf32, #tpu.memory_space<hbm>>) target_semaphore(%arg8 : memref<!tpu.dma_semaphore, #tpu.memory_space<semaphore_mem>>)
    %add3A_124 = arith.constant 12 : i32
    %add3A_125 = arith.addi %mul3A_2, %add3A_124 : i32
    %mul3A_126 = arith.constant 128 : i32
    %mul3A_127 = arith.muli %add3A_125, %mul3A_126 : i32
    %dma_start3A_128 = arith.constant 1 : i32
    %dma_start3A_129 = arith.constant 0 : i32
    %dma_start3A_130 = arith.constant 0 : i32
    %dma_start3A_131 = tpu.memref_slice %arg5[%dma_start3A_128, %dma_start3A_129, %dma_start3A_130] : memref<2x32x512xf32, #tpu.memory_space<vmem>> -> memref<1x32x512xf32, #tpu.memory_space<vmem>>
    %dma_start3A_132 = tpu.memref_squeeze %dma_start3A_131 : memref<1x32x512xf32, #tpu.memory_space<vmem>> -> memref<32x512xf32, #tpu.memory_space<vmem>>
    %dma_start3A_133 = arith.constant 0 : i32
    %dma_start3A_134 = tpu.memref_slice %arg2[%dma_start3A_133, %mul3A_127] : memref<32x1000000xf32, #tpu.memory_space<hbm>> -> memref<32x512xf32, #tpu.memory_space<hbm>>
    %dma_start3A_135 = arith.constant 0 : i32
    %dma_start3A_136 = arith.constant 0 : i32
    %dma_start3A_137 = tpu.memref_slice %arg5[%dma_start3A_128, %dma_start3A_135, %dma_start3A_136] : memref<2x32x512xf32, #tpu.memory_space<vmem>> -> memref<1x32x512xf32, #tpu.memory_space<vmem>>
    %dma_start3A_138 = tpu.memref_squeeze %dma_start3A_137 : memref<1x32x512xf32, #tpu.memory_space<vmem>> -> memref<32x512xf32, #tpu.memory_space<vmem>>
    %dma_start3A_139 = arith.constant 0 : i32
    %dma_start3A_140 = tpu.memref_slice %arg2[%dma_start3A_139, %mul3A_127] : memref<32x1000000xf32, #tpu.memory_space<hbm>> -> memref<32x512xf32, #tpu.memory_space<hbm>>
    tpu.enqueue_dma source(%dma_start3A_140 : memref<32x512xf32, #tpu.memory_space<hbm>>) target(%dma_start3A_138 : memref<32x512xf32, #tpu.memory_space<vmem>>) target_semaphore(%arg7 : memref<!tpu.dma_semaphore, #tpu.memory_space<semaphore_mem>>)
    %scan3A = arith.constant 1 : i32
    %scan3A_141 = arith.constant 29 : i32
    %scan3A_142 = arith.addi %scan3A, %scan3A_141 : i32
    %scan3A_143 = arith.constant 1 : i32
    scf.for %scan3A_231 = %scan3A to %scan3A_142 step %scan3A_143  : i32 {
      %mul3A_232 = arith.constant 2 : i32
      %mul3A_233 = arith.muli %scan3A_231, %mul3A_232 : i32
      %add3A_234 = arith.constant 0 : i32
      %add3A_235 = arith.addi %mul3A_233, %add3A_234 : i32
      %dma_wait3A_236 = arith.constant 0 : i32
      %dma_wait3A_237 = arith.constant 0 : i32
      %dma_wait3A_238 = arith.constant 0 : i32
      %dma_wait3A_239 = tpu.memref_slice %arg6[%dma_wait3A_236, %dma_wait3A_237, %dma_wait3A_238] : memref<2x128x128xf32, #tpu.memory_space<vmem>> -> memref<1x128x128xf32, #tpu.memory_space<vmem>>
      %dma_wait3A_240 = tpu.memref_squeeze %dma_wait3A_239 : memref<1x128x128xf32, #tpu.memory_space<vmem>> -> memref<128x128xf32, #tpu.memory_space<vmem>>
      %dma_wait3A_241 = arith.constant 0 : i32
      %dma_wait3A_242 = arith.constant 0 : i32
      %dma_wait3A_243 = tpu.memref_slice %arg4[%dma_wait3A_241, %dma_wait3A_242] : memref<250000x128xf32, #tpu.memory_space<hbm>> -> memref<128x128xf32, #tpu.memory_space<hbm>>
      %dma_wait3A_244 = arith.constant 0 : i32
      %dma_wait3A_245 = arith.constant 0 : i32
      %dma_wait3A_246 = tpu.memref_slice %arg4[%dma_wait3A_244, %dma_wait3A_245] : memref<250000x128xf32, #tpu.memory_space<hbm>> -> memref<128x128xf32, #tpu.memory_space<hbm>>
      %dma_wait3A_247 = arith.constant 0 : i32
      %dma_wait3A_248 = arith.constant 0 : i32
      %dma_wait3A_249 = tpu.memref_slice %arg6[%dma_wait3A_236, %dma_wait3A_247, %dma_wait3A_248] : memref<2x128x128xf32, #tpu.memory_space<vmem>> -> memref<1x128x128xf32, #tpu.memory_space<vmem>>
      %dma_wait3A_250 = tpu.memref_squeeze %dma_wait3A_249 : memref<1x128x128xf32, #tpu.memory_space<vmem>> -> memref<128x128xf32, #tpu.memory_space<vmem>>
      tpu.wait_dma2 semaphore(%arg8 : memref<!tpu.dma_semaphore, #tpu.memory_space<semaphore_mem>>) src(%dma_wait3A_250 : memref<128x128xf32, #tpu.memory_space<vmem>>) dst(%dma_wait3A_246 : memref<128x128xf32, #tpu.memory_space<hbm>>)
      %dma_wait3A_251 = arith.constant 0 : i32
      %dma_wait3A_252 = arith.constant 0 : i32
      %dma_wait3A_253 = arith.constant 0 : i32
      %dma_wait3A_254 = tpu.memref_slice %arg5[%dma_wait3A_251, %dma_wait3A_252, %dma_wait3A_253] : memref<2x32x512xf32, #tpu.memory_space<vmem>> -> memref<1x32x512xf32, #tpu.memory_space<vmem>>
      %dma_wait3A_255 = tpu.memref_squeeze %dma_wait3A_254 : memref<1x32x512xf32, #tpu.memory_space<vmem>> -> memref<32x512xf32, #tpu.memory_space<vmem>>
      %dma_wait3A_256 = arith.constant 0 : i32
      %dma_wait3A_257 = arith.constant 0 : i32
      %dma_wait3A_258 = tpu.memref_slice %arg2[%dma_wait3A_256, %dma_wait3A_257] : memref<32x1000000xf32, #tpu.memory_space<hbm>> -> memref<32x512xf32, #tpu.memory_space<hbm>>
      %dma_wait3A_259 = arith.constant 0 : i32
      %dma_wait3A_260 = arith.constant 0 : i32
      %dma_wait3A_261 = tpu.memref_slice %arg5[%dma_wait3A_251, %dma_wait3A_259, %dma_wait3A_260] : memref<2x32x512xf32, #tpu.memory_space<vmem>> -> memref<1x32x512xf32, #tpu.memory_space<vmem>>
      %dma_wait3A_262 = tpu.memref_squeeze %dma_wait3A_261 : memref<1x32x512xf32, #tpu.memory_space<vmem>> -> memref<32x512xf32, #tpu.memory_space<vmem>>
      %dma_wait3A_263 = arith.constant 0 : i32
      %dma_wait3A_264 = arith.constant 0 : i32
      %dma_wait3A_265 = tpu.memref_slice %arg2[%dma_wait3A_263, %dma_wait3A_264] : memref<32x1000000xf32, #tpu.memory_space<hbm>> -> memref<32x512xf32, #tpu.memory_space<hbm>>
      tpu.wait_dma2 semaphore(%arg7 : memref<!tpu.dma_semaphore, #tpu.memory_space<semaphore_mem>>) src(%dma_wait3A_265 : memref<32x512xf32, #tpu.memory_space<hbm>>) dst(%dma_wait3A_262 : memref<32x512xf32, #tpu.memory_space<vmem>>)
      %parallel_loop3A_266 = arith.constant 0 : i32
      %parallel_loop3A_267 = arith.constant 128 : i32
      %parallel_loop3A_268 = arith.constant 1 : i32
      scf.for %parallel_loop3A_355 = %parallel_loop3A_266 to %parallel_loop3A_267 step %parallel_loop3A_268  : i32 {
        %parallel_loop3A_356 = arith.constant 32 : i32
        %parallel_loop3A_357 = arith.divsi %parallel_loop3A_355, %parallel_loop3A_356 : i32
        %parallel_loop3A_358 = arith.constant 0 : i32
        %parallel_loop3A_359 = arith.cmpi sgt, %parallel_loop3A_355, %parallel_loop3A_358 : i32
        %parallel_loop3A_360 = arith.extui %parallel_loop3A_359 : i1 to i32
        %parallel_loop3A_361 = arith.constant 0 : i32
        %parallel_loop3A_362 = arith.cmpi slt, %parallel_loop3A_355, %parallel_loop3A_361 : i32
        %parallel_loop3A_363 = arith.extui %parallel_loop3A_362 : i1 to i32
        %parallel_loop3A_364 = arith.subi %parallel_loop3A_360, %parallel_loop3A_363 : i32
        %parallel_loop3A_365 = arith.constant 0 : i32
        %parallel_loop3A_366 = arith.cmpi sgt, %parallel_loop3A_356, %parallel_loop3A_365 : i32
        %parallel_loop3A_367 = arith.extui %parallel_loop3A_366 : i1 to i32
        %parallel_loop3A_368 = arith.constant 0 : i32
        %parallel_loop3A_369 = arith.cmpi slt, %parallel_loop3A_356, %parallel_loop3A_368 : i32
        %parallel_loop3A_370 = arith.extui %parallel_loop3A_369 : i1 to i32
        %parallel_loop3A_371 = arith.subi %parallel_loop3A_367, %parallel_loop3A_370 : i32
        %parallel_loop3A_372 = arith.cmpi ne, %parallel_loop3A_364, %parallel_loop3A_371 : i32
        %parallel_loop3A_373 = arith.remsi %parallel_loop3A_355, %parallel_loop3A_356 : i32
        %parallel_loop3A_374 = arith.constant 0 : i32
        %parallel_loop3A_375 = arith.cmpi ne, %parallel_loop3A_373, %parallel_loop3A_374 : i32
        %parallel_loop3A_376 = arith.andi %parallel_loop3A_372, %parallel_loop3A_375 : i1
        %parallel_loop3A_377 = arith.constant 1 : i32
        %parallel_loop3A_378 = arith.subi %parallel_loop3A_357, %parallel_loop3A_377 : i32
        %parallel_loop3A_379 = arith.select %parallel_loop3A_376, %parallel_loop3A_378, %parallel_loop3A_357 : i32
        %parallel_loop3A_380 = arith.constant 128 : i32
        %parallel_loop3A_381 = arith.muli %parallel_loop3A_379, %parallel_loop3A_380 : i32
        %parallel_loop3A_382 = arith.constant 32 : i32
        %parallel_loop3A_383 = arith.constant 0 : i32
        %parallel_loop3A_384 = arith.cmpi eq, %parallel_loop3A_382, %parallel_loop3A_383 : i32
        %parallel_loop3A_385 = arith.constant 1 : i32
        %parallel_loop3A_386 = arith.select %parallel_loop3A_384, %parallel_loop3A_385, %parallel_loop3A_382 : i32
        %parallel_loop3A_387 = arith.remsi %parallel_loop3A_355, %parallel_loop3A_386 : i32
        %parallel_loop3A_388 = arith.constant 0 : i32
        %parallel_loop3A_389 = arith.cmpi ne, %parallel_loop3A_387, %parallel_loop3A_388 : i32
        %parallel_loop3A_390 = arith.constant 0 : i32
        %parallel_loop3A_391 = arith.cmpi slt, %parallel_loop3A_387, %parallel_loop3A_390 : i32
        %parallel_loop3A_392 = arith.constant 0 : i32
        %parallel_loop3A_393 = arith.cmpi slt, %parallel_loop3A_386, %parallel_loop3A_392 : i32
        %parallel_loop3A_394 = arith.xori %parallel_loop3A_391, %parallel_loop3A_393 : i1
        %parallel_loop3A_395 = arith.andi %parallel_loop3A_394, %parallel_loop3A_389 : i1
        %parallel_loop3A_396 = arith.addi %parallel_loop3A_387, %parallel_loop3A_386 : i32
        %parallel_loop3A_397 = arith.select %parallel_loop3A_395, %parallel_loop3A_396, %parallel_loop3A_387 : i32
        %parallel_loop3A_398 = arith.constant 4 : i32
        %parallel_loop3A_399 = arith.muli %parallel_loop3A_398, %parallel_loop3A_397 : i32
        %parallel_loop3A_400 = arith.addi %parallel_loop3A_381, %parallel_loop3A_399 : i32
        %parallel_loop3A_401 = arith.constant 0 : i32
        %parallel_loop3A_402 = vector.broadcast %parallel_loop3A_401 : i32 to vector<16xi32>
        %parallel_loop3A_403 = arith.constant 0 : i32
        %parallel_loop3A_404 = arith.addi %parallel_loop3A_400, %parallel_loop3A_403 : i32
        %parallel_loop3A_405 = vector.broadcast %parallel_loop3A_404 : i32 to vector<16xi32>
        %parallel_loop3A_406 = arith.addi %parallel_loop3A_402, %parallel_loop3A_405 : vector<16xi32>
        %parallel_loop3A_407 = arith.constant 0 : i32
        %parallel_loop3A_408 = arith.constant 0 : i32
        %parallel_loop3A_409 = arith.constant 0 : i32
        %parallel_loop3A_410 = tpu.memref_slice %arg5[%parallel_loop3A_407, %parallel_loop3A_408, %parallel_loop3A_409] : memref<2x32x512xf32, #tpu.memory_space<vmem>> -> memref<1x32x512xf32, #tpu.memory_space<vmem>>
        %parallel_loop3A_411 = tpu.memref_squeeze %parallel_loop3A_410 : memref<1x32x512xf32, #tpu.memory_space<vmem>> -> memref<32x512xf32, #tpu.memory_space<vmem>>
        %parallel_loop3A_412 = tpu.vector_load_idx %parallel_loop3A_411[%iota3A, %parallel_loop3A_406] : memref<32x512xf32, #tpu.memory_space<vmem>>[vector<16xi32>, vector<16xi32>], vector<16xf32>,
        %parallel_loop3A_413 = arith.constant 0 : i32
        %parallel_loop3A_414 = arith.index_cast %parallel_loop3A_413 : i32 to index
        %parallel_loop3A_415 = arith.index_cast %parallel_loop3A_355 : i32 to index
        %parallel_loop3A_416 = arith.constant 0 : index
        %parallel_loop3A_417 = tpu.vector_load %arg6[%parallel_loop3A_414, %parallel_loop3A_415, %parallel_loop3A_416] {strides = array<i32>} : memref<2x128x128xf32, #tpu.memory_space<vmem>>, vector<16xf32>,
        tpu.vector_store %arg6[%parallel_loop3A_414, %parallel_loop3A_415, %parallel_loop3A_416], %parallel_loop3A_412 {strides = array<i32>} : memref<2x128x128xf32, #tpu.memory_space<vmem>>, vector<16xf32>,
        %parallel_loop3A_418 = arith.constant 0 : i32
        %parallel_loop3A_419 = arith.constant 0 : i32
        %parallel_loop3A_420 = arith.constant 0 : i32
        %parallel_loop3A_421 = tpu.memref_slice %arg5[%parallel_loop3A_418, %parallel_loop3A_419, %parallel_loop3A_420] : memref<2x32x512xf32, #tpu.memory_space<vmem>> -> memref<1x32x512xf32, #tpu.memory_space<vmem>>
        %parallel_loop3A_422 = tpu.memref_squeeze %parallel_loop3A_421 : memref<1x32x512xf32, #tpu.memory_space<vmem>> -> memref<32x512xf32, #tpu.memory_space<vmem>>
        %parallel_loop3A_423 = tpu.vector_load_idx %parallel_loop3A_422[%add3A_5, %parallel_loop3A_406] : memref<32x512xf32, #tpu.memory_space<vmem>>[vector<16xi32>, vector<16xi32>], vector<16xf32>,
        %parallel_loop3A_424 = arith.constant 0 : i32
        %parallel_loop3A_425 = arith.index_cast %parallel_loop3A_424 : i32 to index
        %parallel_loop3A_426 = arith.index_cast %parallel_loop3A_355 : i32 to index
        %parallel_loop3A_427 = arith.constant 16 : index
        %parallel_loop3A_428 = tpu.vector_load %arg6[%parallel_loop3A_425, %parallel_loop3A_426, %parallel_loop3A_427] {strides = array<i32>} : memref<2x128x128xf32, #tpu.memory_space<vmem>>, vector<16xf32>,
        tpu.vector_store %arg6[%parallel_loop3A_425, %parallel_loop3A_426, %parallel_loop3A_427], %parallel_loop3A_423 {strides = array<i32>} : memref<2x128x128xf32, #tpu.memory_space<vmem>>, vector<16xf32>,
        %parallel_loop3A_429 = arith.constant 0 : i32
        %parallel_loop3A_430 = vector.broadcast %parallel_loop3A_429 : i32 to vector<16xi32>
        %parallel_loop3A_431 = arith.constant 1 : i32
        %parallel_loop3A_432 = arith.addi %parallel_loop3A_400, %parallel_loop3A_431 : i32
        %parallel_loop3A_433 = vector.broadcast %parallel_loop3A_432 : i32 to vector<16xi32>
        %parallel_loop3A_434 = arith.addi %parallel_loop3A_430, %parallel_loop3A_433 : vector<16xi32>
        %parallel_loop3A_435 = arith.constant 0 : i32
        %parallel_loop3A_436 = arith.constant 0 : i32
        %parallel_loop3A_437 = arith.constant 0 : i32
        %parallel_loop3A_438 = tpu.memref_slice %arg5[%parallel_loop3A_435, %parallel_loop3A_436, %parallel_loop3A_437] : memref<2x32x512xf32, #tpu.memory_space<vmem>> -> memref<1x32x512xf32, #tpu.memory_space<vmem>>
        %parallel_loop3A_439 = tpu.memref_squeeze %parallel_loop3A_438 : memref<1x32x512xf32, #tpu.memory_space<vmem>> -> memref<32x512xf32, #tpu.memory_space<vmem>>
        %parallel_loop3A_440 = tpu.vector_load_idx %parallel_loop3A_439[%iota3A, %parallel_loop3A_434] : memref<32x512xf32, #tpu.memory_space<vmem>>[vector<16xi32>, vector<16xi32>], vector<16xf32>,
        %parallel_loop3A_441 = arith.constant 0 : i32
        %parallel_loop3A_442 = arith.index_cast %parallel_loop3A_441 : i32 to index
        %parallel_loop3A_443 = arith.index_cast %parallel_loop3A_355 : i32 to index
        %parallel_loop3A_444 = arith.constant 32 : index
        %parallel_loop3A_445 = tpu.vector_load %arg6[%parallel_loop3A_442, %parallel_loop3A_443, %parallel_loop3A_444] {strides = array<i32>} : memref<2x128x128xf32, #tpu.memory_space<vmem>>, vector<16xf32>,
        tpu.vector_store %arg6[%parallel_loop3A_442, %parallel_loop3A_443, %parallel_loop3A_444], %parallel_loop3A_440 {strides = array<i32>} : memref<2x128x128xf32, #tpu.memory_space<vmem>>, vector<16xf32>,
        %parallel_loop3A_446 = arith.constant 0 : i32
        %parallel_loop3A_447 = arith.constant 0 : i32
        %parallel_loop3A_448 = arith.constant 0 : i32
        %parallel_loop3A_449 = tpu.memref_slice %arg5[%parallel_loop3A_446, %parallel_loop3A_447, %parallel_loop3A_448] : memref<2x32x512xf32, #tpu.memory_space<vmem>> -> memref<1x32x512xf32, #tpu.memory_space<vmem>>
        %parallel_loop3A_450 = tpu.memref_squeeze %parallel_loop3A_449 : memref<1x32x512xf32, #tpu.memory_space<vmem>> -> memref<32x512xf32, #tpu.memory_space<vmem>>
        %parallel_loop3A_451 = tpu.vector_load_idx %parallel_loop3A_450[%add3A_5, %parallel_loop3A_434] : memref<32x512xf32, #tpu.memory_space<vmem>>[vector<16xi32>, vector<16xi32>], vector<16xf32>,
        %parallel_loop3A_452 = arith.constant 0 : i32
        %parallel_loop3A_453 = arith.index_cast %parallel_loop3A_452 : i32 to index
        %parallel_loop3A_454 = arith.index_cast %parallel_loop3A_355 : i32 to index
        %parallel_loop3A_455 = arith.constant 48 : index
        %parallel_loop3A_456 = tpu.vector_load %arg6[%parallel_loop3A_453, %parallel_loop3A_454, %parallel_loop3A_455] {strides = array<i32>} : memref<2x128x128xf32, #tpu.memory_space<vmem>>, vector<16xf32>,
        tpu.vector_store %arg6[%parallel_loop3A_453, %parallel_loop3A_454, %parallel_loop3A_455], %parallel_loop3A_451 {strides = array<i32>} : memref<2x128x128xf32, #tpu.memory_space<vmem>>, vector<16xf32>,
        %parallel_loop3A_457 = arith.constant 0 : i32
        %parallel_loop3A_458 = vector.broadcast %parallel_loop3A_457 : i32 to vector<16xi32>
        %parallel_loop3A_459 = arith.constant 2 : i32
        %parallel_loop3A_460 = arith.addi %parallel_loop3A_400, %parallel_loop3A_459 : i32
        %parallel_loop3A_461 = vector.broadcast %parallel_loop3A_460 : i32 to vector<16xi32>
        %parallel_loop3A_462 = arith.addi %parallel_loop3A_458, %parallel_loop3A_461 : vector<16xi32>
        %parallel_loop3A_463 = arith.constant 0 : i32
        %parallel_loop3A_464 = arith.constant 0 : i32
        %parallel_loop3A_465 = arith.constant 0 : i32
        %parallel_loop3A_466 = tpu.memref_slice %arg5[%parallel_loop3A_463, %parallel_loop3A_464, %parallel_loop3A_465] : memref<2x32x512xf32, #tpu.memory_space<vmem>> -> memref<1x32x512xf32, #tpu.memory_space<vmem>>
        %parallel_loop3A_467 = tpu.memref_squeeze %parallel_loop3A_466 : memref<1x32x512xf32, #tpu.memory_space<vmem>> -> memref<32x512xf32, #tpu.memory_space<vmem>>
        %parallel_loop3A_468 = tpu.vector_load_idx %parallel_loop3A_467[%iota3A, %parallel_loop3A_462] : memref<32x512xf32, #tpu.memory_space<vmem>>[vector<16xi32>, vector<16xi32>], vector<16xf32>,
        %parallel_loop3A_469 = arith.constant 0 : i32
        %parallel_loop3A_470 = arith.index_cast %parallel_loop3A_469 : i32 to index
        %parallel_loop3A_471 = arith.index_cast %parallel_loop3A_355 : i32 to index
        %parallel_loop3A_472 = arith.constant 64 : index
        %parallel_loop3A_473 = tpu.vector_load %arg6[%parallel_loop3A_470, %parallel_loop3A_471, %parallel_loop3A_472] {strides = array<i32>} : memref<2x128x128xf32, #tpu.memory_space<vmem>>, vector<16xf32>,
        tpu.vector_store %arg6[%parallel_loop3A_470, %parallel_loop3A_471, %parallel_loop3A_472], %parallel_loop3A_468 {strides = array<i32>} : memref<2x128x128xf32, #tpu.memory_space<vmem>>, vector<16xf32>,
        %parallel_loop3A_474 = arith.constant 0 : i32
        %parallel_loop3A_475 = arith.constant 0 : i32
        %parallel_loop3A_476 = arith.constant 0 : i32
        %parallel_loop3A_477 = tpu.memref_slice %arg5[%parallel_loop3A_474, %parallel_loop3A_475, %parallel_loop3A_476] : memref<2x32x512xf32, #tpu.memory_space<vmem>> -> memref<1x32x512xf32, #tpu.memory_space<vmem>>
        %parallel_loop3A_478 = tpu.memref_squeeze %parallel_loop3A_477 : memref<1x32x512xf32, #tpu.memory_space<vmem>> -> memref<32x512xf32, #tpu.memory_space<vmem>>
        %parallel_loop3A_479 = tpu.vector_load_idx %parallel_loop3A_478[%add3A_5, %parallel_loop3A_462] : memref<32x512xf32, #tpu.memory_space<vmem>>[vector<16xi32>, vector<16xi32>], vector<16xf32>,
        %parallel_loop3A_480 = arith.constant 0 : i32
        %parallel_loop3A_481 = arith.index_cast %parallel_loop3A_480 : i32 to index
        %parallel_loop3A_482 = arith.index_cast %parallel_loop3A_355 : i32 to index
        %parallel_loop3A_483 = arith.constant 80 : index
        %parallel_loop3A_484 = tpu.vector_load %arg6[%parallel_loop3A_481, %parallel_loop3A_482, %parallel_loop3A_483] {strides = array<i32>} : memref<2x128x128xf32, #tpu.memory_space<vmem>>, vector<16xf32>,
        tpu.vector_store %arg6[%parallel_loop3A_481, %parallel_loop3A_482, %parallel_loop3A_483], %parallel_loop3A_479 {strides = array<i32>} : memref<2x128x128xf32, #tpu.memory_space<vmem>>, vector<16xf32>,
        %parallel_loop3A_485 = arith.constant 0 : i32
        %parallel_loop3A_486 = vector.broadcast %parallel_loop3A_485 : i32 to vector<16xi32>
        %parallel_loop3A_487 = arith.constant 3 : i32
        %parallel_loop3A_488 = arith.addi %parallel_loop3A_400, %parallel_loop3A_487 : i32
        %parallel_loop3A_489 = vector.broadcast %parallel_loop3A_488 : i32 to vector<16xi32>
        %parallel_loop3A_490 = arith.addi %parallel_loop3A_486, %parallel_loop3A_489 : vector<16xi32>
        %parallel_loop3A_491 = arith.constant 0 : i32
        %parallel_loop3A_492 = arith.constant 0 : i32
        %parallel_loop3A_493 = arith.constant 0 : i32
        %parallel_loop3A_494 = tpu.memref_slice %arg5[%parallel_loop3A_491, %parallel_loop3A_492, %parallel_loop3A_493] : memref<2x32x512xf32, #tpu.memory_space<vmem>> -> memref<1x32x512xf32, #tpu.memory_space<vmem>>
        %parallel_loop3A_495 = tpu.memref_squeeze %parallel_loop3A_494 : memref<1x32x512xf32, #tpu.memory_space<vmem>> -> memref<32x512xf32, #tpu.memory_space<vmem>>
        %parallel_loop3A_496 = tpu.vector_load_idx %parallel_loop3A_495[%iota3A, %parallel_loop3A_490] : memref<32x512xf32, #tpu.memory_space<vmem>>[vector<16xi32>, vector<16xi32>], vector<16xf32>,
        %parallel_loop3A_497 = arith.constant 0 : i32
        %parallel_loop3A_498 = arith.index_cast %parallel_loop3A_497 : i32 to index
        %parallel_loop3A_499 = arith.index_cast %parallel_loop3A_355 : i32 to index
        %parallel_loop3A_500 = arith.constant 96 : index
        %parallel_loop3A_501 = tpu.vector_load %arg6[%parallel_loop3A_498, %parallel_loop3A_499, %parallel_loop3A_500] {strides = array<i32>} : memref<2x128x128xf32, #tpu.memory_space<vmem>>, vector<16xf32>,
        tpu.vector_store %arg6[%parallel_loop3A_498, %parallel_loop3A_499, %parallel_loop3A_500], %parallel_loop3A_496 {strides = array<i32>} : memref<2x128x128xf32, #tpu.memory_space<vmem>>, vector<16xf32>,
        %parallel_loop3A_502 = arith.constant 0 : i32
        %parallel_loop3A_503 = arith.constant 0 : i32
        %parallel_loop3A_504 = arith.constant 0 : i32
        %parallel_loop3A_505 = tpu.memref_slice %arg5[%parallel_loop3A_502, %parallel_loop3A_503, %parallel_loop3A_504] : memref<2x32x512xf32, #tpu.memory_space<vmem>> -> memref<1x32x512xf32, #tpu.memory_space<vmem>>
        %parallel_loop3A_506 = tpu.memref_squeeze %parallel_loop3A_505 : memref<1x32x512xf32, #tpu.memory_space<vmem>> -> memref<32x512xf32, #tpu.memory_space<vmem>>
        %parallel_loop3A_507 = tpu.vector_load_idx %parallel_loop3A_506[%add3A_5, %parallel_loop3A_490] : memref<32x512xf32, #tpu.memory_space<vmem>>[vector<16xi32>, vector<16xi32>], vector<16xf32>,
        %parallel_loop3A_508 = arith.constant 0 : i32
        %parallel_loop3A_509 = arith.index_cast %parallel_loop3A_508 : i32 to index
        %parallel_loop3A_510 = arith.index_cast %parallel_loop3A_355 : i32 to index
        %parallel_loop3A_511 = arith.constant 112 : index
        %parallel_loop3A_512 = tpu.vector_load %arg6[%parallel_loop3A_509, %parallel_loop3A_510, %parallel_loop3A_511] {strides = array<i32>} : memref<2x128x128xf32, #tpu.memory_space<vmem>>, vector<16xf32>,
        tpu.vector_store %arg6[%parallel_loop3A_509, %parallel_loop3A_510, %parallel_loop3A_511], %parallel_loop3A_507 {strides = array<i32>} : memref<2x128x128xf32, #tpu.memory_space<vmem>>, vector<16xf32>,
      } {sc.loop_unroll_factor = 2 : i64, sc.parallel_access}
      %mul3A_269 = arith.constant 4 : i32
      %mul3A_270 = arith.muli %add3A_235, %mul3A_269 : i32
      %add3A_271 = arith.addi %mul3A_2, %mul3A_270 : i32
      %mul3A_272 = arith.constant 32 : i32
      %mul3A_273 = arith.muli %add3A_271, %mul3A_272 : i32
      %dma_start3A_274 = arith.constant 0 : i32
      %dma_start3A_275 = arith.constant 0 : i32
      %dma_start3A_276 = arith.constant 0 : i32
      %dma_start3A_277 = tpu.memref_slice %arg6[%dma_start3A_274, %dma_start3A_275, %dma_start3A_276] : memref<2x128x128xf32, #tpu.memory_space<vmem>> -> memref<1x128x128xf32, #tpu.memory_space<vmem>>
      %dma_start3A_278 = tpu.memref_squeeze %dma_start3A_277 : memref<1x128x128xf32, #tpu.memory_space<vmem>> -> memref<128x128xf32, #tpu.memory_space<vmem>>
      %dma_start3A_279 = arith.constant 0 : i32
      %dma_start3A_280 = tpu.memref_slice %arg4[%mul3A_273, %dma_start3A_279] : memref<250000x128xf32, #tpu.memory_space<hbm>> -> memref<128x128xf32, #tpu.memory_space<hbm>>
      %dma_start3A_281 = arith.constant 0 : i32
      %dma_start3A_282 = tpu.memref_slice %arg4[%mul3A_273, %dma_start3A_281] : memref<250000x128xf32, #tpu.memory_space<hbm>> -> memref<128x128xf32, #tpu.memory_space<hbm>>
      %dma_start3A_283 = arith.constant 0 : i32
      %dma_start3A_284 = arith.constant 0 : i32
      %dma_start3A_285 = tpu.memref_slice %arg6[%dma_start3A_274, %dma_start3A_283, %dma_start3A_284] : memref<2x128x128xf32, #tpu.memory_space<vmem>> -> memref<1x128x128xf32, #tpu.memory_space<vmem>>
      %dma_start3A_286 = tpu.memref_squeeze %dma_start3A_285 : memref<1x128x128xf32, #tpu.memory_space<vmem>> -> memref<128x128xf32, #tpu.memory_space<vmem>>
      tpu.enqueue_dma source(%dma_start3A_286 : memref<128x128xf32, #tpu.memory_space<vmem>>) target(%dma_start3A_282 : memref<128x128xf32, #tpu.memory_space<hbm>>) target_semaphore(%arg8 : memref<!tpu.dma_semaphore, #tpu.memory_space<semaphore_mem>>)
      %add3A_287 = arith.constant 2 : i32
      %add3A_288 = arith.addi %add3A_235, %add3A_287 : i32
      %le3A = arith.constant 60 : i32
      %le3A_289 = arith.cmpi sle, %add3A_288, %le3A : i32
      %convert_element_type3A_290 = arith.extui %le3A_289 : i1 to i32
      %cond3A_291 = arith.constant 0 : i32
      %cond3A_292 = arith.cmpi ne, %convert_element_type3A_290, %cond3A_291 : i32
      scf.if %cond3A_292 {
        %add3A_355 = arith.constant 2 : i32
        %add3A_356 = arith.addi %add3A_235, %add3A_355 : i32
        %mul3A_357 = arith.constant 4 : i32
        %mul3A_358 = arith.muli %add3A_356, %mul3A_357 : i32
        %add3A_359 = arith.addi %mul3A_2, %mul3A_358 : i32
        %mul3A_360 = arith.constant 128 : i32
        %mul3A_361 = arith.muli %add3A_359, %mul3A_360 : i32
        %dma_start3A_362 = arith.constant 0 : i32
        %dma_start3A_363 = arith.constant 0 : i32
        %dma_start3A_364 = arith.constant 0 : i32
        %dma_start3A_365 = tpu.memref_slice %arg5[%dma_start3A_362, %dma_start3A_363, %dma_start3A_364] : memref<2x32x512xf32, #tpu.memory_space<vmem>> -> memref<1x32x512xf32, #tpu.memory_space<vmem>>
        %dma_start3A_366 = tpu.memref_squeeze %dma_start3A_365 : memref<1x32x512xf32, #tpu.memory_space<vmem>> -> memref<32x512xf32, #tpu.memory_space<vmem>>
        %dma_start3A_367 = arith.constant 0 : i32
        %dma_start3A_368 = tpu.memref_slice %arg2[%dma_start3A_367, %mul3A_361] : memref<32x1000000xf32, #tpu.memory_space<hbm>> -> memref<32x512xf32, #tpu.memory_space<hbm>>
        %dma_start3A_369 = arith.constant 0 : i32
        %dma_start3A_370 = arith.constant 0 : i32
        %dma_start3A_371 = tpu.memref_slice %arg5[%dma_start3A_362, %dma_start3A_369, %dma_start3A_370] : memref<2x32x512xf32, #tpu.memory_space<vmem>> -> memref<1x32x512xf32, #tpu.memory_space<vmem>>
        %dma_start3A_372 = tpu.memref_squeeze %dma_start3A_371 : memref<1x32x512xf32, #tpu.memory_space<vmem>> -> memref<32x512xf32, #tpu.memory_space<vmem>>
        %dma_start3A_373 = arith.constant 0 : i32
        %dma_start3A_374 = tpu.memref_slice %arg2[%dma_start3A_373, %mul3A_361] : memref<32x1000000xf32, #tpu.memory_space<hbm>> -> memref<32x512xf32, #tpu.memory_space<hbm>>
        tpu.enqueue_dma source(%dma_start3A_374 : memref<32x512xf32, #tpu.memory_space<hbm>>) target(%dma_start3A_372 : memref<32x512xf32, #tpu.memory_space<vmem>>) target_semaphore(%arg7 : memref<!tpu.dma_semaphore, #tpu.memory_space<semaphore_mem>>)
      } else {
      }
      %mul3A_293 = arith.constant 2 : i32
      %mul3A_294 = arith.muli %scan3A_231, %mul3A_293 : i32
      %add3A_295 = arith.constant 1 : i32
      %add3A_296 = arith.addi %mul3A_294, %add3A_295 : i32
      %dma_wait3A_297 = arith.constant 1 : i32
      %dma_wait3A_298 = arith.constant 0 : i32
      %dma_wait3A_299 = arith.constant 0 : i32
      %dma_wait3A_300 = tpu.memref_slice %arg6[%dma_wait3A_297, %dma_wait3A_298, %dma_wait3A_299] : memref<2x128x128xf32, #tpu.memory_space<vmem>> -> memref<1x128x128xf32, #tpu.memory_space<vmem>>
      %dma_wait3A_301 = tpu.memref_squeeze %dma_wait3A_300 : memref<1x128x128xf32, #tpu.memory_space<vmem>> -> memref<128x128xf32, #tpu.memory_space<vmem>>
      %dma_wait3A_302 = arith.constant 0 : i32
      %dma_wait3A_303 = arith.constant 0 : i32
      %dma_wait3A_304 = tpu.memref_slice %arg4[%dma_wait3A_302, %dma_wait3A_303] : memref<250000x128xf32, #tpu.memory_space<hbm>> -> memref<128x128xf32, #tpu.memory_space<hbm>>
      %dma_wait3A_305 = arith.constant 0 : i32
      %dma_wait3A_306 = arith.constant 0 : i32
      %dma_wait3A_307 = tpu.memref_slice %arg4[%dma_wait3A_305, %dma_wait3A_306] : memref<250000x128xf32, #tpu.memory_space<hbm>> -> memref<128x128xf32, #tpu.memory_space<hbm>>
      %dma_wait3A_308 = arith.constant 0 : i32
      %dma_wait3A_309 = arith.constant 0 : i32
      %dma_wait3A_310 = tpu.memref_slice %arg6[%dma_wait3A_297, %dma_wait3A_308, %dma_wait3A_309] : memref<2x128x128xf32, #tpu.memory_space<vmem>> -> memref<1x128x128xf32, #tpu.memory_space<vmem>>
      %dma_wait3A_311 = tpu.memref_squeeze %dma_wait3A_310 : memref<1x128x128xf32, #tpu.memory_space<vmem>> -> memref<128x128xf32, #tpu.memory_space<vmem>>
      tpu.wait_dma2 semaphore(%arg8 : memref<!tpu.dma_semaphore, #tpu.memory_space<semaphore_mem>>) src(%dma_wait3A_311 : memref<128x128xf32, #tpu.memory_space<vmem>>) dst(%dma_wait3A_307 : memref<128x128xf32, #tpu.memory_space<hbm>>)
      %dma_wait3A_312 = arith.constant 1 : i32
      %dma_wait3A_313 = arith.constant 0 : i32
      %dma_wait3A_314 = arith.constant 0 : i32
      %dma_wait3A_315 = tpu.memref_slice %arg5[%dma_wait3A_312, %dma_wait3A_313, %dma_wait3A_314] : memref<2x32x512xf32, #tpu.memory_space<vmem>> -> memref<1x32x512xf32, #tpu.memory_space<vmem>>
      %dma_wait3A_316 = tpu.memref_squeeze %dma_wait3A_315 : memref<1x32x512xf32, #tpu.memory_space<vmem>> -> memref<32x512xf32, #tpu.memory_space<vmem>>
      %dma_wait3A_317 = arith.constant 0 : i32
      %dma_wait3A_318 = arith.constant 0 : i32
      %dma_wait3A_319 = tpu.memref_slice %arg2[%dma_wait3A_317, %dma_wait3A_318] : memref<32x1000000xf32, #tpu.memory_space<hbm>> -> memref<32x512xf32, #tpu.memory_space<hbm>>
      %dma_wait3A_320 = arith.constant 0 : i32
      %dma_wait3A_321 = arith.constant 0 : i32
      %dma_wait3A_322 = tpu.memref_slice %arg5[%dma_wait3A_312, %dma_wait3A_320, %dma_wait3A_321] : memref<2x32x512xf32, #tpu.memory_space<vmem>> -> memref<1x32x512xf32, #tpu.memory_space<vmem>>
      %dma_wait3A_323 = tpu.memref_squeeze %dma_wait3A_322 : memref<1x32x512xf32, #tpu.memory_space<vmem>> -> memref<32x512xf32, #tpu.memory_space<vmem>>
      %dma_wait3A_324 = arith.constant 0 : i32
      %dma_wait3A_325 = arith.constant 0 : i32
      %dma_wait3A_326 = tpu.memref_slice %arg2[%dma_wait3A_324, %dma_wait3A_325] : memref<32x1000000xf32, #tpu.memory_space<hbm>> -> memref<32x512xf32, #tpu.memory_space<hbm>>
      tpu.wait_dma2 semaphore(%arg7 : memref<!tpu.dma_semaphore, #tpu.memory_space<semaphore_mem>>) src(%dma_wait3A_326 : memref<32x512xf32, #tpu.memory_space<hbm>>) dst(%dma_wait3A_323 : memref<32x512xf32, #tpu.memory_space<vmem>>)
      %parallel_loop3A_327 = arith.constant 0 : i32
      %parallel_loop3A_328 = arith.constant 128 : i32
      %parallel_loop3A_329 = arith.constant 1 : i32
      scf.for %parallel_loop3A_355 = %parallel_loop3A_327 to %parallel_loop3A_328 step %parallel_loop3A_329  : i32 {
        %parallel_loop3A_356 = arith.constant 32 : i32
        %parallel_loop3A_357 = arith.divsi %parallel_loop3A_355, %parallel_loop3A_356 : i32
        %parallel_loop3A_358 = arith.constant 0 : i32
        %parallel_loop3A_359 = arith.cmpi sgt, %parallel_loop3A_355, %parallel_loop3A_358 : i32
        %parallel_loop3A_360 = arith.extui %parallel_loop3A_359 : i1 to i32
        %parallel_loop3A_361 = arith.constant 0 : i32
        %parallel_loop3A_362 = arith.cmpi slt, %parallel_loop3A_355, %parallel_loop3A_361 : i32
        %parallel_loop3A_363 = arith.extui %parallel_loop3A_362 : i1 to i32
        %parallel_loop3A_364 = arith.subi %parallel_loop3A_360, %parallel_loop3A_363 : i32
        %parallel_loop3A_365 = arith.constant 0 : i32
        %parallel_loop3A_366 = arith.cmpi sgt, %parallel_loop3A_356, %parallel_loop3A_365 : i32
        %parallel_loop3A_367 = arith.extui %parallel_loop3A_366 : i1 to i32
        %parallel_loop3A_368 = arith.constant 0 : i32
        %parallel_loop3A_369 = arith.cmpi slt, %parallel_loop3A_356, %parallel_loop3A_368 : i32
        %parallel_loop3A_370 = arith.extui %parallel_loop3A_369 : i1 to i32
        %parallel_loop3A_371 = arith.subi %parallel_loop3A_367, %parallel_loop3A_370 : i32
        %parallel_loop3A_372 = arith.cmpi ne, %parallel_loop3A_364, %parallel_loop3A_371 : i32
        %parallel_loop3A_373 = arith.remsi %parallel_loop3A_355, %parallel_loop3A_356 : i32
        %parallel_loop3A_374 = arith.constant 0 : i32
        %parallel_loop3A_375 = arith.cmpi ne, %parallel_loop3A_373, %parallel_loop3A_374 : i32
        %parallel_loop3A_376 = arith.andi %parallel_loop3A_372, %parallel_loop3A_375 : i1
        %parallel_loop3A_377 = arith.constant 1 : i32
        %parallel_loop3A_378 = arith.subi %parallel_loop3A_357, %parallel_loop3A_377 : i32
        %parallel_loop3A_379 = arith.select %parallel_loop3A_376, %parallel_loop3A_378, %parallel_loop3A_357 : i32
        %parallel_loop3A_380 = arith.constant 128 : i32
        %parallel_loop3A_381 = arith.muli %parallel_loop3A_379, %parallel_loop3A_380 : i32
        %parallel_loop3A_382 = arith.constant 32 : i32
        %parallel_loop3A_383 = arith.constant 0 : i32
        %parallel_loop3A_384 = arith.cmpi eq, %parallel_loop3A_382, %parallel_loop3A_383 : i32
        %parallel_loop3A_385 = arith.constant 1 : i32
        %parallel_loop3A_386 = arith.select %parallel_loop3A_384, %parallel_loop3A_385, %parallel_loop3A_382 : i32
        %parallel_loop3A_387 = arith.remsi %parallel_loop3A_355, %parallel_loop3A_386 : i32
        %parallel_loop3A_388 = arith.constant 0 : i32
        %parallel_loop3A_389 = arith.cmpi ne, %parallel_loop3A_387, %parallel_loop3A_388 : i32
        %parallel_loop3A_390 = arith.constant 0 : i32
        %parallel_loop3A_391 = arith.cmpi slt, %parallel_loop3A_387, %parallel_loop3A_390 : i32
        %parallel_loop3A_392 = arith.constant 0 : i32
        %parallel_loop3A_393 = arith.cmpi slt, %parallel_loop3A_386, %parallel_loop3A_392 : i32
        %parallel_loop3A_394 = arith.xori %parallel_loop3A_391, %parallel_loop3A_393 : i1
        %parallel_loop3A_395 = arith.andi %parallel_loop3A_394, %parallel_loop3A_389 : i1
        %parallel_loop3A_396 = arith.addi %parallel_loop3A_387, %parallel_loop3A_386 : i32
        %parallel_loop3A_397 = arith.select %parallel_loop3A_395, %parallel_loop3A_396, %parallel_loop3A_387 : i32
        %parallel_loop3A_398 = arith.constant 4 : i32
        %parallel_loop3A_399 = arith.muli %parallel_loop3A_398, %parallel_loop3A_397 : i32
        %parallel_loop3A_400 = arith.addi %parallel_loop3A_381, %parallel_loop3A_399 : i32
        %parallel_loop3A_401 = arith.constant 0 : i32
        %parallel_loop3A_402 = vector.broadcast %parallel_loop3A_401 : i32 to vector<16xi32>
        %parallel_loop3A_403 = arith.constant 0 : i32
        %parallel_loop3A_404 = arith.addi %parallel_loop3A_400, %parallel_loop3A_403 : i32
        %parallel_loop3A_405 = vector.broadcast %parallel_loop3A_404 : i32 to vector<16xi32>
        %parallel_loop3A_406 = arith.addi %parallel_loop3A_402, %parallel_loop3A_405 : vector<16xi32>
        %parallel_loop3A_407 = arith.constant 1 : i32
        %parallel_loop3A_408 = arith.constant 0 : i32
        %parallel_loop3A_409 = arith.constant 0 : i32
        %parallel_loop3A_410 = tpu.memref_slice %arg5[%parallel_loop3A_407, %parallel_loop3A_408, %parallel_loop3A_409] : memref<2x32x512xf32, #tpu.memory_space<vmem>> -> memref<1x32x512xf32, #tpu.memory_space<vmem>>
        %parallel_loop3A_411 = tpu.memref_squeeze %parallel_loop3A_410 : memref<1x32x512xf32, #tpu.memory_space<vmem>> -> memref<32x512xf32, #tpu.memory_space<vmem>>
        %parallel_loop3A_412 = tpu.vector_load_idx %parallel_loop3A_411[%iota3A, %parallel_loop3A_406] : memref<32x512xf32, #tpu.memory_space<vmem>>[vector<16xi32>, vector<16xi32>], vector<16xf32>,
        %parallel_loop3A_413 = arith.constant 1 : i32
        %parallel_loop3A_414 = arith.index_cast %parallel_loop3A_413 : i32 to index
        %parallel_loop3A_415 = arith.index_cast %parallel_loop3A_355 : i32 to index
        %parallel_loop3A_416 = arith.constant 0 : index
        %parallel_loop3A_417 = tpu.vector_load %arg6[%parallel_loop3A_414, %parallel_loop3A_415, %parallel_loop3A_416] {strides = array<i32>} : memref<2x128x128xf32, #tpu.memory_space<vmem>>, vector<16xf32>,
        tpu.vector_store %arg6[%parallel_loop3A_414, %parallel_loop3A_415, %parallel_loop3A_416], %parallel_loop3A_412 {strides = array<i32>} : memref<2x128x128xf32, #tpu.memory_space<vmem>>, vector<16xf32>,
        %parallel_loop3A_418 = arith.constant 1 : i32
        %parallel_loop3A_419 = arith.constant 0 : i32
        %parallel_loop3A_420 = arith.constant 0 : i32
        %parallel_loop3A_421 = tpu.memref_slice %arg5[%parallel_loop3A_418, %parallel_loop3A_419, %parallel_loop3A_420] : memref<2x32x512xf32, #tpu.memory_space<vmem>> -> memref<1x32x512xf32, #tpu.memory_space<vmem>>
        %parallel_loop3A_422 = tpu.memref_squeeze %parallel_loop3A_421 : memref<1x32x512xf32, #tpu.memory_space<vmem>> -> memref<32x512xf32, #tpu.memory_space<vmem>>
        %parallel_loop3A_423 = tpu.vector_load_idx %parallel_loop3A_422[%add3A_5, %parallel_loop3A_406] : memref<32x512xf32, #tpu.memory_space<vmem>>[vector<16xi32>, vector<16xi32>], vector<16xf32>,
        %parallel_loop3A_424 = arith.constant 1 : i32
        %parallel_loop3A_425 = arith.index_cast %parallel_loop3A_424 : i32 to index
        %parallel_loop3A_426 = arith.index_cast %parallel_loop3A_355 : i32 to index
        %parallel_loop3A_427 = arith.constant 16 : index
        %parallel_loop3A_428 = tpu.vector_load %arg6[%parallel_loop3A_425, %parallel_loop3A_426, %parallel_loop3A_427] {strides = array<i32>} : memref<2x128x128xf32, #tpu.memory_space<vmem>>, vector<16xf32>,
        tpu.vector_store %arg6[%parallel_loop3A_425, %parallel_loop3A_426, %parallel_loop3A_427], %parallel_loop3A_423 {strides = array<i32>} : memref<2x128x128xf32, #tpu.memory_space<vmem>>, vector<16xf32>,
        %parallel_loop3A_429 = arith.constant 0 : i32
        %parallel_loop3A_430 = vector.broadcast %parallel_loop3A_429 : i32 to vector<16xi32>
        %parallel_loop3A_431 = arith.constant 1 : i32
        %parallel_loop3A_432 = arith.addi %parallel_loop3A_400, %parallel_loop3A_431 : i32
        %parallel_loop3A_433 = vector.broadcast %parallel_loop3A_432 : i32 to vector<16xi32>
        %parallel_loop3A_434 = arith.addi %parallel_loop3A_430, %parallel_loop3A_433 : vector<16xi32>
        %parallel_loop3A_435 = arith.constant 1 : i32
        %parallel_loop3A_436 = arith.constant 0 : i32
        %parallel_loop3A_437 = arith.constant 0 : i32
        %parallel_loop3A_438 = tpu.memref_slice %arg5[%parallel_loop3A_435, %parallel_loop3A_436, %parallel_loop3A_437] : memref<2x32x512xf32, #tpu.memory_space<vmem>> -> memref<1x32x512xf32, #tpu.memory_space<vmem>>
        %parallel_loop3A_439 = tpu.memref_squeeze %parallel_loop3A_438 : memref<1x32x512xf32, #tpu.memory_space<vmem>> -> memref<32x512xf32, #tpu.memory_space<vmem>>
        %parallel_loop3A_440 = tpu.vector_load_idx %parallel_loop3A_439[%iota3A, %parallel_loop3A_434] : memref<32x512xf32, #tpu.memory_space<vmem>>[vector<16xi32>, vector<16xi32>], vector<16xf32>,
        %parallel_loop3A_441 = arith.constant 1 : i32
        %parallel_loop3A_442 = arith.index_cast %parallel_loop3A_441 : i32 to index
        %parallel_loop3A_443 = arith.index_cast %parallel_loop3A_355 : i32 to index
        %parallel_loop3A_444 = arith.constant 32 : index
        %parallel_loop3A_445 = tpu.vector_load %arg6[%parallel_loop3A_442, %parallel_loop3A_443, %parallel_loop3A_444] {strides = array<i32>} : memref<2x128x128xf32, #tpu.memory_space<vmem>>, vector<16xf32>,
        tpu.vector_store %arg6[%parallel_loop3A_442, %parallel_loop3A_443, %parallel_loop3A_444], %parallel_loop3A_440 {strides = array<i32>} : memref<2x128x128xf32, #tpu.memory_space<vmem>>, vector<16xf32>,
        %parallel_loop3A_446 = arith.constant 1 : i32
        %parallel_loop3A_447 = arith.constant 0 : i32
        %parallel_loop3A_448 = arith.constant 0 : i32
        %parallel_loop3A_449 = tpu.memref_slice %arg5[%parallel_loop3A_446, %parallel_loop3A_447, %parallel_loop3A_448] : memref<2x32x512xf32, #tpu.memory_space<vmem>> -> memref<1x32x512xf32, #tpu.memory_space<vmem>>
        %parallel_loop3A_450 = tpu.memref_squeeze %parallel_loop3A_449 : memref<1x32x512xf32, #tpu.memory_space<vmem>> -> memref<32x512xf32, #tpu.memory_space<vmem>>
        %parallel_loop3A_451 = tpu.vector_load_idx %parallel_loop3A_450[%add3A_5, %parallel_loop3A_434] : memref<32x512xf32, #tpu.memory_space<vmem>>[vector<16xi32>, vector<16xi32>], vector<16xf32>,
        %parallel_loop3A_452 = arith.constant 1 : i32
        %parallel_loop3A_453 = arith.index_cast %parallel_loop3A_452 : i32 to index
        %parallel_loop3A_454 = arith.index_cast %parallel_loop3A_355 : i32 to index
        %parallel_loop3A_455 = arith.constant 48 : index
        %parallel_loop3A_456 = tpu.vector_load %arg6[%parallel_loop3A_453, %parallel_loop3A_454, %parallel_loop3A_455] {strides = array<i32>} : memref<2x128x128xf32, #tpu.memory_space<vmem>>, vector<16xf32>,
        tpu.vector_store %arg6[%parallel_loop3A_453, %parallel_loop3A_454, %parallel_loop3A_455], %parallel_loop3A_451 {strides = array<i32>} : memref<2x128x128xf32, #tpu.memory_space<vmem>>, vector<16xf32>,
        %parallel_loop3A_457 = arith.constant 0 : i32
        %parallel_loop3A_458 = vector.broadcast %parallel_loop3A_457 : i32 to vector<16xi32>
        %parallel_loop3A_459 = arith.constant 2 : i32
        %parallel_loop3A_460 = arith.addi %parallel_loop3A_400, %parallel_loop3A_459 : i32
        %parallel_loop3A_461 = vector.broadcast %parallel_loop3A_460 : i32 to vector<16xi32>
        %parallel_loop3A_462 = arith.addi %parallel_loop3A_458, %parallel_loop3A_461 : vector<16xi32>
        %parallel_loop3A_463 = arith.constant 1 : i32
        %parallel_loop3A_464 = arith.constant 0 : i32
        %parallel_loop3A_465 = arith.constant 0 : i32
        %parallel_loop3A_466 = tpu.memref_slice %arg5[%parallel_loop3A_463, %parallel_loop3A_464, %parallel_loop3A_465] : memref<2x32x512xf32, #tpu.memory_space<vmem>> -> memref<1x32x512xf32, #tpu.memory_space<vmem>>
        %parallel_loop3A_467 = tpu.memref_squeeze %parallel_loop3A_466 : memref<1x32x512xf32, #tpu.memory_space<vmem>> -> memref<32x512xf32, #tpu.memory_space<vmem>>
        %parallel_loop3A_468 = tpu.vector_load_idx %parallel_loop3A_467[%iota3A, %parallel_loop3A_462] : memref<32x512xf32, #tpu.memory_space<vmem>>[vector<16xi32>, vector<16xi32>], vector<16xf32>,
        %parallel_loop3A_469 = arith.constant 1 : i32
        %parallel_loop3A_470 = arith.index_cast %parallel_loop3A_469 : i32 to index
        %parallel_loop3A_471 = arith.index_cast %parallel_loop3A_355 : i32 to index
        %parallel_loop3A_472 = arith.constant 64 : index
        %parallel_loop3A_473 = tpu.vector_load %arg6[%parallel_loop3A_470, %parallel_loop3A_471, %parallel_loop3A_472] {strides = array<i32>} : memref<2x128x128xf32, #tpu.memory_space<vmem>>, vector<16xf32>,
        tpu.vector_store %arg6[%parallel_loop3A_470, %parallel_loop3A_471, %parallel_loop3A_472], %parallel_loop3A_468 {strides = array<i32>} : memref<2x128x128xf32, #tpu.memory_space<vmem>>, vector<16xf32>,
        %parallel_loop3A_474 = arith.constant 1 : i32
        %parallel_loop3A_475 = arith.constant 0 : i32
        %parallel_loop3A_476 = arith.constant 0 : i32
        %parallel_loop3A_477 = tpu.memref_slice %arg5[%parallel_loop3A_474, %parallel_loop3A_475, %parallel_loop3A_476] : memref<2x32x512xf32, #tpu.memory_space<vmem>> -> memref<1x32x512xf32, #tpu.memory_space<vmem>>
        %parallel_loop3A_478 = tpu.memref_squeeze %parallel_loop3A_477 : memref<1x32x512xf32, #tpu.memory_space<vmem>> -> memref<32x512xf32, #tpu.memory_space<vmem>>
        %parallel_loop3A_479 = tpu.vector_load_idx %parallel_loop3A_478[%add3A_5, %parallel_loop3A_462] : memref<32x512xf32, #tpu.memory_space<vmem>>[vector<16xi32>, vector<16xi32>], vector<16xf32>,
        %parallel_loop3A_480 = arith.constant 1 : i32
        %parallel_loop3A_481 = arith.index_cast %parallel_loop3A_480 : i32 to index
        %parallel_loop3A_482 = arith.index_cast %parallel_loop3A_355 : i32 to index
        %parallel_loop3A_483 = arith.constant 80 : index
        %parallel_loop3A_484 = tpu.vector_load %arg6[%parallel_loop3A_481, %parallel_loop3A_482, %parallel_loop3A_483] {strides = array<i32>} : memref<2x128x128xf32, #tpu.memory_space<vmem>>, vector<16xf32>,
        tpu.vector_store %arg6[%parallel_loop3A_481, %parallel_loop3A_482, %parallel_loop3A_483], %parallel_loop3A_479 {strides = array<i32>} : memref<2x128x128xf32, #tpu.memory_space<vmem>>, vector<16xf32>,
        %parallel_loop3A_485 = arith.constant 0 : i32
        %parallel_loop3A_486 = vector.broadcast %parallel_loop3A_485 : i32 to vector<16xi32>
        %parallel_loop3A_487 = arith.constant 3 : i32
        %parallel_loop3A_488 = arith.addi %parallel_loop3A_400, %parallel_loop3A_487 : i32
        %parallel_loop3A_489 = vector.broadcast %parallel_loop3A_488 : i32 to vector<16xi32>
        %parallel_loop3A_490 = arith.addi %parallel_loop3A_486, %parallel_loop3A_489 : vector<16xi32>
        %parallel_loop3A_491 = arith.constant 1 : i32
        %parallel_loop3A_492 = arith.constant 0 : i32
        %parallel_loop3A_493 = arith.constant 0 : i32
        %parallel_loop3A_494 = tpu.memref_slice %arg5[%parallel_loop3A_491, %parallel_loop3A_492, %parallel_loop3A_493] : memref<2x32x512xf32, #tpu.memory_space<vmem>> -> memref<1x32x512xf32, #tpu.memory_space<vmem>>
        %parallel_loop3A_495 = tpu.memref_squeeze %parallel_loop3A_494 : memref<1x32x512xf32, #tpu.memory_space<vmem>> -> memref<32x512xf32, #tpu.memory_space<vmem>>
        %parallel_loop3A_496 = tpu.vector_load_idx %parallel_loop3A_495[%iota3A, %parallel_loop3A_490] : memref<32x512xf32, #tpu.memory_space<vmem>>[vector<16xi32>, vector<16xi32>], vector<16xf32>,
        %parallel_loop3A_497 = arith.constant 1 : i32
        %parallel_loop3A_498 = arith.index_cast %parallel_loop3A_497 : i32 to index
        %parallel_loop3A_499 = arith.index_cast %parallel_loop3A_355 : i32 to index
        %parallel_loop3A_500 = arith.constant 96 : index
        %parallel_loop3A_501 = tpu.vector_load %arg6[%parallel_loop3A_498, %parallel_loop3A_499, %parallel_loop3A_500] {strides = array<i32>} : memref<2x128x128xf32, #tpu.memory_space<vmem>>, vector<16xf32>,
        tpu.vector_store %arg6[%parallel_loop3A_498, %parallel_loop3A_499, %parallel_loop3A_500], %parallel_loop3A_496 {strides = array<i32>} : memref<2x128x128xf32, #tpu.memory_space<vmem>>, vector<16xf32>,
        %parallel_loop3A_502 = arith.constant 1 : i32
        %parallel_loop3A_503 = arith.constant 0 : i32
        %parallel_loop3A_504 = arith.constant 0 : i32
        %parallel_loop3A_505 = tpu.memref_slice %arg5[%parallel_loop3A_502, %parallel_loop3A_503, %parallel_loop3A_504] : memref<2x32x512xf32, #tpu.memory_space<vmem>> -> memref<1x32x512xf32, #tpu.memory_space<vmem>>
        %parallel_loop3A_506 = tpu.memref_squeeze %parallel_loop3A_505 : memref<1x32x512xf32, #tpu.memory_space<vmem>> -> memref<32x512xf32, #tpu.memory_space<vmem>>
        %parallel_loop3A_507 = tpu.vector_load_idx %parallel_loop3A_506[%add3A_5, %parallel_loop3A_490] : memref<32x512xf32, #tpu.memory_space<vmem>>[vector<16xi32>, vector<16xi32>], vector<16xf32>,
        %parallel_loop3A_508 = arith.constant 1 : i32
        %parallel_loop3A_509 = arith.index_cast %parallel_loop3A_508 : i32 to index
        %parallel_loop3A_510 = arith.index_cast %parallel_loop3A_355 : i32 to index
        %parallel_loop3A_511 = arith.constant 112 : index
        %parallel_loop3A_512 = tpu.vector_load %arg6[%parallel_loop3A_509, %parallel_loop3A_510, %parallel_loop3A_511] {strides = array<i32>} : memref<2x128x128xf32, #tpu.memory_space<vmem>>, vector<16xf32>,
        tpu.vector_store %arg6[%parallel_loop3A_509, %parallel_loop3A_510, %parallel_loop3A_511], %parallel_loop3A_507 {strides = array<i32>} : memref<2x128x128xf32, #tpu.memory_space<vmem>>, vector<16xf32>,
      } {sc.loop_unroll_factor = 2 : i64, sc.parallel_access}
      %mul3A_330 = arith.constant 4 : i32
      %mul3A_331 = arith.muli %add3A_296, %mul3A_330 : i32
      %add3A_332 = arith.addi %mul3A_2, %mul3A_331 : i32
      %mul3A_333 = arith.constant 32 : i32
      %mul3A_334 = arith.muli %add3A_332, %mul3A_333 : i32
      %dma_start3A_335 = arith.constant 1 : i32
      %dma_start3A_336 = arith.constant 0 : i32
      %dma_start3A_337 = arith.constant 0 : i32
      %dma_start3A_338 = tpu.memref_slice %arg6[%dma_start3A_335, %dma_start3A_336, %dma_start3A_337] : memref<2x128x128xf32, #tpu.memory_space<vmem>> -> memref<1x128x128xf32, #tpu.memory_space<vmem>>
      %dma_start3A_339 = tpu.memref_squeeze %dma_start3A_338 : memref<1x128x128xf32, #tpu.memory_space<vmem>> -> memref<128x128xf32, #tpu.memory_space<vmem>>
      %dma_start3A_340 = arith.constant 0 : i32
      %dma_start3A_341 = tpu.memref_slice %arg4[%mul3A_334, %dma_start3A_340] : memref<250000x128xf32, #tpu.memory_space<hbm>> -> memref<128x128xf32, #tpu.memory_space<hbm>>
      %dma_start3A_342 = arith.constant 0 : i32
      %dma_start3A_343 = tpu.memref_slice %arg4[%mul3A_334, %dma_start3A_342] : memref<250000x128xf32, #tpu.memory_space<hbm>> -> memref<128x128xf32, #tpu.memory_space<hbm>>
      %dma_start3A_344 = arith.constant 0 : i32
      %dma_start3A_345 = arith.constant 0 : i32
      %dma_start3A_346 = tpu.memref_slice %arg6[%dma_start3A_335, %dma_start3A_344, %dma_start3A_345] : memref<2x128x128xf32, #tpu.memory_space<vmem>> -> memref<1x128x128xf32, #tpu.memory_space<vmem>>
      %dma_start3A_347 = tpu.memref_squeeze %dma_start3A_346 : memref<1x128x128xf32, #tpu.memory_space<vmem>> -> memref<128x128xf32, #tpu.memory_space<vmem>>
      tpu.enqueue_dma source(%dma_start3A_347 : memref<128x128xf32, #tpu.memory_space<vmem>>) target(%dma_start3A_343 : memref<128x128xf32, #tpu.memory_space<hbm>>) target_semaphore(%arg8 : memref<!tpu.dma_semaphore, #tpu.memory_space<semaphore_mem>>)
      %add3A_348 = arith.constant 2 : i32
      %add3A_349 = arith.addi %add3A_296, %add3A_348 : i32
      %le3A_350 = arith.constant 60 : i32
      %le3A_351 = arith.cmpi sle, %add3A_349, %le3A_350 : i32
      %convert_element_type3A_352 = arith.extui %le3A_351 : i1 to i32
      %cond3A_353 = arith.constant 0 : i32
      %cond3A_354 = arith.cmpi ne, %convert_element_type3A_352, %cond3A_353 : i32
      scf.if %cond3A_354 {
        %add3A_355 = arith.constant 2 : i32
        %add3A_356 = arith.addi %add3A_296, %add3A_355 : i32
        %mul3A_357 = arith.constant 4 : i32
        %mul3A_358 = arith.muli %add3A_356, %mul3A_357 : i32
        %add3A_359 = arith.addi %mul3A_2, %mul3A_358 : i32
        %mul3A_360 = arith.constant 128 : i32
        %mul3A_361 = arith.muli %add3A_359, %mul3A_360 : i32
        %dma_start3A_362 = arith.constant 1 : i32
        %dma_start3A_363 = arith.constant 0 : i32
        %dma_start3A_364 = arith.constant 0 : i32
        %dma_start3A_365 = tpu.memref_slice %arg5[%dma_start3A_362, %dma_start3A_363, %dma_start3A_364] : memref<2x32x512xf32, #tpu.memory_space<vmem>> -> memref<1x32x512xf32, #tpu.memory_space<vmem>>
        %dma_start3A_366 = tpu.memref_squeeze %dma_start3A_365 : memref<1x32x512xf32, #tpu.memory_space<vmem>> -> memref<32x512xf32, #tpu.memory_space<vmem>>
        %dma_start3A_367 = arith.constant 0 : i32
        %dma_start3A_368 = tpu.memref_slice %arg2[%dma_start3A_367, %mul3A_361] : memref<32x1000000xf32, #tpu.memory_space<hbm>> -> memref<32x512xf32, #tpu.memory_space<hbm>>
        %dma_start3A_369 = arith.constant 0 : i32
        %dma_start3A_370 = arith.constant 0 : i32
        %dma_start3A_371 = tpu.memref_slice %arg5[%dma_start3A_362, %dma_start3A_369, %dma_start3A_370] : memref<2x32x512xf32, #tpu.memory_space<vmem>> -> memref<1x32x512xf32, #tpu.memory_space<vmem>>
        %dma_start3A_372 = tpu.memref_squeeze %dma_start3A_371 : memref<1x32x512xf32, #tpu.memory_space<vmem>> -> memref<32x512xf32, #tpu.memory_space<vmem>>
        %dma_start3A_373 = arith.constant 0 : i32
        %dma_start3A_374 = tpu.memref_slice %arg2[%dma_start3A_373, %mul3A_361] : memref<32x1000000xf32, #tpu.memory_space<hbm>> -> memref<32x512xf32, #tpu.memory_space<hbm>>
        tpu.enqueue_dma source(%dma_start3A_374 : memref<32x512xf32, #tpu.memory_space<hbm>>) target(%dma_start3A_372 : memref<32x512xf32, #tpu.memory_space<vmem>>) target_semaphore(%arg7 : memref<!tpu.dma_semaphore, #tpu.memory_space<semaphore_mem>>)
      } else {
      }
    }
    %scan3A_144 = arith.constant 29 : i32
    %dma_wait3A_145 = arith.constant 0 : i32
    %dma_wait3A_146 = arith.constant 0 : i32
    %dma_wait3A_147 = arith.constant 0 : i32
    %dma_wait3A_148 = tpu.memref_slice %arg6[%dma_wait3A_145, %dma_wait3A_146, %dma_wait3A_147] : memref<2x128x128xf32, #tpu.memory_space<vmem>> -> memref<1x128x128xf32, #tpu.memory_space<vmem>>
    %dma_wait3A_149 = tpu.memref_squeeze %dma_wait3A_148 : memref<1x128x128xf32, #tpu.memory_space<vmem>> -> memref<128x128xf32, #tpu.memory_space<vmem>>
    %dma_wait3A_150 = arith.constant 0 : i32
    %dma_wait3A_151 = arith.constant 0 : i32
    %dma_wait3A_152 = tpu.memref_slice %arg4[%dma_wait3A_150, %dma_wait3A_151] : memref<250000x128xf32, #tpu.memory_space<hbm>> -> memref<128x128xf32, #tpu.memory_space<hbm>>
    %dma_wait3A_153 = arith.constant 0 : i32
    %dma_wait3A_154 = arith.constant 0 : i32
    %dma_wait3A_155 = tpu.memref_slice %arg4[%dma_wait3A_153, %dma_wait3A_154] : memref<250000x128xf32, #tpu.memory_space<hbm>> -> memref<128x128xf32, #tpu.memory_space<hbm>>
    %dma_wait3A_156 = arith.constant 0 : i32
    %dma_wait3A_157 = arith.constant 0 : i32
    %dma_wait3A_158 = tpu.memref_slice %arg6[%dma_wait3A_145, %dma_wait3A_156, %dma_wait3A_157] : memref<2x128x128xf32, #tpu.memory_space<vmem>> -> memref<1x128x128xf32, #tpu.memory_space<vmem>>
    %dma_wait3A_159 = tpu.memref_squeeze %dma_wait3A_158 : memref<1x128x128xf32, #tpu.memory_space<vmem>> -> memref<128x128xf32, #tpu.memory_space<vmem>>
    tpu.wait_dma2 semaphore(%arg8 : memref<!tpu.dma_semaphore, #tpu.memory_space<semaphore_mem>>) src(%dma_wait3A_159 : memref<128x128xf32, #tpu.memory_space<vmem>>) dst(%dma_wait3A_155 : memref<128x128xf32, #tpu.memory_space<hbm>>)
    %dma_wait3A_160 = arith.constant 0 : i32
    %dma_wait3A_161 = arith.constant 0 : i32
    %dma_wait3A_162 = arith.constant 0 : i32
    %dma_wait3A_163 = tpu.memref_slice %arg5[%dma_wait3A_160, %dma_wait3A_161, %dma_wait3A_162] : memref<2x32x512xf32, #tpu.memory_space<vmem>> -> memref<1x32x512xf32, #tpu.memory_space<vmem>>
    %dma_wait3A_164 = tpu.memref_squeeze %dma_wait3A_163 : memref<1x32x512xf32, #tpu.memory_space<vmem>> -> memref<32x512xf32, #tpu.memory_space<vmem>>
    %dma_wait3A_165 = arith.constant 0 : i32
    %dma_wait3A_166 = arith.constant 0 : i32
    %dma_wait3A_167 = tpu.memref_slice %arg2[%dma_wait3A_165, %dma_wait3A_166] : memref<32x1000000xf32, #tpu.memory_space<hbm>> -> memref<32x512xf32, #tpu.memory_space<hbm>>
    %dma_wait3A_168 = arith.constant 0 : i32
    %dma_wait3A_169 = arith.constant 0 : i32
    %dma_wait3A_170 = tpu.memref_slice %arg5[%dma_wait3A_160, %dma_wait3A_168, %dma_wait3A_169] : memref<2x32x512xf32, #tpu.memory_space<vmem>> -> memref<1x32x512xf32, #tpu.memory_space<vmem>>
    %dma_wait3A_171 = tpu.memref_squeeze %dma_wait3A_170 : memref<1x32x512xf32, #tpu.memory_space<vmem>> -> memref<32x512xf32, #tpu.memory_space<vmem>>
    %dma_wait3A_172 = arith.constant 0 : i32
    %dma_wait3A_173 = arith.constant 0 : i32
    %dma_wait3A_174 = tpu.memref_slice %arg2[%dma_wait3A_172, %dma_wait3A_173] : memref<32x1000000xf32, #tpu.memory_space<hbm>> -> memref<32x512xf32, #tpu.memory_space<hbm>>
    tpu.wait_dma2 semaphore(%arg7 : memref<!tpu.dma_semaphore, #tpu.memory_space<semaphore_mem>>) src(%dma_wait3A_174 : memref<32x512xf32, #tpu.memory_space<hbm>>) dst(%dma_wait3A_171 : memref<32x512xf32, #tpu.memory_space<vmem>>)
    %parallel_loop3A_175 = arith.constant 0 : i32
    %parallel_loop3A_176 = arith.constant 128 : i32
    %parallel_loop3A_177 = arith.constant 1 : i32
    scf.for %parallel_loop3A_231 = %parallel_loop3A_175 to %parallel_loop3A_176 step %parallel_loop3A_177  : i32 {
      %parallel_loop3A_232 = arith.constant 32 : i32
      %parallel_loop3A_233 = arith.divsi %parallel_loop3A_231, %parallel_loop3A_232 : i32
      %parallel_loop3A_234 = arith.constant 0 : i32
      %parallel_loop3A_235 = arith.cmpi sgt, %parallel_loop3A_231, %parallel_loop3A_234 : i32
      %parallel_loop3A_236 = arith.extui %parallel_loop3A_235 : i1 to i32
      %parallel_loop3A_237 = arith.constant 0 : i32
      %parallel_loop3A_238 = arith.cmpi slt, %parallel_loop3A_231, %parallel_loop3A_237 : i32
      %parallel_loop3A_239 = arith.extui %parallel_loop3A_238 : i1 to i32
      %parallel_loop3A_240 = arith.subi %parallel_loop3A_236, %parallel_loop3A_239 : i32
      %parallel_loop3A_241 = arith.constant 0 : i32
      %parallel_loop3A_242 = arith.cmpi sgt, %parallel_loop3A_232, %parallel_loop3A_241 : i32
      %parallel_loop3A_243 = arith.extui %parallel_loop3A_242 : i1 to i32
      %parallel_loop3A_244 = arith.constant 0 : i32
      %parallel_loop3A_245 = arith.cmpi slt, %parallel_loop3A_232, %parallel_loop3A_244 : i32
      %parallel_loop3A_246 = arith.extui %parallel_loop3A_245 : i1 to i32
      %parallel_loop3A_247 = arith.subi %parallel_loop3A_243, %parallel_loop3A_246 : i32
      %parallel_loop3A_248 = arith.cmpi ne, %parallel_loop3A_240, %parallel_loop3A_247 : i32
      %parallel_loop3A_249 = arith.remsi %parallel_loop3A_231, %parallel_loop3A_232 : i32
      %parallel_loop3A_250 = arith.constant 0 : i32
      %parallel_loop3A_251 = arith.cmpi ne, %parallel_loop3A_249, %parallel_loop3A_250 : i32
      %parallel_loop3A_252 = arith.andi %parallel_loop3A_248, %parallel_loop3A_251 : i1
      %parallel_loop3A_253 = arith.constant 1 : i32
      %parallel_loop3A_254 = arith.subi %parallel_loop3A_233, %parallel_loop3A_253 : i32
      %parallel_loop3A_255 = arith.select %parallel_loop3A_252, %parallel_loop3A_254, %parallel_loop3A_233 : i32
      %parallel_loop3A_256 = arith.constant 128 : i32
      %parallel_loop3A_257 = arith.muli %parallel_loop3A_255, %parallel_loop3A_256 : i32
      %parallel_loop3A_258 = arith.constant 32 : i32
      %parallel_loop3A_259 = arith.constant 0 : i32
      %parallel_loop3A_260 = arith.cmpi eq, %parallel_loop3A_258, %parallel_loop3A_259 : i32
      %parallel_loop3A_261 = arith.constant 1 : i32
      %parallel_loop3A_262 = arith.select %parallel_loop3A_260, %parallel_loop3A_261, %parallel_loop3A_258 : i32
      %parallel_loop3A_263 = arith.remsi %parallel_loop3A_231, %parallel_loop3A_262 : i32
      %parallel_loop3A_264 = arith.constant 0 : i32
      %parallel_loop3A_265 = arith.cmpi ne, %parallel_loop3A_263, %parallel_loop3A_264 : i32
      %parallel_loop3A_266 = arith.constant 0 : i32
      %parallel_loop3A_267 = arith.cmpi slt, %parallel_loop3A_263, %parallel_loop3A_266 : i32
      %parallel_loop3A_268 = arith.constant 0 : i32
      %parallel_loop3A_269 = arith.cmpi slt, %parallel_loop3A_262, %parallel_loop3A_268 : i32
      %parallel_loop3A_270 = arith.xori %parallel_loop3A_267, %parallel_loop3A_269 : i1
      %parallel_loop3A_271 = arith.andi %parallel_loop3A_270, %parallel_loop3A_265 : i1
      %parallel_loop3A_272 = arith.addi %parallel_loop3A_263, %parallel_loop3A_262 : i32
      %parallel_loop3A_273 = arith.select %parallel_loop3A_271, %parallel_loop3A_272, %parallel_loop3A_263 : i32
      %parallel_loop3A_274 = arith.constant 4 : i32
      %parallel_loop3A_275 = arith.muli %parallel_loop3A_274, %parallel_loop3A_273 : i32
      %parallel_loop3A_276 = arith.addi %parallel_loop3A_257, %parallel_loop3A_275 : i32
      %parallel_loop3A_277 = arith.constant 0 : i32
      %parallel_loop3A_278 = vector.broadcast %parallel_loop3A_277 : i32 to vector<16xi32>
      %parallel_loop3A_279 = arith.constant 0 : i32
      %parallel_loop3A_280 = arith.addi %parallel_loop3A_276, %parallel_loop3A_279 : i32
      %parallel_loop3A_281 = vector.broadcast %parallel_loop3A_280 : i32 to vector<16xi32>
      %parallel_loop3A_282 = arith.addi %parallel_loop3A_278, %parallel_loop3A_281 : vector<16xi32>
      %parallel_loop3A_283 = arith.constant 0 : i32
      %parallel_loop3A_284 = arith.constant 0 : i32
      %parallel_loop3A_285 = arith.constant 0 : i32
      %parallel_loop3A_286 = tpu.memref_slice %arg5[%parallel_loop3A_283, %parallel_loop3A_284, %parallel_loop3A_285] : memref<2x32x512xf32, #tpu.memory_space<vmem>> -> memref<1x32x512xf32, #tpu.memory_space<vmem>>
      %parallel_loop3A_287 = tpu.memref_squeeze %parallel_loop3A_286 : memref<1x32x512xf32, #tpu.memory_space<vmem>> -> memref<32x512xf32, #tpu.memory_space<vmem>>
      %parallel_loop3A_288 = tpu.vector_load_idx %parallel_loop3A_287[%iota3A, %parallel_loop3A_282] : memref<32x512xf32, #tpu.memory_space<vmem>>[vector<16xi32>, vector<16xi32>], vector<16xf32>,
      %parallel_loop3A_289 = arith.constant 0 : i32
      %parallel_loop3A_290 = arith.index_cast %parallel_loop3A_289 : i32 to index
      %parallel_loop3A_291 = arith.index_cast %parallel_loop3A_231 : i32 to index
      %parallel_loop3A_292 = arith.constant 0 : index
      %parallel_loop3A_293 = tpu.vector_load %arg6[%parallel_loop3A_290, %parallel_loop3A_291, %parallel_loop3A_292] {strides = array<i32>} : memref<2x128x128xf32, #tpu.memory_space<vmem>>, vector<16xf32>,
      tpu.vector_store %arg6[%parallel_loop3A_290, %parallel_loop3A_291, %parallel_loop3A_292], %parallel_loop3A_288 {strides = array<i32>} : memref<2x128x128xf32, #tpu.memory_space<vmem>>, vector<16xf32>,
      %parallel_loop3A_294 = arith.constant 0 : i32
      %parallel_loop3A_295 = arith.constant 0 : i32
      %parallel_loop3A_296 = arith.constant 0 : i32
      %parallel_loop3A_297 = tpu.memref_slice %arg5[%parallel_loop3A_294, %parallel_loop3A_295, %parallel_loop3A_296] : memref<2x32x512xf32, #tpu.memory_space<vmem>> -> memref<1x32x512xf32, #tpu.memory_space<vmem>>
      %parallel_loop3A_298 = tpu.memref_squeeze %parallel_loop3A_297 : memref<1x32x512xf32, #tpu.memory_space<vmem>> -> memref<32x512xf32, #tpu.memory_space<vmem>>
      %parallel_loop3A_299 = tpu.vector_load_idx %parallel_loop3A_298[%add3A_5, %parallel_loop3A_282] : memref<32x512xf32, #tpu.memory_space<vmem>>[vector<16xi32>, vector<16xi32>], vector<16xf32>,
      %parallel_loop3A_300 = arith.constant 0 : i32
      %parallel_loop3A_301 = arith.index_cast %parallel_loop3A_300 : i32 to index
      %parallel_loop3A_302 = arith.index_cast %parallel_loop3A_231 : i32 to index
      %parallel_loop3A_303 = arith.constant 16 : index
      %parallel_loop3A_304 = tpu.vector_load %arg6[%parallel_loop3A_301, %parallel_loop3A_302, %parallel_loop3A_303] {strides = array<i32>} : memref<2x128x128xf32, #tpu.memory_space<vmem>>, vector<16xf32>,
      tpu.vector_store %arg6[%parallel_loop3A_301, %parallel_loop3A_302, %parallel_loop3A_303], %parallel_loop3A_299 {strides = array<i32>} : memref<2x128x128xf32, #tpu.memory_space<vmem>>, vector<16xf32>,
      %parallel_loop3A_305 = arith.constant 0 : i32
      %parallel_loop3A_306 = vector.broadcast %parallel_loop3A_305 : i32 to vector<16xi32>
      %parallel_loop3A_307 = arith.constant 1 : i32
      %parallel_loop3A_308 = arith.addi %parallel_loop3A_276, %parallel_loop3A_307 : i32
      %parallel_loop3A_309 = vector.broadcast %parallel_loop3A_308 : i32 to vector<16xi32>
      %parallel_loop3A_310 = arith.addi %parallel_loop3A_306, %parallel_loop3A_309 : vector<16xi32>
      %parallel_loop3A_311 = arith.constant 0 : i32
      %parallel_loop3A_312 = arith.constant 0 : i32
      %parallel_loop3A_313 = arith.constant 0 : i32
      %parallel_loop3A_314 = tpu.memref_slice %arg5[%parallel_loop3A_311, %parallel_loop3A_312, %parallel_loop3A_313] : memref<2x32x512xf32, #tpu.memory_space<vmem>> -> memref<1x32x512xf32, #tpu.memory_space<vmem>>
      %parallel_loop3A_315 = tpu.memref_squeeze %parallel_loop3A_314 : memref<1x32x512xf32, #tpu.memory_space<vmem>> -> memref<32x512xf32, #tpu.memory_space<vmem>>
      %parallel_loop3A_316 = tpu.vector_load_idx %parallel_loop3A_315[%iota3A, %parallel_loop3A_310] : memref<32x512xf32, #tpu.memory_space<vmem>>[vector<16xi32>, vector<16xi32>], vector<16xf32>,
      %parallel_loop3A_317 = arith.constant 0 : i32
      %parallel_loop3A_318 = arith.index_cast %parallel_loop3A_317 : i32 to index
      %parallel_loop3A_319 = arith.index_cast %parallel_loop3A_231 : i32 to index
      %parallel_loop3A_320 = arith.constant 32 : index
      %parallel_loop3A_321 = tpu.vector_load %arg6[%parallel_loop3A_318, %parallel_loop3A_319, %parallel_loop3A_320] {strides = array<i32>} : memref<2x128x128xf32, #tpu.memory_space<vmem>>, vector<16xf32>,
      tpu.vector_store %arg6[%parallel_loop3A_318, %parallel_loop3A_319, %parallel_loop3A_320], %parallel_loop3A_316 {strides = array<i32>} : memref<2x128x128xf32, #tpu.memory_space<vmem>>, vector<16xf32>,
      %parallel_loop3A_322 = arith.constant 0 : i32
      %parallel_loop3A_323 = arith.constant 0 : i32
      %parallel_loop3A_324 = arith.constant 0 : i32
      %parallel_loop3A_325 = tpu.memref_slice %arg5[%parallel_loop3A_322, %parallel_loop3A_323, %parallel_loop3A_324] : memref<2x32x512xf32, #tpu.memory_space<vmem>> -> memref<1x32x512xf32, #tpu.memory_space<vmem>>
      %parallel_loop3A_326 = tpu.memref_squeeze %parallel_loop3A_325 : memref<1x32x512xf32, #tpu.memory_space<vmem>> -> memref<32x512xf32, #tpu.memory_space<vmem>>
      %parallel_loop3A_327 = tpu.vector_load_idx %parallel_loop3A_326[%add3A_5, %parallel_loop3A_310] : memref<32x512xf32, #tpu.memory_space<vmem>>[vector<16xi32>, vector<16xi32>], vector<16xf32>,
      %parallel_loop3A_328 = arith.constant 0 : i32
      %parallel_loop3A_329 = arith.index_cast %parallel_loop3A_328 : i32 to index
      %parallel_loop3A_330 = arith.index_cast %parallel_loop3A_231 : i32 to index
      %parallel_loop3A_331 = arith.constant 48 : index
      %parallel_loop3A_332 = tpu.vector_load %arg6[%parallel_loop3A_329, %parallel_loop3A_330, %parallel_loop3A_331] {strides = array<i32>} : memref<2x128x128xf32, #tpu.memory_space<vmem>>, vector<16xf32>,
      tpu.vector_store %arg6[%parallel_loop3A_329, %parallel_loop3A_330, %parallel_loop3A_331], %parallel_loop3A_327 {strides = array<i32>} : memref<2x128x128xf32, #tpu.memory_space<vmem>>, vector<16xf32>,
      %parallel_loop3A_333 = arith.constant 0 : i32
      %parallel_loop3A_334 = vector.broadcast %parallel_loop3A_333 : i32 to vector<16xi32>
      %parallel_loop3A_335 = arith.constant 2 : i32
      %parallel_loop3A_336 = arith.addi %parallel_loop3A_276, %parallel_loop3A_335 : i32
      %parallel_loop3A_337 = vector.broadcast %parallel_loop3A_336 : i32 to vector<16xi32>
      %parallel_loop3A_338 = arith.addi %parallel_loop3A_334, %parallel_loop3A_337 : vector<16xi32>
      %parallel_loop3A_339 = arith.constant 0 : i32
      %parallel_loop3A_340 = arith.constant 0 : i32
      %parallel_loop3A_341 = arith.constant 0 : i32
      %parallel_loop3A_342 = tpu.memref_slice %arg5[%parallel_loop3A_339, %parallel_loop3A_340, %parallel_loop3A_341] : memref<2x32x512xf32, #tpu.memory_space<vmem>> -> memref<1x32x512xf32, #tpu.memory_space<vmem>>
      %parallel_loop3A_343 = tpu.memref_squeeze %parallel_loop3A_342 : memref<1x32x512xf32, #tpu.memory_space<vmem>> -> memref<32x512xf32, #tpu.memory_space<vmem>>
      %parallel_loop3A_344 = tpu.vector_load_idx %parallel_loop3A_343[%iota3A, %parallel_loop3A_338] : memref<32x512xf32, #tpu.memory_space<vmem>>[vector<16xi32>, vector<16xi32>], vector<16xf32>,
      %parallel_loop3A_345 = arith.constant 0 : i32
      %parallel_loop3A_346 = arith.index_cast %parallel_loop3A_345 : i32 to index
      %parallel_loop3A_347 = arith.index_cast %parallel_loop3A_231 : i32 to index
      %parallel_loop3A_348 = arith.constant 64 : index
      %parallel_loop3A_349 = tpu.vector_load %arg6[%parallel_loop3A_346, %parallel_loop3A_347, %parallel_loop3A_348] {strides = array<i32>} : memref<2x128x128xf32, #tpu.memory_space<vmem>>, vector<16xf32>,
      tpu.vector_store %arg6[%parallel_loop3A_346, %parallel_loop3A_347, %parallel_loop3A_348], %parallel_loop3A_344 {strides = array<i32>} : memref<2x128x128xf32, #tpu.memory_space<vmem>>, vector<16xf32>,
      %parallel_loop3A_350 = arith.constant 0 : i32
      %parallel_loop3A_351 = arith.constant 0 : i32
      %parallel_loop3A_352 = arith.constant 0 : i32
      %parallel_loop3A_353 = tpu.memref_slice %arg5[%parallel_loop3A_350, %parallel_loop3A_351, %parallel_loop3A_352] : memref<2x32x512xf32, #tpu.memory_space<vmem>> -> memref<1x32x512xf32, #tpu.memory_space<vmem>>
      %parallel_loop3A_354 = tpu.memref_squeeze %parallel_loop3A_353 : memref<1x32x512xf32, #tpu.memory_space<vmem>> -> memref<32x512xf32, #tpu.memory_space<vmem>>
      %parallel_loop3A_355 = tpu.vector_load_idx %parallel_loop3A_354[%add3A_5, %parallel_loop3A_338] : memref<32x512xf32, #tpu.memory_space<vmem>>[vector<16xi32>, vector<16xi32>], vector<16xf32>,
      %parallel_loop3A_356 = arith.constant 0 : i32
      %parallel_loop3A_357 = arith.index_cast %parallel_loop3A_356 : i32 to index
      %parallel_loop3A_358 = arith.index_cast %parallel_loop3A_231 : i32 to index
      %parallel_loop3A_359 = arith.constant 80 : index
      %parallel_loop3A_360 = tpu.vector_load %arg6[%parallel_loop3A_357, %parallel_loop3A_358, %parallel_loop3A_359] {strides = array<i32>} : memref<2x128x128xf32, #tpu.memory_space<vmem>>, vector<16xf32>,
      tpu.vector_store %arg6[%parallel_loop3A_357, %parallel_loop3A_358, %parallel_loop3A_359], %parallel_loop3A_355 {strides = array<i32>} : memref<2x128x128xf32, #tpu.memory_space<vmem>>, vector<16xf32>,
      %parallel_loop3A_361 = arith.constant 0 : i32
      %parallel_loop3A_362 = vector.broadcast %parallel_loop3A_361 : i32 to vector<16xi32>
      %parallel_loop3A_363 = arith.constant 3 : i32
      %parallel_loop3A_364 = arith.addi %parallel_loop3A_276, %parallel_loop3A_363 : i32
      %parallel_loop3A_365 = vector.broadcast %parallel_loop3A_364 : i32 to vector<16xi32>
      %parallel_loop3A_366 = arith.addi %parallel_loop3A_362, %parallel_loop3A_365 : vector<16xi32>
      %parallel_loop3A_367 = arith.constant 0 : i32
      %parallel_loop3A_368 = arith.constant 0 : i32
      %parallel_loop3A_369 = arith.constant 0 : i32
      %parallel_loop3A_370 = tpu.memref_slice %arg5[%parallel_loop3A_367, %parallel_loop3A_368, %parallel_loop3A_369] : memref<2x32x512xf32, #tpu.memory_space<vmem>> -> memref<1x32x512xf32, #tpu.memory_space<vmem>>
      %parallel_loop3A_371 = tpu.memref_squeeze %parallel_loop3A_370 : memref<1x32x512xf32, #tpu.memory_space<vmem>> -> memref<32x512xf32, #tpu.memory_space<vmem>>
      %parallel_loop3A_372 = tpu.vector_load_idx %parallel_loop3A_371[%iota3A, %parallel_loop3A_366] : memref<32x512xf32, #tpu.memory_space<vmem>>[vector<16xi32>, vector<16xi32>], vector<16xf32>,
      %parallel_loop3A_373 = arith.constant 0 : i32
      %parallel_loop3A_374 = arith.index_cast %parallel_loop3A_373 : i32 to index
      %parallel_loop3A_375 = arith.index_cast %parallel_loop3A_231 : i32 to index
      %parallel_loop3A_376 = arith.constant 96 : index
      %parallel_loop3A_377 = tpu.vector_load %arg6[%parallel_loop3A_374, %parallel_loop3A_375, %parallel_loop3A_376] {strides = array<i32>} : memref<2x128x128xf32, #tpu.memory_space<vmem>>, vector<16xf32>,
      tpu.vector_store %arg6[%parallel_loop3A_374, %parallel_loop3A_375, %parallel_loop3A_376], %parallel_loop3A_372 {strides = array<i32>} : memref<2x128x128xf32, #tpu.memory_space<vmem>>, vector<16xf32>,
      %parallel_loop3A_378 = arith.constant 0 : i32
      %parallel_loop3A_379 = arith.constant 0 : i32
      %parallel_loop3A_380 = arith.constant 0 : i32
      %parallel_loop3A_381 = tpu.memref_slice %arg5[%parallel_loop3A_378, %parallel_loop3A_379, %parallel_loop3A_380] : memref<2x32x512xf32, #tpu.memory_space<vmem>> -> memref<1x32x512xf32, #tpu.memory_space<vmem>>
      %parallel_loop3A_382 = tpu.memref_squeeze %parallel_loop3A_381 : memref<1x32x512xf32, #tpu.memory_space<vmem>> -> memref<32x512xf32, #tpu.memory_space<vmem>>
      %parallel_loop3A_383 = tpu.vector_load_idx %parallel_loop3A_382[%add3A_5, %parallel_loop3A_366] : memref<32x512xf32, #tpu.memory_space<vmem>>[vector<16xi32>, vector<16xi32>], vector<16xf32>,
      %parallel_loop3A_384 = arith.constant 0 : i32
      %parallel_loop3A_385 = arith.index_cast %parallel_loop3A_384 : i32 to index
      %parallel_loop3A_386 = arith.index_cast %parallel_loop3A_231 : i32 to index
      %parallel_loop3A_387 = arith.constant 112 : index
      %parallel_loop3A_388 = tpu.vector_load %arg6[%parallel_loop3A_385, %parallel_loop3A_386, %parallel_loop3A_387] {strides = array<i32>} : memref<2x128x128xf32, #tpu.memory_space<vmem>>, vector<16xf32>,
      tpu.vector_store %arg6[%parallel_loop3A_385, %parallel_loop3A_386, %parallel_loop3A_387], %parallel_loop3A_383 {strides = array<i32>} : memref<2x128x128xf32, #tpu.memory_space<vmem>>, vector<16xf32>,
    } {sc.loop_unroll_factor = 2 : i64, sc.parallel_access}
    %add3A_178 = arith.constant 240 : i32
    %add3A_179 = arith.addi %mul3A_2, %add3A_178 : i32
    %mul3A_180 = arith.constant 32 : i32
    %mul3A_181 = arith.muli %add3A_179, %mul3A_180 : i32
    %dma_start3A_182 = arith.constant 0 : i32
    %dma_start3A_183 = arith.constant 0 : i32
    %dma_start3A_184 = arith.constant 0 : i32
    %dma_start3A_185 = tpu.memref_slice %arg6[%dma_start3A_182, %dma_start3A_183, %dma_start3A_184] : memref<2x128x128xf32, #tpu.memory_space<vmem>> -> memref<1x128x128xf32, #tpu.memory_space<vmem>>
    %dma_start3A_186 = tpu.memref_squeeze %dma_start3A_185 : memref<1x128x128xf32, #tpu.memory_space<vmem>> -> memref<128x128xf32, #tpu.memory_space<vmem>>
    %dma_start3A_187 = arith.constant 0 : i32
    %dma_start3A_188 = tpu.memref_slice %arg4[%mul3A_181, %dma_start3A_187] : memref<250000x128xf32, #tpu.memory_space<hbm>> -> memref<128x128xf32, #tpu.memory_space<hbm>>
    %dma_start3A_189 = arith.constant 0 : i32
    %dma_start3A_190 = tpu.memref_slice %arg4[%mul3A_181, %dma_start3A_189] : memref<250000x128xf32, #tpu.memory_space<hbm>> -> memref<128x128xf32, #tpu.memory_space<hbm>>
    %dma_start3A_191 = arith.constant 0 : i32
    %dma_start3A_192 = arith.constant 0 : i32
    %dma_start3A_193 = tpu.memref_slice %arg6[%dma_start3A_182, %dma_start3A_191, %dma_start3A_192] : memref<2x128x128xf32, #tpu.memory_space<vmem>> -> memref<1x128x128xf32, #tpu.memory_space<vmem>>
    %dma_start3A_194 = tpu.memref_squeeze %dma_start3A_193 : memref<1x128x128xf32, #tpu.memory_space<vmem>> -> memref<128x128xf32, #tpu.memory_space<vmem>>
    tpu.enqueue_dma source(%dma_start3A_194 : memref<128x128xf32, #tpu.memory_space<vmem>>) target(%dma_start3A_190 : memref<128x128xf32, #tpu.memory_space<hbm>>) target_semaphore(%arg8 : memref<!tpu.dma_semaphore, #tpu.memory_space<semaphore_mem>>)
    %dma_wait3A_195 = arith.constant 1 : i32
    %dma_wait3A_196 = arith.constant 0 : i32
    %dma_wait3A_197 = arith.constant 0 : i32
    %dma_wait3A_198 = tpu.memref_slice %arg6[%dma_wait3A_195, %dma_wait3A_196, %dma_wait3A_197] : memref<2x128x128xf32, #tpu.memory_space<vmem>> -> memref<1x128x128xf32, #tpu.memory_space<vmem>>
    %dma_wait3A_199 = tpu.memref_squeeze %dma_wait3A_198 : memref<1x128x128xf32, #tpu.memory_space<vmem>> -> memref<128x128xf32, #tpu.memory_space<vmem>>
    %dma_wait3A_200 = arith.constant 0 : i32
    %dma_wait3A_201 = arith.constant 0 : i32
    %dma_wait3A_202 = tpu.memref_slice %arg4[%dma_wait3A_200, %dma_wait3A_201] : memref<250000x128xf32, #tpu.memory_space<hbm>> -> memref<128x128xf32, #tpu.memory_space<hbm>>
    %dma_wait3A_203 = arith.constant 0 : i32
    %dma_wait3A_204 = arith.constant 0 : i32
    %dma_wait3A_205 = tpu.memref_slice %arg4[%dma_wait3A_203, %dma_wait3A_204] : memref<250000x128xf32, #tpu.memory_space<hbm>> -> memref<128x128xf32, #tpu.memory_space<hbm>>
    %dma_wait3A_206 = arith.constant 0 : i32
    %dma_wait3A_207 = arith.constant 0 : i32
    %dma_wait3A_208 = tpu.memref_slice %arg6[%dma_wait3A_195, %dma_wait3A_206, %dma_wait3A_207] : memref<2x128x128xf32, #tpu.memory_space<vmem>> -> memref<1x128x128xf32, #tpu.memory_space<vmem>>
    %dma_wait3A_209 = tpu.memref_squeeze %dma_wait3A_208 : memref<1x128x128xf32, #tpu.memory_space<vmem>> -> memref<128x128xf32, #tpu.memory_space<vmem>>
    tpu.wait_dma2 semaphore(%arg8 : memref<!tpu.dma_semaphore, #tpu.memory_space<semaphore_mem>>) src(%dma_wait3A_209 : memref<128x128xf32, #tpu.memory_space<vmem>>) dst(%dma_wait3A_205 : memref<128x128xf32, #tpu.memory_space<hbm>>)
    %dma_wait3A_210 = arith.constant 0 : i32
    %dma_wait3A_211 = arith.constant 0 : i32
    %dma_wait3A_212 = arith.constant 0 : i32
    %dma_wait3A_213 = tpu.memref_slice %arg6[%dma_wait3A_210, %dma_wait3A_211, %dma_wait3A_212] : memref<2x128x128xf32, #tpu.memory_space<vmem>> -> memref<1x128x128xf32, #tpu.memory_space<vmem>>
    %dma_wait3A_214 = tpu.memref_squeeze %dma_wait3A_213 : memref<1x128x128xf32, #tpu.memory_space<vmem>> -> memref<128x128xf32, #tpu.memory_space<vmem>>
    %dma_wait3A_215 = arith.constant 0 : i32
    %dma_wait3A_216 = arith.constant 0 : i32
    %dma_wait3A_217 = tpu.memref_slice %arg4[%dma_wait3A_215, %dma_wait3A_216] : memref<250000x128xf32, #tpu.memory_space<hbm>> -> memref<128x128xf32, #tpu.memory_space<hbm>>
    %dma_wait3A_218 = arith.constant 0 : i32
    %dma_wait3A_219 = arith.constant 0 : i32
    %dma_wait3A_220 = tpu.memref_slice %arg4[%dma_wait3A_218, %dma_wait3A_219] : memref<250000x128xf32, #tpu.memory_space<hbm>> -> memref<128x128xf32, #tpu.memory_space<hbm>>
    %dma_wait3A_221 = arith.constant 0 : i32
    %dma_wait3A_222 = arith.constant 0 : i32
    %dma_wait3A_223 = tpu.memref_slice %arg6[%dma_wait3A_210, %dma_wait3A_221, %dma_wait3A_222] : memref<2x128x128xf32, #tpu.memory_space<vmem>> -> memref<1x128x128xf32, #tpu.memory_space<vmem>>
    %dma_wait3A_224 = tpu.memref_squeeze %dma_wait3A_223 : memref<1x128x128xf32, #tpu.memory_space<vmem>> -> memref<128x128xf32, #tpu.memory_space<vmem>>
    tpu.wait_dma2 semaphore(%arg8 : memref<!tpu.dma_semaphore, #tpu.memory_space<semaphore_mem>>) src(%dma_wait3A_224 : memref<128x128xf32, #tpu.memory_space<vmem>>) dst(%dma_wait3A_220 : memref<128x128xf32, #tpu.memory_space<hbm>>)
    %lt3A = arith.constant 4 : i32
    %lt3A_225 = arith.cmpi slt, %add3A, %lt3A : i32
    %convert_element_type3A = arith.extui %lt3A_225 : i1 to i32
    %cond3A = arith.constant 0 : i32
    %cond3A_226 = arith.cmpi ne, %convert_element_type3A, %cond3A : i32
    scf.if %cond3A_226 {
      %add3A_231 = arith.constant 7808 : i32
      %add3A_232 = arith.addi %add3A_231, %add3A : i32
      %mul3A_233 = arith.constant 128 : i32
      %mul3A_234 = arith.muli %add3A_232, %mul3A_233 : i32
      %run_scoped3A = arith.constant 0 : i32
      "tpu.region"() ({
        %run_scoped3A_243 = tpu.sem_alloc : memref<!tpu.dma_semaphore, #tpu.memory_space<semaphore_mem>>
        %dma_start3A_244 = arith.constant 0 : i32
        %dma_start3A_245 = arith.constant 0 : i32
        %dma_start3A_246 = tpu.memref_slice %arg5[%run_scoped3A, %dma_start3A_244, %dma_start3A_245] : memref<2x32x512xf32, #tpu.memory_space<vmem>> -> memref<1x32x128xf32, #tpu.memory_space<vmem>>
        %dma_start3A_247 = tpu.memref_squeeze %dma_start3A_246 : memref<1x32x128xf32, #tpu.memory_space<vmem>> -> memref<32x128xf32, #tpu.memory_space<vmem>>
        %dma_start3A_248 = arith.constant 0 : i32
        %dma_start3A_249 = tpu.memref_slice %arg2[%dma_start3A_248, %mul3A_234] : memref<32x1000000xf32, #tpu.memory_space<hbm>> -> memref<32x128xf32, #tpu.memory_space<hbm>>
        %dma_start3A_250 = arith.constant 0 : i32
        %dma_start3A_251 = arith.constant 0 : i32
        %dma_start3A_252 = tpu.memref_slice %arg5[%run_scoped3A, %dma_start3A_250, %dma_start3A_251] : memref<2x32x512xf32, #tpu.memory_space<vmem>> -> memref<1x32x128xf32, #tpu.memory_space<vmem>>
        %dma_start3A_253 = tpu.memref_squeeze %dma_start3A_252 : memref<1x32x128xf32, #tpu.memory_space<vmem>> -> memref<32x128xf32, #tpu.memory_space<vmem>>
        %dma_start3A_254 = arith.constant 0 : i32
        %dma_start3A_255 = tpu.memref_slice %arg2[%dma_start3A_254, %mul3A_234] : memref<32x1000000xf32, #tpu.memory_space<hbm>> -> memref<32x128xf32, #tpu.memory_space<hbm>>
        tpu.enqueue_dma source(%dma_start3A_255 : memref<32x128xf32, #tpu.memory_space<hbm>>) target(%dma_start3A_253 : memref<32x128xf32, #tpu.memory_space<vmem>>) target_semaphore(%run_scoped3A_243 : memref<!tpu.dma_semaphore, #tpu.memory_space<semaphore_mem>>)
        %dma_wait3A_256 = arith.constant 0 : i32
        %dma_wait3A_257 = arith.constant 0 : i32
        %dma_wait3A_258 = tpu.memref_slice %arg5[%run_scoped3A, %dma_wait3A_256, %dma_wait3A_257] : memref<2x32x512xf32, #tpu.memory_space<vmem>> -> memref<1x32x128xf32, #tpu.memory_space<vmem>>
        %dma_wait3A_259 = tpu.memref_squeeze %dma_wait3A_258 : memref<1x32x128xf32, #tpu.memory_space<vmem>> -> memref<32x128xf32, #tpu.memory_space<vmem>>
        %dma_wait3A_260 = arith.constant 0 : i32
        %dma_wait3A_261 = tpu.memref_slice %arg2[%dma_wait3A_260, %mul3A_234] : memref<32x1000000xf32, #tpu.memory_space<hbm>> -> memref<32x128xf32, #tpu.memory_space<hbm>>
        %dma_wait3A_262 = arith.constant 0 : i32
        %dma_wait3A_263 = arith.constant 0 : i32
        %dma_wait3A_264 = tpu.memref_slice %arg5[%run_scoped3A, %dma_wait3A_262, %dma_wait3A_263] : memref<2x32x512xf32, #tpu.memory_space<vmem>> -> memref<1x32x128xf32, #tpu.memory_space<vmem>>
        %dma_wait3A_265 = tpu.memref_squeeze %dma_wait3A_264 : memref<1x32x128xf32, #tpu.memory_space<vmem>> -> memref<32x128xf32, #tpu.memory_space<vmem>>
        %dma_wait3A_266 = arith.constant 0 : i32
        %dma_wait3A_267 = tpu.memref_slice %arg2[%dma_wait3A_266, %mul3A_234] : memref<32x1000000xf32, #tpu.memory_space<hbm>> -> memref<32x128xf32, #tpu.memory_space<hbm>>
        tpu.wait_dma2 semaphore(%run_scoped3A_243 : memref<!tpu.dma_semaphore, #tpu.memory_space<semaphore_mem>>) src(%dma_wait3A_267 : memref<32x128xf32, #tpu.memory_space<hbm>>) dst(%dma_wait3A_265 : memref<32x128xf32, #tpu.memory_space<vmem>>)
        tpu.yield
      }) : () -> ()
      %scan3A_235 = arith.constant 0 : i32
      %scan3A_236 = arith.constant 32 : i32
      %scan3A_237 = arith.addi %scan3A_235, %scan3A_236 : i32
      %scan3A_238 = arith.constant 1 : i32
      scf.for %scan3A_243 = %scan3A_235 to %scan3A_237 step %scan3A_238  : i32 {
        %mul3A_244 = arith.constant 4 : i32
        %mul3A_245 = arith.muli %mul3A_244, %scan3A_243 : i32
        %broadcast_in_dim3A = arith.constant 0 : i32
        %broadcast_in_dim3A_246 = vector.broadcast %broadcast_in_dim3A : i32 to vector<16xi32>
        %add3A_247 = arith.constant 0 : i32
        %add3A_248 = arith.addi %mul3A_245, %add3A_247 : i32
        %add3A_249 = vector.broadcast %add3A_248 : i32 to vector<16xi32>
        %add3A_250 = arith.addi %broadcast_in_dim3A_246, %add3A_249 : vector<16xi32>
        %gather3A = arith.constant 0 : i32
        %gather3A_251 = arith.constant 0 : i32
        %gather3A_252 = arith.constant 0 : i32
        %gather3A_253 = tpu.memref_slice %arg5[%gather3A, %gather3A_251, %gather3A_252] : memref<2x32x512xf32, #tpu.memory_space<vmem>> -> memref<1x32x512xf32, #tpu.memory_space<vmem>>
        %gather3A_254 = tpu.memref_squeeze %gather3A_253 : memref<1x32x512xf32, #tpu.memory_space<vmem>> -> memref<32x512xf32, #tpu.memory_space<vmem>>
        %gather3A_255 = tpu.vector_load_idx %gather3A_254[%iota3A, %add3A_250] : memref<32x512xf32, #tpu.memory_space<vmem>>[vector<16xi32>, vector<16xi32>], vector<16xf32>,
        %swap3A = arith.constant 0 : i32
        %swap3A_256 = arith.index_cast %swap3A : i32 to index
        %swap3A_257 = arith.index_cast %scan3A_243 : i32 to index
        %swap3A_258 = arith.constant 0 : index
        %swap3A_259 = tpu.vector_load %arg6[%swap3A_256, %swap3A_257, %swap3A_258] {strides = array<i32>} : memref<2x128x128xf32, #tpu.memory_space<vmem>>, vector<16xf32>,
        tpu.vector_store %arg6[%swap3A_256, %swap3A_257, %swap3A_258], %gather3A_255 {strides = array<i32>} : memref<2x128x128xf32, #tpu.memory_space<vmem>>, vector<16xf32>,
        %gather3A_260 = arith.constant 0 : i32
        %gather3A_261 = arith.constant 0 : i32
        %gather3A_262 = arith.constant 0 : i32
        %gather3A_263 = tpu.memref_slice %arg5[%gather3A_260, %gather3A_261, %gather3A_262] : memref<2x32x512xf32, #tpu.memory_space<vmem>> -> memref<1x32x512xf32, #tpu.memory_space<vmem>>
        %gather3A_264 = tpu.memref_squeeze %gather3A_263 : memref<1x32x512xf32, #tpu.memory_space<vmem>> -> memref<32x512xf32, #tpu.memory_space<vmem>>
        %gather3A_265 = tpu.vector_load_idx %gather3A_264[%add3A_5, %add3A_250] : memref<32x512xf32, #tpu.memory_space<vmem>>[vector<16xi32>, vector<16xi32>], vector<16xf32>,
        %swap3A_266 = arith.constant 0 : i32
        %swap3A_267 = arith.index_cast %swap3A_266 : i32 to index
        %swap3A_268 = arith.index_cast %scan3A_243 : i32 to index
        %swap3A_269 = arith.constant 16 : index
        %swap3A_270 = tpu.vector_load %arg6[%swap3A_267, %swap3A_268, %swap3A_269] {strides = array<i32>} : memref<2x128x128xf32, #tpu.memory_space<vmem>>, vector<16xf32>,
        tpu.vector_store %arg6[%swap3A_267, %swap3A_268, %swap3A_269], %gather3A_265 {strides = array<i32>} : memref<2x128x128xf32, #tpu.memory_space<vmem>>, vector<16xf32>,
        %broadcast_in_dim3A_271 = arith.constant 0 : i32
        %broadcast_in_dim3A_272 = vector.broadcast %broadcast_in_dim3A_271 : i32 to vector<16xi32>
        %add3A_273 = arith.constant 1 : i32
        %add3A_274 = arith.addi %mul3A_245, %add3A_273 : i32
        %add3A_275 = vector.broadcast %add3A_274 : i32 to vector<16xi32>
        %add3A_276 = arith.addi %broadcast_in_dim3A_272, %add3A_275 : vector<16xi32>
        %gather3A_277 = arith.constant 0 : i32
        %gather3A_278 = arith.constant 0 : i32
        %gather3A_279 = arith.constant 0 : i32
        %gather3A_280 = tpu.memref_slice %arg5[%gather3A_277, %gather3A_278, %gather3A_279] : memref<2x32x512xf32, #tpu.memory_space<vmem>> -> memref<1x32x512xf32, #tpu.memory_space<vmem>>
        %gather3A_281 = tpu.memref_squeeze %gather3A_280 : memref<1x32x512xf32, #tpu.memory_space<vmem>> -> memref<32x512xf32, #tpu.memory_space<vmem>>
        %gather3A_282 = tpu.vector_load_idx %gather3A_281[%iota3A, %add3A_276] : memref<32x512xf32, #tpu.memory_space<vmem>>[vector<16xi32>, vector<16xi32>], vector<16xf32>,
        %swap3A_283 = arith.constant 0 : i32
        %swap3A_284 = arith.index_cast %swap3A_283 : i32 to index
        %swap3A_285 = arith.index_cast %scan3A_243 : i32 to index
        %swap3A_286 = arith.constant 32 : index
        %swap3A_287 = tpu.vector_load %arg6[%swap3A_284, %swap3A_285, %swap3A_286] {strides = array<i32>} : memref<2x128x128xf32, #tpu.memory_space<vmem>>, vector<16xf32>,
        tpu.vector_store %arg6[%swap3A_284, %swap3A_285, %swap3A_286], %gather3A_282 {strides = array<i32>} : memref<2x128x128xf32, #tpu.memory_space<vmem>>, vector<16xf32>,
        %gather3A_288 = arith.constant 0 : i32
        %gather3A_289 = arith.constant 0 : i32
        %gather3A_290 = arith.constant 0 : i32
        %gather3A_291 = tpu.memref_slice %arg5[%gather3A_288, %gather3A_289, %gather3A_290] : memref<2x32x512xf32, #tpu.memory_space<vmem>> -> memref<1x32x512xf32, #tpu.memory_space<vmem>>
        %gather3A_292 = tpu.memref_squeeze %gather3A_291 : memref<1x32x512xf32, #tpu.memory_space<vmem>> -> memref<32x512xf32, #tpu.memory_space<vmem>>
        %gather3A_293 = tpu.vector_load_idx %gather3A_292[%add3A_5, %add3A_276] : memref<32x512xf32, #tpu.memory_space<vmem>>[vector<16xi32>, vector<16xi32>], vector<16xf32>,
        %swap3A_294 = arith.constant 0 : i32
        %swap3A_295 = arith.index_cast %swap3A_294 : i32 to index
        %swap3A_296 = arith.index_cast %scan3A_243 : i32 to index
        %swap3A_297 = arith.constant 48 : index
        %swap3A_298 = tpu.vector_load %arg6[%swap3A_295, %swap3A_296, %swap3A_297] {strides = array<i32>} : memref<2x128x128xf32, #tpu.memory_space<vmem>>, vector<16xf32>,
        tpu.vector_store %arg6[%swap3A_295, %swap3A_296, %swap3A_297], %gather3A_293 {strides = array<i32>} : memref<2x128x128xf32, #tpu.memory_space<vmem>>, vector<16xf32>,
        %broadcast_in_dim3A_299 = arith.constant 0 : i32
        %broadcast_in_dim3A_300 = vector.broadcast %broadcast_in_dim3A_299 : i32 to vector<16xi32>
        %add3A_301 = arith.constant 2 : i32
        %add3A_302 = arith.addi %mul3A_245, %add3A_301 : i32
        %add3A_303 = vector.broadcast %add3A_302 : i32 to vector<16xi32>
        %add3A_304 = arith.addi %broadcast_in_dim3A_300, %add3A_303 : vector<16xi32>
        %gather3A_305 = arith.constant 0 : i32
        %gather3A_306 = arith.constant 0 : i32
        %gather3A_307 = arith.constant 0 : i32
        %gather3A_308 = tpu.memref_slice %arg5[%gather3A_305, %gather3A_306, %gather3A_307] : memref<2x32x512xf32, #tpu.memory_space<vmem>> -> memref<1x32x512xf32, #tpu.memory_space<vmem>>
        %gather3A_309 = tpu.memref_squeeze %gather3A_308 : memref<1x32x512xf32, #tpu.memory_space<vmem>> -> memref<32x512xf32, #tpu.memory_space<vmem>>
        %gather3A_310 = tpu.vector_load_idx %gather3A_309[%iota3A, %add3A_304] : memref<32x512xf32, #tpu.memory_space<vmem>>[vector<16xi32>, vector<16xi32>], vector<16xf32>,
        %swap3A_311 = arith.constant 0 : i32
        %swap3A_312 = arith.index_cast %swap3A_311 : i32 to index
        %swap3A_313 = arith.index_cast %scan3A_243 : i32 to index
        %swap3A_314 = arith.constant 64 : index
        %swap3A_315 = tpu.vector_load %arg6[%swap3A_312, %swap3A_313, %swap3A_314] {strides = array<i32>} : memref<2x128x128xf32, #tpu.memory_space<vmem>>, vector<16xf32>,
        tpu.vector_store %arg6[%swap3A_312, %swap3A_313, %swap3A_314], %gather3A_310 {strides = array<i32>} : memref<2x128x128xf32, #tpu.memory_space<vmem>>, vector<16xf32>,
        %gather3A_316 = arith.constant 0 : i32
        %gather3A_317 = arith.constant 0 : i32
        %gather3A_318 = arith.constant 0 : i32
        %gather3A_319 = tpu.memref_slice %arg5[%gather3A_316, %gather3A_317, %gather3A_318] : memref<2x32x512xf32, #tpu.memory_space<vmem>> -> memref<1x32x512xf32, #tpu.memory_space<vmem>>
        %gather3A_320 = tpu.memref_squeeze %gather3A_319 : memref<1x32x512xf32, #tpu.memory_space<vmem>> -> memref<32x512xf32, #tpu.memory_space<vmem>>
        %gather3A_321 = tpu.vector_load_idx %gather3A_320[%add3A_5, %add3A_304] : memref<32x512xf32, #tpu.memory_space<vmem>>[vector<16xi32>, vector<16xi32>], vector<16xf32>,
        %swap3A_322 = arith.constant 0 : i32
        %swap3A_323 = arith.index_cast %swap3A_322 : i32 to index
        %swap3A_324 = arith.index_cast %scan3A_243 : i32 to index
        %swap3A_325 = arith.constant 80 : index
        %swap3A_326 = tpu.vector_load %arg6[%swap3A_323, %swap3A_324, %swap3A_325] {strides = array<i32>} : memref<2x128x128xf32, #tpu.memory_space<vmem>>, vector<16xf32>,
        tpu.vector_store %arg6[%swap3A_323, %swap3A_324, %swap3A_325], %gather3A_321 {strides = array<i32>} : memref<2x128x128xf32, #tpu.memory_space<vmem>>, vector<16xf32>,
        %broadcast_in_dim3A_327 = arith.constant 0 : i32
        %broadcast_in_dim3A_328 = vector.broadcast %broadcast_in_dim3A_327 : i32 to vector<16xi32>
        %add3A_329 = arith.constant 3 : i32
        %add3A_330 = arith.addi %mul3A_245, %add3A_329 : i32
        %add3A_331 = vector.broadcast %add3A_330 : i32 to vector<16xi32>
        %add3A_332 = arith.addi %broadcast_in_dim3A_328, %add3A_331 : vector<16xi32>
        %gather3A_333 = arith.constant 0 : i32
        %gather3A_334 = arith.constant 0 : i32
        %gather3A_335 = arith.constant 0 : i32
        %gather3A_336 = tpu.memref_slice %arg5[%gather3A_333, %gather3A_334, %gather3A_335] : memref<2x32x512xf32, #tpu.memory_space<vmem>> -> memref<1x32x512xf32, #tpu.memory_space<vmem>>
        %gather3A_337 = tpu.memref_squeeze %gather3A_336 : memref<1x32x512xf32, #tpu.memory_space<vmem>> -> memref<32x512xf32, #tpu.memory_space<vmem>>
        %gather3A_338 = tpu.vector_load_idx %gather3A_337[%iota3A, %add3A_332] : memref<32x512xf32, #tpu.memory_space<vmem>>[vector<16xi32>, vector<16xi32>], vector<16xf32>,
        %swap3A_339 = arith.constant 0 : i32
        %swap3A_340 = arith.index_cast %swap3A_339 : i32 to index
        %swap3A_341 = arith.index_cast %scan3A_243 : i32 to index
        %swap3A_342 = arith.constant 96 : index
        %swap3A_343 = tpu.vector_load %arg6[%swap3A_340, %swap3A_341, %swap3A_342] {strides = array<i32>} : memref<2x128x128xf32, #tpu.memory_space<vmem>>, vector<16xf32>,
        tpu.vector_store %arg6[%swap3A_340, %swap3A_341, %swap3A_342], %gather3A_338 {strides = array<i32>} : memref<2x128x128xf32, #tpu.memory_space<vmem>>, vector<16xf32>,
        %gather3A_344 = arith.constant 0 : i32
        %gather3A_345 = arith.constant 0 : i32
        %gather3A_346 = arith.constant 0 : i32
        %gather3A_347 = tpu.memref_slice %arg5[%gather3A_344, %gather3A_345, %gather3A_346] : memref<2x32x512xf32, #tpu.memory_space<vmem>> -> memref<1x32x512xf32, #tpu.memory_space<vmem>>
        %gather3A_348 = tpu.memref_squeeze %gather3A_347 : memref<1x32x512xf32, #tpu.memory_space<vmem>> -> memref<32x512xf32, #tpu.memory_space<vmem>>
        %gather3A_349 = tpu.vector_load_idx %gather3A_348[%add3A_5, %add3A_332] : memref<32x512xf32, #tpu.memory_space<vmem>>[vector<16xi32>, vector<16xi32>], vector<16xf32>,
        %swap3A_350 = arith.constant 0 : i32
        %swap3A_351 = arith.index_cast %swap3A_350 : i32 to index
        %swap3A_352 = arith.index_cast %scan3A_243 : i32 to index
        %swap3A_353 = arith.constant 112 : index
        %swap3A_354 = tpu.vector_load %arg6[%swap3A_351, %swap3A_352, %swap3A_353] {strides = array<i32>} : memref<2x128x128xf32, #tpu.memory_space<vmem>>, vector<16xf32>,
        tpu.vector_store %arg6[%swap3A_351, %swap3A_352, %swap3A_353], %gather3A_349 {strides = array<i32>} : memref<2x128x128xf32, #tpu.memory_space<vmem>>, vector<16xf32>,
      }
      %scan3A_239 = arith.constant 32 : i32
      %mul3A_240 = arith.constant 32 : i32
      %mul3A_241 = arith.muli %add3A_232, %mul3A_240 : i32
      %run_scoped3A_242 = arith.constant 0 : i32
      "tpu.region"() ({
        %run_scoped3A_243 = tpu.sem_alloc : memref<!tpu.dma_semaphore, #tpu.memory_space<semaphore_mem>>
        %dma_start3A_244 = arith.constant 0 : i32
        %dma_start3A_245 = arith.constant 0 : i32
        %dma_start3A_246 = tpu.memref_slice %arg6[%run_scoped3A_242, %dma_start3A_244, %dma_start3A_245] : memref<2x128x128xf32, #tpu.memory_space<vmem>> -> memref<1x32x128xf32, #tpu.memory_space<vmem>>
        %dma_start3A_247 = tpu.memref_squeeze %dma_start3A_246 : memref<1x32x128xf32, #tpu.memory_space<vmem>> -> memref<32x128xf32, #tpu.memory_space<vmem>>
        %dma_start3A_248 = arith.constant 0 : i32
        %dma_start3A_249 = tpu.memref_slice %arg4[%mul3A_241, %dma_start3A_248] : memref<250000x128xf32, #tpu.memory_space<hbm>> -> memref<32x128xf32, #tpu.memory_space<hbm>>
        %dma_start3A_250 = arith.constant 0 : i32
        %dma_start3A_251 = tpu.memref_slice %arg4[%mul3A_241, %dma_start3A_250] : memref<250000x128xf32, #tpu.memory_space<hbm>> -> memref<32x128xf32, #tpu.memory_space<hbm>>
        %dma_start3A_252 = arith.constant 0 : i32
        %dma_start3A_253 = arith.constant 0 : i32
        %dma_start3A_254 = tpu.memref_slice %arg6[%run_scoped3A_242, %dma_start3A_252, %dma_start3A_253] : memref<2x128x128xf32, #tpu.memory_space<vmem>> -> memref<1x32x128xf32, #tpu.memory_space<vmem>>
        %dma_start3A_255 = tpu.memref_squeeze %dma_start3A_254 : memref<1x32x128xf32, #tpu.memory_space<vmem>> -> memref<32x128xf32, #tpu.memory_space<vmem>>
        tpu.enqueue_dma source(%dma_start3A_255 : memref<32x128xf32, #tpu.memory_space<vmem>>) target(%dma_start3A_251 : memref<32x128xf32, #tpu.memory_space<hbm>>) target_semaphore(%run_scoped3A_243 : memref<!tpu.dma_semaphore, #tpu.memory_space<semaphore_mem>>)
        %dma_wait3A_256 = arith.constant 0 : i32
        %dma_wait3A_257 = arith.constant 0 : i32
        %dma_wait3A_258 = tpu.memref_slice %arg6[%run_scoped3A_242, %dma_wait3A_256, %dma_wait3A_257] : memref<2x128x128xf32, #tpu.memory_space<vmem>> -> memref<1x32x128xf32, #tpu.memory_space<vmem>>
        %dma_wait3A_259 = tpu.memref_squeeze %dma_wait3A_258 : memref<1x32x128xf32, #tpu.memory_space<vmem>> -> memref<32x128xf32, #tpu.memory_space<vmem>>
        %dma_wait3A_260 = arith.constant 0 : i32
        %dma_wait3A_261 = tpu.memref_slice %arg4[%mul3A_241, %dma_wait3A_260] : memref<250000x128xf32, #tpu.memory_space<hbm>> -> memref<32x128xf32, #tpu.memory_space<hbm>>
        %dma_wait3A_262 = arith.constant 0 : i32
        %dma_wait3A_263 = tpu.memref_slice %arg4[%mul3A_241, %dma_wait3A_262] : memref<250000x128xf32, #tpu.memory_space<hbm>> -> memref<32x128xf32, #tpu.memory_space<hbm>>
        %dma_wait3A_264 = arith.constant 0 : i32
        %dma_wait3A_265 = arith.constant 0 : i32
        %dma_wait3A_266 = tpu.memref_slice %arg6[%run_scoped3A_242, %dma_wait3A_264, %dma_wait3A_265] : memref<2x128x128xf32, #tpu.memory_space<vmem>> -> memref<1x32x128xf32, #tpu.memory_space<vmem>>
        %dma_wait3A_267 = tpu.memref_squeeze %dma_wait3A_266 : memref<1x32x128xf32, #tpu.memory_space<vmem>> -> memref<32x128xf32, #tpu.memory_space<vmem>>
        tpu.wait_dma2 semaphore(%run_scoped3A_243 : memref<!tpu.dma_semaphore, #tpu.memory_space<semaphore_mem>>) src(%dma_wait3A_267 : memref<32x128xf32, #tpu.memory_space<vmem>>) dst(%dma_wait3A_263 : memref<32x128xf32, #tpu.memory_space<hbm>>)
        tpu.yield
      }) : () -> ()
    } else {
    }
    %eq3A = arith.constant 31 : i32
    %eq3A_227 = arith.cmpi eq, %add3A, %eq3A : i32
    %convert_element_type3A_228 = arith.extui %eq3A_227 : i1 to i32
    %cond3A_229 = arith.constant 0 : i32
    %cond3A_230 = arith.cmpi ne, %convert_element_type3A_228, %cond3A_229 : i32
    scf.if %cond3A_230 {
      %run_scoped3A = arith.constant 0 : i32
      "tpu.region"() ({
        %run_scoped3A_232 = tpu.sem_alloc : memref<!tpu.dma_semaphore, #tpu.memory_space<semaphore_mem>>
        %dma_start3A_233 = arith.constant 0 : i32
        %dma_start3A_234 = arith.constant 0 : i32
        %dma_start3A_235 = tpu.memref_slice %arg6[%run_scoped3A, %dma_start3A_233, %dma_start3A_234] : memref<2x128x128xf32, #tpu.memory_space<vmem>> -> memref<1x16x128xf32, #tpu.memory_space<vmem>>
        %dma_start3A_236 = tpu.memref_squeeze %dma_start3A_235 : memref<1x16x128xf32, #tpu.memory_space<vmem>> -> memref<16x128xf32, #tpu.memory_space<vmem>>
        %dma_start3A_237 = arith.constant 0 : i32
        %dma_start3A_238 = arith.constant 0 : i32
        %dma_start3A_239 = tpu.memref_slice %arg6[%run_scoped3A, %dma_start3A_237, %dma_start3A_238] : memref<2x128x128xf32, #tpu.memory_space<vmem>> -> memref<1x16x128xf32, #tpu.memory_space<vmem>>
        %dma_start3A_240 = tpu.memref_squeeze %dma_start3A_239 : memref<1x16x128xf32, #tpu.memory_space<vmem>> -> memref<16x128xf32, #tpu.memory_space<vmem>>
        tpu.enqueue_dma source(%arg3 : memref<16x128xf32, #tpu.memory_space<hbm>>) target(%dma_start3A_240 : memref<16x128xf32, #tpu.memory_space<vmem>>) target_semaphore(%run_scoped3A_232 : memref<!tpu.dma_semaphore, #tpu.memory_space<semaphore_mem>>)
        %dma_wait3A_241 = arith.constant 0 : i32
        %dma_wait3A_242 = arith.constant 0 : i32
        %dma_wait3A_243 = tpu.memref_slice %arg6[%run_scoped3A, %dma_wait3A_241, %dma_wait3A_242] : memref<2x128x128xf32, #tpu.memory_space<vmem>> -> memref<1x16x128xf32, #tpu.memory_space<vmem>>
        %dma_wait3A_244 = tpu.memref_squeeze %dma_wait3A_243 : memref<1x16x128xf32, #tpu.memory_space<vmem>> -> memref<16x128xf32, #tpu.memory_space<vmem>>
        %dma_wait3A_245 = arith.constant 0 : i32
        %dma_wait3A_246 = arith.constant 0 : i32
        %dma_wait3A_247 = tpu.memref_slice %arg6[%run_scoped3A, %dma_wait3A_245, %dma_wait3A_246] : memref<2x128x128xf32, #tpu.memory_space<vmem>> -> memref<1x16x128xf32, #tpu.memory_space<vmem>>
        %dma_wait3A_248 = tpu.memref_squeeze %dma_wait3A_247 : memref<1x16x128xf32, #tpu.memory_space<vmem>> -> memref<16x128xf32, #tpu.memory_space<vmem>>
        tpu.wait_dma2 semaphore(%run_scoped3A_232 : memref<!tpu.dma_semaphore, #tpu.memory_space<semaphore_mem>>) src(%arg3 : memref<16x128xf32, #tpu.memory_space<hbm>>) dst(%dma_wait3A_248 : memref<16x128xf32, #tpu.memory_space<vmem>>)
        tpu.yield
      }) : () -> ()
      %run_scoped3A_231 = arith.constant 0 : i32
      "tpu.region"() ({
        %run_scoped3A_232 = tpu.sem_alloc : memref<!tpu.dma_semaphore, #tpu.memory_space<semaphore_mem>>
        %dma_start3A_233 = arith.constant 0 : i32
        %dma_start3A_234 = arith.constant 0 : i32
        %dma_start3A_235 = tpu.memref_slice %arg6[%run_scoped3A_231, %dma_start3A_233, %dma_start3A_234] : memref<2x128x128xf32, #tpu.memory_space<vmem>> -> memref<1x16x128xf32, #tpu.memory_space<vmem>>
        %dma_start3A_236 = tpu.memref_squeeze %dma_start3A_235 : memref<1x16x128xf32, #tpu.memory_space<vmem>> -> memref<16x128xf32, #tpu.memory_space<vmem>>
        %dma_start3A_237 = arith.constant 249984 : i32
        %dma_start3A_238 = arith.constant 0 : i32
        %dma_start3A_239 = tpu.memref_slice %arg4[%dma_start3A_237, %dma_start3A_238] : memref<250000x128xf32, #tpu.memory_space<hbm>> -> memref<16x128xf32, #tpu.memory_space<hbm>>
        %dma_start3A_240 = arith.constant 249984 : i32
        %dma_start3A_241 = arith.constant 0 : i32
        %dma_start3A_242 = tpu.memref_slice %arg4[%dma_start3A_240, %dma_start3A_241] : memref<250000x128xf32, #tpu.memory_space<hbm>> -> memref<16x128xf32, #tpu.memory_space<hbm>>
        %dma_start3A_243 = arith.constant 0 : i32
        %dma_start3A_244 = arith.constant 0 : i32
        %dma_start3A_245 = tpu.memref_slice %arg6[%run_scoped3A_231, %dma_start3A_243, %dma_start3A_244] : memref<2x128x128xf32, #tpu.memory_space<vmem>> -> memref<1x16x128xf32, #tpu.memory_space<vmem>>
        %dma_start3A_246 = tpu.memref_squeeze %dma_start3A_245 : memref<1x16x128xf32, #tpu.memory_space<vmem>> -> memref<16x128xf32, #tpu.memory_space<vmem>>
        tpu.enqueue_dma source(%dma_start3A_246 : memref<16x128xf32, #tpu.memory_space<vmem>>) target(%dma_start3A_242 : memref<16x128xf32, #tpu.memory_space<hbm>>) target_semaphore(%run_scoped3A_232 : memref<!tpu.dma_semaphore, #tpu.memory_space<semaphore_mem>>)
        %dma_wait3A_247 = arith.constant 0 : i32
        %dma_wait3A_248 = arith.constant 0 : i32
        %dma_wait3A_249 = tpu.memref_slice %arg6[%run_scoped3A_231, %dma_wait3A_247, %dma_wait3A_248] : memref<2x128x128xf32, #tpu.memory_space<vmem>> -> memref<1x16x128xf32, #tpu.memory_space<vmem>>
        %dma_wait3A_250 = tpu.memref_squeeze %dma_wait3A_249 : memref<1x16x128xf32, #tpu.memory_space<vmem>> -> memref<16x128xf32, #tpu.memory_space<vmem>>
        %dma_wait3A_251 = arith.constant 249984 : i32
        %dma_wait3A_252 = arith.constant 0 : i32
        %dma_wait3A_253 = tpu.memref_slice %arg4[%dma_wait3A_251, %dma_wait3A_252] : memref<250000x128xf32, #tpu.memory_space<hbm>> -> memref<16x128xf32, #tpu.memory_space<hbm>>
        %dma_wait3A_254 = arith.constant 249984 : i32
        %dma_wait3A_255 = arith.constant 0 : i32
        %dma_wait3A_256 = tpu.memref_slice %arg4[%dma_wait3A_254, %dma_wait3A_255] : memref<250000x128xf32, #tpu.memory_space<hbm>> -> memref<16x128xf32, #tpu.memory_space<hbm>>
        %dma_wait3A_257 = arith.constant 0 : i32
        %dma_wait3A_258 = arith.constant 0 : i32
        %dma_wait3A_259 = tpu.memref_slice %arg6[%run_scoped3A_231, %dma_wait3A_257, %dma_wait3A_258] : memref<2x128x128xf32, #tpu.memory_space<vmem>> -> memref<1x16x128xf32, #tpu.memory_space<vmem>>
        %dma_wait3A_260 = tpu.memref_squeeze %dma_wait3A_259 : memref<1x16x128xf32, #tpu.memory_space<vmem>> -> memref<16x128xf32, #tpu.memory_space<vmem>>
        tpu.wait_dma2 semaphore(%run_scoped3A_232 : memref<!tpu.dma_semaphore, #tpu.memory_space<semaphore_mem>>) src(%dma_wait3A_260 : memref<16x128xf32, #tpu.memory_space<vmem>>) dst(%dma_wait3A_256 : memref<16x128xf32, #tpu.memory_space<hbm>>)
        tpu.yield
      }) : () -> ()
    } else {
    }
    return
  }
}

#map = affine_map<(d0, d1) -> (0)>
#map1 = affine_map<(d0, d1) -> (0, 0)>
module attributes {stable_mosaic.version = 14 : i64} {
  func.func @_gather_body(%arg0: i32, %arg1: i32, %arg2: memref<16384xi32, #tpu.memory_space<hbm>>, %arg3: memref<250000x128xf32, #tpu.memory_space<hbm>>, %arg4: memref<32x16384xf32, #tpu.memory_space<hbm>>, %arg5: memref<512xi32, #tpu.memory_space<vmem>>, %arg6: memref<4x128xi32, #tpu.memory_space<vmem>>, %arg7: memref<512xi32, #tpu.memory_space<vmem>>, %arg8: memref<512x128xf32, #tpu.memory_space<vmem>>, %arg9: memref<32x512xf32, #tpu.memory_space<vmem>>, %arg10: memref<!tpu.dma_semaphore, #tpu.memory_space<semaphore_mem>>) attributes {dimension_semantics = [#tpu.dimension_semantics<core_parallel>, #tpu.dimension_semantics<subcore_parallel>], iteration_bounds = array<i64: 2, 16>, scalar_prefetch = 0 : i64, scratch_operands = 6 : i64, tpu.core_type = #tpu.core_type<sc_vector_subcore>, window_params = [{transform_indices = #map}, {transform_indices = #map1}, {transform_indices = #map1}]} {
    %mul3A = arith.constant 2 : i32
    %mul3A_0 = arith.muli %arg1, %mul3A : i32
    %add3A = arith.addi %mul3A_0, %arg0 : i32
    %mul3A_1 = arith.constant 512 : i32
    %mul3A_2 = arith.muli %add3A, %mul3A_1 : i32
    "tpu.region"() ({
      %run_scoped3A = tpu.sem_alloc : memref<!tpu.dma_semaphore, #tpu.memory_space<semaphore_mem>>
      %dma_start3A_622 = tpu.memref_slice %arg2[%mul3A_2] : memref<16384xi32, #tpu.memory_space<hbm>> -> memref<512xi32, #tpu.memory_space<hbm>>
      %dma_start3A_623 = tpu.memref_slice %arg2[%mul3A_2] : memref<16384xi32, #tpu.memory_space<hbm>> -> memref<512xi32, #tpu.memory_space<hbm>>
      tpu.enqueue_dma source(%dma_start3A_623 : memref<512xi32, #tpu.memory_space<hbm>>) target(%arg5 : memref<512xi32, #tpu.memory_space<vmem>>) target_semaphore(%run_scoped3A : memref<!tpu.dma_semaphore, #tpu.memory_space<semaphore_mem>>)
      %dma_wait3A_624 = tpu.memref_slice %arg2[%mul3A_2] : memref<16384xi32, #tpu.memory_space<hbm>> -> memref<512xi32, #tpu.memory_space<hbm>>
      %dma_wait3A_625 = tpu.memref_slice %arg2[%mul3A_2] : memref<16384xi32, #tpu.memory_space<hbm>> -> memref<512xi32, #tpu.memory_space<hbm>>
      tpu.wait_dma2 semaphore(%run_scoped3A : memref<!tpu.dma_semaphore, #tpu.memory_space<semaphore_mem>>) src(%dma_wait3A_625 : memref<512xi32, #tpu.memory_space<hbm>>) dst(%arg5 : memref<512xi32, #tpu.memory_space<vmem>>)
      tpu.yield
    }) : () -> ()
    %get3A = arith.constant 0 : index
    %get3A_3 = tpu.vector_load %arg5[%get3A] {strides = array<i32>} : memref<512xi32, #tpu.memory_space<vmem>>, vector<16xi32>,
    %shift_right_arithmetic3A = arith.constant 2 : i32
    %shift_right_arithmetic3A_4 = vector.broadcast %shift_right_arithmetic3A : i32 to vector<16xi32>
    %shift_right_arithmetic3A_5 = arith.shrsi %get3A_3, %shift_right_arithmetic3A_4 : vector<16xi32>
    %swap3A = arith.constant 0 : i32
    %swap3A_6 = arith.index_cast %swap3A : i32 to index
    %swap3A_7 = arith.constant 0 : index
    %swap3A_8 = tpu.vector_load %arg6[%swap3A_6, %swap3A_7] {strides = array<i32>} : memref<4x128xi32, #tpu.memory_space<vmem>>, vector<16xi32>,
    tpu.vector_store %arg6[%swap3A_6, %swap3A_7], %shift_right_arithmetic3A_5 {strides = array<i32>} : memref<4x128xi32, #tpu.memory_space<vmem>>, vector<16xi32>,
    %and3A = arith.constant 3 : i32
    %and3A_9 = vector.broadcast %and3A : i32 to vector<16xi32>
    %and3A_10 = arith.andi %get3A_3, %and3A_9 : vector<16xi32>
    %shift_left3A = arith.constant 5 : i32
    %shift_left3A_11 = vector.broadcast %shift_left3A : i32 to vector<16xi32>
    %shift_left3A_12 = arith.shli %and3A_10, %shift_left3A_11 : vector<16xi32>
    %swap3A_13 = arith.constant 0 : index
    %swap3A_14 = tpu.vector_load %arg7[%swap3A_13] {strides = array<i32>} : memref<512xi32, #tpu.memory_space<vmem>>, vector<16xi32>,
    tpu.vector_store %arg7[%swap3A_13], %shift_left3A_12 {strides = array<i32>} : memref<512xi32, #tpu.memory_space<vmem>>, vector<16xi32>,
    %get3A_15 = arith.constant 16 : index
    %get3A_16 = tpu.vector_load %arg5[%get3A_15] {strides = array<i32>} : memref<512xi32, #tpu.memory_space<vmem>>, vector<16xi32>,
    %shift_right_arithmetic3A_17 = arith.constant 2 : i32
    %shift_right_arithmetic3A_18 = vector.broadcast %shift_right_arithmetic3A_17 : i32 to vector<16xi32>
    %shift_right_arithmetic3A_19 = arith.shrsi %get3A_16, %shift_right_arithmetic3A_18 : vector<16xi32>
    %swap3A_20 = arith.constant 0 : i32
    %swap3A_21 = arith.index_cast %swap3A_20 : i32 to index
    %swap3A_22 = arith.constant 16 : index
    %swap3A_23 = tpu.vector_load %arg6[%swap3A_21, %swap3A_22] {strides = array<i32>} : memref<4x128xi32, #tpu.memory_space<vmem>>, vector<16xi32>,
    tpu.vector_store %arg6[%swap3A_21, %swap3A_22], %shift_right_arithmetic3A_19 {strides = array<i32>} : memref<4x128xi32, #tpu.memory_space<vmem>>, vector<16xi32>,
    %and3A_24 = arith.constant 3 : i32
    %and3A_25 = vector.broadcast %and3A_24 : i32 to vector<16xi32>
    %and3A_26 = arith.andi %get3A_16, %and3A_25 : vector<16xi32>
    %shift_left3A_27 = arith.constant 5 : i32
    %shift_left3A_28 = vector.broadcast %shift_left3A_27 : i32 to vector<16xi32>
    %shift_left3A_29 = arith.shli %and3A_26, %shift_left3A_28 : vector<16xi32>
    %swap3A_30 = arith.constant 16 : index
    %swap3A_31 = tpu.vector_load %arg7[%swap3A_30] {strides = array<i32>} : memref<512xi32, #tpu.memory_space<vmem>>, vector<16xi32>,
    tpu.vector_store %arg7[%swap3A_30], %shift_left3A_29 {strides = array<i32>} : memref<512xi32, #tpu.memory_space<vmem>>, vector<16xi32>,
    %get3A_32 = arith.constant 32 : index
    %get3A_33 = tpu.vector_load %arg5[%get3A_32] {strides = array<i32>} : memref<512xi32, #tpu.memory_space<vmem>>, vector<16xi32>,
    %shift_right_arithmetic3A_34 = arith.constant 2 : i32
    %shift_right_arithmetic3A_35 = vector.broadcast %shift_right_arithmetic3A_34 : i32 to vector<16xi32>
    %shift_right_arithmetic3A_36 = arith.shrsi %get3A_33, %shift_right_arithmetic3A_35 : vector<16xi32>
    %swap3A_37 = arith.constant 0 : i32
    %swap3A_38 = arith.index_cast %swap3A_37 : i32 to index
    %swap3A_39 = arith.constant 32 : index
    %swap3A_40 = tpu.vector_load %arg6[%swap3A_38, %swap3A_39] {strides = array<i32>} : memref<4x128xi32, #tpu.memory_space<vmem>>, vector<16xi32>,
    tpu.vector_store %arg6[%swap3A_38, %swap3A_39], %shift_right_arithmetic3A_36 {strides = array<i32>} : memref<4x128xi32, #tpu.memory_space<vmem>>, vector<16xi32>,
    %and3A_41 = arith.constant 3 : i32
    %and3A_42 = vector.broadcast %and3A_41 : i32 to vector<16xi32>
    %and3A_43 = arith.andi %get3A_33, %and3A_42 : vector<16xi32>
    %shift_left3A_44 = arith.constant 5 : i32
    %shift_left3A_45 = vector.broadcast %shift_left3A_44 : i32 to vector<16xi32>
    %shift_left3A_46 = arith.shli %and3A_43, %shift_left3A_45 : vector<16xi32>
    %swap3A_47 = arith.constant 32 : index
    %swap3A_48 = tpu.vector_load %arg7[%swap3A_47] {strides = array<i32>} : memref<512xi32, #tpu.memory_space<vmem>>, vector<16xi32>,
    tpu.vector_store %arg7[%swap3A_47], %shift_left3A_46 {strides = array<i32>} : memref<512xi32, #tpu.memory_space<vmem>>, vector<16xi32>,
    %get3A_49 = arith.constant 48 : index
    %get3A_50 = tpu.vector_load %arg5[%get3A_49] {strides = array<i32>} : memref<512xi32, #tpu.memory_space<vmem>>, vector<16xi32>,
    %shift_right_arithmetic3A_51 = arith.constant 2 : i32
    %shift_right_arithmetic3A_52 = vector.broadcast %shift_right_arithmetic3A_51 : i32 to vector<16xi32>
    %shift_right_arithmetic3A_53 = arith.shrsi %get3A_50, %shift_right_arithmetic3A_52 : vector<16xi32>
    %swap3A_54 = arith.constant 0 : i32
    %swap3A_55 = arith.index_cast %swap3A_54 : i32 to index
    %swap3A_56 = arith.constant 48 : index
    %swap3A_57 = tpu.vector_load %arg6[%swap3A_55, %swap3A_56] {strides = array<i32>} : memref<4x128xi32, #tpu.memory_space<vmem>>, vector<16xi32>,
    tpu.vector_store %arg6[%swap3A_55, %swap3A_56], %shift_right_arithmetic3A_53 {strides = array<i32>} : memref<4x128xi32, #tpu.memory_space<vmem>>, vector<16xi32>,
    %and3A_58 = arith.constant 3 : i32
    %and3A_59 = vector.broadcast %and3A_58 : i32 to vector<16xi32>
    %and3A_60 = arith.andi %get3A_50, %and3A_59 : vector<16xi32>
    %shift_left3A_61 = arith.constant 5 : i32
    %shift_left3A_62 = vector.broadcast %shift_left3A_61 : i32 to vector<16xi32>
    %shift_left3A_63 = arith.shli %and3A_60, %shift_left3A_62 : vector<16xi32>
    %swap3A_64 = arith.constant 48 : index
    %swap3A_65 = tpu.vector_load %arg7[%swap3A_64] {strides = array<i32>} : memref<512xi32, #tpu.memory_space<vmem>>, vector<16xi32>,
    tpu.vector_store %arg7[%swap3A_64], %shift_left3A_63 {strides = array<i32>} : memref<512xi32, #tpu.memory_space<vmem>>, vector<16xi32>,
    %get3A_66 = arith.constant 64 : index
    %get3A_67 = tpu.vector_load %arg5[%get3A_66] {strides = array<i32>} : memref<512xi32, #tpu.memory_space<vmem>>, vector<16xi32>,
    %shift_right_arithmetic3A_68 = arith.constant 2 : i32
    %shift_right_arithmetic3A_69 = vector.broadcast %shift_right_arithmetic3A_68 : i32 to vector<16xi32>
    %shift_right_arithmetic3A_70 = arith.shrsi %get3A_67, %shift_right_arithmetic3A_69 : vector<16xi32>
    %swap3A_71 = arith.constant 0 : i32
    %swap3A_72 = arith.index_cast %swap3A_71 : i32 to index
    %swap3A_73 = arith.constant 64 : index
    %swap3A_74 = tpu.vector_load %arg6[%swap3A_72, %swap3A_73] {strides = array<i32>} : memref<4x128xi32, #tpu.memory_space<vmem>>, vector<16xi32>,
    tpu.vector_store %arg6[%swap3A_72, %swap3A_73], %shift_right_arithmetic3A_70 {strides = array<i32>} : memref<4x128xi32, #tpu.memory_space<vmem>>, vector<16xi32>,
    %and3A_75 = arith.constant 3 : i32
    %and3A_76 = vector.broadcast %and3A_75 : i32 to vector<16xi32>
    %and3A_77 = arith.andi %get3A_67, %and3A_76 : vector<16xi32>
    %shift_left3A_78 = arith.constant 5 : i32
    %shift_left3A_79 = vector.broadcast %shift_left3A_78 : i32 to vector<16xi32>
    %shift_left3A_80 = arith.shli %and3A_77, %shift_left3A_79 : vector<16xi32>
    %swap3A_81 = arith.constant 64 : index
    %swap3A_82 = tpu.vector_load %arg7[%swap3A_81] {strides = array<i32>} : memref<512xi32, #tpu.memory_space<vmem>>, vector<16xi32>,
    tpu.vector_store %arg7[%swap3A_81], %shift_left3A_80 {strides = array<i32>} : memref<512xi32, #tpu.memory_space<vmem>>, vector<16xi32>,
    %get3A_83 = arith.constant 80 : index
    %get3A_84 = tpu.vector_load %arg5[%get3A_83] {strides = array<i32>} : memref<512xi32, #tpu.memory_space<vmem>>, vector<16xi32>,
    %shift_right_arithmetic3A_85 = arith.constant 2 : i32
    %shift_right_arithmetic3A_86 = vector.broadcast %shift_right_arithmetic3A_85 : i32 to vector<16xi32>
    %shift_right_arithmetic3A_87 = arith.shrsi %get3A_84, %shift_right_arithmetic3A_86 : vector<16xi32>
    %swap3A_88 = arith.constant 0 : i32
    %swap3A_89 = arith.index_cast %swap3A_88 : i32 to index
    %swap3A_90 = arith.constant 80 : index
    %swap3A_91 = tpu.vector_load %arg6[%swap3A_89, %swap3A_90] {strides = array<i32>} : memref<4x128xi32, #tpu.memory_space<vmem>>, vector<16xi32>,
    tpu.vector_store %arg6[%swap3A_89, %swap3A_90], %shift_right_arithmetic3A_87 {strides = array<i32>} : memref<4x128xi32, #tpu.memory_space<vmem>>, vector<16xi32>,
    %and3A_92 = arith.constant 3 : i32
    %and3A_93 = vector.broadcast %and3A_92 : i32 to vector<16xi32>
    %and3A_94 = arith.andi %get3A_84, %and3A_93 : vector<16xi32>
    %shift_left3A_95 = arith.constant 5 : i32
    %shift_left3A_96 = vector.broadcast %shift_left3A_95 : i32 to vector<16xi32>
    %shift_left3A_97 = arith.shli %and3A_94, %shift_left3A_96 : vector<16xi32>
    %swap3A_98 = arith.constant 80 : index
    %swap3A_99 = tpu.vector_load %arg7[%swap3A_98] {strides = array<i32>} : memref<512xi32, #tpu.memory_space<vmem>>, vector<16xi32>,
    tpu.vector_store %arg7[%swap3A_98], %shift_left3A_97 {strides = array<i32>} : memref<512xi32, #tpu.memory_space<vmem>>, vector<16xi32>,
    %get3A_100 = arith.constant 96 : index
    %get3A_101 = tpu.vector_load %arg5[%get3A_100] {strides = array<i32>} : memref<512xi32, #tpu.memory_space<vmem>>, vector<16xi32>,
    %shift_right_arithmetic3A_102 = arith.constant 2 : i32
    %shift_right_arithmetic3A_103 = vector.broadcast %shift_right_arithmetic3A_102 : i32 to vector<16xi32>
    %shift_right_arithmetic3A_104 = arith.shrsi %get3A_101, %shift_right_arithmetic3A_103 : vector<16xi32>
    %swap3A_105 = arith.constant 0 : i32
    %swap3A_106 = arith.index_cast %swap3A_105 : i32 to index
    %swap3A_107 = arith.constant 96 : index
    %swap3A_108 = tpu.vector_load %arg6[%swap3A_106, %swap3A_107] {strides = array<i32>} : memref<4x128xi32, #tpu.memory_space<vmem>>, vector<16xi32>,
    tpu.vector_store %arg6[%swap3A_106, %swap3A_107], %shift_right_arithmetic3A_104 {strides = array<i32>} : memref<4x128xi32, #tpu.memory_space<vmem>>, vector<16xi32>,
    %and3A_109 = arith.constant 3 : i32
    %and3A_110 = vector.broadcast %and3A_109 : i32 to vector<16xi32>
    %and3A_111 = arith.andi %get3A_101, %and3A_110 : vector<16xi32>
    %shift_left3A_112 = arith.constant 5 : i32
    %shift_left3A_113 = vector.broadcast %shift_left3A_112 : i32 to vector<16xi32>
    %shift_left3A_114 = arith.shli %and3A_111, %shift_left3A_113 : vector<16xi32>
    %swap3A_115 = arith.constant 96 : index
    %swap3A_116 = tpu.vector_load %arg7[%swap3A_115] {strides = array<i32>} : memref<512xi32, #tpu.memory_space<vmem>>, vector<16xi32>,
    tpu.vector_store %arg7[%swap3A_115], %shift_left3A_114 {strides = array<i32>} : memref<512xi32, #tpu.memory_space<vmem>>, vector<16xi32>,
    %get3A_117 = arith.constant 112 : index
    %get3A_118 = tpu.vector_load %arg5[%get3A_117] {strides = array<i32>} : memref<512xi32, #tpu.memory_space<vmem>>, vector<16xi32>,
    %shift_right_arithmetic3A_119 = arith.constant 2 : i32
    %shift_right_arithmetic3A_120 = vector.broadcast %shift_right_arithmetic3A_119 : i32 to vector<16xi32>
    %shift_right_arithmetic3A_121 = arith.shrsi %get3A_118, %shift_right_arithmetic3A_120 : vector<16xi32>
    %swap3A_122 = arith.constant 0 : i32
    %swap3A_123 = arith.index_cast %swap3A_122 : i32 to index
    %swap3A_124 = arith.constant 112 : index
    %swap3A_125 = tpu.vector_load %arg6[%swap3A_123, %swap3A_124] {strides = array<i32>} : memref<4x128xi32, #tpu.memory_space<vmem>>, vector<16xi32>,
    tpu.vector_store %arg6[%swap3A_123, %swap3A_124], %shift_right_arithmetic3A_121 {strides = array<i32>} : memref<4x128xi32, #tpu.memory_space<vmem>>, vector<16xi32>,
    %and3A_126 = arith.constant 3 : i32
    %and3A_127 = vector.broadcast %and3A_126 : i32 to vector<16xi32>
    %and3A_128 = arith.andi %get3A_118, %and3A_127 : vector<16xi32>
    %shift_left3A_129 = arith.constant 5 : i32
    %shift_left3A_130 = vector.broadcast %shift_left3A_129 : i32 to vector<16xi32>
    %shift_left3A_131 = arith.shli %and3A_128, %shift_left3A_130 : vector<16xi32>
    %swap3A_132 = arith.constant 112 : index
    %swap3A_133 = tpu.vector_load %arg7[%swap3A_132] {strides = array<i32>} : memref<512xi32, #tpu.memory_space<vmem>>, vector<16xi32>,
    tpu.vector_store %arg7[%swap3A_132], %shift_left3A_131 {strides = array<i32>} : memref<512xi32, #tpu.memory_space<vmem>>, vector<16xi32>,
    %get3A_134 = arith.constant 128 : index
    %get3A_135 = tpu.vector_load %arg5[%get3A_134] {strides = array<i32>} : memref<512xi32, #tpu.memory_space<vmem>>, vector<16xi32>,
    %shift_right_arithmetic3A_136 = arith.constant 2 : i32
    %shift_right_arithmetic3A_137 = vector.broadcast %shift_right_arithmetic3A_136 : i32 to vector<16xi32>
    %shift_right_arithmetic3A_138 = arith.shrsi %get3A_135, %shift_right_arithmetic3A_137 : vector<16xi32>
    %swap3A_139 = arith.constant 1 : i32
    %swap3A_140 = arith.index_cast %swap3A_139 : i32 to index
    %swap3A_141 = arith.constant 0 : index
    %swap3A_142 = tpu.vector_load %arg6[%swap3A_140, %swap3A_141] {strides = array<i32>} : memref<4x128xi32, #tpu.memory_space<vmem>>, vector<16xi32>,
    tpu.vector_store %arg6[%swap3A_140, %swap3A_141], %shift_right_arithmetic3A_138 {strides = array<i32>} : memref<4x128xi32, #tpu.memory_space<vmem>>, vector<16xi32>,
    %and3A_143 = arith.constant 3 : i32
    %and3A_144 = vector.broadcast %and3A_143 : i32 to vector<16xi32>
    %and3A_145 = arith.andi %get3A_135, %and3A_144 : vector<16xi32>
    %shift_left3A_146 = arith.constant 5 : i32
    %shift_left3A_147 = vector.broadcast %shift_left3A_146 : i32 to vector<16xi32>
    %shift_left3A_148 = arith.shli %and3A_145, %shift_left3A_147 : vector<16xi32>
    %swap3A_149 = arith.constant 128 : index
    %swap3A_150 = tpu.vector_load %arg7[%swap3A_149] {strides = array<i32>} : memref<512xi32, #tpu.memory_space<vmem>>, vector<16xi32>,
    tpu.vector_store %arg7[%swap3A_149], %shift_left3A_148 {strides = array<i32>} : memref<512xi32, #tpu.memory_space<vmem>>, vector<16xi32>,
    %get3A_151 = arith.constant 144 : index
    %get3A_152 = tpu.vector_load %arg5[%get3A_151] {strides = array<i32>} : memref<512xi32, #tpu.memory_space<vmem>>, vector<16xi32>,
    %shift_right_arithmetic3A_153 = arith.constant 2 : i32
    %shift_right_arithmetic3A_154 = vector.broadcast %shift_right_arithmetic3A_153 : i32 to vector<16xi32>
    %shift_right_arithmetic3A_155 = arith.shrsi %get3A_152, %shift_right_arithmetic3A_154 : vector<16xi32>
    %swap3A_156 = arith.constant 1 : i32
    %swap3A_157 = arith.index_cast %swap3A_156 : i32 to index
    %swap3A_158 = arith.constant 16 : index
    %swap3A_159 = tpu.vector_load %arg6[%swap3A_157, %swap3A_158] {strides = array<i32>} : memref<4x128xi32, #tpu.memory_space<vmem>>, vector<16xi32>,
    tpu.vector_store %arg6[%swap3A_157, %swap3A_158], %shift_right_arithmetic3A_155 {strides = array<i32>} : memref<4x128xi32, #tpu.memory_space<vmem>>, vector<16xi32>,
    %and3A_160 = arith.constant 3 : i32
    %and3A_161 = vector.broadcast %and3A_160 : i32 to vector<16xi32>
    %and3A_162 = arith.andi %get3A_152, %and3A_161 : vector<16xi32>
    %shift_left3A_163 = arith.constant 5 : i32
    %shift_left3A_164 = vector.broadcast %shift_left3A_163 : i32 to vector<16xi32>
    %shift_left3A_165 = arith.shli %and3A_162, %shift_left3A_164 : vector<16xi32>
    %swap3A_166 = arith.constant 144 : index
    %swap3A_167 = tpu.vector_load %arg7[%swap3A_166] {strides = array<i32>} : memref<512xi32, #tpu.memory_space<vmem>>, vector<16xi32>,
    tpu.vector_store %arg7[%swap3A_166], %shift_left3A_165 {strides = array<i32>} : memref<512xi32, #tpu.memory_space<vmem>>, vector<16xi32>,
    %get3A_168 = arith.constant 160 : index
    %get3A_169 = tpu.vector_load %arg5[%get3A_168] {strides = array<i32>} : memref<512xi32, #tpu.memory_space<vmem>>, vector<16xi32>,
    %shift_right_arithmetic3A_170 = arith.constant 2 : i32
    %shift_right_arithmetic3A_171 = vector.broadcast %shift_right_arithmetic3A_170 : i32 to vector<16xi32>
    %shift_right_arithmetic3A_172 = arith.shrsi %get3A_169, %shift_right_arithmetic3A_171 : vector<16xi32>
    %swap3A_173 = arith.constant 1 : i32
    %swap3A_174 = arith.index_cast %swap3A_173 : i32 to index
    %swap3A_175 = arith.constant 32 : index
    %swap3A_176 = tpu.vector_load %arg6[%swap3A_174, %swap3A_175] {strides = array<i32>} : memref<4x128xi32, #tpu.memory_space<vmem>>, vector<16xi32>,
    tpu.vector_store %arg6[%swap3A_174, %swap3A_175], %shift_right_arithmetic3A_172 {strides = array<i32>} : memref<4x128xi32, #tpu.memory_space<vmem>>, vector<16xi32>,
    %and3A_177 = arith.constant 3 : i32
    %and3A_178 = vector.broadcast %and3A_177 : i32 to vector<16xi32>
    %and3A_179 = arith.andi %get3A_169, %and3A_178 : vector<16xi32>
    %shift_left3A_180 = arith.constant 5 : i32
    %shift_left3A_181 = vector.broadcast %shift_left3A_180 : i32 to vector<16xi32>
    %shift_left3A_182 = arith.shli %and3A_179, %shift_left3A_181 : vector<16xi32>
    %swap3A_183 = arith.constant 160 : index
    %swap3A_184 = tpu.vector_load %arg7[%swap3A_183] {strides = array<i32>} : memref<512xi32, #tpu.memory_space<vmem>>, vector<16xi32>,
    tpu.vector_store %arg7[%swap3A_183], %shift_left3A_182 {strides = array<i32>} : memref<512xi32, #tpu.memory_space<vmem>>, vector<16xi32>,
    %get3A_185 = arith.constant 176 : index
    %get3A_186 = tpu.vector_load %arg5[%get3A_185] {strides = array<i32>} : memref<512xi32, #tpu.memory_space<vmem>>, vector<16xi32>,
    %shift_right_arithmetic3A_187 = arith.constant 2 : i32
    %shift_right_arithmetic3A_188 = vector.broadcast %shift_right_arithmetic3A_187 : i32 to vector<16xi32>
    %shift_right_arithmetic3A_189 = arith.shrsi %get3A_186, %shift_right_arithmetic3A_188 : vector<16xi32>
    %swap3A_190 = arith.constant 1 : i32
    %swap3A_191 = arith.index_cast %swap3A_190 : i32 to index
    %swap3A_192 = arith.constant 48 : index
    %swap3A_193 = tpu.vector_load %arg6[%swap3A_191, %swap3A_192] {strides = array<i32>} : memref<4x128xi32, #tpu.memory_space<vmem>>, vector<16xi32>,
    tpu.vector_store %arg6[%swap3A_191, %swap3A_192], %shift_right_arithmetic3A_189 {strides = array<i32>} : memref<4x128xi32, #tpu.memory_space<vmem>>, vector<16xi32>,
    %and3A_194 = arith.constant 3 : i32
    %and3A_195 = vector.broadcast %and3A_194 : i32 to vector<16xi32>
    %and3A_196 = arith.andi %get3A_186, %and3A_195 : vector<16xi32>
    %shift_left3A_197 = arith.constant 5 : i32
    %shift_left3A_198 = vector.broadcast %shift_left3A_197 : i32 to vector<16xi32>
    %shift_left3A_199 = arith.shli %and3A_196, %shift_left3A_198 : vector<16xi32>
    %swap3A_200 = arith.constant 176 : index
    %swap3A_201 = tpu.vector_load %arg7[%swap3A_200] {strides = array<i32>} : memref<512xi32, #tpu.memory_space<vmem>>, vector<16xi32>,
    tpu.vector_store %arg7[%swap3A_200], %shift_left3A_199 {strides = array<i32>} : memref<512xi32, #tpu.memory_space<vmem>>, vector<16xi32>,
    %get3A_202 = arith.constant 192 : index
    %get3A_203 = tpu.vector_load %arg5[%get3A_202] {strides = array<i32>} : memref<512xi32, #tpu.memory_space<vmem>>, vector<16xi32>,
    %shift_right_arithmetic3A_204 = arith.constant 2 : i32
    %shift_right_arithmetic3A_205 = vector.broadcast %shift_right_arithmetic3A_204 : i32 to vector<16xi32>
    %shift_right_arithmetic3A_206 = arith.shrsi %get3A_203, %shift_right_arithmetic3A_205 : vector<16xi32>
    %swap3A_207 = arith.constant 1 : i32
    %swap3A_208 = arith.index_cast %swap3A_207 : i32 to index
    %swap3A_209 = arith.constant 64 : index
    %swap3A_210 = tpu.vector_load %arg6[%swap3A_208, %swap3A_209] {strides = array<i32>} : memref<4x128xi32, #tpu.memory_space<vmem>>, vector<16xi32>,
    tpu.vector_store %arg6[%swap3A_208, %swap3A_209], %shift_right_arithmetic3A_206 {strides = array<i32>} : memref<4x128xi32, #tpu.memory_space<vmem>>, vector<16xi32>,
    %and3A_211 = arith.constant 3 : i32
    %and3A_212 = vector.broadcast %and3A_211 : i32 to vector<16xi32>
    %and3A_213 = arith.andi %get3A_203, %and3A_212 : vector<16xi32>
    %shift_left3A_214 = arith.constant 5 : i32
    %shift_left3A_215 = vector.broadcast %shift_left3A_214 : i32 to vector<16xi32>
    %shift_left3A_216 = arith.shli %and3A_213, %shift_left3A_215 : vector<16xi32>
    %swap3A_217 = arith.constant 192 : index
    %swap3A_218 = tpu.vector_load %arg7[%swap3A_217] {strides = array<i32>} : memref<512xi32, #tpu.memory_space<vmem>>, vector<16xi32>,
    tpu.vector_store %arg7[%swap3A_217], %shift_left3A_216 {strides = array<i32>} : memref<512xi32, #tpu.memory_space<vmem>>, vector<16xi32>,
    %get3A_219 = arith.constant 208 : index
    %get3A_220 = tpu.vector_load %arg5[%get3A_219] {strides = array<i32>} : memref<512xi32, #tpu.memory_space<vmem>>, vector<16xi32>,
    %shift_right_arithmetic3A_221 = arith.constant 2 : i32
    %shift_right_arithmetic3A_222 = vector.broadcast %shift_right_arithmetic3A_221 : i32 to vector<16xi32>
    %shift_right_arithmetic3A_223 = arith.shrsi %get3A_220, %shift_right_arithmetic3A_222 : vector<16xi32>
    %swap3A_224 = arith.constant 1 : i32
    %swap3A_225 = arith.index_cast %swap3A_224 : i32 to index
    %swap3A_226 = arith.constant 80 : index
    %swap3A_227 = tpu.vector_load %arg6[%swap3A_225, %swap3A_226] {strides = array<i32>} : memref<4x128xi32, #tpu.memory_space<vmem>>, vector<16xi32>,
    tpu.vector_store %arg6[%swap3A_225, %swap3A_226], %shift_right_arithmetic3A_223 {strides = array<i32>} : memref<4x128xi32, #tpu.memory_space<vmem>>, vector<16xi32>,
    %and3A_228 = arith.constant 3 : i32
    %and3A_229 = vector.broadcast %and3A_228 : i32 to vector<16xi32>
    %and3A_230 = arith.andi %get3A_220, %and3A_229 : vector<16xi32>
    %shift_left3A_231 = arith.constant 5 : i32
    %shift_left3A_232 = vector.broadcast %shift_left3A_231 : i32 to vector<16xi32>
    %shift_left3A_233 = arith.shli %and3A_230, %shift_left3A_232 : vector<16xi32>
    %swap3A_234 = arith.constant 208 : index
    %swap3A_235 = tpu.vector_load %arg7[%swap3A_234] {strides = array<i32>} : memref<512xi32, #tpu.memory_space<vmem>>, vector<16xi32>,
    tpu.vector_store %arg7[%swap3A_234], %shift_left3A_233 {strides = array<i32>} : memref<512xi32, #tpu.memory_space<vmem>>, vector<16xi32>,
    %get3A_236 = arith.constant 224 : index
    %get3A_237 = tpu.vector_load %arg5[%get3A_236] {strides = array<i32>} : memref<512xi32, #tpu.memory_space<vmem>>, vector<16xi32>,
    %shift_right_arithmetic3A_238 = arith.constant 2 : i32
    %shift_right_arithmetic3A_239 = vector.broadcast %shift_right_arithmetic3A_238 : i32 to vector<16xi32>
    %shift_right_arithmetic3A_240 = arith.shrsi %get3A_237, %shift_right_arithmetic3A_239 : vector<16xi32>
    %swap3A_241 = arith.constant 1 : i32
    %swap3A_242 = arith.index_cast %swap3A_241 : i32 to index
    %swap3A_243 = arith.constant 96 : index
    %swap3A_244 = tpu.vector_load %arg6[%swap3A_242, %swap3A_243] {strides = array<i32>} : memref<4x128xi32, #tpu.memory_space<vmem>>, vector<16xi32>,
    tpu.vector_store %arg6[%swap3A_242, %swap3A_243], %shift_right_arithmetic3A_240 {strides = array<i32>} : memref<4x128xi32, #tpu.memory_space<vmem>>, vector<16xi32>,
    %and3A_245 = arith.constant 3 : i32
    %and3A_246 = vector.broadcast %and3A_245 : i32 to vector<16xi32>
    %and3A_247 = arith.andi %get3A_237, %and3A_246 : vector<16xi32>
    %shift_left3A_248 = arith.constant 5 : i32
    %shift_left3A_249 = vector.broadcast %shift_left3A_248 : i32 to vector<16xi32>
    %shift_left3A_250 = arith.shli %and3A_247, %shift_left3A_249 : vector<16xi32>
    %swap3A_251 = arith.constant 224 : index
    %swap3A_252 = tpu.vector_load %arg7[%swap3A_251] {strides = array<i32>} : memref<512xi32, #tpu.memory_space<vmem>>, vector<16xi32>,
    tpu.vector_store %arg7[%swap3A_251], %shift_left3A_250 {strides = array<i32>} : memref<512xi32, #tpu.memory_space<vmem>>, vector<16xi32>,
    %get3A_253 = arith.constant 240 : index
    %get3A_254 = tpu.vector_load %arg5[%get3A_253] {strides = array<i32>} : memref<512xi32, #tpu.memory_space<vmem>>, vector<16xi32>,
    %shift_right_arithmetic3A_255 = arith.constant 2 : i32
    %shift_right_arithmetic3A_256 = vector.broadcast %shift_right_arithmetic3A_255 : i32 to vector<16xi32>
    %shift_right_arithmetic3A_257 = arith.shrsi %get3A_254, %shift_right_arithmetic3A_256 : vector<16xi32>
    %swap3A_258 = arith.constant 1 : i32
    %swap3A_259 = arith.index_cast %swap3A_258 : i32 to index
    %swap3A_260 = arith.constant 112 : index
    %swap3A_261 = tpu.vector_load %arg6[%swap3A_259, %swap3A_260] {strides = array<i32>} : memref<4x128xi32, #tpu.memory_space<vmem>>, vector<16xi32>,
    tpu.vector_store %arg6[%swap3A_259, %swap3A_260], %shift_right_arithmetic3A_257 {strides = array<i32>} : memref<4x128xi32, #tpu.memory_space<vmem>>, vector<16xi32>,
    %and3A_262 = arith.constant 3 : i32
    %and3A_263 = vector.broadcast %and3A_262 : i32 to vector<16xi32>
    %and3A_264 = arith.andi %get3A_254, %and3A_263 : vector<16xi32>
    %shift_left3A_265 = arith.constant 5 : i32
    %shift_left3A_266 = vector.broadcast %shift_left3A_265 : i32 to vector<16xi32>
    %shift_left3A_267 = arith.shli %and3A_264, %shift_left3A_266 : vector<16xi32>
    %swap3A_268 = arith.constant 240 : index
    %swap3A_269 = tpu.vector_load %arg7[%swap3A_268] {strides = array<i32>} : memref<512xi32, #tpu.memory_space<vmem>>, vector<16xi32>,
    tpu.vector_store %arg7[%swap3A_268], %shift_left3A_267 {strides = array<i32>} : memref<512xi32, #tpu.memory_space<vmem>>, vector<16xi32>,
    %get3A_270 = arith.constant 256 : index
    %get3A_271 = tpu.vector_load %arg5[%get3A_270] {strides = array<i32>} : memref<512xi32, #tpu.memory_space<vmem>>, vector<16xi32>,
    %shift_right_arithmetic3A_272 = arith.constant 2 : i32
    %shift_right_arithmetic3A_273 = vector.broadcast %shift_right_arithmetic3A_272 : i32 to vector<16xi32>
    %shift_right_arithmetic3A_274 = arith.shrsi %get3A_271, %shift_right_arithmetic3A_273 : vector<16xi32>
    %swap3A_275 = arith.constant 2 : i32
    %swap3A_276 = arith.index_cast %swap3A_275 : i32 to index
    %swap3A_277 = arith.constant 0 : index
    %swap3A_278 = tpu.vector_load %arg6[%swap3A_276, %swap3A_277] {strides = array<i32>} : memref<4x128xi32, #tpu.memory_space<vmem>>, vector<16xi32>,
    tpu.vector_store %arg6[%swap3A_276, %swap3A_277], %shift_right_arithmetic3A_274 {strides = array<i32>} : memref<4x128xi32, #tpu.memory_space<vmem>>, vector<16xi32>,
    %and3A_279 = arith.constant 3 : i32
    %and3A_280 = vector.broadcast %and3A_279 : i32 to vector<16xi32>
    %and3A_281 = arith.andi %get3A_271, %and3A_280 : vector<16xi32>
    %shift_left3A_282 = arith.constant 5 : i32
    %shift_left3A_283 = vector.broadcast %shift_left3A_282 : i32 to vector<16xi32>
    %shift_left3A_284 = arith.shli %and3A_281, %shift_left3A_283 : vector<16xi32>
    %swap3A_285 = arith.constant 256 : index
    %swap3A_286 = tpu.vector_load %arg7[%swap3A_285] {strides = array<i32>} : memref<512xi32, #tpu.memory_space<vmem>>, vector<16xi32>,
    tpu.vector_store %arg7[%swap3A_285], %shift_left3A_284 {strides = array<i32>} : memref<512xi32, #tpu.memory_space<vmem>>, vector<16xi32>,
    %get3A_287 = arith.constant 272 : index
    %get3A_288 = tpu.vector_load %arg5[%get3A_287] {strides = array<i32>} : memref<512xi32, #tpu.memory_space<vmem>>, vector<16xi32>,
    %shift_right_arithmetic3A_289 = arith.constant 2 : i32
    %shift_right_arithmetic3A_290 = vector.broadcast %shift_right_arithmetic3A_289 : i32 to vector<16xi32>
    %shift_right_arithmetic3A_291 = arith.shrsi %get3A_288, %shift_right_arithmetic3A_290 : vector<16xi32>
    %swap3A_292 = arith.constant 2 : i32
    %swap3A_293 = arith.index_cast %swap3A_292 : i32 to index
    %swap3A_294 = arith.constant 16 : index
    %swap3A_295 = tpu.vector_load %arg6[%swap3A_293, %swap3A_294] {strides = array<i32>} : memref<4x128xi32, #tpu.memory_space<vmem>>, vector<16xi32>,
    tpu.vector_store %arg6[%swap3A_293, %swap3A_294], %shift_right_arithmetic3A_291 {strides = array<i32>} : memref<4x128xi32, #tpu.memory_space<vmem>>, vector<16xi32>,
    %and3A_296 = arith.constant 3 : i32
    %and3A_297 = vector.broadcast %and3A_296 : i32 to vector<16xi32>
    %and3A_298 = arith.andi %get3A_288, %and3A_297 : vector<16xi32>
    %shift_left3A_299 = arith.constant 5 : i32
    %shift_left3A_300 = vector.broadcast %shift_left3A_299 : i32 to vector<16xi32>
    %shift_left3A_301 = arith.shli %and3A_298, %shift_left3A_300 : vector<16xi32>
    %swap3A_302 = arith.constant 272 : index
    %swap3A_303 = tpu.vector_load %arg7[%swap3A_302] {strides = array<i32>} : memref<512xi32, #tpu.memory_space<vmem>>, vector<16xi32>,
    tpu.vector_store %arg7[%swap3A_302], %shift_left3A_301 {strides = array<i32>} : memref<512xi32, #tpu.memory_space<vmem>>, vector<16xi32>,
    %get3A_304 = arith.constant 288 : index
    %get3A_305 = tpu.vector_load %arg5[%get3A_304] {strides = array<i32>} : memref<512xi32, #tpu.memory_space<vmem>>, vector<16xi32>,
    %shift_right_arithmetic3A_306 = arith.constant 2 : i32
    %shift_right_arithmetic3A_307 = vector.broadcast %shift_right_arithmetic3A_306 : i32 to vector<16xi32>
    %shift_right_arithmetic3A_308 = arith.shrsi %get3A_305, %shift_right_arithmetic3A_307 : vector<16xi32>
    %swap3A_309 = arith.constant 2 : i32
    %swap3A_310 = arith.index_cast %swap3A_309 : i32 to index
    %swap3A_311 = arith.constant 32 : index
    %swap3A_312 = tpu.vector_load %arg6[%swap3A_310, %swap3A_311] {strides = array<i32>} : memref<4x128xi32, #tpu.memory_space<vmem>>, vector<16xi32>,
    tpu.vector_store %arg6[%swap3A_310, %swap3A_311], %shift_right_arithmetic3A_308 {strides = array<i32>} : memref<4x128xi32, #tpu.memory_space<vmem>>, vector<16xi32>,
    %and3A_313 = arith.constant 3 : i32
    %and3A_314 = vector.broadcast %and3A_313 : i32 to vector<16xi32>
    %and3A_315 = arith.andi %get3A_305, %and3A_314 : vector<16xi32>
    %shift_left3A_316 = arith.constant 5 : i32
    %shift_left3A_317 = vector.broadcast %shift_left3A_316 : i32 to vector<16xi32>
    %shift_left3A_318 = arith.shli %and3A_315, %shift_left3A_317 : vector<16xi32>
    %swap3A_319 = arith.constant 288 : index
    %swap3A_320 = tpu.vector_load %arg7[%swap3A_319] {strides = array<i32>} : memref<512xi32, #tpu.memory_space<vmem>>, vector<16xi32>,
    tpu.vector_store %arg7[%swap3A_319], %shift_left3A_318 {strides = array<i32>} : memref<512xi32, #tpu.memory_space<vmem>>, vector<16xi32>,
    %get3A_321 = arith.constant 304 : index
    %get3A_322 = tpu.vector_load %arg5[%get3A_321] {strides = array<i32>} : memref<512xi32, #tpu.memory_space<vmem>>, vector<16xi32>,
    %shift_right_arithmetic3A_323 = arith.constant 2 : i32
    %shift_right_arithmetic3A_324 = vector.broadcast %shift_right_arithmetic3A_323 : i32 to vector<16xi32>
    %shift_right_arithmetic3A_325 = arith.shrsi %get3A_322, %shift_right_arithmetic3A_324 : vector<16xi32>
    %swap3A_326 = arith.constant 2 : i32
    %swap3A_327 = arith.index_cast %swap3A_326 : i32 to index
    %swap3A_328 = arith.constant 48 : index
    %swap3A_329 = tpu.vector_load %arg6[%swap3A_327, %swap3A_328] {strides = array<i32>} : memref<4x128xi32, #tpu.memory_space<vmem>>, vector<16xi32>,
    tpu.vector_store %arg6[%swap3A_327, %swap3A_328], %shift_right_arithmetic3A_325 {strides = array<i32>} : memref<4x128xi32, #tpu.memory_space<vmem>>, vector<16xi32>,
    %and3A_330 = arith.constant 3 : i32
    %and3A_331 = vector.broadcast %and3A_330 : i32 to vector<16xi32>
    %and3A_332 = arith.andi %get3A_322, %and3A_331 : vector<16xi32>
    %shift_left3A_333 = arith.constant 5 : i32
    %shift_left3A_334 = vector.broadcast %shift_left3A_333 : i32 to vector<16xi32>
    %shift_left3A_335 = arith.shli %and3A_332, %shift_left3A_334 : vector<16xi32>
    %swap3A_336 = arith.constant 304 : index
    %swap3A_337 = tpu.vector_load %arg7[%swap3A_336] {strides = array<i32>} : memref<512xi32, #tpu.memory_space<vmem>>, vector<16xi32>,
    tpu.vector_store %arg7[%swap3A_336], %shift_left3A_335 {strides = array<i32>} : memref<512xi32, #tpu.memory_space<vmem>>, vector<16xi32>,
    %get3A_338 = arith.constant 320 : index
    %get3A_339 = tpu.vector_load %arg5[%get3A_338] {strides = array<i32>} : memref<512xi32, #tpu.memory_space<vmem>>, vector<16xi32>,
    %shift_right_arithmetic3A_340 = arith.constant 2 : i32
    %shift_right_arithmetic3A_341 = vector.broadcast %shift_right_arithmetic3A_340 : i32 to vector<16xi32>
    %shift_right_arithmetic3A_342 = arith.shrsi %get3A_339, %shift_right_arithmetic3A_341 : vector<16xi32>
    %swap3A_343 = arith.constant 2 : i32
    %swap3A_344 = arith.index_cast %swap3A_343 : i32 to index
    %swap3A_345 = arith.constant 64 : index
    %swap3A_346 = tpu.vector_load %arg6[%swap3A_344, %swap3A_345] {strides = array<i32>} : memref<4x128xi32, #tpu.memory_space<vmem>>, vector<16xi32>,
    tpu.vector_store %arg6[%swap3A_344, %swap3A_345], %shift_right_arithmetic3A_342 {strides = array<i32>} : memref<4x128xi32, #tpu.memory_space<vmem>>, vector<16xi32>,
    %and3A_347 = arith.constant 3 : i32
    %and3A_348 = vector.broadcast %and3A_347 : i32 to vector<16xi32>
    %and3A_349 = arith.andi %get3A_339, %and3A_348 : vector<16xi32>
    %shift_left3A_350 = arith.constant 5 : i32
    %shift_left3A_351 = vector.broadcast %shift_left3A_350 : i32 to vector<16xi32>
    %shift_left3A_352 = arith.shli %and3A_349, %shift_left3A_351 : vector<16xi32>
    %swap3A_353 = arith.constant 320 : index
    %swap3A_354 = tpu.vector_load %arg7[%swap3A_353] {strides = array<i32>} : memref<512xi32, #tpu.memory_space<vmem>>, vector<16xi32>,
    tpu.vector_store %arg7[%swap3A_353], %shift_left3A_352 {strides = array<i32>} : memref<512xi32, #tpu.memory_space<vmem>>, vector<16xi32>,
    %get3A_355 = arith.constant 336 : index
    %get3A_356 = tpu.vector_load %arg5[%get3A_355] {strides = array<i32>} : memref<512xi32, #tpu.memory_space<vmem>>, vector<16xi32>,
    %shift_right_arithmetic3A_357 = arith.constant 2 : i32
    %shift_right_arithmetic3A_358 = vector.broadcast %shift_right_arithmetic3A_357 : i32 to vector<16xi32>
    %shift_right_arithmetic3A_359 = arith.shrsi %get3A_356, %shift_right_arithmetic3A_358 : vector<16xi32>
    %swap3A_360 = arith.constant 2 : i32
    %swap3A_361 = arith.index_cast %swap3A_360 : i32 to index
    %swap3A_362 = arith.constant 80 : index
    %swap3A_363 = tpu.vector_load %arg6[%swap3A_361, %swap3A_362] {strides = array<i32>} : memref<4x128xi32, #tpu.memory_space<vmem>>, vector<16xi32>,
    tpu.vector_store %arg6[%swap3A_361, %swap3A_362], %shift_right_arithmetic3A_359 {strides = array<i32>} : memref<4x128xi32, #tpu.memory_space<vmem>>, vector<16xi32>,
    %and3A_364 = arith.constant 3 : i32
    %and3A_365 = vector.broadcast %and3A_364 : i32 to vector<16xi32>
    %and3A_366 = arith.andi %get3A_356, %and3A_365 : vector<16xi32>
    %shift_left3A_367 = arith.constant 5 : i32
    %shift_left3A_368 = vector.broadcast %shift_left3A_367 : i32 to vector<16xi32>
    %shift_left3A_369 = arith.shli %and3A_366, %shift_left3A_368 : vector<16xi32>
    %swap3A_370 = arith.constant 336 : index
    %swap3A_371 = tpu.vector_load %arg7[%swap3A_370] {strides = array<i32>} : memref<512xi32, #tpu.memory_space<vmem>>, vector<16xi32>,
    tpu.vector_store %arg7[%swap3A_370], %shift_left3A_369 {strides = array<i32>} : memref<512xi32, #tpu.memory_space<vmem>>, vector<16xi32>,
    %get3A_372 = arith.constant 352 : index
    %get3A_373 = tpu.vector_load %arg5[%get3A_372] {strides = array<i32>} : memref<512xi32, #tpu.memory_space<vmem>>, vector<16xi32>,
    %shift_right_arithmetic3A_374 = arith.constant 2 : i32
    %shift_right_arithmetic3A_375 = vector.broadcast %shift_right_arithmetic3A_374 : i32 to vector<16xi32>
    %shift_right_arithmetic3A_376 = arith.shrsi %get3A_373, %shift_right_arithmetic3A_375 : vector<16xi32>
    %swap3A_377 = arith.constant 2 : i32
    %swap3A_378 = arith.index_cast %swap3A_377 : i32 to index
    %swap3A_379 = arith.constant 96 : index
    %swap3A_380 = tpu.vector_load %arg6[%swap3A_378, %swap3A_379] {strides = array<i32>} : memref<4x128xi32, #tpu.memory_space<vmem>>, vector<16xi32>,
    tpu.vector_store %arg6[%swap3A_378, %swap3A_379], %shift_right_arithmetic3A_376 {strides = array<i32>} : memref<4x128xi32, #tpu.memory_space<vmem>>, vector<16xi32>,
    %and3A_381 = arith.constant 3 : i32
    %and3A_382 = vector.broadcast %and3A_381 : i32 to vector<16xi32>
    %and3A_383 = arith.andi %get3A_373, %and3A_382 : vector<16xi32>
    %shift_left3A_384 = arith.constant 5 : i32
    %shift_left3A_385 = vector.broadcast %shift_left3A_384 : i32 to vector<16xi32>
    %shift_left3A_386 = arith.shli %and3A_383, %shift_left3A_385 : vector<16xi32>
    %swap3A_387 = arith.constant 352 : index
    %swap3A_388 = tpu.vector_load %arg7[%swap3A_387] {strides = array<i32>} : memref<512xi32, #tpu.memory_space<vmem>>, vector<16xi32>,
    tpu.vector_store %arg7[%swap3A_387], %shift_left3A_386 {strides = array<i32>} : memref<512xi32, #tpu.memory_space<vmem>>, vector<16xi32>,
    %get3A_389 = arith.constant 368 : index
    %get3A_390 = tpu.vector_load %arg5[%get3A_389] {strides = array<i32>} : memref<512xi32, #tpu.memory_space<vmem>>, vector<16xi32>,
    %shift_right_arithmetic3A_391 = arith.constant 2 : i32
    %shift_right_arithmetic3A_392 = vector.broadcast %shift_right_arithmetic3A_391 : i32 to vector<16xi32>
    %shift_right_arithmetic3A_393 = arith.shrsi %get3A_390, %shift_right_arithmetic3A_392 : vector<16xi32>
    %swap3A_394 = arith.constant 2 : i32
    %swap3A_395 = arith.index_cast %swap3A_394 : i32 to index
    %swap3A_396 = arith.constant 112 : index
    %swap3A_397 = tpu.vector_load %arg6[%swap3A_395, %swap3A_396] {strides = array<i32>} : memref<4x128xi32, #tpu.memory_space<vmem>>, vector<16xi32>,
    tpu.vector_store %arg6[%swap3A_395, %swap3A_396], %shift_right_arithmetic3A_393 {strides = array<i32>} : memref<4x128xi32, #tpu.memory_space<vmem>>, vector<16xi32>,
    %and3A_398 = arith.constant 3 : i32
    %and3A_399 = vector.broadcast %and3A_398 : i32 to vector<16xi32>
    %and3A_400 = arith.andi %get3A_390, %and3A_399 : vector<16xi32>
    %shift_left3A_401 = arith.constant 5 : i32
    %shift_left3A_402 = vector.broadcast %shift_left3A_401 : i32 to vector<16xi32>
    %shift_left3A_403 = arith.shli %and3A_400, %shift_left3A_402 : vector<16xi32>
    %swap3A_404 = arith.constant 368 : index
    %swap3A_405 = tpu.vector_load %arg7[%swap3A_404] {strides = array<i32>} : memref<512xi32, #tpu.memory_space<vmem>>, vector<16xi32>,
    tpu.vector_store %arg7[%swap3A_404], %shift_left3A_403 {strides = array<i32>} : memref<512xi32, #tpu.memory_space<vmem>>, vector<16xi32>,
    %get3A_406 = arith.constant 384 : index
    %get3A_407 = tpu.vector_load %arg5[%get3A_406] {strides = array<i32>} : memref<512xi32, #tpu.memory_space<vmem>>, vector<16xi32>,
    %shift_right_arithmetic3A_408 = arith.constant 2 : i32
    %shift_right_arithmetic3A_409 = vector.broadcast %shift_right_arithmetic3A_408 : i32 to vector<16xi32>
    %shift_right_arithmetic3A_410 = arith.shrsi %get3A_407, %shift_right_arithmetic3A_409 : vector<16xi32>
    %swap3A_411 = arith.constant 3 : i32
    %swap3A_412 = arith.index_cast %swap3A_411 : i32 to index
    %swap3A_413 = arith.constant 0 : index
    %swap3A_414 = tpu.vector_load %arg6[%swap3A_412, %swap3A_413] {strides = array<i32>} : memref<4x128xi32, #tpu.memory_space<vmem>>, vector<16xi32>,
    tpu.vector_store %arg6[%swap3A_412, %swap3A_413], %shift_right_arithmetic3A_410 {strides = array<i32>} : memref<4x128xi32, #tpu.memory_space<vmem>>, vector<16xi32>,
    %and3A_415 = arith.constant 3 : i32
    %and3A_416 = vector.broadcast %and3A_415 : i32 to vector<16xi32>
    %and3A_417 = arith.andi %get3A_407, %and3A_416 : vector<16xi32>
    %shift_left3A_418 = arith.constant 5 : i32
    %shift_left3A_419 = vector.broadcast %shift_left3A_418 : i32 to vector<16xi32>
    %shift_left3A_420 = arith.shli %and3A_417, %shift_left3A_419 : vector<16xi32>
    %swap3A_421 = arith.constant 384 : index
    %swap3A_422 = tpu.vector_load %arg7[%swap3A_421] {strides = array<i32>} : memref<512xi32, #tpu.memory_space<vmem>>, vector<16xi32>,
    tpu.vector_store %arg7[%swap3A_421], %shift_left3A_420 {strides = array<i32>} : memref<512xi32, #tpu.memory_space<vmem>>, vector<16xi32>,
    %get3A_423 = arith.constant 400 : index
    %get3A_424 = tpu.vector_load %arg5[%get3A_423] {strides = array<i32>} : memref<512xi32, #tpu.memory_space<vmem>>, vector<16xi32>,
    %shift_right_arithmetic3A_425 = arith.constant 2 : i32
    %shift_right_arithmetic3A_426 = vector.broadcast %shift_right_arithmetic3A_425 : i32 to vector<16xi32>
    %shift_right_arithmetic3A_427 = arith.shrsi %get3A_424, %shift_right_arithmetic3A_426 : vector<16xi32>
    %swap3A_428 = arith.constant 3 : i32
    %swap3A_429 = arith.index_cast %swap3A_428 : i32 to index
    %swap3A_430 = arith.constant 16 : index
    %swap3A_431 = tpu.vector_load %arg6[%swap3A_429, %swap3A_430] {strides = array<i32>} : memref<4x128xi32, #tpu.memory_space<vmem>>, vector<16xi32>,
    tpu.vector_store %arg6[%swap3A_429, %swap3A_430], %shift_right_arithmetic3A_427 {strides = array<i32>} : memref<4x128xi32, #tpu.memory_space<vmem>>, vector<16xi32>,
    %and3A_432 = arith.constant 3 : i32
    %and3A_433 = vector.broadcast %and3A_432 : i32 to vector<16xi32>
    %and3A_434 = arith.andi %get3A_424, %and3A_433 : vector<16xi32>
    %shift_left3A_435 = arith.constant 5 : i32
    %shift_left3A_436 = vector.broadcast %shift_left3A_435 : i32 to vector<16xi32>
    %shift_left3A_437 = arith.shli %and3A_434, %shift_left3A_436 : vector<16xi32>
    %swap3A_438 = arith.constant 400 : index
    %swap3A_439 = tpu.vector_load %arg7[%swap3A_438] {strides = array<i32>} : memref<512xi32, #tpu.memory_space<vmem>>, vector<16xi32>,
    tpu.vector_store %arg7[%swap3A_438], %shift_left3A_437 {strides = array<i32>} : memref<512xi32, #tpu.memory_space<vmem>>, vector<16xi32>,
    %get3A_440 = arith.constant 416 : index
    %get3A_441 = tpu.vector_load %arg5[%get3A_440] {strides = array<i32>} : memref<512xi32, #tpu.memory_space<vmem>>, vector<16xi32>,
    %shift_right_arithmetic3A_442 = arith.constant 2 : i32
    %shift_right_arithmetic3A_443 = vector.broadcast %shift_right_arithmetic3A_442 : i32 to vector<16xi32>
    %shift_right_arithmetic3A_444 = arith.shrsi %get3A_441, %shift_right_arithmetic3A_443 : vector<16xi32>
    %swap3A_445 = arith.constant 3 : i32
    %swap3A_446 = arith.index_cast %swap3A_445 : i32 to index
    %swap3A_447 = arith.constant 32 : index
    %swap3A_448 = tpu.vector_load %arg6[%swap3A_446, %swap3A_447] {strides = array<i32>} : memref<4x128xi32, #tpu.memory_space<vmem>>, vector<16xi32>,
    tpu.vector_store %arg6[%swap3A_446, %swap3A_447], %shift_right_arithmetic3A_444 {strides = array<i32>} : memref<4x128xi32, #tpu.memory_space<vmem>>, vector<16xi32>,
    %and3A_449 = arith.constant 3 : i32
    %and3A_450 = vector.broadcast %and3A_449 : i32 to vector<16xi32>
    %and3A_451 = arith.andi %get3A_441, %and3A_450 : vector<16xi32>
    %shift_left3A_452 = arith.constant 5 : i32
    %shift_left3A_453 = vector.broadcast %shift_left3A_452 : i32 to vector<16xi32>
    %shift_left3A_454 = arith.shli %and3A_451, %shift_left3A_453 : vector<16xi32>
    %swap3A_455 = arith.constant 416 : index
    %swap3A_456 = tpu.vector_load %arg7[%swap3A_455] {strides = array<i32>} : memref<512xi32, #tpu.memory_space<vmem>>, vector<16xi32>,
    tpu.vector_store %arg7[%swap3A_455], %shift_left3A_454 {strides = array<i32>} : memref<512xi32, #tpu.memory_space<vmem>>, vector<16xi32>,
    %get3A_457 = arith.constant 432 : index
    %get3A_458 = tpu.vector_load %arg5[%get3A_457] {strides = array<i32>} : memref<512xi32, #tpu.memory_space<vmem>>, vector<16xi32>,
    %shift_right_arithmetic3A_459 = arith.constant 2 : i32
    %shift_right_arithmetic3A_460 = vector.broadcast %shift_right_arithmetic3A_459 : i32 to vector<16xi32>
    %shift_right_arithmetic3A_461 = arith.shrsi %get3A_458, %shift_right_arithmetic3A_460 : vector<16xi32>
    %swap3A_462 = arith.constant 3 : i32
    %swap3A_463 = arith.index_cast %swap3A_462 : i32 to index
    %swap3A_464 = arith.constant 48 : index
    %swap3A_465 = tpu.vector_load %arg6[%swap3A_463, %swap3A_464] {strides = array<i32>} : memref<4x128xi32, #tpu.memory_space<vmem>>, vector<16xi32>,
    tpu.vector_store %arg6[%swap3A_463, %swap3A_464], %shift_right_arithmetic3A_461 {strides = array<i32>} : memref<4x128xi32, #tpu.memory_space<vmem>>, vector<16xi32>,
    %and3A_466 = arith.constant 3 : i32
    %and3A_467 = vector.broadcast %and3A_466 : i32 to vector<16xi32>
    %and3A_468 = arith.andi %get3A_458, %and3A_467 : vector<16xi32>
    %shift_left3A_469 = arith.constant 5 : i32
    %shift_left3A_470 = vector.broadcast %shift_left3A_469 : i32 to vector<16xi32>
    %shift_left3A_471 = arith.shli %and3A_468, %shift_left3A_470 : vector<16xi32>
    %swap3A_472 = arith.constant 432 : index
    %swap3A_473 = tpu.vector_load %arg7[%swap3A_472] {strides = array<i32>} : memref<512xi32, #tpu.memory_space<vmem>>, vector<16xi32>,
    tpu.vector_store %arg7[%swap3A_472], %shift_left3A_471 {strides = array<i32>} : memref<512xi32, #tpu.memory_space<vmem>>, vector<16xi32>,
    %get3A_474 = arith.constant 448 : index
    %get3A_475 = tpu.vector_load %arg5[%get3A_474] {strides = array<i32>} : memref<512xi32, #tpu.memory_space<vmem>>, vector<16xi32>,
    %shift_right_arithmetic3A_476 = arith.constant 2 : i32
    %shift_right_arithmetic3A_477 = vector.broadcast %shift_right_arithmetic3A_476 : i32 to vector<16xi32>
    %shift_right_arithmetic3A_478 = arith.shrsi %get3A_475, %shift_right_arithmetic3A_477 : vector<16xi32>
    %swap3A_479 = arith.constant 3 : i32
    %swap3A_480 = arith.index_cast %swap3A_479 : i32 to index
    %swap3A_481 = arith.constant 64 : index
    %swap3A_482 = tpu.vector_load %arg6[%swap3A_480, %swap3A_481] {strides = array<i32>} : memref<4x128xi32, #tpu.memory_space<vmem>>, vector<16xi32>,
    tpu.vector_store %arg6[%swap3A_480, %swap3A_481], %shift_right_arithmetic3A_478 {strides = array<i32>} : memref<4x128xi32, #tpu.memory_space<vmem>>, vector<16xi32>,
    %and3A_483 = arith.constant 3 : i32
    %and3A_484 = vector.broadcast %and3A_483 : i32 to vector<16xi32>
    %and3A_485 = arith.andi %get3A_475, %and3A_484 : vector<16xi32>
    %shift_left3A_486 = arith.constant 5 : i32
    %shift_left3A_487 = vector.broadcast %shift_left3A_486 : i32 to vector<16xi32>
    %shift_left3A_488 = arith.shli %and3A_485, %shift_left3A_487 : vector<16xi32>
    %swap3A_489 = arith.constant 448 : index
    %swap3A_490 = tpu.vector_load %arg7[%swap3A_489] {strides = array<i32>} : memref<512xi32, #tpu.memory_space<vmem>>, vector<16xi32>,
    tpu.vector_store %arg7[%swap3A_489], %shift_left3A_488 {strides = array<i32>} : memref<512xi32, #tpu.memory_space<vmem>>, vector<16xi32>,
    %get3A_491 = arith.constant 464 : index
    %get3A_492 = tpu.vector_load %arg5[%get3A_491] {strides = array<i32>} : memref<512xi32, #tpu.memory_space<vmem>>, vector<16xi32>,
    %shift_right_arithmetic3A_493 = arith.constant 2 : i32
    %shift_right_arithmetic3A_494 = vector.broadcast %shift_right_arithmetic3A_493 : i32 to vector<16xi32>
    %shift_right_arithmetic3A_495 = arith.shrsi %get3A_492, %shift_right_arithmetic3A_494 : vector<16xi32>
    %swap3A_496 = arith.constant 3 : i32
    %swap3A_497 = arith.index_cast %swap3A_496 : i32 to index
    %swap3A_498 = arith.constant 80 : index
    %swap3A_499 = tpu.vector_load %arg6[%swap3A_497, %swap3A_498] {strides = array<i32>} : memref<4x128xi32, #tpu.memory_space<vmem>>, vector<16xi32>,
    tpu.vector_store %arg6[%swap3A_497, %swap3A_498], %shift_right_arithmetic3A_495 {strides = array<i32>} : memref<4x128xi32, #tpu.memory_space<vmem>>, vector<16xi32>,
    %and3A_500 = arith.constant 3 : i32
    %and3A_501 = vector.broadcast %and3A_500 : i32 to vector<16xi32>
    %and3A_502 = arith.andi %get3A_492, %and3A_501 : vector<16xi32>
    %shift_left3A_503 = arith.constant 5 : i32
    %shift_left3A_504 = vector.broadcast %shift_left3A_503 : i32 to vector<16xi32>
    %shift_left3A_505 = arith.shli %and3A_502, %shift_left3A_504 : vector<16xi32>
    %swap3A_506 = arith.constant 464 : index
    %swap3A_507 = tpu.vector_load %arg7[%swap3A_506] {strides = array<i32>} : memref<512xi32, #tpu.memory_space<vmem>>, vector<16xi32>,
    tpu.vector_store %arg7[%swap3A_506], %shift_left3A_505 {strides = array<i32>} : memref<512xi32, #tpu.memory_space<vmem>>, vector<16xi32>,
    %get3A_508 = arith.constant 480 : index
    %get3A_509 = tpu.vector_load %arg5[%get3A_508] {strides = array<i32>} : memref<512xi32, #tpu.memory_space<vmem>>, vector<16xi32>,
    %shift_right_arithmetic3A_510 = arith.constant 2 : i32
    %shift_right_arithmetic3A_511 = vector.broadcast %shift_right_arithmetic3A_510 : i32 to vector<16xi32>
    %shift_right_arithmetic3A_512 = arith.shrsi %get3A_509, %shift_right_arithmetic3A_511 : vector<16xi32>
    %swap3A_513 = arith.constant 3 : i32
    %swap3A_514 = arith.index_cast %swap3A_513 : i32 to index
    %swap3A_515 = arith.constant 96 : index
    %swap3A_516 = tpu.vector_load %arg6[%swap3A_514, %swap3A_515] {strides = array<i32>} : memref<4x128xi32, #tpu.memory_space<vmem>>, vector<16xi32>,
    tpu.vector_store %arg6[%swap3A_514, %swap3A_515], %shift_right_arithmetic3A_512 {strides = array<i32>} : memref<4x128xi32, #tpu.memory_space<vmem>>, vector<16xi32>,
    %and3A_517 = arith.constant 3 : i32
    %and3A_518 = vector.broadcast %and3A_517 : i32 to vector<16xi32>
    %and3A_519 = arith.andi %get3A_509, %and3A_518 : vector<16xi32>
    %shift_left3A_520 = arith.constant 5 : i32
    %shift_left3A_521 = vector.broadcast %shift_left3A_520 : i32 to vector<16xi32>
    %shift_left3A_522 = arith.shli %and3A_519, %shift_left3A_521 : vector<16xi32>
    %swap3A_523 = arith.constant 480 : index
    %swap3A_524 = tpu.vector_load %arg7[%swap3A_523] {strides = array<i32>} : memref<512xi32, #tpu.memory_space<vmem>>, vector<16xi32>,
    tpu.vector_store %arg7[%swap3A_523], %shift_left3A_522 {strides = array<i32>} : memref<512xi32, #tpu.memory_space<vmem>>, vector<16xi32>,
    %get3A_525 = arith.constant 496 : index
    %get3A_526 = tpu.vector_load %arg5[%get3A_525] {strides = array<i32>} : memref<512xi32, #tpu.memory_space<vmem>>, vector<16xi32>,
    %shift_right_arithmetic3A_527 = arith.constant 2 : i32
    %shift_right_arithmetic3A_528 = vector.broadcast %shift_right_arithmetic3A_527 : i32 to vector<16xi32>
    %shift_right_arithmetic3A_529 = arith.shrsi %get3A_526, %shift_right_arithmetic3A_528 : vector<16xi32>
    %swap3A_530 = arith.constant 3 : i32
    %swap3A_531 = arith.index_cast %swap3A_530 : i32 to index
    %swap3A_532 = arith.constant 112 : index
    %swap3A_533 = tpu.vector_load %arg6[%swap3A_531, %swap3A_532] {strides = array<i32>} : memref<4x128xi32, #tpu.memory_space<vmem>>, vector<16xi32>,
    tpu.vector_store %arg6[%swap3A_531, %swap3A_532], %shift_right_arithmetic3A_529 {strides = array<i32>} : memref<4x128xi32, #tpu.memory_space<vmem>>, vector<16xi32>,
    %and3A_534 = arith.constant 3 : i32
    %and3A_535 = vector.broadcast %and3A_534 : i32 to vector<16xi32>
    %and3A_536 = arith.andi %get3A_526, %and3A_535 : vector<16xi32>
    %shift_left3A_537 = arith.constant 5 : i32
    %shift_left3A_538 = vector.broadcast %shift_left3A_537 : i32 to vector<16xi32>
    %shift_left3A_539 = arith.shli %and3A_536, %shift_left3A_538 : vector<16xi32>
    %swap3A_540 = arith.constant 496 : index
    %swap3A_541 = tpu.vector_load %arg7[%swap3A_540] {strides = array<i32>} : memref<512xi32, #tpu.memory_space<vmem>>, vector<16xi32>,
    tpu.vector_store %arg7[%swap3A_540], %shift_left3A_539 {strides = array<i32>} : memref<512xi32, #tpu.memory_space<vmem>>, vector<16xi32>,
    %dma_start3A = arith.constant 0 : i32
    %dma_start3A_542 = arith.constant 0 : i32
    %dma_start3A_543 = arith.constant 0 : i32
    %dma_start3A_544 = tpu.memref_slice %arg8[%dma_start3A_542, %dma_start3A_543] : memref<512x128xf32, #tpu.memory_space<vmem>> -> memref<128x128xf32, #tpu.memory_space<vmem>>
    %dma_start3A_545 = arith.constant 0 : i32
    %dma_start3A_546 = tpu.memref_slice %arg6[%dma_start3A, %dma_start3A_545] : memref<4x128xi32, #tpu.memory_space<vmem>> -> memref<1x128xi32, #tpu.memory_space<vmem>>
    %dma_start3A_547 = tpu.memref_squeeze %dma_start3A_546 : memref<1x128xi32, #tpu.memory_space<vmem>> -> memref<128xi32, #tpu.memory_space<vmem>>
    %dma_start3A_548 = arith.constant 0 : i32
    %dma_start3A_549 = arith.constant 0 : i32
    %dma_start3A_550 = tpu.memref_slice %arg3[%dma_start3A_548, %dma_start3A_549] : memref<250000x128xf32, #tpu.memory_space<hbm>> -> memref<250000x128xf32, #tpu.memory_space<hbm>>
    tpu.enqueue_indirect_dma source(%dma_start3A_550 : memref<250000x128xf32, #tpu.memory_space<hbm>>) target(%dma_start3A_544 : memref<128x128xf32, #tpu.memory_space<vmem>>) offsets(%dma_start3A_547 : memref<128xi32, #tpu.memory_space<vmem>>) semaphore(%arg10 : memref<!tpu.dma_semaphore, #tpu.memory_space<semaphore_mem>>)
    %dma_start3A_551 = arith.constant 1 : i32
    %dma_start3A_552 = arith.constant 128 : i32
    %dma_start3A_553 = arith.constant 0 : i32
    %dma_start3A_554 = tpu.memref_slice %arg8[%dma_start3A_552, %dma_start3A_553] : memref<512x128xf32, #tpu.memory_space<vmem>> -> memref<128x128xf32, #tpu.memory_space<vmem>>
    %dma_start3A_555 = arith.constant 0 : i32
    %dma_start3A_556 = tpu.memref_slice %arg6[%dma_start3A_551, %dma_start3A_555] : memref<4x128xi32, #tpu.memory_space<vmem>> -> memref<1x128xi32, #tpu.memory_space<vmem>>
    %dma_start3A_557 = tpu.memref_squeeze %dma_start3A_556 : memref<1x128xi32, #tpu.memory_space<vmem>> -> memref<128xi32, #tpu.memory_space<vmem>>
    %dma_start3A_558 = arith.constant 0 : i32
    %dma_start3A_559 = arith.constant 0 : i32
    %dma_start3A_560 = tpu.memref_slice %arg3[%dma_start3A_558, %dma_start3A_559] : memref<250000x128xf32, #tpu.memory_space<hbm>> -> memref<250000x128xf32, #tpu.memory_space<hbm>>
    tpu.enqueue_indirect_dma source(%dma_start3A_560 : memref<250000x128xf32, #tpu.memory_space<hbm>>) target(%dma_start3A_554 : memref<128x128xf32, #tpu.memory_space<vmem>>) offsets(%dma_start3A_557 : memref<128xi32, #tpu.memory_space<vmem>>) semaphore(%arg10 : memref<!tpu.dma_semaphore, #tpu.memory_space<semaphore_mem>>)
    %dma_start3A_561 = arith.constant 2 : i32
    %dma_start3A_562 = arith.constant 256 : i32
    %dma_start3A_563 = arith.constant 0 : i32
    %dma_start3A_564 = tpu.memref_slice %arg8[%dma_start3A_562, %dma_start3A_563] : memref<512x128xf32, #tpu.memory_space<vmem>> -> memref<128x128xf32, #tpu.memory_space<vmem>>
    %dma_start3A_565 = arith.constant 0 : i32
    %dma_start3A_566 = tpu.memref_slice %arg6[%dma_start3A_561, %dma_start3A_565] : memref<4x128xi32, #tpu.memory_space<vmem>> -> memref<1x128xi32, #tpu.memory_space<vmem>>
    %dma_start3A_567 = tpu.memref_squeeze %dma_start3A_566 : memref<1x128xi32, #tpu.memory_space<vmem>> -> memref<128xi32, #tpu.memory_space<vmem>>
    %dma_start3A_568 = arith.constant 0 : i32
    %dma_start3A_569 = arith.constant 0 : i32
    %dma_start3A_570 = tpu.memref_slice %arg3[%dma_start3A_568, %dma_start3A_569] : memref<250000x128xf32, #tpu.memory_space<hbm>> -> memref<250000x128xf32, #tpu.memory_space<hbm>>
    tpu.enqueue_indirect_dma source(%dma_start3A_570 : memref<250000x128xf32, #tpu.memory_space<hbm>>) target(%dma_start3A_564 : memref<128x128xf32, #tpu.memory_space<vmem>>) offsets(%dma_start3A_567 : memref<128xi32, #tpu.memory_space<vmem>>) semaphore(%arg10 : memref<!tpu.dma_semaphore, #tpu.memory_space<semaphore_mem>>)
    %dma_start3A_571 = arith.constant 3 : i32
    %dma_start3A_572 = arith.constant 384 : i32
    %dma_start3A_573 = arith.constant 0 : i32
    %dma_start3A_574 = tpu.memref_slice %arg8[%dma_start3A_572, %dma_start3A_573] : memref<512x128xf32, #tpu.memory_space<vmem>> -> memref<128x128xf32, #tpu.memory_space<vmem>>
    %dma_start3A_575 = arith.constant 0 : i32
    %dma_start3A_576 = tpu.memref_slice %arg6[%dma_start3A_571, %dma_start3A_575] : memref<4x128xi32, #tpu.memory_space<vmem>> -> memref<1x128xi32, #tpu.memory_space<vmem>>
    %dma_start3A_577 = tpu.memref_squeeze %dma_start3A_576 : memref<1x128xi32, #tpu.memory_space<vmem>> -> memref<128xi32, #tpu.memory_space<vmem>>
    %dma_start3A_578 = arith.constant 0 : i32
    %dma_start3A_579 = arith.constant 0 : i32
    %dma_start3A_580 = tpu.memref_slice %arg3[%dma_start3A_578, %dma_start3A_579] : memref<250000x128xf32, #tpu.memory_space<hbm>> -> memref<250000x128xf32, #tpu.memory_space<hbm>>
    tpu.enqueue_indirect_dma source(%dma_start3A_580 : memref<250000x128xf32, #tpu.memory_space<hbm>>) target(%dma_start3A_574 : memref<128x128xf32, #tpu.memory_space<vmem>>) offsets(%dma_start3A_577 : memref<128xi32, #tpu.memory_space<vmem>>) semaphore(%arg10 : memref<!tpu.dma_semaphore, #tpu.memory_space<semaphore_mem>>)
    %dma_wait3A = arith.constant 0 : i32
    %dma_wait3A_581 = arith.constant 0 : i32
    %dma_wait3A_582 = arith.constant 0 : i32
    %dma_wait3A_583 = tpu.memref_slice %arg8[%dma_wait3A_581, %dma_wait3A_582] : memref<512x128xf32, #tpu.memory_space<vmem>> -> memref<128x128xf32, #tpu.memory_space<vmem>>
    %dma_wait3A_584 = arith.constant 0 : i32
    %dma_wait3A_585 = tpu.memref_slice %arg6[%dma_wait3A, %dma_wait3A_584] : memref<4x128xi32, #tpu.memory_space<vmem>> -> memref<1x128xi32, #tpu.memory_space<vmem>>
    %dma_wait3A_586 = tpu.memref_squeeze %dma_wait3A_585 : memref<1x128xi32, #tpu.memory_space<vmem>> -> memref<128xi32, #tpu.memory_space<vmem>>
    %dma_wait3A_587 = arith.constant 0 : i32
    %dma_wait3A_588 = arith.constant 0 : i32
    %dma_wait3A_589 = tpu.memref_slice %arg3[%dma_wait3A_587, %dma_wait3A_588] : memref<250000x128xf32, #tpu.memory_space<hbm>> -> memref<250000x128xf32, #tpu.memory_space<hbm>>
    tpu.wait_indirect_dma semaphore(%arg10 : memref<!tpu.dma_semaphore, #tpu.memory_space<semaphore_mem>>) src(%dma_wait3A_589 : memref<250000x128xf32, #tpu.memory_space<hbm>>) dst(%dma_wait3A_583 : memref<128x128xf32, #tpu.memory_space<vmem>>)
    %dma_wait3A_590 = arith.constant 1 : i32
    %dma_wait3A_591 = arith.constant 128 : i32
    %dma_wait3A_592 = arith.constant 0 : i32
    %dma_wait3A_593 = tpu.memref_slice %arg8[%dma_wait3A_591, %dma_wait3A_592] : memref<512x128xf32, #tpu.memory_space<vmem>> -> memref<128x128xf32, #tpu.memory_space<vmem>>
    %dma_wait3A_594 = arith.constant 0 : i32
    %dma_wait3A_595 = tpu.memref_slice %arg6[%dma_wait3A_590, %dma_wait3A_594] : memref<4x128xi32, #tpu.memory_space<vmem>> -> memref<1x128xi32, #tpu.memory_space<vmem>>
    %dma_wait3A_596 = tpu.memref_squeeze %dma_wait3A_595 : memref<1x128xi32, #tpu.memory_space<vmem>> -> memref<128xi32, #tpu.memory_space<vmem>>
    %dma_wait3A_597 = arith.constant 0 : i32
    %dma_wait3A_598 = arith.constant 0 : i32
    %dma_wait3A_599 = tpu.memref_slice %arg3[%dma_wait3A_597, %dma_wait3A_598] : memref<250000x128xf32, #tpu.memory_space<hbm>> -> memref<250000x128xf32, #tpu.memory_space<hbm>>
    tpu.wait_indirect_dma semaphore(%arg10 : memref<!tpu.dma_semaphore, #tpu.memory_space<semaphore_mem>>) src(%dma_wait3A_599 : memref<250000x128xf32, #tpu.memory_space<hbm>>) dst(%dma_wait3A_593 : memref<128x128xf32, #tpu.memory_space<vmem>>)
    %dma_wait3A_600 = arith.constant 2 : i32
    %dma_wait3A_601 = arith.constant 256 : i32
    %dma_wait3A_602 = arith.constant 0 : i32
    %dma_wait3A_603 = tpu.memref_slice %arg8[%dma_wait3A_601, %dma_wait3A_602] : memref<512x128xf32, #tpu.memory_space<vmem>> -> memref<128x128xf32, #tpu.memory_space<vmem>>
    %dma_wait3A_604 = arith.constant 0 : i32
    %dma_wait3A_605 = tpu.memref_slice %arg6[%dma_wait3A_600, %dma_wait3A_604] : memref<4x128xi32, #tpu.memory_space<vmem>> -> memref<1x128xi32, #tpu.memory_space<vmem>>
    %dma_wait3A_606 = tpu.memref_squeeze %dma_wait3A_605 : memref<1x128xi32, #tpu.memory_space<vmem>> -> memref<128xi32, #tpu.memory_space<vmem>>
    %dma_wait3A_607 = arith.constant 0 : i32
    %dma_wait3A_608 = arith.constant 0 : i32
    %dma_wait3A_609 = tpu.memref_slice %arg3[%dma_wait3A_607, %dma_wait3A_608] : memref<250000x128xf32, #tpu.memory_space<hbm>> -> memref<250000x128xf32, #tpu.memory_space<hbm>>
    tpu.wait_indirect_dma semaphore(%arg10 : memref<!tpu.dma_semaphore, #tpu.memory_space<semaphore_mem>>) src(%dma_wait3A_609 : memref<250000x128xf32, #tpu.memory_space<hbm>>) dst(%dma_wait3A_603 : memref<128x128xf32, #tpu.memory_space<vmem>>)
    %dma_wait3A_610 = arith.constant 3 : i32
    %dma_wait3A_611 = arith.constant 384 : i32
    %dma_wait3A_612 = arith.constant 0 : i32
    %dma_wait3A_613 = tpu.memref_slice %arg8[%dma_wait3A_611, %dma_wait3A_612] : memref<512x128xf32, #tpu.memory_space<vmem>> -> memref<128x128xf32, #tpu.memory_space<vmem>>
    %dma_wait3A_614 = arith.constant 0 : i32
    %dma_wait3A_615 = tpu.memref_slice %arg6[%dma_wait3A_610, %dma_wait3A_614] : memref<4x128xi32, #tpu.memory_space<vmem>> -> memref<1x128xi32, #tpu.memory_space<vmem>>
    %dma_wait3A_616 = tpu.memref_squeeze %dma_wait3A_615 : memref<1x128xi32, #tpu.memory_space<vmem>> -> memref<128xi32, #tpu.memory_space<vmem>>
    %dma_wait3A_617 = arith.constant 0 : i32
    %dma_wait3A_618 = arith.constant 0 : i32
    %dma_wait3A_619 = tpu.memref_slice %arg3[%dma_wait3A_617, %dma_wait3A_618] : memref<250000x128xf32, #tpu.memory_space<hbm>> -> memref<250000x128xf32, #tpu.memory_space<hbm>>
    tpu.wait_indirect_dma semaphore(%arg10 : memref<!tpu.dma_semaphore, #tpu.memory_space<semaphore_mem>>) src(%dma_wait3A_619 : memref<250000x128xf32, #tpu.memory_space<hbm>>) dst(%dma_wait3A_613 : memref<128x128xf32, #tpu.memory_space<vmem>>)
    %parallel_loop3A = arith.constant 0 : i32
    %parallel_loop3A_620 = arith.constant 32 : i32
    %parallel_loop3A_621 = arith.constant 1 : i32
    scf.for %parallel_loop3A_622 = %parallel_loop3A to %parallel_loop3A_620 step %parallel_loop3A_621  : i32 {
      %parallel_loop3A_623 = arith.constant 16 : i32
      %parallel_loop3A_624 = arith.muli %parallel_loop3A_622, %parallel_loop3A_623 : i32
      %parallel_loop3A_625 = tpu.assume_multiple %parallel_loop3A_624, 16 : i32
      %parallel_loop3A_626 = tpu.iota {dimensions = array<i32: 0>} : vector<16xi32>
      %parallel_loop3A_627 = arith.constant 16 : i32
      %parallel_loop3A_628 = arith.muli %parallel_loop3A_622, %parallel_loop3A_627 : i32
      %parallel_loop3A_629 = vector.broadcast %parallel_loop3A_628 : i32 to vector<16xi32>
      %parallel_loop3A_630 = arith.addi %parallel_loop3A_626, %parallel_loop3A_629 : vector<16xi32>
      %parallel_loop3A_631 = arith.index_cast %parallel_loop3A_625 : i32 to index
      %parallel_loop3A_632 = tpu.vector_load %arg7[%parallel_loop3A_631] {strides = array<i32>} : memref<512xi32, #tpu.memory_space<vmem>>, vector<16xi32>,
      %parallel_loop3A_633 = arith.constant 0 : i32
      %parallel_loop3A_634 = vector.broadcast %parallel_loop3A_633 : i32 to vector<16xi32>
      %parallel_loop3A_635 = arith.addi %parallel_loop3A_632, %parallel_loop3A_634 : vector<16xi32>
      %parallel_loop3A_636 = tpu.vector_load_idx %arg8[%parallel_loop3A_630, %parallel_loop3A_635] : memref<512x128xf32, #tpu.memory_space<vmem>>[vector<16xi32>, vector<16xi32>], vector<16xf32>,
      %parallel_loop3A_637 = arith.constant 0 : i32
      %parallel_loop3A_638 = arith.index_cast %parallel_loop3A_637 : i32 to index
      %parallel_loop3A_639 = arith.index_cast %parallel_loop3A_625 : i32 to index
      %parallel_loop3A_640 = tpu.vector_load %arg9[%parallel_loop3A_638, %parallel_loop3A_639] {strides = array<i32>} : memref<32x512xf32, #tpu.memory_space<vmem>>, vector<16xf32>,
      tpu.vector_store %arg9[%parallel_loop3A_638, %parallel_loop3A_639], %parallel_loop3A_636 {strides = array<i32>} : memref<32x512xf32, #tpu.memory_space<vmem>>, vector<16xf32>,
      %parallel_loop3A_641 = arith.constant 1 : i32
      %parallel_loop3A_642 = vector.broadcast %parallel_loop3A_641 : i32 to vector<16xi32>
      %parallel_loop3A_643 = arith.addi %parallel_loop3A_632, %parallel_loop3A_642 : vector<16xi32>
      %parallel_loop3A_644 = tpu.vector_load_idx %arg8[%parallel_loop3A_630, %parallel_loop3A_643] : memref<512x128xf32, #tpu.memory_space<vmem>>[vector<16xi32>, vector<16xi32>], vector<16xf32>,
      %parallel_loop3A_645 = arith.constant 1 : i32
      %parallel_loop3A_646 = arith.index_cast %parallel_loop3A_645 : i32 to index
      %parallel_loop3A_647 = arith.index_cast %parallel_loop3A_625 : i32 to index
      %parallel_loop3A_648 = tpu.vector_load %arg9[%parallel_loop3A_646, %parallel_loop3A_647] {strides = array<i32>} : memref<32x512xf32, #tpu.memory_space<vmem>>, vector<16xf32>,
      tpu.vector_store %arg9[%parallel_loop3A_646, %parallel_loop3A_647], %parallel_loop3A_644 {strides = array<i32>} : memref<32x512xf32, #tpu.memory_space<vmem>>, vector<16xf32>,
      %parallel_loop3A_649 = arith.constant 2 : i32
      %parallel_loop3A_650 = vector.broadcast %parallel_loop3A_649 : i32 to vector<16xi32>
      %parallel_loop3A_651 = arith.addi %parallel_loop3A_632, %parallel_loop3A_650 : vector<16xi32>
      %parallel_loop3A_652 = tpu.vector_load_idx %arg8[%parallel_loop3A_630, %parallel_loop3A_651] : memref<512x128xf32, #tpu.memory_space<vmem>>[vector<16xi32>, vector<16xi32>], vector<16xf32>,
      %parallel_loop3A_653 = arith.constant 2 : i32
      %parallel_loop3A_654 = arith.index_cast %parallel_loop3A_653 : i32 to index
      %parallel_loop3A_655 = arith.index_cast %parallel_loop3A_625 : i32 to index
      %parallel_loop3A_656 = tpu.vector_load %arg9[%parallel_loop3A_654, %parallel_loop3A_655] {strides = array<i32>} : memref<32x512xf32, #tpu.memory_space<vmem>>, vector<16xf32>,
      tpu.vector_store %arg9[%parallel_loop3A_654, %parallel_loop3A_655], %parallel_loop3A_652 {strides = array<i32>} : memref<32x512xf32, #tpu.memory_space<vmem>>, vector<16xf32>,
      %parallel_loop3A_657 = arith.constant 3 : i32
      %parallel_loop3A_658 = vector.broadcast %parallel_loop3A_657 : i32 to vector<16xi32>
      %parallel_loop3A_659 = arith.addi %parallel_loop3A_632, %parallel_loop3A_658 : vector<16xi32>
      %parallel_loop3A_660 = tpu.vector_load_idx %arg8[%parallel_loop3A_630, %parallel_loop3A_659] : memref<512x128xf32, #tpu.memory_space<vmem>>[vector<16xi32>, vector<16xi32>], vector<16xf32>,
      %parallel_loop3A_661 = arith.constant 3 : i32
      %parallel_loop3A_662 = arith.index_cast %parallel_loop3A_661 : i32 to index
      %parallel_loop3A_663 = arith.index_cast %parallel_loop3A_625 : i32 to index
      %parallel_loop3A_664 = tpu.vector_load %arg9[%parallel_loop3A_662, %parallel_loop3A_663] {strides = array<i32>} : memref<32x512xf32, #tpu.memory_space<vmem>>, vector<16xf32>,
      tpu.vector_store %arg9[%parallel_loop3A_662, %parallel_loop3A_663], %parallel_loop3A_660 {strides = array<i32>} : memref<32x512xf32, #tpu.memory_space<vmem>>, vector<16xf32>,
      %parallel_loop3A_665 = arith.constant 4 : i32
      %parallel_loop3A_666 = vector.broadcast %parallel_loop3A_665 : i32 to vector<16xi32>
      %parallel_loop3A_667 = arith.addi %parallel_loop3A_632, %parallel_loop3A_666 : vector<16xi32>
      %parallel_loop3A_668 = tpu.vector_load_idx %arg8[%parallel_loop3A_630, %parallel_loop3A_667] : memref<512x128xf32, #tpu.memory_space<vmem>>[vector<16xi32>, vector<16xi32>], vector<16xf32>,
      %parallel_loop3A_669 = arith.constant 4 : i32
      %parallel_loop3A_670 = arith.index_cast %parallel_loop3A_669 : i32 to index
      %parallel_loop3A_671 = arith.index_cast %parallel_loop3A_625 : i32 to index
      %parallel_loop3A_672 = tpu.vector_load %arg9[%parallel_loop3A_670, %parallel_loop3A_671] {strides = array<i32>} : memref<32x512xf32, #tpu.memory_space<vmem>>, vector<16xf32>,
      tpu.vector_store %arg9[%parallel_loop3A_670, %parallel_loop3A_671], %parallel_loop3A_668 {strides = array<i32>} : memref<32x512xf32, #tpu.memory_space<vmem>>, vector<16xf32>,
      %parallel_loop3A_673 = arith.constant 5 : i32
      %parallel_loop3A_674 = vector.broadcast %parallel_loop3A_673 : i32 to vector<16xi32>
      %parallel_loop3A_675 = arith.addi %parallel_loop3A_632, %parallel_loop3A_674 : vector<16xi32>
      %parallel_loop3A_676 = tpu.vector_load_idx %arg8[%parallel_loop3A_630, %parallel_loop3A_675] : memref<512x128xf32, #tpu.memory_space<vmem>>[vector<16xi32>, vector<16xi32>], vector<16xf32>,
      %parallel_loop3A_677 = arith.constant 5 : i32
      %parallel_loop3A_678 = arith.index_cast %parallel_loop3A_677 : i32 to index
      %parallel_loop3A_679 = arith.index_cast %parallel_loop3A_625 : i32 to index
      %parallel_loop3A_680 = tpu.vector_load %arg9[%parallel_loop3A_678, %parallel_loop3A_679] {strides = array<i32>} : memref<32x512xf32, #tpu.memory_space<vmem>>, vector<16xf32>,
      tpu.vector_store %arg9[%parallel_loop3A_678, %parallel_loop3A_679], %parallel_loop3A_676 {strides = array<i32>} : memref<32x512xf32, #tpu.memory_space<vmem>>, vector<16xf32>,
      %parallel_loop3A_681 = arith.constant 6 : i32
      %parallel_loop3A_682 = vector.broadcast %parallel_loop3A_681 : i32 to vector<16xi32>
      %parallel_loop3A_683 = arith.addi %parallel_loop3A_632, %parallel_loop3A_682 : vector<16xi32>
      %parallel_loop3A_684 = tpu.vector_load_idx %arg8[%parallel_loop3A_630, %parallel_loop3A_683] : memref<512x128xf32, #tpu.memory_space<vmem>>[vector<16xi32>, vector<16xi32>], vector<16xf32>,
      %parallel_loop3A_685 = arith.constant 6 : i32
      %parallel_loop3A_686 = arith.index_cast %parallel_loop3A_685 : i32 to index
      %parallel_loop3A_687 = arith.index_cast %parallel_loop3A_625 : i32 to index
      %parallel_loop3A_688 = tpu.vector_load %arg9[%parallel_loop3A_686, %parallel_loop3A_687] {strides = array<i32>} : memref<32x512xf32, #tpu.memory_space<vmem>>, vector<16xf32>,
      tpu.vector_store %arg9[%parallel_loop3A_686, %parallel_loop3A_687], %parallel_loop3A_684 {strides = array<i32>} : memref<32x512xf32, #tpu.memory_space<vmem>>, vector<16xf32>,
      %parallel_loop3A_689 = arith.constant 7 : i32
      %parallel_loop3A_690 = vector.broadcast %parallel_loop3A_689 : i32 to vector<16xi32>
      %parallel_loop3A_691 = arith.addi %parallel_loop3A_632, %parallel_loop3A_690 : vector<16xi32>
      %parallel_loop3A_692 = tpu.vector_load_idx %arg8[%parallel_loop3A_630, %parallel_loop3A_691] : memref<512x128xf32, #tpu.memory_space<vmem>>[vector<16xi32>, vector<16xi32>], vector<16xf32>,
      %parallel_loop3A_693 = arith.constant 7 : i32
      %parallel_loop3A_694 = arith.index_cast %parallel_loop3A_693 : i32 to index
      %parallel_loop3A_695 = arith.index_cast %parallel_loop3A_625 : i32 to index
      %parallel_loop3A_696 = tpu.vector_load %arg9[%parallel_loop3A_694, %parallel_loop3A_695] {strides = array<i32>} : memref<32x512xf32, #tpu.memory_space<vmem>>, vector<16xf32>,
      tpu.vector_store %arg9[%parallel_loop3A_694, %parallel_loop3A_695], %parallel_loop3A_692 {strides = array<i32>} : memref<32x512xf32, #tpu.memory_space<vmem>>, vector<16xf32>,
      %parallel_loop3A_697 = arith.constant 8 : i32
      %parallel_loop3A_698 = vector.broadcast %parallel_loop3A_697 : i32 to vector<16xi32>
      %parallel_loop3A_699 = arith.addi %parallel_loop3A_632, %parallel_loop3A_698 : vector<16xi32>
      %parallel_loop3A_700 = tpu.vector_load_idx %arg8[%parallel_loop3A_630, %parallel_loop3A_699] : memref<512x128xf32, #tpu.memory_space<vmem>>[vector<16xi32>, vector<16xi32>], vector<16xf32>,
      %parallel_loop3A_701 = arith.constant 8 : i32
      %parallel_loop3A_702 = arith.index_cast %parallel_loop3A_701 : i32 to index
      %parallel_loop3A_703 = arith.index_cast %parallel_loop3A_625 : i32 to index
      %parallel_loop3A_704 = tpu.vector_load %arg9[%parallel_loop3A_702, %parallel_loop3A_703] {strides = array<i32>} : memref<32x512xf32, #tpu.memory_space<vmem>>, vector<16xf32>,
      tpu.vector_store %arg9[%parallel_loop3A_702, %parallel_loop3A_703], %parallel_loop3A_700 {strides = array<i32>} : memref<32x512xf32, #tpu.memory_space<vmem>>, vector<16xf32>,
      %parallel_loop3A_705 = arith.constant 9 : i32
      %parallel_loop3A_706 = vector.broadcast %parallel_loop3A_705 : i32 to vector<16xi32>
      %parallel_loop3A_707 = arith.addi %parallel_loop3A_632, %parallel_loop3A_706 : vector<16xi32>
      %parallel_loop3A_708 = tpu.vector_load_idx %arg8[%parallel_loop3A_630, %parallel_loop3A_707] : memref<512x128xf32, #tpu.memory_space<vmem>>[vector<16xi32>, vector<16xi32>], vector<16xf32>,
      %parallel_loop3A_709 = arith.constant 9 : i32
      %parallel_loop3A_710 = arith.index_cast %parallel_loop3A_709 : i32 to index
      %parallel_loop3A_711 = arith.index_cast %parallel_loop3A_625 : i32 to index
      %parallel_loop3A_712 = tpu.vector_load %arg9[%parallel_loop3A_710, %parallel_loop3A_711] {strides = array<i32>} : memref<32x512xf32, #tpu.memory_space<vmem>>, vector<16xf32>,
      tpu.vector_store %arg9[%parallel_loop3A_710, %parallel_loop3A_711], %parallel_loop3A_708 {strides = array<i32>} : memref<32x512xf32, #tpu.memory_space<vmem>>, vector<16xf32>,
      %parallel_loop3A_713 = arith.constant 10 : i32
      %parallel_loop3A_714 = vector.broadcast %parallel_loop3A_713 : i32 to vector<16xi32>
      %parallel_loop3A_715 = arith.addi %parallel_loop3A_632, %parallel_loop3A_714 : vector<16xi32>
      %parallel_loop3A_716 = tpu.vector_load_idx %arg8[%parallel_loop3A_630, %parallel_loop3A_715] : memref<512x128xf32, #tpu.memory_space<vmem>>[vector<16xi32>, vector<16xi32>], vector<16xf32>,
      %parallel_loop3A_717 = arith.constant 10 : i32
      %parallel_loop3A_718 = arith.index_cast %parallel_loop3A_717 : i32 to index
      %parallel_loop3A_719 = arith.index_cast %parallel_loop3A_625 : i32 to index
      %parallel_loop3A_720 = tpu.vector_load %arg9[%parallel_loop3A_718, %parallel_loop3A_719] {strides = array<i32>} : memref<32x512xf32, #tpu.memory_space<vmem>>, vector<16xf32>,
      tpu.vector_store %arg9[%parallel_loop3A_718, %parallel_loop3A_719], %parallel_loop3A_716 {strides = array<i32>} : memref<32x512xf32, #tpu.memory_space<vmem>>, vector<16xf32>,
      %parallel_loop3A_721 = arith.constant 11 : i32
      %parallel_loop3A_722 = vector.broadcast %parallel_loop3A_721 : i32 to vector<16xi32>
      %parallel_loop3A_723 = arith.addi %parallel_loop3A_632, %parallel_loop3A_722 : vector<16xi32>
      %parallel_loop3A_724 = tpu.vector_load_idx %arg8[%parallel_loop3A_630, %parallel_loop3A_723] : memref<512x128xf32, #tpu.memory_space<vmem>>[vector<16xi32>, vector<16xi32>], vector<16xf32>,
      %parallel_loop3A_725 = arith.constant 11 : i32
      %parallel_loop3A_726 = arith.index_cast %parallel_loop3A_725 : i32 to index
      %parallel_loop3A_727 = arith.index_cast %parallel_loop3A_625 : i32 to index
      %parallel_loop3A_728 = tpu.vector_load %arg9[%parallel_loop3A_726, %parallel_loop3A_727] {strides = array<i32>} : memref<32x512xf32, #tpu.memory_space<vmem>>, vector<16xf32>,
      tpu.vector_store %arg9[%parallel_loop3A_726, %parallel_loop3A_727], %parallel_loop3A_724 {strides = array<i32>} : memref<32x512xf32, #tpu.memory_space<vmem>>, vector<16xf32>,
      %parallel_loop3A_729 = arith.constant 12 : i32
      %parallel_loop3A_730 = vector.broadcast %parallel_loop3A_729 : i32 to vector<16xi32>
      %parallel_loop3A_731 = arith.addi %parallel_loop3A_632, %parallel_loop3A_730 : vector<16xi32>
      %parallel_loop3A_732 = tpu.vector_load_idx %arg8[%parallel_loop3A_630, %parallel_loop3A_731] : memref<512x128xf32, #tpu.memory_space<vmem>>[vector<16xi32>, vector<16xi32>], vector<16xf32>,
      %parallel_loop3A_733 = arith.constant 12 : i32
      %parallel_loop3A_734 = arith.index_cast %parallel_loop3A_733 : i32 to index
      %parallel_loop3A_735 = arith.index_cast %parallel_loop3A_625 : i32 to index
      %parallel_loop3A_736 = tpu.vector_load %arg9[%parallel_loop3A_734, %parallel_loop3A_735] {strides = array<i32>} : memref<32x512xf32, #tpu.memory_space<vmem>>, vector<16xf32>,
      tpu.vector_store %arg9[%parallel_loop3A_734, %parallel_loop3A_735], %parallel_loop3A_732 {strides = array<i32>} : memref<32x512xf32, #tpu.memory_space<vmem>>, vector<16xf32>,
      %parallel_loop3A_737 = arith.constant 13 : i32
      %parallel_loop3A_738 = vector.broadcast %parallel_loop3A_737 : i32 to vector<16xi32>
      %parallel_loop3A_739 = arith.addi %parallel_loop3A_632, %parallel_loop3A_738 : vector<16xi32>
      %parallel_loop3A_740 = tpu.vector_load_idx %arg8[%parallel_loop3A_630, %parallel_loop3A_739] : memref<512x128xf32, #tpu.memory_space<vmem>>[vector<16xi32>, vector<16xi32>], vector<16xf32>,
      %parallel_loop3A_741 = arith.constant 13 : i32
      %parallel_loop3A_742 = arith.index_cast %parallel_loop3A_741 : i32 to index
      %parallel_loop3A_743 = arith.index_cast %parallel_loop3A_625 : i32 to index
      %parallel_loop3A_744 = tpu.vector_load %arg9[%parallel_loop3A_742, %parallel_loop3A_743] {strides = array<i32>} : memref<32x512xf32, #tpu.memory_space<vmem>>, vector<16xf32>,
      tpu.vector_store %arg9[%parallel_loop3A_742, %parallel_loop3A_743], %parallel_loop3A_740 {strides = array<i32>} : memref<32x512xf32, #tpu.memory_space<vmem>>, vector<16xf32>,
      %parallel_loop3A_745 = arith.constant 14 : i32
      %parallel_loop3A_746 = vector.broadcast %parallel_loop3A_745 : i32 to vector<16xi32>
      %parallel_loop3A_747 = arith.addi %parallel_loop3A_632, %parallel_loop3A_746 : vector<16xi32>
      %parallel_loop3A_748 = tpu.vector_load_idx %arg8[%parallel_loop3A_630, %parallel_loop3A_747] : memref<512x128xf32, #tpu.memory_space<vmem>>[vector<16xi32>, vector<16xi32>], vector<16xf32>,
      %parallel_loop3A_749 = arith.constant 14 : i32
      %parallel_loop3A_750 = arith.index_cast %parallel_loop3A_749 : i32 to index
      %parallel_loop3A_751 = arith.index_cast %parallel_loop3A_625 : i32 to index
      %parallel_loop3A_752 = tpu.vector_load %arg9[%parallel_loop3A_750, %parallel_loop3A_751] {strides = array<i32>} : memref<32x512xf32, #tpu.memory_space<vmem>>, vector<16xf32>,
      tpu.vector_store %arg9[%parallel_loop3A_750, %parallel_loop3A_751], %parallel_loop3A_748 {strides = array<i32>} : memref<32x512xf32, #tpu.memory_space<vmem>>, vector<16xf32>,
      %parallel_loop3A_753 = arith.constant 15 : i32
      %parallel_loop3A_754 = vector.broadcast %parallel_loop3A_753 : i32 to vector<16xi32>
      %parallel_loop3A_755 = arith.addi %parallel_loop3A_632, %parallel_loop3A_754 : vector<16xi32>
      %parallel_loop3A_756 = tpu.vector_load_idx %arg8[%parallel_loop3A_630, %parallel_loop3A_755] : memref<512x128xf32, #tpu.memory_space<vmem>>[vector<16xi32>, vector<16xi32>], vector<16xf32>,
      %parallel_loop3A_757 = arith.constant 15 : i32
      %parallel_loop3A_758 = arith.index_cast %parallel_loop3A_757 : i32 to index
      %parallel_loop3A_759 = arith.index_cast %parallel_loop3A_625 : i32 to index
      %parallel_loop3A_760 = tpu.vector_load %arg9[%parallel_loop3A_758, %parallel_loop3A_759] {strides = array<i32>} : memref<32x512xf32, #tpu.memory_space<vmem>>, vector<16xf32>,
      tpu.vector_store %arg9[%parallel_loop3A_758, %parallel_loop3A_759], %parallel_loop3A_756 {strides = array<i32>} : memref<32x512xf32, #tpu.memory_space<vmem>>, vector<16xf32>,
      %parallel_loop3A_761 = arith.constant 16 : i32
      %parallel_loop3A_762 = vector.broadcast %parallel_loop3A_761 : i32 to vector<16xi32>
      %parallel_loop3A_763 = arith.addi %parallel_loop3A_632, %parallel_loop3A_762 : vector<16xi32>
      %parallel_loop3A_764 = tpu.vector_load_idx %arg8[%parallel_loop3A_630, %parallel_loop3A_763] : memref<512x128xf32, #tpu.memory_space<vmem>>[vector<16xi32>, vector<16xi32>], vector<16xf32>,
      %parallel_loop3A_765 = arith.constant 16 : i32
      %parallel_loop3A_766 = arith.index_cast %parallel_loop3A_765 : i32 to index
      %parallel_loop3A_767 = arith.index_cast %parallel_loop3A_625 : i32 to index
      %parallel_loop3A_768 = tpu.vector_load %arg9[%parallel_loop3A_766, %parallel_loop3A_767] {strides = array<i32>} : memref<32x512xf32, #tpu.memory_space<vmem>>, vector<16xf32>,
      tpu.vector_store %arg9[%parallel_loop3A_766, %parallel_loop3A_767], %parallel_loop3A_764 {strides = array<i32>} : memref<32x512xf32, #tpu.memory_space<vmem>>, vector<16xf32>,
      %parallel_loop3A_769 = arith.constant 17 : i32
      %parallel_loop3A_770 = vector.broadcast %parallel_loop3A_769 : i32 to vector<16xi32>
      %parallel_loop3A_771 = arith.addi %parallel_loop3A_632, %parallel_loop3A_770 : vector<16xi32>
      %parallel_loop3A_772 = tpu.vector_load_idx %arg8[%parallel_loop3A_630, %parallel_loop3A_771] : memref<512x128xf32, #tpu.memory_space<vmem>>[vector<16xi32>, vector<16xi32>], vector<16xf32>,
      %parallel_loop3A_773 = arith.constant 17 : i32
      %parallel_loop3A_774 = arith.index_cast %parallel_loop3A_773 : i32 to index
      %parallel_loop3A_775 = arith.index_cast %parallel_loop3A_625 : i32 to index
      %parallel_loop3A_776 = tpu.vector_load %arg9[%parallel_loop3A_774, %parallel_loop3A_775] {strides = array<i32>} : memref<32x512xf32, #tpu.memory_space<vmem>>, vector<16xf32>,
      tpu.vector_store %arg9[%parallel_loop3A_774, %parallel_loop3A_775], %parallel_loop3A_772 {strides = array<i32>} : memref<32x512xf32, #tpu.memory_space<vmem>>, vector<16xf32>,
      %parallel_loop3A_777 = arith.constant 18 : i32
      %parallel_loop3A_778 = vector.broadcast %parallel_loop3A_777 : i32 to vector<16xi32>
      %parallel_loop3A_779 = arith.addi %parallel_loop3A_632, %parallel_loop3A_778 : vector<16xi32>
      %parallel_loop3A_780 = tpu.vector_load_idx %arg8[%parallel_loop3A_630, %parallel_loop3A_779] : memref<512x128xf32, #tpu.memory_space<vmem>>[vector<16xi32>, vector<16xi32>], vector<16xf32>,
      %parallel_loop3A_781 = arith.constant 18 : i32
      %parallel_loop3A_782 = arith.index_cast %parallel_loop3A_781 : i32 to index
      %parallel_loop3A_783 = arith.index_cast %parallel_loop3A_625 : i32 to index
      %parallel_loop3A_784 = tpu.vector_load %arg9[%parallel_loop3A_782, %parallel_loop3A_783] {strides = array<i32>} : memref<32x512xf32, #tpu.memory_space<vmem>>, vector<16xf32>,
      tpu.vector_store %arg9[%parallel_loop3A_782, %parallel_loop3A_783], %parallel_loop3A_780 {strides = array<i32>} : memref<32x512xf32, #tpu.memory_space<vmem>>, vector<16xf32>,
      %parallel_loop3A_785 = arith.constant 19 : i32
      %parallel_loop3A_786 = vector.broadcast %parallel_loop3A_785 : i32 to vector<16xi32>
      %parallel_loop3A_787 = arith.addi %parallel_loop3A_632, %parallel_loop3A_786 : vector<16xi32>
      %parallel_loop3A_788 = tpu.vector_load_idx %arg8[%parallel_loop3A_630, %parallel_loop3A_787] : memref<512x128xf32, #tpu.memory_space<vmem>>[vector<16xi32>, vector<16xi32>], vector<16xf32>,
      %parallel_loop3A_789 = arith.constant 19 : i32
      %parallel_loop3A_790 = arith.index_cast %parallel_loop3A_789 : i32 to index
      %parallel_loop3A_791 = arith.index_cast %parallel_loop3A_625 : i32 to index
      %parallel_loop3A_792 = tpu.vector_load %arg9[%parallel_loop3A_790, %parallel_loop3A_791] {strides = array<i32>} : memref<32x512xf32, #tpu.memory_space<vmem>>, vector<16xf32>,
      tpu.vector_store %arg9[%parallel_loop3A_790, %parallel_loop3A_791], %parallel_loop3A_788 {strides = array<i32>} : memref<32x512xf32, #tpu.memory_space<vmem>>, vector<16xf32>,
      %parallel_loop3A_793 = arith.constant 20 : i32
      %parallel_loop3A_794 = vector.broadcast %parallel_loop3A_793 : i32 to vector<16xi32>
      %parallel_loop3A_795 = arith.addi %parallel_loop3A_632, %parallel_loop3A_794 : vector<16xi32>
      %parallel_loop3A_796 = tpu.vector_load_idx %arg8[%parallel_loop3A_630, %parallel_loop3A_795] : memref<512x128xf32, #tpu.memory_space<vmem>>[vector<16xi32>, vector<16xi32>], vector<16xf32>,
      %parallel_loop3A_797 = arith.constant 20 : i32
      %parallel_loop3A_798 = arith.index_cast %parallel_loop3A_797 : i32 to index
      %parallel_loop3A_799 = arith.index_cast %parallel_loop3A_625 : i32 to index
      %parallel_loop3A_800 = tpu.vector_load %arg9[%parallel_loop3A_798, %parallel_loop3A_799] {strides = array<i32>} : memref<32x512xf32, #tpu.memory_space<vmem>>, vector<16xf32>,
      tpu.vector_store %arg9[%parallel_loop3A_798, %parallel_loop3A_799], %parallel_loop3A_796 {strides = array<i32>} : memref<32x512xf32, #tpu.memory_space<vmem>>, vector<16xf32>,
      %parallel_loop3A_801 = arith.constant 21 : i32
      %parallel_loop3A_802 = vector.broadcast %parallel_loop3A_801 : i32 to vector<16xi32>
      %parallel_loop3A_803 = arith.addi %parallel_loop3A_632, %parallel_loop3A_802 : vector<16xi32>
      %parallel_loop3A_804 = tpu.vector_load_idx %arg8[%parallel_loop3A_630, %parallel_loop3A_803] : memref<512x128xf32, #tpu.memory_space<vmem>>[vector<16xi32>, vector<16xi32>], vector<16xf32>,
      %parallel_loop3A_805 = arith.constant 21 : i32
      %parallel_loop3A_806 = arith.index_cast %parallel_loop3A_805 : i32 to index
      %parallel_loop3A_807 = arith.index_cast %parallel_loop3A_625 : i32 to index
      %parallel_loop3A_808 = tpu.vector_load %arg9[%parallel_loop3A_806, %parallel_loop3A_807] {strides = array<i32>} : memref<32x512xf32, #tpu.memory_space<vmem>>, vector<16xf32>,
      tpu.vector_store %arg9[%parallel_loop3A_806, %parallel_loop3A_807], %parallel_loop3A_804 {strides = array<i32>} : memref<32x512xf32, #tpu.memory_space<vmem>>, vector<16xf32>,
      %parallel_loop3A_809 = arith.constant 22 : i32
      %parallel_loop3A_810 = vector.broadcast %parallel_loop3A_809 : i32 to vector<16xi32>
      %parallel_loop3A_811 = arith.addi %parallel_loop3A_632, %parallel_loop3A_810 : vector<16xi32>
      %parallel_loop3A_812 = tpu.vector_load_idx %arg8[%parallel_loop3A_630, %parallel_loop3A_811] : memref<512x128xf32, #tpu.memory_space<vmem>>[vector<16xi32>, vector<16xi32>], vector<16xf32>,
      %parallel_loop3A_813 = arith.constant 22 : i32
      %parallel_loop3A_814 = arith.index_cast %parallel_loop3A_813 : i32 to index
      %parallel_loop3A_815 = arith.index_cast %parallel_loop3A_625 : i32 to index
      %parallel_loop3A_816 = tpu.vector_load %arg9[%parallel_loop3A_814, %parallel_loop3A_815] {strides = array<i32>} : memref<32x512xf32, #tpu.memory_space<vmem>>, vector<16xf32>,
      tpu.vector_store %arg9[%parallel_loop3A_814, %parallel_loop3A_815], %parallel_loop3A_812 {strides = array<i32>} : memref<32x512xf32, #tpu.memory_space<vmem>>, vector<16xf32>,
      %parallel_loop3A_817 = arith.constant 23 : i32
      %parallel_loop3A_818 = vector.broadcast %parallel_loop3A_817 : i32 to vector<16xi32>
      %parallel_loop3A_819 = arith.addi %parallel_loop3A_632, %parallel_loop3A_818 : vector<16xi32>
      %parallel_loop3A_820 = tpu.vector_load_idx %arg8[%parallel_loop3A_630, %parallel_loop3A_819] : memref<512x128xf32, #tpu.memory_space<vmem>>[vector<16xi32>, vector<16xi32>], vector<16xf32>,
      %parallel_loop3A_821 = arith.constant 23 : i32
      %parallel_loop3A_822 = arith.index_cast %parallel_loop3A_821 : i32 to index
      %parallel_loop3A_823 = arith.index_cast %parallel_loop3A_625 : i32 to index
      %parallel_loop3A_824 = tpu.vector_load %arg9[%parallel_loop3A_822, %parallel_loop3A_823] {strides = array<i32>} : memref<32x512xf32, #tpu.memory_space<vmem>>, vector<16xf32>,
      tpu.vector_store %arg9[%parallel_loop3A_822, %parallel_loop3A_823], %parallel_loop3A_820 {strides = array<i32>} : memref<32x512xf32, #tpu.memory_space<vmem>>, vector<16xf32>,
      %parallel_loop3A_825 = arith.constant 24 : i32
      %parallel_loop3A_826 = vector.broadcast %parallel_loop3A_825 : i32 to vector<16xi32>
      %parallel_loop3A_827 = arith.addi %parallel_loop3A_632, %parallel_loop3A_826 : vector<16xi32>
      %parallel_loop3A_828 = tpu.vector_load_idx %arg8[%parallel_loop3A_630, %parallel_loop3A_827] : memref<512x128xf32, #tpu.memory_space<vmem>>[vector<16xi32>, vector<16xi32>], vector<16xf32>,
      %parallel_loop3A_829 = arith.constant 24 : i32
      %parallel_loop3A_830 = arith.index_cast %parallel_loop3A_829 : i32 to index
      %parallel_loop3A_831 = arith.index_cast %parallel_loop3A_625 : i32 to index
      %parallel_loop3A_832 = tpu.vector_load %arg9[%parallel_loop3A_830, %parallel_loop3A_831] {strides = array<i32>} : memref<32x512xf32, #tpu.memory_space<vmem>>, vector<16xf32>,
      tpu.vector_store %arg9[%parallel_loop3A_830, %parallel_loop3A_831], %parallel_loop3A_828 {strides = array<i32>} : memref<32x512xf32, #tpu.memory_space<vmem>>, vector<16xf32>,
      %parallel_loop3A_833 = arith.constant 25 : i32
      %parallel_loop3A_834 = vector.broadcast %parallel_loop3A_833 : i32 to vector<16xi32>
      %parallel_loop3A_835 = arith.addi %parallel_loop3A_632, %parallel_loop3A_834 : vector<16xi32>
      %parallel_loop3A_836 = tpu.vector_load_idx %arg8[%parallel_loop3A_630, %parallel_loop3A_835] : memref<512x128xf32, #tpu.memory_space<vmem>>[vector<16xi32>, vector<16xi32>], vector<16xf32>,
      %parallel_loop3A_837 = arith.constant 25 : i32
      %parallel_loop3A_838 = arith.index_cast %parallel_loop3A_837 : i32 to index
      %parallel_loop3A_839 = arith.index_cast %parallel_loop3A_625 : i32 to index
      %parallel_loop3A_840 = tpu.vector_load %arg9[%parallel_loop3A_838, %parallel_loop3A_839] {strides = array<i32>} : memref<32x512xf32, #tpu.memory_space<vmem>>, vector<16xf32>,
      tpu.vector_store %arg9[%parallel_loop3A_838, %parallel_loop3A_839], %parallel_loop3A_836 {strides = array<i32>} : memref<32x512xf32, #tpu.memory_space<vmem>>, vector<16xf32>,
      %parallel_loop3A_841 = arith.constant 26 : i32
      %parallel_loop3A_842 = vector.broadcast %parallel_loop3A_841 : i32 to vector<16xi32>
      %parallel_loop3A_843 = arith.addi %parallel_loop3A_632, %parallel_loop3A_842 : vector<16xi32>
      %parallel_loop3A_844 = tpu.vector_load_idx %arg8[%parallel_loop3A_630, %parallel_loop3A_843] : memref<512x128xf32, #tpu.memory_space<vmem>>[vector<16xi32>, vector<16xi32>], vector<16xf32>,
      %parallel_loop3A_845 = arith.constant 26 : i32
      %parallel_loop3A_846 = arith.index_cast %parallel_loop3A_845 : i32 to index
      %parallel_loop3A_847 = arith.index_cast %parallel_loop3A_625 : i32 to index
      %parallel_loop3A_848 = tpu.vector_load %arg9[%parallel_loop3A_846, %parallel_loop3A_847] {strides = array<i32>} : memref<32x512xf32, #tpu.memory_space<vmem>>, vector<16xf32>,
      tpu.vector_store %arg9[%parallel_loop3A_846, %parallel_loop3A_847], %parallel_loop3A_844 {strides = array<i32>} : memref<32x512xf32, #tpu.memory_space<vmem>>, vector<16xf32>,
      %parallel_loop3A_849 = arith.constant 27 : i32
      %parallel_loop3A_850 = vector.broadcast %parallel_loop3A_849 : i32 to vector<16xi32>
      %parallel_loop3A_851 = arith.addi %parallel_loop3A_632, %parallel_loop3A_850 : vector<16xi32>
      %parallel_loop3A_852 = tpu.vector_load_idx %arg8[%parallel_loop3A_630, %parallel_loop3A_851] : memref<512x128xf32, #tpu.memory_space<vmem>>[vector<16xi32>, vector<16xi32>], vector<16xf32>,
      %parallel_loop3A_853 = arith.constant 27 : i32
      %parallel_loop3A_854 = arith.index_cast %parallel_loop3A_853 : i32 to index
      %parallel_loop3A_855 = arith.index_cast %parallel_loop3A_625 : i32 to index
      %parallel_loop3A_856 = tpu.vector_load %arg9[%parallel_loop3A_854, %parallel_loop3A_855] {strides = array<i32>} : memref<32x512xf32, #tpu.memory_space<vmem>>, vector<16xf32>,
      tpu.vector_store %arg9[%parallel_loop3A_854, %parallel_loop3A_855], %parallel_loop3A_852 {strides = array<i32>} : memref<32x512xf32, #tpu.memory_space<vmem>>, vector<16xf32>,
      %parallel_loop3A_857 = arith.constant 28 : i32
      %parallel_loop3A_858 = vector.broadcast %parallel_loop3A_857 : i32 to vector<16xi32>
      %parallel_loop3A_859 = arith.addi %parallel_loop3A_632, %parallel_loop3A_858 : vector<16xi32>
      %parallel_loop3A_860 = tpu.vector_load_idx %arg8[%parallel_loop3A_630, %parallel_loop3A_859] : memref<512x128xf32, #tpu.memory_space<vmem>>[vector<16xi32>, vector<16xi32>], vector<16xf32>,
      %parallel_loop3A_861 = arith.constant 28 : i32
      %parallel_loop3A_862 = arith.index_cast %parallel_loop3A_861 : i32 to index
      %parallel_loop3A_863 = arith.index_cast %parallel_loop3A_625 : i32 to index
      %parallel_loop3A_864 = tpu.vector_load %arg9[%parallel_loop3A_862, %parallel_loop3A_863] {strides = array<i32>} : memref<32x512xf32, #tpu.memory_space<vmem>>, vector<16xf32>,
      tpu.vector_store %arg9[%parallel_loop3A_862, %parallel_loop3A_863], %parallel_loop3A_860 {strides = array<i32>} : memref<32x512xf32, #tpu.memory_space<vmem>>, vector<16xf32>,
      %parallel_loop3A_865 = arith.constant 29 : i32
      %parallel_loop3A_866 = vector.broadcast %parallel_loop3A_865 : i32 to vector<16xi32>
      %parallel_loop3A_867 = arith.addi %parallel_loop3A_632, %parallel_loop3A_866 : vector<16xi32>
      %parallel_loop3A_868 = tpu.vector_load_idx %arg8[%parallel_loop3A_630, %parallel_loop3A_867] : memref<512x128xf32, #tpu.memory_space<vmem>>[vector<16xi32>, vector<16xi32>], vector<16xf32>,
      %parallel_loop3A_869 = arith.constant 29 : i32
      %parallel_loop3A_870 = arith.index_cast %parallel_loop3A_869 : i32 to index
      %parallel_loop3A_871 = arith.index_cast %parallel_loop3A_625 : i32 to index
      %parallel_loop3A_872 = tpu.vector_load %arg9[%parallel_loop3A_870, %parallel_loop3A_871] {strides = array<i32>} : memref<32x512xf32, #tpu.memory_space<vmem>>, vector<16xf32>,
      tpu.vector_store %arg9[%parallel_loop3A_870, %parallel_loop3A_871], %parallel_loop3A_868 {strides = array<i32>} : memref<32x512xf32, #tpu.memory_space<vmem>>, vector<16xf32>,
      %parallel_loop3A_873 = arith.constant 30 : i32
      %parallel_loop3A_874 = vector.broadcast %parallel_loop3A_873 : i32 to vector<16xi32>
      %parallel_loop3A_875 = arith.addi %parallel_loop3A_632, %parallel_loop3A_874 : vector<16xi32>
      %parallel_loop3A_876 = tpu.vector_load_idx %arg8[%parallel_loop3A_630, %parallel_loop3A_875] : memref<512x128xf32, #tpu.memory_space<vmem>>[vector<16xi32>, vector<16xi32>], vector<16xf32>,
      %parallel_loop3A_877 = arith.constant 30 : i32
      %parallel_loop3A_878 = arith.index_cast %parallel_loop3A_877 : i32 to index
      %parallel_loop3A_879 = arith.index_cast %parallel_loop3A_625 : i32 to index
      %parallel_loop3A_880 = tpu.vector_load %arg9[%parallel_loop3A_878, %parallel_loop3A_879] {strides = array<i32>} : memref<32x512xf32, #tpu.memory_space<vmem>>, vector<16xf32>,
      tpu.vector_store %arg9[%parallel_loop3A_878, %parallel_loop3A_879], %parallel_loop3A_876 {strides = array<i32>} : memref<32x512xf32, #tpu.memory_space<vmem>>, vector<16xf32>,
      %parallel_loop3A_881 = arith.constant 31 : i32
      %parallel_loop3A_882 = vector.broadcast %parallel_loop3A_881 : i32 to vector<16xi32>
      %parallel_loop3A_883 = arith.addi %parallel_loop3A_632, %parallel_loop3A_882 : vector<16xi32>
      %parallel_loop3A_884 = tpu.vector_load_idx %arg8[%parallel_loop3A_630, %parallel_loop3A_883] : memref<512x128xf32, #tpu.memory_space<vmem>>[vector<16xi32>, vector<16xi32>], vector<16xf32>,
      %parallel_loop3A_885 = arith.constant 31 : i32
      %parallel_loop3A_886 = arith.index_cast %parallel_loop3A_885 : i32 to index
      %parallel_loop3A_887 = arith.index_cast %parallel_loop3A_625 : i32 to index
      %parallel_loop3A_888 = tpu.vector_load %arg9[%parallel_loop3A_886, %parallel_loop3A_887] {strides = array<i32>} : memref<32x512xf32, #tpu.memory_space<vmem>>, vector<16xf32>,
      tpu.vector_store %arg9[%parallel_loop3A_886, %parallel_loop3A_887], %parallel_loop3A_884 {strides = array<i32>} : memref<32x512xf32, #tpu.memory_space<vmem>>, vector<16xf32>,
    } {sc.loop_unroll_factor = 2 : i64, sc.parallel_access}
    "tpu.region"() ({
      %run_scoped3A = tpu.sem_alloc : memref<!tpu.dma_semaphore, #tpu.memory_space<semaphore_mem>>
      %dma_start3A_622 = arith.constant 0 : i32
      %dma_start3A_623 = tpu.memref_slice %arg4[%dma_start3A_622, %mul3A_2] : memref<32x16384xf32, #tpu.memory_space<hbm>> -> memref<32x512xf32, #tpu.memory_space<hbm>>
      %dma_start3A_624 = arith.constant 0 : i32
      %dma_start3A_625 = tpu.memref_slice %arg4[%dma_start3A_624, %mul3A_2] : memref<32x16384xf32, #tpu.memory_space<hbm>> -> memref<32x512xf32, #tpu.memory_space<hbm>>
      tpu.enqueue_dma source(%arg9 : memref<32x512xf32, #tpu.memory_space<vmem>>) target(%dma_start3A_625 : memref<32x512xf32, #tpu.memory_space<hbm>>) target_semaphore(%run_scoped3A : memref<!tpu.dma_semaphore, #tpu.memory_space<semaphore_mem>>)
      %dma_wait3A_626 = arith.constant 0 : i32
      %dma_wait3A_627 = tpu.memref_slice %arg4[%dma_wait3A_626, %mul3A_2] : memref<32x16384xf32, #tpu.memory_space<hbm>> -> memref<32x512xf32, #tpu.memory_space<hbm>>
      %dma_wait3A_628 = arith.constant 0 : i32
      %dma_wait3A_629 = tpu.memref_slice %arg4[%dma_wait3A_628, %mul3A_2] : memref<32x16384xf32, #tpu.memory_space<hbm>> -> memref<32x512xf32, #tpu.memory_space<hbm>>
      tpu.wait_dma2 semaphore(%run_scoped3A : memref<!tpu.dma_semaphore, #tpu.memory_space<semaphore_mem>>) src(%arg9 : memref<32x512xf32, #tpu.memory_space<vmem>>) dst(%dma_wait3A_629 : memref<32x512xf32, #tpu.memory_space<hbm>>)
      tpu.yield
    }) : () -> ()
    return
  }
}

</mosaic_0001>

<sc_bundles>
// kernel: _run.4.cloned.1.call-start
scs
__scs_entry_jumppad:
0x0: {  	(pc) =	sbr.rel $0x88, $3  }
0x1: {  	(tag) =	ssettag $0x0;
	lr =	simm.s32 $0x1  }
0x2: {  	[smem:$0x3F9E] =	sst lr;
	_ =	strace $0xD0000000  }
0x3: {  	_ = 	snop  }
0x4: {  	_ = 	snop  }
0x5: {  	_ = 	snop  }
0x6: {  	_ = 	snop  }
0x7: {  	_ = 	snop  }
__scs_overlays_trampoline_lowered:
0x8: {  	[smem:$0x3FAD] =	sst s0  }
0x9: {  	[smem:$0x3FAE] =	sst s1  }
0xa: {  	[smem:$0x3FAF] =	sst s2  }
0xb: {  	[smem:$0x3FB0] =	sst s3  }
0xc: {  	[smem:$0x3FB1] =	sst s4  }
0xd: {  	[smem:$0x3FB2] =	sst s5  }
0xe: {  	[smem:$0x3FB3] =	sst s6  }
0xf: {  	[smem:$0x3FB4] =	sst s7  }
0x10: {  	[smem:$0x3FB5] =	sst s8  }
0x11: {  	[smem:$0x3FB6] =	sst s9;
	s0 =	simm.s32 @!p0 $0x0  }
0x12: {  	s1 =	sld [smem:$0x3F9C];
	s0 =	simm.s32 @p0 $0x1  }
0x13: {  	[smem:$0x3FB7] =	sst s0;
	s0 =	simm.s32 @!p1 $0x0  }
0x14: {  	s2 =	sld [smem:$0x3F9B];
	s0 =	simm.s32 @p1 $0x1  }
0x15: {  	[smem:$0x3FB8] =	sst s0;
	s0 =	simm.s32 @!p2 $0x0  }
0x16: {  	s3 =	sld [smem:$0x3FDB];
	s0 =	simm.s32 @p2 $0x1  }
0x17: {  	s4 =	simm.s32 $0x1BF5;
	[smem:$0x3FBA] =	sst s0  }
0x18: {  	s0 =	sld [smem:$0x3F9D];
	_ =	swait.ge [sflag:s4], $0x0  }
0x19: {  	s7 =	sld [smem:$0x3F9E]  }
0x1a: {  	s8 =	sadd.s32 $0xFFFFE003, lr  }
0x1b: {  	s9 =	sadd.s32 $0xFFFFFEF7, lr;
	s5 =	simm.s32 $0xFFFFFFFF;
	p2 =	slt.u32 s8, $0xFFFFF086  }
0x1c: {  	p1 =	slt.u32 s9, $0xF7A;
	s5 =	simm.s32 @!p2 $0x0  }
0x1d: {  	s5 =	simm.s32 @p1 $0x1;
	p0 =	seq.s32 s7, s2  }
0x1e: {  	s7 =	smul.u32 @!p0 $0xF7A, s2;
	p2 =	seq.s32 @!p0 s5, $0x0  }
0x1f: {  	s9 =	smul.u32 $0xF7A, s1;
	s8 =	simm.s32 @!p0 $0x1BF5;
	p2 =	por !p2, p0  }
0x20: {  	[sflag:s8] =	ssyncset.s32 @!p0 $0xFFFFF086;
	s6 =	sadd.s32 @!p0 s3, s7;
	s7 =	simm.s32 @!p0 $0x108  }
0x21: {  	s3 =	sadd.s32 s3, s9;
	s6 =	sadd.s32 @!p0 $0x88, s6;
	s7 =	simm.s32 @p2 $0x1082  }
0x22: {  	[simem:s7], [sflag:s8] =	dma.local @!p0 [hbm:s6], $0xF7A  }
0x23: {  	s9 =	sor.u32 $0xD0000000, s2;
	s6 =	simm.s32 $0x108;
	_ =	swait.ge @!p0 [sflag:s8], $0x0  }
0x24: {  	s3 =	sadd.s32 $0x88, s3;
	s6 =	simm.s32 @!p1 $0x1082;
	[sflag:s4] =	ssyncset.s32 $0xFFFFF086  }
0x25: {  	[simem:s6], [sflag:s4] =	dma.local [hbm:s3], $0xF7A  }
0x26: {  	[smem:$0x3F9E] =	sst s1;
	(tag) =	ssettag s2;
	_ =	strace s9  }
0x27: {  	s1 =	sld [smem:$0x3FAE]  }
0x28: {  	s2 =	sld [smem:$0x3FAF]  }
0x29: {  	s4 =	sld [smem:$0x3FB1]  }
0x2a: {  	p0 =	seq.s32 s5, $0x0;
	s5 =	sld [smem:$0x3FB2]  }
0x2b: {  	s6 =	sld [smem:$0x3FB3]  }
0x2c: {  	s7 =	sld [smem:$0x3FB4]  }
0x2d: {  	s3 =	simm.s32 $0x108;
	s8 =	sld [smem:$0x3FB5]  }
0x2e: {  	s3 =	simm.s32 @!p0 $0x1082;
	s9 =	sld [smem:$0x3FB6]  }
0x2f: {  	lr =	sadd.s32 s0, s3;
	s0 =	sld [smem:$0x3FAD]  }
0x30: {  	s3 =	sld [smem:$0x3FB0]  }
0x31: {  	[smem:$0x3FB9] =	sst s10  }
0x32: {  	s10 =	sld [smem:$0x3FB7];
	_ =	sdelay $0x3  }
0x33: {  	p0 =	seq.s32 s10, $0x1;
	s10 =	sld [smem:$0x3FB9];
	_ =	sdelay $0x3  }
0x34: {  	[smem:$0x3FB9] =	sst s10  }
0x35: {  	s10 =	sld [smem:$0x3FB8];
	_ =	sdelay $0x3  }
0x36: {  	p1 =	seq.s32 s10, $0x1;
	s10 =	sld [smem:$0x3FB9];
	_ =	sdelay $0x3  }
0x37: {  	[smem:$0x3FB9] =	sst s10  }
0x38: {  	s10 =	sld [smem:$0x3FBA]  }
0x39: {  	_ = 	snop;
	(pc) =	sbr.ind lr, $3  }
0x3a: {  	_ = 	snop  }
0x3b: {  	_ = 	snop  }
0x3c: {  	p2 =	seq.s32 s10, $0x1;
	s10 =	sld [smem:$0x3FB9]  }
0x3d: {  	_ =	shalt  }
0x3e: {  	_ =	shalt  }
0x3f: {  	_ =	shalt  }
0x40: {  	_ =	shalt  }
0x41: {  	_ =	shalt  }
0x42: {  	_ =	shalt  }
0x43: {  	_ =	shalt  }
0x44: {  	_ =	shalt  }
0x45: {  	_ =	shalt  }
0x46: {  	_ =	shalt  }
0x47: {  	_ =	shalt  }
0x48: {  	_ =	shalt  }
0x49: {  	_ =	shalt  }
0x4a: {  	_ =	shalt  }
0x4b: {  	_ =	shalt  }
0x4c: {  	_ =	shalt  }
0x4d: {  	_ =	shalt  }
0x4e: {  	_ =	shalt  }
0x4f: {  	_ =	shalt  }
0x50: {  	_ =	shalt  }
0x51: {  	_ =	shalt  }
0x52: {  	_ =	shalt  }
0x53: {  	_ =	shalt  }
0x54: {  	_ =	shalt  }
0x55: {  	_ =	shalt  }
0x56: {  	_ =	shalt  }
0x57: {  	_ =	shalt  }
0x58: {  	_ =	shalt  }
0x59: {  	_ =	shalt  }
0x5a: {  	_ =	shalt  }
0x5b: {  	_ =	shalt  }
0x5c: {  	_ =	shalt  }
0x5d: {  	_ =	shalt  }
0x5e: {  	_ =	shalt  }
0x5f: {  	_ =	shalt  }
0x60: {  	_ =	shalt  }
0x61: {  	_ =	shalt  }
0x62: {  	_ =	shalt  }
0x63: {  	_ =	shalt  }
0x64: {  	_ =	shalt  }
0x65: {  	_ =	shalt  }
0x66: {  	_ =	shalt  }
0x67: {  	_ =	shalt  }
0x68: {  	_ =	shalt  }
0x69: {  	_ =	shalt  }
0x6a: {  	_ =	shalt  }
0x6b: {  	_ =	shalt  }
0x6c: {  	_ =	shalt  }
0x6d: {  	_ =	shalt  }
0x6e: {  	_ =	shalt  }
0x6f: {  	_ =	shalt  }
0x70: {  	_ =	shalt  }
0x71: {  	_ =	shalt  }
0x72: {  	_ =	shalt  }
0x73: {  	_ =	shalt  }
0x74: {  	_ =	shalt  }
0x75: {  	_ =	shalt  }
0x76: {  	_ =	shalt  }
0x77: {  	_ =	shalt  }
0x78: {  	_ =	shalt  }
0x79: {  	_ =	shalt  }
0x7a: {  	_ =	shalt  }
0x7b: {  	_ =	shalt  }
0x7c: {  	_ =	shalt  }
0x7d: {  	_ =	shalt  }
0x7e: {  	_ =	shalt  }
0x7f: {  	_ =	shalt  }
0x80: {  	_ =	shalt  }
0x81: {  	_ =	shalt  }
0x82: {  	_ =	shalt  }
0x83: {  	_ =	shalt  }
0x84: {  	_ =	shalt  }
0x85: {  	_ =	shalt  }
0x86: {  	_ =	shalt  }
0x87: {  	_ =	shalt  }
.Lfunc_end0:
.L_simem_size_0:
called_computation_lowered:
.L_overlay_start_0:
0x88: {  	s2 =	sld [smem:$0x3FD9]  }
0x89: {  	s3 =	sld [smem:$0x3FFE];
	_ =	sdelay $0x1  }
0x8a: {  	s1 =	srdreg.scid  }
0x8b: {  	s0 =	sand.u32 $0x1, s1  }
0x8c: {  	s17 =	sshll.u32 s0, $0xA;
	s2 =	sadd.s32 s3, s2  }
0x8d: {  	s2 =	sadd.s32 s2, s17  }
0x8e: {  	[smem:$0x3FC5] =	sst s2  }
0x8f: {  	_ = 	snop  }
0x90: {  	s2 =	sld [smem:$0x3FC8]  }
0x91: {  	s18 =	sld [smem:$0x3FC7];
	(tm) =	ssettm $0x1  }
0x92: {  	s4 =	sld [smem:$0x3FFB];
	_ =	sdelay $0x3  }
0x93: {  	_ =	strace s4  }
0x94: {  	s4 =	sld [smem:$0x3FFC];
	_ =	sdelay $0x3  }
0x95: {  	_ =	strace s4  }
0x96: {  	s4 =	sld [smem:$0x3FFD];
	_ =	sdelay $0x3  }
0x97: {  	_ =	strace s4  }
0x98: {  	_ =	strace $0x8FFFFFFF  }
0x99: {  	s19 =	sld [smem:$0x3FDB];
	_ =	sdelay $0x1  }
0x9a: {  	s5 =	simm.s32 $_scs_section_size  }
0x9b: {  	s6 =	simm.s32 $_size__tile_overlayer_lowered;
	s7 =	simm.s32 $_tile_overlayer_lowered  }
0x9c: {  	s22 =	simm.s32 $0x1BFF;
	s21 =	sshll.u32 s7, $0x1;
	s4 =	sadd.s32 s5, s19  }
0x9d: {  	s8 =	simm.s32 $0x0;
	s20 =	sshll.u32 s6, $0x1;
	s6 =	sadd.s32 s21, s4  }
0x9e: {  	[timem:s8], [sflag:s22] =	dma.local [hbm:s6], s20  }
0x9f: {  	_ =	swait.ge [sflag:s22], s20  }
0xa0: {  	s5 =	ssub.s32 $0x0, s20;
	[sflag:s22] =	ssyncset.done $0x0  }
0xa1: {  	[sflag:s22] =	ssyncadd.s32 s5;
	_ =	sdelay $0x1  }
0xa2: {  	s23 =	simm.s32 $0x1B8B  }
0xa3: {  	_ =	swait.ge [sflag:s23], $0x1  }
0xa4: {  	[sflag:s23] =	ssyncset.done $0x0  }
0xa5: {  	s25 =	simm.s32 $0x1B8E;
	s24 =	sld [smem:$0x3FFE];
	[sflag:s23] =	ssyncadd.s32 $0xFFFFFFFF  }
0xa6: {  	s26 =	simm.s32 $execute0_lowered;
	[smem:$0x3FD2] =	sst s25  }
0xa7: {  	s6 =	sshll.u32 s26, $0x1;
	_ =	strace $0x80000046;
	[dreg:$0x1] =	wrdreg $0xFFFFFFFF  }
0xa8: {  	s28 =	simm.s32 $_size_execute0_lowered;
	s4 =	sadd.s32 s4, s6;
	[dreg:$0x0] =	wrdreg $0x0  }
0xa9: {  	s6 =	sshll.u32 s28, $0x1;
	[dreg:$0x2] =	wrdreg s4  }
0xaa: {  	[dreg:$0x3] =	wrdreg s6  }
0xab: {  	[dreg:$0x4] =	wrdreg $0xC0  }
0xac: {  	_ =	task [dreg:s8], $0x5FFFF  }
0xad: {  	[dreg:$0x1] =	wrdreg $0xFFFFFFFF  }
0xae: {  	[dreg:$0x0] =	wrdreg $0x60  }
0xaf: {  	[dreg:$0x2] =	wrdreg s2  }
0xb0: {  	[dreg:$0x3] =	wrdreg s18  }
0xb1: {  	[dreg:$0x4] =	wrdreg s24  }
0xb2: {  	[dreg:$0x5] =	wrdreg $0x9  }
0xb3: {  	_ =	task.clear_ibuf [dreg:s8], $0x6FFFF;
	_ =	strace $0x90000046  }
0xb4: {  	s29 =	simm.s32 $0x9;
	_ =	strace $0x80000048  }
0xb5: {  	_ =	swait.ge [sflag:s29], $0x1  }
0xb6: {  	[sflag:s29] =	ssyncadd.s32 $0xFFFFFFFF  }
0xb7: {  	_ =	strace $0x90000048  }
0xb8: {  	_ =	sfence  }
0xb9: {  	s30 =	sld [smem:$0x0];
	_ =	sdelay $0x2  }
0xba: {  	s31 =	sshll.u32 s1, $0xD;
	s1 =	sshrl.u32 s1, $0x2  }
0xbb: {  	s3 =	sand.u32 $0x4000, s31;
	s1 =	sadd.s32 s1, s30  }
0xbc: {  	s0 =	sor.u32 s3, s0;
	s1 =	sshll.u32 s1, $0x11  }
0xbd: {  	s0 =	sor.u32 s1, s0  }
0xbe: {  	s0 =	sadd.s32 $0x8F2B, s0  }
0xbf: {  	[sflag:s0] =	ssyncadd.remote.s32 $0x1  }
0xc0: {  	_ =	sfence.sel $0xFFFF  }
0xc1: {  	[dreg:$0x0] =	wrdreg $0xFFFFFFFF;
	(pc) =	sbr.abs _section_cstart, $3  }
0xc2: {  	[dreg:$0x1] =	wrdreg $0xFFFFFFFF  }
0xc3: {  	_ =	task.clear_ibuf [dreg:s8], $0x2FFFF;
	_ =	strace $0x9FFFFFFF  }
0xc4: {  	(tm) =	ssettm $0x7FFFFFFF  }
0xc5: {  	_ =	shalt  }
tec
execute0_lowered:
.L_overlay_start_1:
0x0: {  	(tag) =	ssettag $0x1  }
0x1: {  	s1 =	rddreg [dreg:$0x0]  }
0x2: {  	s2 =	rddreg [dreg:$0x2]  }
0x3: {  	s0 =	srdreg.scid;
	s13 =	stileid.u32  }
0x4: {  	s4 =	simm.s32 $0x0;
	s3 =	sand.u32 $0x1, s0;
	s18 =	sshll.u32 s13, $0x1  }
0x5: {  	s28 =	simm.s32 $0x2;
	s31 =	simm.s32 $0x3;
	s0 =	sor.u32 s3, s18  }
0x6: {  	[smem:$0x7FF] =	sst s4;
	s5 =	sadd.s32 $0x800, s2;
	s6 =	smul.u32 $0xF4, s0  }
0x7: {  	s2 =	sadd.s32 $0x3D1000, s2;
	p1 =	sgt.u32 s13, $0x1;
	s7 =	smul.u32 $0x7A00, s0  }
0x8: {  	v0 =	vimm.s32 $0x1380;
	vm0 =	vcmask $0x300;
	v1 =	vimm.s32 $0x3380;
	_ =	strace $0x80000047;
	s3 =	ssub.s32 $0x2, s3;
	s11 =	smul.u32 $0x3D000, s0  }
0x9: {  	vm1 =	vcmask $0x704;
	v0 =	vsel vm0, $0x0, v0;
	v1 =	vsel vm0, $0x2000, v1;
	[dreg:$0xb] =	wrdreg s2;
	s8 =	sshrl.u32 s3, $0x1;
	s9 =	smul.u32 $0x1E800, s0  }
0xa: {  	vm15 =	vcmask $0xB08;
	v0 =	vsel vm1, $0x80, v0;
	v1 =	vsel vm1, $0x2080, v1;
	s10 =	smul.u32 $0xF4000, s0;
	s25 =	sor.u32 $0x1E80, s0;
	p0 =	sne.s32 s0, $0x1F  }
0xb: {  	vm4 =	vcmask $0xF0C;
	v0 =	vsel vm15, $0x100, v0;
	v1 =	vsel vm15, $0x2100, v1;
	s0 =	simm.s32 $0x0;
	s3 =	ssub.s32 s3, s8;
	s26 =	sshll.u32 s25, $0x7  }
0xc: {  	vm5 =	vcmask $0x1310;
	v0 =	vsel vm4, $0x180, v0;
	v1 =	vsel vm4, $0x2180, v1;
	s6 =	sadd.s32 $0x4, s6;
	s7 =	sadd.s32 s1, s7;
	s8 =	sadd.s32 $0x2000, s11  }
0xd: {  	vm6 =	vcmask $0x1714;
	s9 =	sadd.s32 s5, s9;
	v0 =	vsel vm5, $0x200, v0;
	v1 =	vsel vm5, $0x2200, v1;
	s12 =	sadd.s32 $0x3000, s11;
	s23 =	sshrl.u32 s10, $0x3  }
0xe: {  	vm7 =	vcmask $0x1B18;
	s16 =	sadd.s32 s1, s26;
	s30 =	smax.u32 s3, $0x1;
	s26 =	simm.s32 $0xC000;
	v0 =	vsel vm6, $0x280, v0;
	v1 =	vsel vm6, $0x2280, v1  }
0xf: {  	vm8 =	vcmask $0x1F1C;
	s19 =	sshll.u32 s6, $0x7;
	[dreg:$0x4] =	wrdreg s7;
	s21 =	sshrl.u32 s8, $0x3;
	v0 =	vsel vm7, $0x300, v0;
	v1 =	vsel vm7, $0x2300, v1  }
0x10: {  	vm9 =	vcmask $0x2320;
	s6 =	sshll.u32 s6, $0x9;
	s22 =	sshrl.u32 s12, $0x3;
	s24 =	sadd.s32 s5, s23;
	v0 =	vsel vm8, $0x380, v0;
	v1 =	vsel vm8, $0x2380, v1  }
0x11: {  	vm10 =	vcmask $0x2724;
	[dreg:$0xc] =	wrdreg s30;
	s23 =	simm.s32 $0x4000;
	s20 =	sadd.s32 s1, s19;
	v0 =	vsel vm9, $0x1000, v0;
	v1 =	vsel vm9, $0x3000, v1  }
0x12: {  	vm11 =	vcmask $0x2B28;
	s7 =	sadd.s32 s1, s21;
	s6 =	sadd.s32 s5, s6;
	[dreg:$0x5] =	wrdreg s20;
	v0 =	vsel vm10, $0x1080, v0;
	v1 =	vsel vm10, $0x3080, v1  }
.Ltmp0:
0x13: {  	vm12 =	vcmask $0x2F2C;
	s21 =	simm.s32 $0x1000;
	[dreg:$0x6] =	wrdreg s7;
	v0 =	vsel vm11, $0x1100, v0;
	v1 =	vsel vm11, $0x3100, v1;
	(pc) =	sbr.rel .LBB2_1-.Ltmp0, $4  }
0x14: {  	vm13 =	vcmask $0x3330;
	[dreg:$0x7] =	wrdreg s6;
	s6 =	sadd.s32 s1, s22;
	s7 =	sshll.u32 s25, $0x9;
	v0 =	vsel vm12, $0x1180, v0;
	v1 =	vsel vm12, $0x3180, v1  }
0x15: {  	vm14 =	vcmask $0x3734;
	s20 =	sadd.s32 $0x800, s9;
	[dreg:$0x8] =	wrdreg s6;
	s6 =	sadd.s32 $0x1E000, s24;
	v0 =	vsel vm13, $0x1200, v0;
	v1 =	vsel vm13, $0x3200, v1  }
0x16: {  	vm15 =	vcmask $0x3B38;
	s22 =	simm.s32 $0x7A1400;
	s29 =	sadd.s32 s5, s7;
	[dreg:$0x9] =	wrdreg s6;
	v0 =	vsel vm14, $0x1280, v0;
	v1 =	vsel vm14, $0x3280, v1  }
0x17: {  	s25 =	simm.s32 $0x8000;
	s24 =	simm.s32 $0x1;
	[dreg:$0xa] =	wrdreg s29;
	v0 =	vsel vm15, $0x1300, v0;
	v1 =	vsel vm15, $0x3300, v1  }
.LBB2_18:
0x18: {  	s2 =	simm.s32 @!p0 $0x0;
	s3 =	simm.s32 @!p0 $0x8000;
	s6 =	rddreg [dreg:$0x1]  }
0x19: {  	[tilespmem:s3], [sflag:$0x3] =	stream.linear.gather @!p0 [hbm4b:s6+s2], $0x800, $0x38;
	[tilespmem:$0x10000] =	vst v63  }
0x1a: {  	s6 =	simm.s32 @!p0 $0x3  }
0x1b: {  	_ =	swait.ge @!p0 [sflag:s6], $0x800  }
0x1c: {  	[sflag:s6] =	ssyncset.done @!p0 $0x0  }
0x1d: {  	s7 =	rddreg [dreg:$0xb];
	[sflag:s6] =	ssyncadd.s32 @!p0 $0xFFFFF800  }
0x1e: {  	[hbm4b:s7+s2] =	stream.linear.scatter @!p0 [tilespmem:s3], [sflag:$0x3], $0x800, $0x38;
	[tilespmem:$0x10000] =	vst v63  }
0x1f: {  	_ =	swait.ge @!p0 [sflag:s6], $0x800  }
0x20: {  	s0 =	sadd.s32 $0x1, s0;
	s30 =	rddreg [dreg:$0xc]  }
0x21: {  	p2 =	sne.s32 s0, s30  }
.Ltmp1:
0x22: {  	_ = 	snop;
	(pc) =	sbr.rel @!p2 .LBB2_19-.Ltmp1, $3  }
0x23: {  	_ =	sdelay $0x1  }
0x24: {  	[sflag:s6] =	ssyncset.done @!p0 $0x0  }
0x25: {  	[sflag:s6] =	ssyncadd.s32 @!p0 $0xFFFFF800  }
.LBB2_1:
0x26: {  	s2 =	simm.s32 $0x4  }
0x27: {  	s3 =	sand.u32 $0x180, s4;
	s2 =	sand.u32 $0x7C, s2  }
0x28: {  	s7 =	sor.u32 s3, s2  }
0x29: {  	v3 =	vmov s4;
	v2 =	vmov s7  }
0x2a: {  	v5 =	vand.u32 $0x78, v3;
	v4 =	vshll.u32 v2, $0x3  }
0x2b: {  	s6 =	rddreg [dreg:$0x4];
	s11 =	simm.s32 $0x1;
	v3 =	vshll.u32 v3, $0x3;
	v2 =	vand.u32 $0x7C, v2;
	v4 =	vand.u32 $0xC00, v4  }
0x2c: {  	[tilespmem:s4], [sflag:$0x1] =	stream.strided.gather [hbm4b:s6+s21], $0x4000, s22, s21, $0x38;
	v6 =	vmov s11;
	v3 =	vand.u32 $0xC00, v3;
	v2 =	vor.u32 v2, v4;
	[tilespmem:$0x10000] =	vst v63  }
0x2d: {  	s13 =	rddreg [dreg:$0x5];
	s15 =	simm.s32 $0x3;
	v3 =	vor.u32 v5, v3;
	v4 =	vshll.u32 v6, $0x3;
	v7 =	vor.u32 v0, v2  }
0x2e: {  	[tilespmem:s23], [sflag:$0x1] =	stream.strided.gather [hbm4b:s13+s21], $0x4000, s22, s21, $0x38;
	v5 =	vand.u32 $0x79, v6;
	v6 =	vor.u32 v0, v3;
	v4 =	vand.u32 $0xC00, v4;
	[tilespmem:$0x10000] =	vst v63  }
0x2f: {  	s14 =	simm.s32 $0x2;
	s18 =	simm.s32 $0x8;
	v10 =	vmov s15;
	_ =	swait.ge [sflag:s24], $0x4000;
	v4 =	vor.u32 v5, v4  }
0x30: {  	v14 =	vmov s18;
	[sflag:s24] =	ssyncset.done $0x0;
	v5 =	vmov s14;
	v8 =	vor.u32 v0, v4  }
0x31: {  	[sflag:s24] =	ssyncadd.s32 $0xFFFFC000;
	v9 =	vshll.u32 v5, $0x3;
	v11 =	vor.u32 v1, v4;
	v4 =	vshll.u32 v10, $0x3  }
0x32: {  	v5 =	vand.u32 $0x7A, v5;
	v9 =	vand.u32 $0xC00, v9;
	v4 =	vand.u32 $0xC00, v4;
	v13 =	vld.idx.msk [tilespmem:v7+s4+$0x0], $0xffff  }
0x33: {  	s17 =	sor.u32 $0x1, s7;
	v5 =	vor.u32 v5, v9;
	v9 =	vor.u32 v1, v2;
	v2 =	vand.u32 $0x7B, v10;
	v6 =	vld.idx.msk [tilespmem:v6+s4+$0x0], $0xffff  }
0x34: {  	v3 =	vor.u32 v1, v3;
	v2 =	vor.u32 v2, v4;
	v4 =	vmov s17  }
0x35: {  	s3 =	sand.u32 $0x180, s18;
	s18 =	simm.s32 $0x13;
	v10 =	vor.u32 v0, v5;
	v7 =	vor.u32 v1, v5;
	v5 =	vshll.u32 v4, $0x3  }
0x36: {  	s6 =	simm.s32 $0xC;
	s2 =	simm.s32 $0x8080;
	v25 =	vmov s18;
	v4 =	vand.u32 $0x7D, v4;
	v5 =	vand.u32 $0xC00, v5  }
0x37: {  	s6 =	sand.u32 $0x7C, s6;
	s14 =	simm.s32 $0x10;
	v4 =	vor.u32 v4, v5;
	[tilespmem:s2+$0x0] =	vst v13;
	v13 =	vand.u32 $0x78, v14;
	v14 =	vshll.u32 v14, $0x3  }
0x38: {  	s11 =	simm.s32 $0x9;
	s29 =	sor.u32 s3, s6;
	v22 =	vmov s14;
	[tilespmem:s2+$0xFFFFFF80] =	vst v6;
	v6 =	vor.u32 v0, v4;
	v9 =	vld.idx.msk [tilespmem:v9+s4+$0x0], $0xffff;
	v5 =	vand.u32 $0xC00, v14  }
0x39: {  	v3 =	vld.idx.msk [tilespmem:v3+s4+$0x0], $0xffff;
	v14 =	vmov s11;
	v5 =	vor.u32 v13, v5;
	v13 =	vmov s29  }
0x3a: {  	v12 =	vor.u32 v0, v2;
	v15 =	vshll.u32 v14, $0x3;
	v16 =	vshll.u32 v13, $0x3  }
0x3b: {  	v14 =	vand.u32 $0x79, v14;
	v13 =	vand.u32 $0x7C, v13;
	v16 =	vand.u32 $0xC00, v16  }
0x3c: {  	v15 =	vand.u32 $0xC00, v15;
	v17 =	vor.u32 v0, v5;
	v13 =	vor.u32 v13, v16  }
0x3d: {  	s11 =	sor.u32 $0x2, s7;
	v14 =	vor.u32 v14, v15;
	v15 =	vor.u32 v1, v5;
	[tilespmem:s2+$0x10] =	vst v9;
	v5 =	vor.u32 v0, v13  }
0x3e: {  	s19 =	simm.s32 $0xA;
	v2 =	vor.u32 v1, v2;
	v4 =	vor.u32 v1, v4;
	v20 =	vmov s11;
	[tilespmem:s2+$0xFFFFFF90] =	vst v3;
	v6 =	vld.idx.msk [tilespmem:v6+s4+$0x0], $0xffff  }
0x3f: {  	s30 =	simm.s32 $0xB;
	v16 =	vor.u32 v0, v14;
	v14 =	vor.u32 v1, v14;
	v9 =	vmov s19;
	v8 =	vld.idx.msk [tilespmem:v8+s4+$0x0], $0xffff  }
0x40: {  	v3 =	vmov s30;
	v18 =	vand.u32 $0x7A, v9;
	v9 =	vshll.u32 v9, $0x3  }
0x41: {  	v19 =	vshll.u32 v3, $0x3;
	v13 =	vor.u32 v1, v13;
	v9 =	vand.u32 $0xC00, v9;
	v17 =	vld.idx.msk [tilespmem:v17+s4+$0x0], $0xffff  }
0x42: {  	v9 =	vor.u32 v18, v9;
	v18 =	vand.u32 $0xC00, v19;
	v19 =	vshll.u32 v20, $0x3;
	v21 =	vld.idx.msk [tilespmem:v5+s4+$0x0], $0xffff  }
0x43: {  	s13 =	sor.u32 $0x1, s29;
	v3 =	vand.u32 $0x7B, v3;
	v19 =	vand.u32 $0xC00, v19;
	v5 =	vand.u32 $0x7E, v20;
	[tilespmem:s2+$0x20] =	vst v6  }
0x44: {  	v3 =	vor.u32 v3, v18;
	[tilespmem:s2+$0xFFFFFFA0] =	vst v8;
	v8 =	vmov s13;
	v19 =	vor.u32 v5, v19;
	v20 =	vld.idx.msk [tilespmem:v4+s4+$0x0], $0xffff  }
0x45: {  	s3 =	simm.s32 $0x8180;
	v6 =	vor.u32 v0, v9;
	v5 =	vor.u32 v1, v9;
	v11 =	vld.idx.msk [tilespmem:v11+s4+$0x0], $0xffff;
	v9 =	vor.u32 v0, v19  }
0x46: {  	s15 =	simm.s32 $0x14;
	v18 =	vshll.u32 v8, $0x3;
	v8 =	vand.u32 $0x7D, v8;
	v4 =	vor.u32 v0, v3;
	[tilespmem:s3+$0xFFFFFF80] =	vst v17  }
0x47: {  	s6 =	sand.u32 $0x180, s14;
	s11 =	sand.u32 $0x7C, s15;
	v18 =	vand.u32 $0xC00, v18;
	v15 =	vld.idx.msk [tilespmem:v15+s4+$0x0], $0xffff;
	[tilespmem:s3+$0x0] =	vst v21;
	v21 =	vand.u32 $0x78, v22;
	v22 =	vshll.u32 v22, $0x3  }
0x48: {  	s6 =	sor.u32 s6, s11;
	v3 =	vor.u32 v1, v3;
	v17 =	vor.u32 v8, v18;
	v13 =	vld.idx.msk [tilespmem:v13+s4+$0x0], $0xffff;
	v8 =	vand.u32 $0xC00, v22  }
0x49: {  	s13 =	simm.s32 $0x11;
	[tilespmem:s2+$0x30] =	vst v20;
	v20 =	vor.u32 v0, v17;
	v8 =	vor.u32 v21, v8;
	v21 =	vmov s6  }
0x4a: {  	v18 =	vmov s13;
	[tilespmem:s2+$0xFFFFFFB0] =	vst v11;
	v11 =	vor.u32 v1, v19;
	v22 =	vld.idx.msk [tilespmem:v9+s4+$0x0], $0xffff;
	v24 =	vshll.u32 v21, $0x3  }
0x4b: {  	v9 =	vshll.u32 v18, $0x3;
	v19 =	vand.u32 $0x7C, v21;
	v21 =	vand.u32 $0xC00, v24;
	v24 =	vld.idx.msk [tilespmem:v10+s4+$0x0], $0xffff  }
0x4c: {  	s7 =	sor.u32 $0x3, s7;
	v18 =	vand.u32 $0x79, v18;
	[tilespmem:s3+$0xFFFFFF90] =	vst v15;
	v9 =	vand.u32 $0xC00, v9;
	v19 =	vor.u32 v19, v21  }
0x4d: {  	v16 =	vld.idx.msk [tilespmem:v16+s4+$0x0], $0xffff;
	v9 =	vor.u32 v18, v9;
	v18 =	vmov s7;
	[tilespmem:s3+$0x10] =	vst v13;
	v13 =	vor.u32 v0, v19  }
0x4e: {  	v23 =	vor.u32 v0, v8;
	v10 =	vor.u32 v1, v8;
	v15 =	vld.idx.msk [tilespmem:v20+s4+$0x0], $0xffff;
	v20 =	vshll.u32 v18, $0x3  }
0x4f: {  	s17 =	simm.s32 $0x12;
	v21 =	vor.u32 v1, v17;
	v18 =	vand.u32 $0x7F, v18;
	[tilespmem:s2+$0x40] =	vst v22;
	v20 =	vand.u32 $0xC00, v20  }
0x50: {  	v8 =	vor.u32 v0, v9;
	v22 =	vmov s17;
	v11 =	vld.idx.msk [tilespmem:v11+s4+$0x0], $0xffff;
	[tilespmem:s2+$0xFFFFFFC0] =	vst v24;
	v26 =	vor.u32 v18, v20  }
0x51: {  	s19 =	sor.u32 $0x2, s29;
	v18 =	vand.u32 $0x7A, v22;
	v20 =	vshll.u32 v22, $0x3;
	v22 =	vshll.u32 v25, $0x3;
	v24 =	vld.idx.msk [tilespmem:v7+s4+$0x0], $0xffff  }
0x52: {  	[tilespmem:s3+$0xFFFFFFA0] =	vst v16;
	v7 =	vor.u32 v0, v26;
	v20 =	vand.u32 $0xC00, v20;
	v27 =	vld.idx.msk [tilespmem:v13+s4+$0x0], $0xffff;
	v13 =	vmov s19  }
0x53: {  	v17 =	vld.idx.msk [tilespmem:v23+s4+$0x0], $0xffff;
	v28 =	vand.u32 $0xC00, v22;
	v22 =	vor.u32 v1, v19;
	[tilespmem:s3+$0x20] =	vst v15;
	v15 =	vshll.u32 v13, $0x3  }
0x54: {  	v23 =	vor.u32 v18, v20;
	v20 =	vld.idx.msk [tilespmem:v14+s4+$0x0], $0xffff;
	v13 =	vand.u32 $0x7E, v13;
	v16 =	vand.u32 $0xC00, v15  }
0x55: {  	v9 =	vor.u32 v1, v9;
	v19 =	vld.idx.msk [tilespmem:v21+s4+$0x0], $0xffff;
	v21 =	vand.u32 $0x7B, v25;
	v18 =	vor.u32 v13, v16  }
0x56: {  	s30 =	sor.u32 $0x1, s6;
	v15 =	vor.u32 v0, v23;
	[tilespmem:s2+$0x50] =	vst v11;
	v13 =	vor.u32 v21, v28;
	v21 =	vor.u32 v0, v18  }
0x57: {  	s17 =	simm.s32 $0x8280;
	v11 =	vor.u32 v1, v23;
	v23 =	vmov s30;
	v16 =	vor.u32 v1, v26;
	v14 =	vld.idx.msk [tilespmem:v7+s4+$0x0], $0xffff;
	[tilespmem:s2+$0xFFFFFFD0] =	vst v24  }
0x58: {  	s11 =	simm.s32 $0x18;
	s7 =	simm.s32 $0x4;
	v7 =	vor.u32 v0, v13;
	v13 =	vor.u32 v1, v13;
	v24 =	vshll.u32 v23, $0x3;
	[tilespmem:s17+$0x0] =	vst v27;
	v12 =	vld.idx.msk [tilespmem:v12+s4+$0x0], $0xffff  }
.LBB2_2:
0x59: {  	v25 =	vmov s11;
	s13 =	sadd.s32 $0x1, s11;
	s14 =	sadd.s32 $0x4, s11;
	s7 =	sadd.s32 $0x2, s7;
	[tilespmem:s17+$0xFFFFFF80] =	vst v17;
	v17 =	vld.idx.msk [tilespmem:v22+s4+$0x0], $0xffff;
	v22 =	vand.u32 $0x7D, v23;
	v23 =	vand.u32 $0xC00, v24  }
0x5a: {  	s30 =	sand.u32 $0x180, s11;
	v24 =	vand.u32 $0x78, v25;
	v25 =	vshll.u32 v25, $0x3;
	s14 =	sand.u32 $0x7C, s14;
	p2 =	slt.u32 s7, $0x7E;
	v26 =	vld.idx.msk [tilespmem:v10+s4+$0x0], $0xffff;
	v22 =	vor.u32 v22, v23;
	[tilespmem:s3+$0x30] =	vst v19  }
0x5b: {  	s15 =	sadd.s32 $0x3, s11;
	v19 =	vmov s13;
	s13 =	sadd.s32 $0x2, s11;
	v10 =	vand.u32 $0xC00, v25;
	s14 =	sor.u32 s30, s14;
	v23 =	vor.u32 v0, v22;
	[tilespmem:s3+$0xFFFFFFB0] =	vst v20;
	v20 =	vld.idx.msk [tilespmem:v21+s4+$0x0], $0xffff  }
0x5c: {  	v21 =	vshll.u32 v19, $0x3;
	v10 =	vor.u32 v24, v10;
	v24 =	vmov s14;
	v25 =	vld.idx.msk [tilespmem:v6+s4+$0x0], $0xffff;
	[tilespmem:s2+$0x60] =	vst v14;
	v6 =	vmovc v15  }
0x5d: {  	v18 =	vor.u32 v1, v18;
	v14 =	vor.u32 v0, v10;
	v15 =	vshll.u32 v24, $0x3;
	v16 =	vld.idx.msk [tilespmem:v16+s4+$0x0], $0xffff  }
0x5e: {  	v10 =	vor.u32 v1, v10;
	v24 =	vand.u32 $0x7C, v24;
	v15 =	vand.u32 $0xC00, v15;
	[tilespmem:s2+$0xFFFFFFE0] =	vst v12  }
0x5f: {  	s30 =	sor.u32 $0x3, s29;
	s29 =	smov.u32 s6;
	s6 =	smov.u32 s14;
	v12 =	vand.u32 $0x79, v19;
	v19 =	vand.u32 $0xC00, v21;
	v15 =	vor.u32 v24, v15;
	[tilespmem:s17+$0x10] =	vst v17;
	v21 =	vld.idx.msk [tilespmem:v2+s4+$0x0], $0xffff;
	v2 =	vmovc v3  }
0x60: {  	v12 =	vor.u32 v12, v19;
	v17 =	vmov s30;
	v3 =	vmovc v13;
	v19 =	vor.u32 v0, v15;
	[tilespmem:s17+$0xFFFFFF90] =	vst v26;
	v23 =	vld.idx.msk [tilespmem:v23+s4+$0x0], $0xffff  }
0x61: {  	v24 =	vor.u32 v1, v12;
	v13 =	vld.idx.msk [tilespmem:v8+s4+$0x0], $0xffff;
	v8 =	vor.u32 v0, v12;
	[tilespmem:s3+$0x40] =	vst v20;
	v12 =	vshll.u32 v17, $0x3  }
0x62: {  	v20 =	vor.u32 v1, v22;
	[tilespmem:s3+$0xFFFFFFC0] =	vst v25;
	v25 =	vld.idx.msk [tilespmem:v18+s4+$0x0], $0xffff;
	v18 =	vand.u32 $0x7F, v17;
	v12 =	vand.u32 $0xC00, v12  }
0x63: {  	v26 =	vmov s15;
	v17 =	vld.idx.msk [tilespmem:v14+s4+$0x0], $0xffff;
	v14 =	vmov s13;
	v27 =	vor.u32 v18, v12;
	[tilespmem:s2+$0x70] =	vst v16  }
0x64: {  	s13 =	sor.u32 $0x2, s29;
	v12 =	vand.u32 $0x7A, v14;
	v14 =	vshll.u32 v14, $0x3;
	v16 =	vld.idx.msk [tilespmem:v5+s4+$0x0], $0xffff;
	v28 =	vor.u32 v0, v27;
	v5 =	vmovc v11  }
0x65: {  	v18 =	vmov s13;
	v11 =	vand.u32 $0xC00, v14;
	v14 =	vshll.u32 v26, $0x3;
	v29 =	vld.idx.msk [tilespmem:v19+s4+$0x0], $0xffff;
	[tilespmem:s2+$0xFFFFFFF0] =	vst v21;
	s2 =	smov.u32 s3;
	s3 =	smov.u32 s17  }
0x66: {  	v11 =	vor.u32 v12, v11;
	v12 =	vand.u32 $0xC00, v14;
	[tilespmem:s17+$0x20] =	vst v23;
	v14 =	vshll.u32 v18, $0x3  }
.Ltmp2:
0x67: {  	v22 =	vor.u32 v1, v15;
	[tilespmem:s17+$0xFFFFFFA0] =	vst v13;
	v19 =	vld.idx.msk [tilespmem:v20+s4+$0x0], $0xffff;
	v13 =	vand.u32 $0x7E, v18;
	v14 =	vand.u32 $0xC00, v14;
	(pc) =	sbr.rel @p2 .LBB2_2-.Ltmp2, $4  }
0x68: {  	v21 =	vand.u32 $0x7B, v26;
	v15 =	vor.u32 v0, v11;
	v20 =	vld.idx.msk [tilespmem:v9+s4+$0x0], $0xffff;
	v18 =	vor.u32 v13, v14;
	[tilespmem:s2+$0x50] =	vst v25  }
0x69: {  	s13 =	sor.u32 $0x1, s6;
	v11 =	vor.u32 v1, v11;
	v12 =	vor.u32 v21, v12;
	v21 =	vor.u32 v0, v18;
	v14 =	vld.idx.msk [tilespmem:v28+s4+$0x0], $0xffff  }
0x6a: {  	v23 =	vmov s13;
	s17 =	sadd.s32 $0x100, s17;
	v25 =	vor.u32 v0, v12;
	v13 =	vor.u32 v1, v12;
	v9 =	vmovc v24;
	[tilespmem:s2+$0xFFFFFFD0] =	vst v16  }
0x6b: {  	s11 =	sadd.s32 $0x8, s11;
	v24 =	vshll.u32 v23, $0x3;
	v16 =	vor.u32 v1, v27;
	[tilespmem:s17+$0x0] =	vst v29;
	v12 =	vld.idx.msk [tilespmem:v4+s4+$0x0], $0xffff;
	v4 =	vmovc v7;
	v7 =	vmov v25  }
0x6c: {  	_ =	sdelay $0x2  }
0x6d: {  	v23 =	vand.u32 $0x7D, v23;
	v24 =	vand.u32 $0xC00, v24  }
0x6e: {  	[tilespmem:s17+$0xFFFFFF80] =	vst v17;
	v17 =	vld.idx.msk [tilespmem:v22+s4+$0x0], $0xffff;
	v22 =	vor.u32 v23, v24  }
0x6f: {  	v10 =	vld.idx.msk [tilespmem:v10+s4+$0x0], $0xffff;
	v23 =	vor.u32 v0, v22;
	_ =	sdelay $0x3  }
0x70: {  	[tilespmem:s17+$0x10] =	vst v17  }
0x71: {  	[tilespmem:s17+$0xFFFFFF90] =	vst v10;
	v10 =	vld.idx.msk [tilespmem:v23+s4+$0x0], $0xffff  }
0x72: {  	v17 =	vor.u32 v1, v22;
	v8 =	vld.idx.msk [tilespmem:v8+s4+$0x0], $0xffff  }
0x73: {  	s7 =	sor.u32 $0x2, s6  }
0x74: {  	v22 =	vmov s7  }
0x75: {  	v23 =	vshll.u32 v22, $0x3  }
0x76: {  	[tilespmem:s17+$0x20] =	vst v10;
	v10 =	vand.u32 $0x7E, v22;
	v22 =	vand.u32 $0xC00, v23  }
0x77: {  	[tilespmem:s17+$0xFFFFFFA0] =	vst v8;
	v8 =	vld.idx.msk [tilespmem:v17+s4+$0x0], $0xffff;
	v10 =	vor.u32 v10, v22  }
0x78: {  	v9 =	vld.idx.msk [tilespmem:v9+s4+$0x0], $0xffff;
	v17 =	vor.u32 v0, v10  }
0x79: {  	[tilespmem:s3+$0xFFFFFFB0] =	vst v20  }
0x7a: {  	[tilespmem:s3+$0x30] =	vst v19;
	v6 =	vld.idx.msk [tilespmem:v6+s4+$0x0], $0xffff  }
0x7b: {  	v19 =	vld.idx.msk [tilespmem:v21+s4+$0x0], $0xffff  }
0x7c: {  	[tilespmem:s17+$0x30] =	vst v8  }
0x7d: {  	v18 =	vor.u32 v1, v18;
	s15 =	sor.u32 $0x3, s29;
	[tilespmem:s17+$0xFFFFFFB0] =	vst v9;
	v8 =	vld.idx.msk [tilespmem:v17+s4+$0x0], $0xffff  }
0x7e: {  	v10 =	vor.u32 v1, v10;
	v9 =	vmov s15;
	v15 =	vld.idx.msk [tilespmem:v15+s4+$0x0], $0xffff  }
0x7f: {  	s18 =	sor.u32 $0x3, s6;
	[tilespmem:s3+$0xFFFFFFC0] =	vst v6;
	v17 =	vshll.u32 v9, $0x3  }
0x80: {  	[tilespmem:s3+$0x40] =	vst v19;
	v19 =	vmov s18;
	v5 =	vld.idx.msk [tilespmem:v5+s4+$0x0], $0xffff;
	v9 =	vand.u32 $0x7F, v9;
	v17 =	vand.u32 $0xC00, v17  }
0x81: {  	v9 =	vor.u32 v9, v17;
	v17 =	vshll.u32 v19, $0x3  }
0x82: {  	v6 =	vld.idx.msk [tilespmem:v18+s4+$0x0], $0xffff;
	v17 =	vand.u32 $0xC00, v17;
	[tilespmem:s17+$0x40] =	vst v8;
	v8 =	vand.u32 $0x7F, v19  }
0x83: {  	v18 =	vor.u32 v0, v9;
	[tilespmem:s17+$0xFFFFFFC0] =	vst v15;
	v10 =	vld.idx.msk [tilespmem:v10+s4+$0x0], $0xffff;
	v8 =	vor.u32 v8, v17  }
0x84: {  	v11 =	vld.idx.msk [tilespmem:v11+s4+$0x0], $0xffff;
	v15 =	vor.u32 v0, v8  }
0x85: {  	[tilespmem:s3+$0xFFFFFFD0] =	vst v5  }
0x86: {  	v4 =	vld.idx.msk [tilespmem:v4+s4+$0x0], $0xffff  }
0x87: {  	[tilespmem:s3+$0x50] =	vst v6  }
0x88: {  	v6 =	vld.idx.msk [tilespmem:v18+s4+$0x0], $0xffff;
	[tilespmem:s17+$0x50] =	vst v10  }
0x89: {  	v5 =	vor.u32 v1, v9;
	[tilespmem:s17+$0xFFFFFFD0] =	vst v11;
	v9 =	vld.idx.msk [tilespmem:v15+s4+$0x0], $0xffff  }
0x8a: {  	[tilespmem:s2+$0xFFFFFFE0] =	vst v12;
	v8 =	vor.u32 v1, v8;
	v7 =	vld.idx.msk [tilespmem:v7+s4+$0x0], $0xffff  }
0x8b: {  	v2 =	vld.idx.msk [tilespmem:v2+s4+$0x0], $0xffff;
	[tilespmem:s3+$0xFFFFFFE0] =	vst v4  }
0x8c: {  	[tilespmem:s2+$0x60] =	vst v14;
	v3 =	vld.idx.msk [tilespmem:v3+s4+$0x0], $0xffff  }
0x8d: {  	v10 =	vld.idx.msk [tilespmem:v16+s4+$0x0], $0xffff;
	[tilespmem:s3+$0x60] =	vst v6  }
0x8e: {  	v5 =	vld.idx.msk [tilespmem:v5+s4+$0x0], $0xffff;
	[tilespmem:s17+$0x60] =	vst v9  }
0x8f: {  	[tilespmem:s17+$0xFFFFFFE0] =	vst v7;
	v4 =	vld.idx.msk [tilespmem:v8+s4+$0x0], $0xffff  }
0x90: {  	[tilespmem:s2+$0xFFFFFFF0] =	vst v2;
	v6 =	vld.idx.msk [tilespmem:v13+s4+$0x0], $0xffff  }
0x91: {  	s19 =	simm.s32 $0x4;
	s30 =	simm.s32 $0x0;
	[tilespmem:s3+$0xFFFFFFF0] =	vst v3  }
0x92: {  	s13 =	simm.s32 $0x1;
	s11 =	sand.u32 $0x180, s30;
	[tilespmem:s2+$0x70] =	vst v10;
	s2 =	sand.u32 $0x7C, s19  }
0x93: {  	v2 =	vmov s30;
	v3 =	vmov s13;
	s6 =	sor.u32 s11, s2;
	[tilespmem:s3+$0x70] =	vst v5  }
0x94: {  	v5 =	vand.u32 $0x78, v2;
	v2 =	vshll.u32 v2, $0x3;
	[tilespmem:s17+$0x70] =	vst v4;
	v4 =	vmov s6  }
0x95: {  	v7 =	vshll.u32 v3, $0x3;
	v2 =	vand.u32 $0xC00, v2;
	[tilespmem:s17+$0xFFFFFFF0] =	vst v6;
	v6 =	vshll.u32 v4, $0x3  }
0x96: {  	v2 =	vor.u32 v5, v2;
	[hbm4b:s9+s4] =	stream.linear.scatter [tilespmem:s25], [sflag:$0x2], $0x4000, $0x38;
	v4 =	vand.u32 $0x7C, v4;
	v6 =	vand.u32 $0xC00, v6;
	[tilespmem:$0x10000] =	vst v63  }
0x97: {  	s11 =	simm.s32 $0x9;
	v5 =	vand.u32 $0xC00, v7;
	v7 =	vor.u32 v0, v2;
	s14 =	rddreg [dreg:$0x6];
	v4 =	vor.u32 v4, v6  }
0x98: {  	[tilespmem:s4], [sflag:$0x1] =	stream.strided.gather [hbm4b:s14+s21], $0x4000, s22, s21, $0x38;
	v6 =	vor.u32 v0, v4;
	[tilespmem:$0x10000] =	vst v63  }
0x99: {  	s15 =	simm.s32 $0x2;
	v3 =	vand.u32 $0x79, v3;
	v15 =	vmov s11;
	_ =	swait.ge [sflag:s24], $0x4000  }
0x9a: {  	s18 =	sor.u32 $0x1, s6;
	v3 =	vor.u32 v3, v5;
	v5 =	vor.u32 v1, v2;
	v2 =	vmov s15;
	[sflag:s24] =	ssyncset.done $0x0  }
0x9b: {  	v13 =	vmov s18;
	v16 =	vshll.u32 v15, $0x3;
	s17 =	simm.s32 $0x3;
	v9 =	vshll.u32 v2, $0x3;
	[sflag:s24] =	ssyncadd.s32 $0xFFFFC000  }
0x9c: {  	v2 =	vand.u32 $0x7A, v2;
	v10 =	vmov s17;
	v9 =	vand.u32 $0xC00, v9;
	v7 =	vld.idx.msk [tilespmem:v7+s23+$0x0], $0xffff  }
0x9d: {  	v14 =	vshll.u32 v13, $0x3;
	v11 =	vshll.u32 v10, $0x3;
	v2 =	vor.u32 v2, v9;
	v6 =	vld.idx.msk [tilespmem:v6+s23+$0x0], $0xffff  }
0x9e: {  	v10 =	vand.u32 $0x7B, v10;
	v9 =	vand.u32 $0xC00, v11;
	v4 =	vor.u32 v1, v4  }
0x9f: {  	v16 =	vand.u32 $0xC00, v16;
	v12 =	vor.u32 v0, v2;
	v10 =	vor.u32 v10, v9  }
0xa0: {  	s30 =	simm.s32 $0x8;
	s19 =	simm.s32 $0xC;
	s2 =	simm.s32 $0xC0F0;
	v9 =	vor.u32 v1, v2;
	v11 =	vor.u32 v0, v10;
	v2 =	vor.u32 v1, v10  }
0xa1: {  	s13 =	sand.u32 $0x180, s30;
	s3 =	sand.u32 $0x7C, s19;
	v10 =	vand.u32 $0x7D, v13;
	v13 =	vand.u32 $0xC00, v14;
	v14 =	vmov s30;
	[tilespmem:s2+$0xFFFFFF10] =	vst v7  }
0xa2: {  	s29 =	sor.u32 s13, s3;
	v8 =	vor.u32 v0, v3;
	v5 =	vld.idx.msk [tilespmem:v5+s23+$0x0], $0xffff;
	[tilespmem:s2+$0xFFFFFF90] =	vst v6;
	v6 =	vor.u32 v10, v13;
	v13 =	vshll.u32 v14, $0x3  }
0xa3: {  	v10 =	vand.u32 $0x78, v14;
	v14 =	vmov s29;
	v4 =	vld.idx.msk [tilespmem:v4+s23+$0x0], $0xffff;
	v13 =	vand.u32 $0xC00, v13  }
0xa4: {  	s13 =	simm.s32 $0xA;
	v7 =	vor.u32 v0, v6;
	v10 =	vor.u32 v10, v13;
	v13 =	vshll.u32 v14, $0x3  }
0xa5: {  	v18 =	vmov s13;
	s15 =	sor.u32 $0x2, s6;
	v14 =	vand.u32 $0x7C, v14;
	v13 =	vand.u32 $0xC00, v13  }
0xa6: {  	v3 =	vor.u32 v1, v3;
	v19 =	vmov s15;
	v13 =	vor.u32 v14, v13  }
0xa7: {  	s30 =	simm.s32 $0x11;
	v17 =	vor.u32 v0, v10;
	v14 =	vand.u32 $0x79, v15;
	[tilespmem:s2+$0xFFFFFF20] =	vst v5;
	v15 =	vor.u32 v0, v13  }
0xa8: {  	v23 =	vmov s30;
	v10 =	vor.u32 v1, v10;
	v8 =	vld.idx.msk [tilespmem:v8+s23+$0x0], $0xffff;
	[tilespmem:s2+$0xFFFFFFA0] =	vst v4;
	v4 =	vor.u32 v14, v16  }
0xa9: {  	v14 =	vor.u32 v1, v6;
	v6 =	vshll.u32 v18, $0x3;
	v5 =	vld.idx.msk [tilespmem:v7+s23+$0x0], $0xffff;
	v7 =	vor.u32 v0, v4  }
0xaa: {  	s14 =	simm.s32 $0xB;
	v16 =	vor.u32 v1, v4;
	v4 =	vand.u32 $0xC00, v6;
	v6 =	vand.u32 $0x7A, v18  }
0xab: {  	v13 =	vor.u32 v1, v13;
	v18 =	vmov s14;
	v4 =	vor.u32 v6, v4  }
0xac: {  	v20 =	vshll.u32 v18, $0x3;
	v6 =	vshll.u32 v19, $0x3;
	v19 =	vand.u32 $0x7E, v19;
	v15 =	vld.idx.msk [tilespmem:v15+s23+$0x0], $0xffff  }
0xad: {  	s17 =	sor.u32 $0x1, s29;
	v17 =	vld.idx.msk [tilespmem:v17+s23+$0x0], $0xffff;
	v18 =	vand.u32 $0x7B, v18;
	v21 =	vand.u32 $0xC00, v6;
	v20 =	vand.u32 $0xC00, v20;
	[tilespmem:s2+$0xFFFFFF30] =	vst v8  }
0xae: {  	v19 =	vor.u32 v19, v21;
	v18 =	vor.u32 v18, v20;
	v20 =	vmov s17;
	v21 =	vld.idx.msk [tilespmem:v3+s23+$0x0], $0xffff;
	[tilespmem:s2+$0xFFFFFFB0] =	vst v5  }
0xaf: {  	v6 =	vor.u32 v0, v4;
	v22 =	vshll.u32 v20, $0x3;
	v3 =	vor.u32 v1, v18;
	v8 =	vld.idx.msk [tilespmem:v14+s23+$0x0], $0xffff  }
0xb0: {  	s18 =	simm.s32 $0x14;
	s19 =	simm.s32 $0x10;
	s3 =	simm.s32 $0xC1F0;
	v5 =	vor.u32 v0, v18;
	v18 =	vand.u32 $0x7D, v20;
	v14 =	vor.u32 v0, v19  }
0xb1: {  	s7 =	sand.u32 $0x7C, s18;
	s14 =	sand.u32 $0x180, s19;
	v20 =	vand.u32 $0xC00, v22;
	v22 =	vmov s19;
	v19 =	vor.u32 v1, v19;
	[tilespmem:s3+$0xFFFFFF90] =	vst v15  }
0xb2: {  	s17 =	sor.u32 s14, s7;
	[tilespmem:s3+$0xFFFFFF10] =	vst v17;
	v15 =	vor.u32 v18, v20;
	v18 =	vand.u32 $0x78, v22;
	v20 =	vshll.u32 v22, $0x3;
	v13 =	vld.idx.msk [tilespmem:v13+s23+$0x0], $0xffff  }
0xb3: {  	v24 =	vld.idx.msk [tilespmem:v10+s23+$0x0], $0xffff;
	v22 =	vmov s17;
	v17 =	vor.u32 v0, v15;
	v20 =	vand.u32 $0xC00, v20  }
0xb4: {  	v10 =	vor.u32 v18, v20;
	v18 =	vshll.u32 v22, $0x3;
	v20 =	vand.u32 $0x7C, v22;
	[tilespmem:s2+$0xFFFFFFC0] =	vst v8  }
0xb5: {  	[tilespmem:s2+$0xFFFFFF40] =	vst v21;
	v8 =	vshll.u32 v23, $0x3;
	v18 =	vand.u32 $0xC00, v18;
	v21 =	vor.u32 v0, v10;
	v14 =	vld.idx.msk [tilespmem:v14+s23+$0x0], $0xffff  }
0xb6: {  	s15 =	simm.s32 $0x12;
	s6 =	sor.u32 $0x3, s6;
	v15 =	vor.u32 v1, v15;
	v12 =	vld.idx.msk [tilespmem:v12+s23+$0x0], $0xffff;
	v18 =	vor.u32 v20, v18;
	v8 =	vand.u32 $0xC00, v8  }
0xb7: {  	v20 =	vand.u32 $0x79, v23;
	v23 =	vmov s15;
	[tilespmem:s3+$0xFFFFFFA0] =	vst v13;
	v13 =	vmov s6  }
0xb8: {  	[tilespmem:s3+$0xFFFFFF20] =	vst v24;
	v22 =	vor.u32 v0, v18;
	v20 =	vor.u32 v20, v8;
	v17 =	vld.idx.msk [tilespmem:v17+s23+$0x0], $0xffff;
	v8 =	vshll.u32 v13, $0x3  }
0xb9: {  	v24 =	vld.idx.msk [tilespmem:v7+s23+$0x0], $0xffff;
	v13 =	vand.u32 $0x7F, v13;
	v7 =	vand.u32 $0xC00, v8;
	v8 =	vor.u32 v0, v20  }
0xba: {  	[tilespmem:s2+$0xFFFFFFD0] =	vst v14;
	v14 =	vshll.u32 v23, $0x3;
	v25 =	vor.u32 v13, v7;
	v7 =	vor.u32 v1, v20;
	v20 =	vld.idx.msk [tilespmem:v21+s23+$0x0], $0xffff  }
0xbb: {  	s18 =	simm.s32 $0x13;
	v4 =	vor.u32 v1, v4;
	s19 =	sor.u32 $0x2, s29;
	[tilespmem:s2+$0xFFFFFF50] =	vst v12;
	v12 =	vld.idx.msk [tilespmem:v19+s23+$0x0], $0xffff;
	v13 =	vand.u32 $0xC00, v14;
	v26 =	vor.u32 v0, v25  }
0xbc: {  	v14 =	vld.idx.msk [tilespmem:v9+s23+$0x0], $0xffff;
	v9 =	vand.u32 $0x7A, v23;
	v23 =	vmov s18;
	v19 =	vmov s19  }
0xbd: {  	v27 =	vld.idx.msk [tilespmem:v22+s23+$0x0], $0xffff;
	v22 =	vor.u32 v1, v18;
	v9 =	vor.u32 v9, v13;
	v13 =	vshll.u32 v19, $0x3;
	[tilespmem:s3+$0xFFFFFFB0] =	vst v17  }
0xbe: {  	v28 =	vshll.u32 v23, $0x3;
	v17 =	vand.u32 $0x7E, v19;
	v18 =	vld.idx.msk [tilespmem:v15+s23+$0x0], $0xffff;
	v15 =	vand.u32 $0xC00, v13  }
0xbf: {  	v10 =	vor.u32 v1, v10;
	[tilespmem:s3+$0xFFFFFF30] =	vst v24;
	v24 =	vand.u32 $0xC00, v28;
	v15 =	vor.u32 v17, v15  }
0xc0: {  	s30 =	sor.u32 $0x1, s17;
	v19 =	vld.idx.msk [tilespmem:v16+s23+$0x0], $0xffff;
	v16 =	vand.u32 $0x7B, v23;
	v13 =	vor.u32 v0, v9;
	[tilespmem:s2+$0xFFFFFFE0] =	vst v12;
	v21 =	vor.u32 v0, v15  }
0xc1: {  	s6 =	simm.s32 $0xC2F0;
	v23 =	vmov s30;
	v9 =	vor.u32 v1, v9;
	v17 =	vor.u32 v16, v24;
	[tilespmem:s2+$0xFFFFFF60] =	vst v14;
	v12 =	vld.idx.msk [tilespmem:v26+s23+$0x0], $0xffff  }
0xc2: {  	s11 =	simm.s32 $0x1C;
	s7 =	simm.s32 $0x4;
	v24 =	vshll.u32 v23, $0x3;
	v16 =	vor.u32 v0, v17;
	[tilespmem:s6+$0xFFFFFF90] =	vst v27;
	v14 =	vor.u32 v1, v25;
	v11 =	vld.idx.msk [tilespmem:v11+s23+$0x0], $0xffff  }
.LBB2_4:
0xc3: {  	s13 =	sadd.s32 $0xFFFFFFFC, s11;
	s14 =	sadd.s32 $0xFFFFFFFD, s11;
	s7 =	sadd.s32 $0x2, s7;
	[tilespmem:s6+$0xFFFFFF10] =	vst v20;
	v17 =	vor.u32 v1, v17;
	v20 =	vld.idx.msk [tilespmem:v22+s23+$0x0], $0xffff;
	v22 =	vand.u32 $0x7D, v23;
	v23 =	vand.u32 $0xC00, v24;
	v25 =	vmovc v5  }
0xc4: {  	v5 =	vmovc v16;
	s15 =	sand.u32 $0x180, s13;
	v24 =	vmov s13;
	v26 =	vmov s14;
	s14 =	sand.u32 $0x7C, s11;
	p2 =	slt.u32 s7, $0x7E;
	v27 =	vld.idx.msk [tilespmem:v10+s23+$0x0], $0xffff;
	v22 =	vor.u32 v22, v23;
	[tilespmem:s3+$0xFFFFFFC0] =	vst v18  }
0xc5: {  	s30 =	sadd.s32 $0xFFFFFFFE, s11;
	s13 =	sadd.s32 $0xFFFFFFFF, s11;
	v10 =	vand.u32 $0x78, v24;
	v16 =	vshll.u32 v24, $0x3;
	s14 =	sor.u32 s15, s14;
	v18 =	vor.u32 v0, v22;
	[tilespmem:s3+$0xFFFFFF40] =	vst v19;
	v19 =	vld.idx.msk [tilespmem:v21+s23+$0x0], $0xffff  }
0xc6: {  	v21 =	vshll.u32 v26, $0x3;
	v16 =	vand.u32 $0xC00, v16;
	v23 =	vmov s14;
	v24 =	vld.idx.msk [tilespmem:v6+s23+$0x0], $0xffff;
	[tilespmem:s2+$0xFFFFFFF0] =	vst v12;
	v6 =	vmovc v13  }
0xc7: {  	v13 =	vor.u32 v1, v15;
	v10 =	vor.u32 v10, v16;
	v12 =	vshll.u32 v23, $0x3;
	v14 =	vld.idx.msk [tilespmem:v14+s23+$0x0], $0xffff  }
0xc8: {  	v16 =	vand.u32 $0x7C, v23;
	v15 =	vor.u32 v0, v10;
	v12 =	vand.u32 $0xC00, v12;
	[tilespmem:s2+$0xFFFFFF70] =	vst v11  }
0xc9: {  	s15 =	sor.u32 $0x3, s29;
	s29 =	smov.u32 s17;
	s17 =	smov.u32 s14;
	v10 =	vor.u32 v1, v10;
	v11 =	vand.u32 $0xC00, v21;
	v12 =	vor.u32 v16, v12;
	[tilespmem:s6+$0xFFFFFFA0] =	vst v20;
	v16 =	vld.idx.msk [tilespmem:v2+s23+$0x0], $0xffff  }
0xca: {  	v23 =	vmov s15;
	v20 =	vand.u32 $0x79, v26;
	v2 =	vmovc v3;
	v3 =	vmovc v17;
	v21 =	vor.u32 v0, v12;
	[tilespmem:s6+$0xFFFFFF20] =	vst v27;
	v18 =	vld.idx.msk [tilespmem:v18+s23+$0x0], $0xffff  }
0xcb: {  	v17 =	vmov s30;
	v11 =	vor.u32 v20, v11;
	v26 =	vld.idx.msk [tilespmem:v8+s23+$0x0], $0xffff;
	[tilespmem:s3+$0xFFFFFFD0] =	vst v19;
	v8 =	vshll.u32 v23, $0x3  }
0xcc: {  	v19 =	vor.u32 v1, v22;
	[tilespmem:s3+$0xFFFFFF50] =	vst v24;
	v24 =	vld.idx.msk [tilespmem:v13+s23+$0x0], $0xffff;
	v13 =	vand.u32 $0x7F, v23;
	v22 =	vand.u32 $0xC00, v8  }
0xcd: {  	v8 =	vor.u32 v0, v11;
	v20 =	vld.idx.msk [tilespmem:v15+s23+$0x0], $0xffff;
	v15 =	vshll.u32 v17, $0x3;
	v27 =	vor.u32 v13, v22;
	[tilespmem:s2+$0x0] =	vst v14  }
0xce: {  	s14 =	sor.u32 $0x2, s29;
	v11 =	vor.u32 v1, v11;
	v13 =	vand.u32 $0xC00, v15;
	v14 =	vld.idx.msk [tilespmem:v4+s23+$0x0], $0xffff;
	v23 =	vor.u32 v0, v27;
	v4 =	vmovc v9  }
0xcf: {  	v9 =	vand.u32 $0x7A, v17;
	v17 =	vmov s13;
	v15 =	vmov s14;
	v28 =	vld.idx.msk [tilespmem:v21+s23+$0x0], $0xffff;
	[tilespmem:s2+$0xFFFFFF80] =	vst v16;
	s2 =	smov.u32 s3;
	s3 =	smov.u32 s6  }
0xd0: {  	v9 =	vor.u32 v9, v13;
	v16 =	vshll.u32 v17, $0x3;
	v13 =	vshll.u32 v15, $0x3;
	[tilespmem:s6+$0xFFFFFFB0] =	vst v18  }
.Ltmp3:
0xd1: {  	v22 =	vor.u32 v1, v12;
	v12 =	vand.u32 $0x7E, v15;
	v15 =	vand.u32 $0xC00, v13;
	[tilespmem:s6+$0xFFFFFF30] =	vst v26;
	v18 =	vld.idx.msk [tilespmem:v19+s23+$0x0], $0xffff;
	(pc) =	sbr.rel @p2 .LBB2_4-.Ltmp3, $4  }
0xd2: {  	v13 =	vor.u32 v0, v9;
	v16 =	vand.u32 $0xC00, v16;
	v15 =	vor.u32 v12, v15;
	v19 =	vld.idx.msk [tilespmem:v7+s23+$0x0], $0xffff;
	[tilespmem:s2+$0xFFFFFFE0] =	vst v24  }
0xd3: {  	s13 =	sor.u32 $0x1, s17;
	v17 =	vand.u32 $0x7B, v17;
	v9 =	vor.u32 v1, v9;
	v21 =	vor.u32 v0, v15;
	v7 =	vmovc v11;
	v12 =	vld.idx.msk [tilespmem:v23+s23+$0x0], $0xffff  }
0xd4: {  	v17 =	vor.u32 v17, v16;
	s6 =	sadd.s32 $0x100, s6;
	v23 =	vmov s13;
	[tilespmem:s2+$0xFFFFFF60] =	vst v14  }
0xd5: {  	s11 =	sadd.s32 $0x8, s11;
	v16 =	vor.u32 v0, v17;
	v24 =	vshll.u32 v23, $0x3;
	v14 =	vor.u32 v1, v27;
	[tilespmem:s6+$0xFFFFFF90] =	vst v28;
	v11 =	vld.idx.msk [tilespmem:v25+s23+$0x0], $0xffff  }
0xd6: {  	_ =	sdelay $0x2  }
0xd7: {  	v23 =	vand.u32 $0x7D, v23;
	v24 =	vand.u32 $0xC00, v24  }
0xd8: {  	[tilespmem:s6+$0xFFFFFF10] =	vst v20;
	v40 =	vld.idx.msk [tilespmem:v22+s23+$0x0], $0xffff;
	v41 =	vor.u32 v23, v24  }
0xd9: {  	v10 =	vld.idx.msk [tilespmem:v10+s23+$0x0], $0xffff;
	v23 =	vor.u32 v0, v41;
	_ =	sdelay $0x3  }
0xda: {  	[tilespmem:s6+$0xFFFFFFA0] =	vst v40  }
0xdb: {  	[tilespmem:s6+$0xFFFFFF20] =	vst v10;
	v42 =	vld.idx.msk [tilespmem:v23+s23+$0x0], $0xffff  }
0xdc: {  	v43 =	vor.u32 v1, v41;
	v8 =	vld.idx.msk [tilespmem:v8+s23+$0x0], $0xffff  }
0xdd: {  	s7 =	sor.u32 $0x2, s17  }
0xde: {  	v44 =	vmov s7  }
0xdf: {  	v45 =	vshll.u32 v44, $0x3  }
0xe0: {  	v46 =	vand.u32 $0x7E, v44;
	v47 =	vand.u32 $0xC00, v45;
	[tilespmem:s6+$0xFFFFFFB0] =	vst v42  }
0xe1: {  	v10 =	vor.u32 v46, v47;
	[tilespmem:s6+$0xFFFFFF30] =	vst v8;
	v48 =	vld.idx.msk [tilespmem:v43+s23+$0x0], $0xffff  }
0xe2: {  	v49 =	vor.u32 v0, v10;
	v7 =	vld.idx.msk [tilespmem:v7+s23+$0x0], $0xffff;
	_ =	sdelay $0x1  }
0xe3: {  	[tilespmem:s3+$0xFFFFFF40] =	vst v19  }
0xe4: {  	[tilespmem:s3+$0xFFFFFFC0] =	vst v18;
	v6 =	vld.idx.msk [tilespmem:v6+s23+$0x0], $0xffff  }
0xe5: {  	v18 =	vld.idx.msk [tilespmem:v21+s23+$0x0], $0xffff;
	[tilespmem:s6+$0xFFFFFFC0] =	vst v48  }
0xe6: {  	v15 =	vor.u32 v1, v15;
	[tilespmem:s6+$0xFFFFFF40] =	vst v7;
	v50 =	vld.idx.msk [tilespmem:v49+s23+$0x0], $0xffff  }
0xe7: {  	s19 =	sor.u32 $0x3, s29;
	v10 =	vor.u32 v1, v10;
	v13 =	vld.idx.msk [tilespmem:v13+s23+$0x0], $0xffff  }
0xe8: {  	s29 =	sor.u32 $0x3, s17;
	v51 =	vmov s19  }
0xe9: {  	v54 =	vmov s29;
	v52 =	vshll.u32 v51, $0x3;
	[tilespmem:s3+$0xFFFFFF50] =	vst v6  }
0xea: {  	v56 =	vshll.u32 v54, $0x3;
	v53 =	vand.u32 $0xC00, v52;
	[tilespmem:s3+$0xFFFFFFD0] =	vst v18;
	v4 =	vld.idx.msk [tilespmem:v4+s23+$0x0], $0xffff;
	v8 =	vand.u32 $0x7F, v51  }
0xeb: {  	v57 =	vand.u32 $0x7F, v54;
	v55 =	vld.idx.msk [tilespmem:v15+s23+$0x0], $0xffff;
	v15 =	vand.u32 $0xC00, v56;
	v8 =	vor.u32 v8, v53;
	[tilespmem:s6+$0xFFFFFFD0] =	vst v50  }
0xec: {  	v18 =	vor.u32 v0, v8;
	v7 =	vor.u32 v57, v15;
	[tilespmem:s6+$0xFFFFFF50] =	vst v13;
	v10 =	vld.idx.msk [tilespmem:v10+s23+$0x0], $0xffff  }
0xed: {  	v58 =	vor.u32 v0, v7;
	v9 =	vld.idx.msk [tilespmem:v9+s23+$0x0], $0xffff;
	_ =	sdelay $0x1  }
0xee: {  	[tilespmem:s3+$0xFFFFFF60] =	vst v4  }
0xef: {  	[tilespmem:s3+$0xFFFFFFE0] =	vst v55;
	v4 =	vld.idx.msk [tilespmem:v5+s23+$0x0], $0xffff  }
0xf0: {  	v6 =	vld.idx.msk [tilespmem:v18+s23+$0x0], $0xffff;
	[tilespmem:s6+$0xFFFFFFE0] =	vst v10  }
0xf1: {  	v59 =	vor.u32 v1, v8;
	[tilespmem:s6+$0xFFFFFF60] =	vst v9;
	v60 =	vld.idx.msk [tilespmem:v58+s23+$0x0], $0xffff  }
0xf2: {  	[tilespmem:s2+$0xFFFFFFF0] =	vst v12;
	v7 =	vor.u32 v1, v7;
	v9 =	vld.idx.msk [tilespmem:v16+s23+$0x0], $0xffff  }
0xf3: {  	v61 =	vor.u32 v1, v17;
	v12 =	vld.idx.msk [tilespmem:v14+s23+$0x0], $0xffff;
	[tilespmem:s2+$0xFFFFFF70] =	vst v11  }
0xf4: {  	v2 =	vld.idx.msk [tilespmem:v2+s23+$0x0], $0xffff;
	[tilespmem:s3+$0xFFFFFF70] =	vst v4  }
0xf5: {  	v3 =	vld.idx.msk [tilespmem:v3+s23+$0x0], $0xffff;
	[tilespmem:s3+$0xFFFFFFF0] =	vst v6  }
0xf6: {  	v5 =	vld.idx.msk [tilespmem:v59+s23+$0x0], $0xffff;
	[tilespmem:s6+$0xFFFFFFF0] =	vst v60  }
0xf7: {  	[tilespmem:s6+$0xFFFFFF70] =	vst v9;
	v62 =	vld.idx.msk [tilespmem:v7+s23+$0x0], $0xffff  }
0xf8: {  	[tilespmem:s2+$0x0] =	vst v12;
	v63 =	vld.idx.msk [tilespmem:v61+s23+$0x0], $0xffff  }
0xf9: {  	[tilespmem:s2+$0xFFFFFF80] =	vst v2  }
0xfa: {  	[tilespmem:s3+$0xFFFFFF80] =	vst v3  }
0xfb: {  	[tilespmem:s3+$0x0] =	vst v5  }
0xfc: {  	[tilespmem:s6+$0x0] =	vst v62  }
0xfd: {  	[tilespmem:s6+$0xFFFFFF80] =	vst v63  }
0xfe: {  	s2 =	rddreg [dreg:$0x7]  }
0xff: {  	[hbm4b:s2+s4] =	stream.linear.scatter [tilespmem:s26], [sflag:$0x2], $0x4000, $0x38;
	[tilespmem:$0x10000] =	vst v63  }
0x100: {  	s30 =	rddreg [dreg:$0x8];
	s2 =	simm.s32 $0x1  }
0x101: {  	[tilespmem:s23], [sflag:$0x1] =	stream.strided.gather [hbm4b:s30+s21], $0x4000, s22, s21, $0x38;
	[tilespmem:$0x10000] =	vst v63  }
.LBB2_6:
0x102: {  	s3 =	simm.s32 $0x0;
	s6 =	simm.s32 $0x4  }
0x103: {  	s7 =	sand.u32 $0x180, s3;
	s6 =	sand.u32 $0x7C, s6  }
0x104: {  	s7 =	sor.u32 s7, s6  }
0x105: {  	v3 =	vmov s3;
	v2 =	vmov s7  }
0x106: {  	v5 =	vand.u32 $0x78, v3;
	v4 =	vshll.u32 v2, $0x3  }
0x107: {  	s18 =	simm.s32 $0x1;
	v3 =	vshll.u32 v3, $0x3;
	v2 =	vand.u32 $0x7C, v2;
	v4 =	vand.u32 $0xC00, v4  }
0x108: {  	_ =	swait.ge [sflag:s28], $0x4000;
	v6 =	vmov s18;
	v3 =	vand.u32 $0xC00, v3;
	v2 =	vor.u32 v2, v4  }
0x109: {  	[sflag:s28] =	ssyncset.done $0x0;
	v3 =	vor.u32 v5, v3;
	v4 =	vshll.u32 v6, $0x3;
	v7 =	vor.u32 v0, v2  }
0x10a: {  	s13 =	simm.s32 $0x8;
	[sflag:s28] =	ssyncadd.s32 $0xFFFFC000;
	v5 =	vand.u32 $0x79, v6;
	v6 =	vor.u32 v0, v3;
	v4 =	vand.u32 $0xC00, v4  }
0x10b: {  	s19 =	simm.s32 $0x2;
	v14 =	vmov s13;
	s6 =	simm.s32 $0x3;
	_ =	swait.ge [sflag:s24], $0x4000;
	v4 =	vor.u32 v5, v4  }
0x10c: {  	v10 =	vmov s6;
	[sflag:s24] =	ssyncset.done $0x0;
	v5 =	vmov s19;
	v8 =	vor.u32 v0, v4  }
0x10d: {  	[sflag:s24] =	ssyncadd.s32 $0xFFFFC000;
	v9 =	vshll.u32 v5, $0x3;
	v11 =	vor.u32 v1, v4;
	v4 =	vshll.u32 v10, $0x3  }
0x10e: {  	v5 =	vand.u32 $0x7A, v5;
	v9 =	vand.u32 $0xC00, v9;
	v4 =	vand.u32 $0xC00, v4;
	v13 =	vld.idx.msk [tilespmem:v7+s4+$0x0], $0xffff  }
0x10f: {  	s11 =	sor.u32 $0x1, s7;
	v5 =	vor.u32 v5, v9;
	v9 =	vor.u32 v1, v2;
	v2 =	vand.u32 $0x7B, v10;
	v6 =	vld.idx.msk [tilespmem:v6+s4+$0x0], $0xffff  }
0x110: {  	v3 =	vor.u32 v1, v3;
	v2 =	vor.u32 v2, v4;
	v4 =	vmov s11  }
0x111: {  	s18 =	sor.u32 $0x2, s7;
	v10 =	vor.u32 v0, v5;
	v7 =	vor.u32 v1, v5;
	v5 =	vshll.u32 v4, $0x3  }
0x112: {  	s29 =	simm.s32 $0x8080;
	s14 =	simm.s32 $0xC;
	v20 =	vmov s18;
	v4 =	vand.u32 $0x7D, v4;
	v5 =	vand.u32 $0xC00, v5  }
0x113: {  	s3 =	sand.u32 $0x180, s13;
	s6 =	sand.u32 $0x7C, s14;
	v4 =	vor.u32 v4, v5;
	[tilespmem:s29+$0x0] =	vst v13;
	v13 =	vand.u32 $0x78, v14;
	v14 =	vshll.u32 v14, $0x3  }
0x114: {  	s3 =	sor.u32 s3, s6;
	s11 =	simm.s32 $0x9;
	v12 =	vor.u32 v0, v2;
	[tilespmem:s29+$0xFFFFFF80] =	vst v6;
	v6 =	vor.u32 v0, v4;
	v9 =	vld.idx.msk [tilespmem:v9+s4+$0x0], $0xffff;
	v5 =	vand.u32 $0xC00, v14  }
0x115: {  	v3 =	vld.idx.msk [tilespmem:v3+s4+$0x0], $0xffff;
	v14 =	vmov s11;
	v5 =	vor.u32 v13, v5;
	v13 =	vmov s3  }
0x116: {  	v2 =	vor.u32 v1, v2;
	v15 =	vshll.u32 v14, $0x3;
	v16 =	vshll.u32 v13, $0x3  }
0x117: {  	v14 =	vand.u32 $0x79, v14;
	v13 =	vand.u32 $0x7C, v13;
	v16 =	vand.u32 $0xC00, v16  }
0x118: {  	v15 =	vand.u32 $0xC00, v15;
	v17 =	vor.u32 v0, v5;
	v13 =	vor.u32 v13, v16  }
0x119: {  	s11 =	simm.s32 $0x10;
	v14 =	vor.u32 v14, v15;
	v15 =	vor.u32 v1, v5;
	[tilespmem:s29+$0x10] =	vst v9;
	v5 =	vor.u32 v0, v13  }
0x11a: {  	s15 =	simm.s32 $0xA;
	s17 =	simm.s32 $0xB;
	v4 =	vor.u32 v1, v4;
	v22 =	vmov s11;
	v16 =	vor.u32 v0, v14;
	[tilespmem:s29+$0xFFFFFF90] =	vst v3;
	v6 =	vld.idx.msk [tilespmem:v6+s4+$0x0], $0xffff  }
0x11b: {  	v14 =	vor.u32 v1, v14;
	v3 =	vmov s17;
	v9 =	vmov s15;
	v8 =	vld.idx.msk [tilespmem:v8+s4+$0x0], $0xffff  }
0x11c: {  	v19 =	vshll.u32 v3, $0x3;
	v18 =	vand.u32 $0x7A, v9;
	v9 =	vshll.u32 v9, $0x3  }
0x11d: {  	v13 =	vor.u32 v1, v13;
	v3 =	vand.u32 $0x7B, v3;
	v9 =	vand.u32 $0xC00, v9;
	v17 =	vld.idx.msk [tilespmem:v17+s4+$0x0], $0xffff  }
0x11e: {  	s17 =	simm.s32 $0x13;
	v9 =	vor.u32 v18, v9;
	v18 =	vand.u32 $0xC00, v19;
	v19 =	vshll.u32 v20, $0x3;
	v21 =	vld.idx.msk [tilespmem:v5+s4+$0x0], $0xffff  }
0x11f: {  	s19 =	sor.u32 $0x1, s3;
	v25 =	vmov s17;
	v19 =	vand.u32 $0xC00, v19;
	v5 =	vand.u32 $0x7E, v20;
	[tilespmem:s29+$0x20] =	vst v6  }
0x120: {  	v3 =	vor.u32 v3, v18;
	[tilespmem:s29+$0xFFFFFFA0] =	vst v8;
	v8 =	vmov s19;
	v19 =	vor.u32 v5, v19;
	v20 =	vld.idx.msk [tilespmem:v4+s4+$0x0], $0xffff  }
0x121: {  	s30 =	simm.s32 $0x8180;
	v6 =	vor.u32 v0, v9;
	v5 =	vor.u32 v1, v9;
	v11 =	vld.idx.msk [tilespmem:v11+s4+$0x0], $0xffff;
	v9 =	vor.u32 v0, v19  }
0x122: {  	s14 =	simm.s32 $0x14;
	v18 =	vshll.u32 v8, $0x3;
	v8 =	vand.u32 $0x7D, v8;
	v4 =	vor.u32 v0, v3;
	[tilespmem:s30+$0xFFFFFF80] =	vst v17  }
0x123: {  	s6 =	sand.u32 $0x180, s11;
	s11 =	sand.u32 $0x7C, s14;
	v18 =	vand.u32 $0xC00, v18;
	v15 =	vld.idx.msk [tilespmem:v15+s4+$0x0], $0xffff;
	[tilespmem:s30+$0x0] =	vst v21;
	v21 =	vand.u32 $0x78, v22;
	v22 =	vshll.u32 v22, $0x3  }
0x124: {  	s6 =	sor.u32 s6, s11;
	v3 =	vor.u32 v1, v3;
	v17 =	vor.u32 v8, v18;
	v13 =	vld.idx.msk [tilespmem:v13+s4+$0x0], $0xffff;
	v8 =	vand.u32 $0xC00, v22  }
0x125: {  	s13 =	simm.s32 $0x11;
	[tilespmem:s29+$0x30] =	vst v20;
	v20 =	vor.u32 v0, v17;
	v8 =	vor.u32 v21, v8;
	v21 =	vmov s6  }
0x126: {  	v18 =	vmov s13;
	[tilespmem:s29+$0xFFFFFFB0] =	vst v11;
	v11 =	vor.u32 v1, v19;
	v22 =	vld.idx.msk [tilespmem:v9+s4+$0x0], $0xffff;
	v24 =	vshll.u32 v21, $0x3  }
0x127: {  	v9 =	vshll.u32 v18, $0x3;
	v19 =	vand.u32 $0x7C, v21;
	v21 =	vand.u32 $0xC00, v24;
	v24 =	vld.idx.msk [tilespmem:v10+s4+$0x0], $0xffff  }
0x128: {  	s7 =	sor.u32 $0x3, s7;
	v18 =	vand.u32 $0x79, v18;
	[tilespmem:s30+$0xFFFFFF90] =	vst v15;
	v9 =	vand.u32 $0xC00, v9;
	v19 =	vor.u32 v19, v21  }
0x129: {  	v16 =	vld.idx.msk [tilespmem:v16+s4+$0x0], $0xffff;
	v9 =	vor.u32 v18, v9;
	v18 =	vmov s7;
	[tilespmem:s30+$0x10] =	vst v13;
	v13 =	vor.u32 v0, v19  }
0x12a: {  	v23 =	vor.u32 v0, v8;
	v10 =	vor.u32 v1, v8;
	v15 =	vld.idx.msk [tilespmem:v20+s4+$0x0], $0xffff;
	v20 =	vshll.u32 v18, $0x3  }
0x12b: {  	s15 =	simm.s32 $0x12;
	v21 =	vor.u32 v1, v17;
	v18 =	vand.u32 $0x7F, v18;
	[tilespmem:s29+$0x40] =	vst v22;
	v20 =	vand.u32 $0xC00, v20  }
0x12c: {  	v8 =	vor.u32 v0, v9;
	v22 =	vmov s15;
	v11 =	vld.idx.msk [tilespmem:v11+s4+$0x0], $0xffff;
	[tilespmem:s29+$0xFFFFFFC0] =	vst v24;
	v26 =	vor.u32 v18, v20  }
0x12d: {  	s18 =	sor.u32 $0x2, s3;
	v18 =	vand.u32 $0x7A, v22;
	v20 =	vshll.u32 v22, $0x3;
	v22 =	vshll.u32 v25, $0x3;
	v24 =	vld.idx.msk [tilespmem:v7+s4+$0x0], $0xffff  }
0x12e: {  	[tilespmem:s30+$0xFFFFFFA0] =	vst v16;
	v7 =	vor.u32 v0, v26;
	v20 =	vand.u32 $0xC00, v20;
	v27 =	vld.idx.msk [tilespmem:v13+s4+$0x0], $0xffff;
	v13 =	vmov s18  }
0x12f: {  	v17 =	vld.idx.msk [tilespmem:v23+s4+$0x0], $0xffff;
	v28 =	vand.u32 $0xC00, v22;
	v22 =	vor.u32 v1, v19;
	[tilespmem:s30+$0x20] =	vst v15;
	v15 =	vshll.u32 v13, $0x3  }
0x130: {  	v23 =	vor.u32 v18, v20;
	v20 =	vld.idx.msk [tilespmem:v14+s4+$0x0], $0xffff;
	v13 =	vand.u32 $0x7E, v13;
	v16 =	vand.u32 $0xC00, v15  }
0x131: {  	v9 =	vor.u32 v1, v9;
	v19 =	vld.idx.msk [tilespmem:v21+s4+$0x0], $0xffff;
	v21 =	vand.u32 $0x7B, v25;
	v18 =	vor.u32 v13, v16  }
0x132: {  	s19 =	sor.u32 $0x1, s6;
	v15 =	vor.u32 v0, v23;
	[tilespmem:s29+$0x50] =	vst v11;
	v13 =	vor.u32 v21, v28;
	v21 =	vor.u32 v0, v18  }
0x133: {  	s17 =	simm.s32 $0x8280;
	v11 =	vor.u32 v1, v23;
	v23 =	vmov s19;
	v16 =	vor.u32 v1, v26;
	v14 =	vld.idx.msk [tilespmem:v7+s4+$0x0], $0xffff;
	[tilespmem:s29+$0xFFFFFFD0] =	vst v24  }
0x134: {  	s11 =	simm.s32 $0x18;
	s7 =	simm.s32 $0x4;
	v7 =	vor.u32 v0, v13;
	v13 =	vor.u32 v1, v13;
	v24 =	vshll.u32 v23, $0x3;
	[tilespmem:s17+$0x0] =	vst v27;
	v12 =	vld.idx.msk [tilespmem:v12+s4+$0x0], $0xffff  }
.LBB2_7:
0x135: {  	v25 =	vmov s11;
	s13 =	sadd.s32 $0x1, s11;
	s14 =	sadd.s32 $0x4, s11;
	s7 =	sadd.s32 $0x2, s7;
	[tilespmem:s17+$0xFFFFFF80] =	vst v17;
	v17 =	vld.idx.msk [tilespmem:v22+s4+$0x0], $0xffff;
	v22 =	vand.u32 $0x7D, v23;
	v23 =	vand.u32 $0xC00, v24  }
0x136: {  	s15 =	sand.u32 $0x180, s11;
	v24 =	vand.u32 $0x78, v25;
	v25 =	vshll.u32 v25, $0x3;
	s14 =	sand.u32 $0x7C, s14;
	p2 =	slt.u32 s7, $0x7E;
	v26 =	vld.idx.msk [tilespmem:v10+s4+$0x0], $0xffff;
	v22 =	vor.u32 v22, v23;
	[tilespmem:s30+$0x30] =	vst v19  }
0x137: {  	s18 =	sadd.s32 $0x3, s11;
	v19 =	vmov s13;
	s13 =	sadd.s32 $0x2, s11;
	v10 =	vand.u32 $0xC00, v25;
	s14 =	sor.u32 s15, s14;
	v23 =	vor.u32 v0, v22;
	[tilespmem:s30+$0xFFFFFFB0] =	vst v20;
	v20 =	vld.idx.msk [tilespmem:v21+s4+$0x0], $0xffff  }
0x138: {  	v21 =	vshll.u32 v19, $0x3;
	v10 =	vor.u32 v24, v10;
	v24 =	vmov s14;
	v25 =	vld.idx.msk [tilespmem:v6+s4+$0x0], $0xffff;
	[tilespmem:s29+$0x60] =	vst v14;
	v6 =	vmovc v15  }
0x139: {  	v18 =	vor.u32 v1, v18;
	v14 =	vor.u32 v0, v10;
	v15 =	vshll.u32 v24, $0x3;
	v16 =	vld.idx.msk [tilespmem:v16+s4+$0x0], $0xffff  }
0x13a: {  	v10 =	vor.u32 v1, v10;
	v24 =	vand.u32 $0x7C, v24;
	v15 =	vand.u32 $0xC00, v15;
	[tilespmem:s29+$0xFFFFFFE0] =	vst v12  }
0x13b: {  	s15 =	sor.u32 $0x3, s3;
	s3 =	smov.u32 s6;
	s6 =	smov.u32 s14;
	v12 =	vand.u32 $0x79, v19;
	v19 =	vand.u32 $0xC00, v21;
	v15 =	vor.u32 v24, v15;
	[tilespmem:s17+$0x10] =	vst v17;
	v21 =	vld.idx.msk [tilespmem:v2+s4+$0x0], $0xffff;
	v2 =	vmovc v3  }
0x13c: {  	v12 =	vor.u32 v12, v19;
	v17 =	vmov s15;
	v3 =	vmovc v13;
	v19 =	vor.u32 v0, v15;
	[tilespmem:s17+$0xFFFFFF90] =	vst v26;
	v23 =	vld.idx.msk [tilespmem:v23+s4+$0x0], $0xffff  }
0x13d: {  	v24 =	vor.u32 v1, v12;
	v13 =	vld.idx.msk [tilespmem:v8+s4+$0x0], $0xffff;
	v8 =	vor.u32 v0, v12;
	[tilespmem:s30+$0x40] =	vst v20;
	v12 =	vshll.u32 v17, $0x3  }
0x13e: {  	v20 =	vor.u32 v1, v22;
	[tilespmem:s30+$0xFFFFFFC0] =	vst v25;
	v25 =	vld.idx.msk [tilespmem:v18+s4+$0x0], $0xffff;
	v18 =	vand.u32 $0x7F, v17;
	v12 =	vand.u32 $0xC00, v12  }
0x13f: {  	v26 =	vmov s18;
	v17 =	vld.idx.msk [tilespmem:v14+s4+$0x0], $0xffff;
	v14 =	vmov s13;
	v27 =	vor.u32 v18, v12;
	[tilespmem:s29+$0x70] =	vst v16  }
0x140: {  	s13 =	sor.u32 $0x2, s3;
	v12 =	vand.u32 $0x7A, v14;
	v14 =	vshll.u32 v14, $0x3;
	v16 =	vld.idx.msk [tilespmem:v5+s4+$0x0], $0xffff;
	v28 =	vor.u32 v0, v27;
	v5 =	vmovc v11  }
0x141: {  	v18 =	vmov s13;
	v11 =	vand.u32 $0xC00, v14;
	v14 =	vshll.u32 v26, $0x3;
	v29 =	vld.idx.msk [tilespmem:v19+s4+$0x0], $0xffff;
	[tilespmem:s29+$0xFFFFFFF0] =	vst v21;
	s29 =	smov.u32 s30;
	s30 =	smov.u32 s17  }
0x142: {  	v11 =	vor.u32 v12, v11;
	v12 =	vand.u32 $0xC00, v14;
	[tilespmem:s17+$0x20] =	vst v23;
	v14 =	vshll.u32 v18, $0x3  }
.Ltmp4:
0x143: {  	v22 =	vor.u32 v1, v15;
	[tilespmem:s17+$0xFFFFFFA0] =	vst v13;
	v19 =	vld.idx.msk [tilespmem:v20+s4+$0x0], $0xffff;
	v13 =	vand.u32 $0x7E, v18;
	v14 =	vand.u32 $0xC00, v14;
	(pc) =	sbr.rel @p2 .LBB2_7-.Ltmp4, $4  }
0x144: {  	v21 =	vand.u32 $0x7B, v26;
	v15 =	vor.u32 v0, v11;
	v20 =	vld.idx.msk [tilespmem:v9+s4+$0x0], $0xffff;
	v18 =	vor.u32 v13, v14;
	[tilespmem:s29+$0x50] =	vst v25  }
0x145: {  	s13 =	sor.u32 $0x1, s6;
	v11 =	vor.u32 v1, v11;
	v12 =	vor.u32 v21, v12;
	v21 =	vor.u32 v0, v18;
	v14 =	vld.idx.msk [tilespmem:v28+s4+$0x0], $0xffff  }
0x146: {  	v23 =	vmov s13;
	s17 =	sadd.s32 $0x100, s17;
	v25 =	vor.u32 v0, v12;
	v13 =	vor.u32 v1, v12;
	v9 =	vmovc v24;
	[tilespmem:s29+$0xFFFFFFD0] =	vst v16  }
0x147: {  	s11 =	sadd.s32 $0x8, s11;
	v24 =	vshll.u32 v23, $0x3;
	v16 =	vor.u32 v1, v27;
	[tilespmem:s17+$0x0] =	vst v29;
	v12 =	vld.idx.msk [tilespmem:v4+s4+$0x0], $0xffff;
	v4 =	vmovc v7;
	v7 =	vmov v25  }
0x148: {  	_ =	sdelay $0x2  }
0x149: {  	v23 =	vand.u32 $0x7D, v23;
	v24 =	vand.u32 $0xC00, v24  }
0x14a: {  	[tilespmem:s17+$0xFFFFFF80] =	vst v17;
	v17 =	vld.idx.msk [tilespmem:v22+s4+$0x0], $0xffff;
	v22 =	vor.u32 v23, v24  }
0x14b: {  	v10 =	vld.idx.msk [tilespmem:v10+s4+$0x0], $0xffff;
	v23 =	vor.u32 v0, v22;
	_ =	sdelay $0x3  }
0x14c: {  	[tilespmem:s17+$0x10] =	vst v17  }
0x14d: {  	[tilespmem:s17+$0xFFFFFF90] =	vst v10;
	v10 =	vld.idx.msk [tilespmem:v23+s4+$0x0], $0xffff  }
0x14e: {  	v17 =	vor.u32 v1, v22;
	v8 =	vld.idx.msk [tilespmem:v8+s4+$0x0], $0xffff  }
0x14f: {  	s7 =	sor.u32 $0x2, s6  }
0x150: {  	v22 =	vmov s7  }
0x151: {  	v23 =	vshll.u32 v22, $0x3  }
0x152: {  	[tilespmem:s17+$0x20] =	vst v10;
	v10 =	vand.u32 $0x7E, v22;
	v22 =	vand.u32 $0xC00, v23  }
0x153: {  	[tilespmem:s17+$0xFFFFFFA0] =	vst v8;
	v8 =	vld.idx.msk [tilespmem:v17+s4+$0x0], $0xffff;
	v10 =	vor.u32 v10, v22  }
0x154: {  	v9 =	vld.idx.msk [tilespmem:v9+s4+$0x0], $0xffff;
	v17 =	vor.u32 v0, v10  }
0x155: {  	[tilespmem:s30+$0xFFFFFFB0] =	vst v20  }
0x156: {  	[tilespmem:s30+$0x30] =	vst v19;
	v6 =	vld.idx.msk [tilespmem:v6+s4+$0x0], $0xffff  }
0x157: {  	v19 =	vld.idx.msk [tilespmem:v21+s4+$0x0], $0xffff  }
0x158: {  	[tilespmem:s17+$0x30] =	vst v8  }
0x159: {  	v18 =	vor.u32 v1, v18;
	s3 =	sor.u32 $0x3, s3;
	[tilespmem:s17+$0xFFFFFFB0] =	vst v9;
	v8 =	vld.idx.msk [tilespmem:v17+s4+$0x0], $0xffff  }
0x15a: {  	v10 =	vor.u32 v1, v10;
	v9 =	vmov s3;
	v15 =	vld.idx.msk [tilespmem:v15+s4+$0x0], $0xffff  }
0x15b: {  	s13 =	sor.u32 $0x3, s6;
	[tilespmem:s30+$0xFFFFFFC0] =	vst v6;
	v17 =	vshll.u32 v9, $0x3  }
0x15c: {  	[tilespmem:s30+$0x40] =	vst v19;
	v19 =	vmov s13;
	v5 =	vld.idx.msk [tilespmem:v5+s4+$0x0], $0xffff;
	v9 =	vand.u32 $0x7F, v9;
	v17 =	vand.u32 $0xC00, v17  }
0x15d: {  	v9 =	vor.u32 v9, v17;
	v17 =	vshll.u32 v19, $0x3  }
0x15e: {  	v6 =	vld.idx.msk [tilespmem:v18+s4+$0x0], $0xffff;
	v17 =	vand.u32 $0xC00, v17;
	[tilespmem:s17+$0x40] =	vst v8;
	v8 =	vand.u32 $0x7F, v19  }
0x15f: {  	v18 =	vor.u32 v0, v9;
	[tilespmem:s17+$0xFFFFFFC0] =	vst v15;
	v10 =	vld.idx.msk [tilespmem:v10+s4+$0x0], $0xffff;
	v8 =	vor.u32 v8, v17  }
0x160: {  	v11 =	vld.idx.msk [tilespmem:v11+s4+$0x0], $0xffff;
	v15 =	vor.u32 v0, v8  }
0x161: {  	[tilespmem:s30+$0xFFFFFFD0] =	vst v5  }
0x162: {  	v4 =	vld.idx.msk [tilespmem:v4+s4+$0x0], $0xffff  }
0x163: {  	[tilespmem:s30+$0x50] =	vst v6  }
0x164: {  	v6 =	vld.idx.msk [tilespmem:v18+s4+$0x0], $0xffff;
	[tilespmem:s17+$0x50] =	vst v10  }
0x165: {  	v5 =	vor.u32 v1, v9;
	[tilespmem:s17+$0xFFFFFFD0] =	vst v11;
	v9 =	vld.idx.msk [tilespmem:v15+s4+$0x0], $0xffff  }
0x166: {  	[tilespmem:s29+$0xFFFFFFE0] =	vst v12;
	v8 =	vor.u32 v1, v8;
	v7 =	vld.idx.msk [tilespmem:v7+s4+$0x0], $0xffff  }
0x167: {  	v2 =	vld.idx.msk [tilespmem:v2+s4+$0x0], $0xffff;
	[tilespmem:s30+$0xFFFFFFE0] =	vst v4  }
0x168: {  	[tilespmem:s29+$0x60] =	vst v14;
	v3 =	vld.idx.msk [tilespmem:v3+s4+$0x0], $0xffff  }
0x169: {  	v10 =	vld.idx.msk [tilespmem:v16+s4+$0x0], $0xffff;
	[tilespmem:s30+$0x60] =	vst v6  }
0x16a: {  	v5 =	vld.idx.msk [tilespmem:v5+s4+$0x0], $0xffff;
	[tilespmem:s17+$0x60] =	vst v9  }
0x16b: {  	[tilespmem:s17+$0xFFFFFFE0] =	vst v7;
	v4 =	vld.idx.msk [tilespmem:v8+s4+$0x0], $0xffff  }
0x16c: {  	[tilespmem:s29+$0xFFFFFFF0] =	vst v2;
	v6 =	vld.idx.msk [tilespmem:v13+s4+$0x0], $0xffff  }
0x16d: {  	[tilespmem:s30+$0xFFFFFFF0] =	vst v3  }
0x16e: {  	s14 =	sshll.u32 s2, $0xF;
	[tilespmem:s29+$0x70] =	vst v10  }
0x16f: {  	s3 =	sadd.s32 s10, s14;
	[tilespmem:s30+$0x70] =	vst v5  }
0x170: {  	s15 =	simm.s32 $0x4;
	s13 =	simm.s32 $0x1;
	s3 =	sshrl.u32 s3, $0x3;
	[tilespmem:s17+$0x70] =	vst v4  }
0x171: {  	s3 =	sadd.s32 s5, s3;
	s29 =	sshll.u32 s2, $0xD;
	[tilespmem:s17+$0xFFFFFFF0] =	vst v6;
	s17 =	simm.s32 $0x0  }
0x172: {  	[hbm4b:s3+s4] =	stream.linear.scatter [tilespmem:s25], [sflag:$0x2], $0x4000, $0x38;
	[tilespmem:$0x10000] =	vst v63  }
0x173: {  	s11 =	sadd.s32 s29, s8;
	s18 =	sand.u32 $0x180, s17;
	s3 =	sand.u32 $0x7C, s15  }
0x174: {  	v3 =	vmov s13;
	s19 =	sshrl.u32 s11, $0x3;
	v2 =	vmov s17;
	s7 =	sor.u32 s18, s3  }
0x175: {  	s3 =	sadd.s32 s1, s19;
	v5 =	vand.u32 $0x78, v2;
	v2 =	vshll.u32 v2, $0x3;
	v4 =	vmov s7  }
0x176: {  	v7 =	vshll.u32 v3, $0x3;
	[tilespmem:s4], [sflag:$0x1] =	stream.strided.gather [hbm4b:s3+s21], $0x4000, s22, s21, $0x38;
	v2 =	vand.u32 $0xC00, v2;
	v6 =	vshll.u32 v4, $0x3;
	[tilespmem:$0x10000] =	vst v63  }
0x177: {  	v4 =	vand.u32 $0x7C, v4;
	_ =	swait.ge [sflag:s28], $0x4000;
	v2 =	vor.u32 v5, v2;
	v6 =	vand.u32 $0xC00, v6  }
0x178: {  	v5 =	vand.u32 $0xC00, v7;
	[sflag:s28] =	ssyncset.done $0x0;
	v7 =	vor.u32 v0, v2;
	v4 =	vor.u32 v4, v6  }
0x179: {  	s11 =	simm.s32 $0x3;
	[sflag:s28] =	ssyncadd.s32 $0xFFFFC000;
	v6 =	vor.u32 v0, v4  }
0x17a: {  	v3 =	vand.u32 $0x79, v3;
	v10 =	vmov s11;
	s17 =	simm.s32 $0x9;
	_ =	swait.ge [sflag:s24], $0x4000  }
0x17b: {  	s6 =	simm.s32 $0x2;
	v11 =	vshll.u32 v10, $0x3;
	v10 =	vand.u32 $0x7B, v10;
	v15 =	vmov s17;
	[sflag:s24] =	ssyncset.done $0x0  }
0x17c: {  	s19 =	simm.s32 $0xA;
	v3 =	vor.u32 v3, v5;
	v5 =	vor.u32 v1, v2;
	v2 =	vmov s6;
	[sflag:s24] =	ssyncadd.s32 $0xFFFFC000  }
0x17d: {  	s13 =	sor.u32 $0x1, s7;
	v16 =	vshll.u32 v15, $0x3;
	v18 =	vmov s19;
	v9 =	vshll.u32 v2, $0x3;
	v7 =	vld.idx.msk [tilespmem:v7+s23+$0x0], $0xffff  }
0x17e: {  	v13 =	vmov s13;
	v2 =	vand.u32 $0x7A, v2;
	v9 =	vand.u32 $0xC00, v9;
	v6 =	vld.idx.msk [tilespmem:v6+s23+$0x0], $0xffff  }
0x17f: {  	v4 =	vor.u32 v1, v4;
	v2 =	vor.u32 v2, v9;
	v9 =	vand.u32 $0xC00, v11  }
0x180: {  	v14 =	vshll.u32 v13, $0x3;
	v12 =	vor.u32 v0, v2;
	v10 =	vor.u32 v10, v9  }
0x181: {  	s14 =	simm.s32 $0xC;
	s30 =	simm.s32 $0xC0F0;
	s15 =	simm.s32 $0x8;
	v9 =	vor.u32 v1, v2;
	v11 =	vor.u32 v0, v10;
	v2 =	vor.u32 v1, v10  }
0x182: {  	s18 =	sand.u32 $0x180, s15;
	s3 =	sand.u32 $0x7C, s14;
	v10 =	vand.u32 $0x7D, v13;
	v13 =	vand.u32 $0xC00, v14;
	v14 =	vmov s15;
	[tilespmem:s30+$0xFFFFFF10] =	vst v7  }
0x183: {  	s3 =	sor.u32 s18, s3;
	v8 =	vor.u32 v0, v3;
	v5 =	vld.idx.msk [tilespmem:v5+s23+$0x0], $0xffff;
	[tilespmem:s30+$0xFFFFFF90] =	vst v6;
	v6 =	vor.u32 v10, v13;
	v13 =	vshll.u32 v14, $0x3  }
0x184: {  	v10 =	vand.u32 $0x78, v14;
	v14 =	vmov s3;
	v4 =	vld.idx.msk [tilespmem:v4+s23+$0x0], $0xffff;
	v13 =	vand.u32 $0xC00, v13  }
0x185: {  	v7 =	vor.u32 v0, v6;
	v10 =	vor.u32 v10, v13;
	v13 =	vshll.u32 v14, $0x3  }
0x186: {  	s19 =	simm.s32 $0x11;
	v16 =	vand.u32 $0xC00, v16;
	v14 =	vand.u32 $0x7C, v14;
	v13 =	vand.u32 $0xC00, v13  }
0x187: {  	v23 =	vmov s19;
	v3 =	vor.u32 v1, v3;
	v13 =	vor.u32 v14, v13  }
0x188: {  	s13 =	sor.u32 $0x2, s7;
	v17 =	vor.u32 v0, v10;
	v14 =	vand.u32 $0x79, v15;
	[tilespmem:s30+$0xFFFFFF20] =	vst v5;
	v15 =	vor.u32 v0, v13  }
0x189: {  	v19 =	vmov s13;
	v10 =	vor.u32 v1, v10;
	v8 =	vld.idx.msk [tilespmem:v8+s23+$0x0], $0xffff;
	[tilespmem:s30+$0xFFFFFFA0] =	vst v4;
	v4 =	vor.u32 v14, v16  }
0x18a: {  	v14 =	vor.u32 v1, v6;
	v6 =	vshll.u32 v18, $0x3;
	v5 =	vld.idx.msk [tilespmem:v7+s23+$0x0], $0xffff;
	v7 =	vor.u32 v0, v4  }
0x18b: {  	s11 =	simm.s32 $0xB;
	v16 =	vor.u32 v1, v4;
	v4 =	vand.u32 $0xC00, v6;
	v6 =	vand.u32 $0x7A, v18  }
0x18c: {  	v13 =	vor.u32 v1, v13;
	v18 =	vmov s11;
	v4 =	vor.u32 v6, v4  }
0x18d: {  	v20 =	vshll.u32 v18, $0x3;
	v6 =	vshll.u32 v19, $0x3;
	v19 =	vand.u32 $0x7E, v19;
	v15 =	vld.idx.msk [tilespmem:v15+s23+$0x0], $0xffff  }
0x18e: {  	s14 =	sor.u32 $0x1, s3;
	v17 =	vld.idx.msk [tilespmem:v17+s23+$0x0], $0xffff;
	v18 =	vand.u32 $0x7B, v18;
	v21 =	vand.u32 $0xC00, v6;
	v20 =	vand.u32 $0xC00, v20;
	[tilespmem:s30+$0xFFFFFF30] =	vst v8  }
0x18f: {  	v19 =	vor.u32 v19, v21;
	v18 =	vor.u32 v18, v20;
	v20 =	vmov s14;
	v21 =	vld.idx.msk [tilespmem:v3+s23+$0x0], $0xffff;
	[tilespmem:s30+$0xFFFFFFB0] =	vst v5  }
0x190: {  	v6 =	vor.u32 v0, v4;
	v22 =	vshll.u32 v20, $0x3;
	v3 =	vor.u32 v1, v18;
	v8 =	vld.idx.msk [tilespmem:v14+s23+$0x0], $0xffff  }
0x191: {  	s17 =	simm.s32 $0xC1F0;
	s18 =	simm.s32 $0x10;
	s15 =	simm.s32 $0x14;
	v5 =	vor.u32 v0, v18;
	v18 =	vand.u32 $0x7D, v20;
	v14 =	vor.u32 v0, v19  }
0x192: {  	s6 =	sand.u32 $0x7C, s15;
	s14 =	sand.u32 $0x180, s18;
	v20 =	vand.u32 $0xC00, v22;
	v22 =	vmov s18;
	v19 =	vor.u32 v1, v19;
	[tilespmem:s17+$0xFFFFFF90] =	vst v15  }
0x193: {  	s6 =	sor.u32 s14, s6;
	[tilespmem:s17+$0xFFFFFF10] =	vst v17;
	v15 =	vor.u32 v18, v20;
	v18 =	vand.u32 $0x78, v22;
	v20 =	vshll.u32 v22, $0x3;
	v13 =	vld.idx.msk [tilespmem:v13+s23+$0x0], $0xffff  }
0x194: {  	v24 =	vld.idx.msk [tilespmem:v10+s23+$0x0], $0xffff;
	v22 =	vmov s6;
	v17 =	vor.u32 v0, v15;
	v20 =	vand.u32 $0xC00, v20  }
0x195: {  	v10 =	vor.u32 v18, v20;
	v18 =	vshll.u32 v22, $0x3;
	v20 =	vand.u32 $0x7C, v22;
	[tilespmem:s30+$0xFFFFFFC0] =	vst v8  }
0x196: {  	[tilespmem:s30+$0xFFFFFF40] =	vst v21;
	v8 =	vshll.u32 v23, $0x3;
	v18 =	vand.u32 $0xC00, v18;
	v21 =	vor.u32 v0, v10;
	v14 =	vld.idx.msk [tilespmem:v14+s23+$0x0], $0xffff  }
0x197: {  	s7 =	sor.u32 $0x3, s7;
	s14 =	simm.s32 $0x12;
	v15 =	vor.u32 v1, v15;
	v12 =	vld.idx.msk [tilespmem:v12+s23+$0x0], $0xffff;
	v18 =	vor.u32 v20, v18;
	v8 =	vand.u32 $0xC00, v8  }
0x198: {  	v20 =	vand.u32 $0x79, v23;
	v23 =	vmov s14;
	[tilespmem:s17+$0xFFFFFFA0] =	vst v13;
	v13 =	vmov s7  }
0x199: {  	[tilespmem:s17+$0xFFFFFF20] =	vst v24;
	v22 =	vor.u32 v0, v18;
	v20 =	vor.u32 v20, v8;
	v17 =	vld.idx.msk [tilespmem:v17+s23+$0x0], $0xffff;
	v8 =	vshll.u32 v13, $0x3  }
0x19a: {  	v24 =	vld.idx.msk [tilespmem:v7+s23+$0x0], $0xffff;
	v13 =	vand.u32 $0x7F, v13;
	v7 =	vand.u32 $0xC00, v8;
	v8 =	vor.u32 v0, v20  }
0x19b: {  	[tilespmem:s30+$0xFFFFFFD0] =	vst v14;
	v14 =	vshll.u32 v23, $0x3;
	v25 =	vor.u32 v13, v7;
	v7 =	vor.u32 v1, v20;
	v20 =	vld.idx.msk [tilespmem:v21+s23+$0x0], $0xffff  }
0x19c: {  	s15 =	simm.s32 $0x13;
	v4 =	vor.u32 v1, v4;
	s18 =	sor.u32 $0x2, s3;
	[tilespmem:s30+$0xFFFFFF50] =	vst v12;
	v12 =	vld.idx.msk [tilespmem:v19+s23+$0x0], $0xffff;
	v13 =	vand.u32 $0xC00, v14;
	v26 =	vor.u32 v0, v25  }
0x19d: {  	v14 =	vld.idx.msk [tilespmem:v9+s23+$0x0], $0xffff;
	v9 =	vand.u32 $0x7A, v23;
	v23 =	vmov s15;
	v19 =	vmov s18  }
0x19e: {  	v27 =	vld.idx.msk [tilespmem:v22+s23+$0x0], $0xffff;
	v22 =	vor.u32 v1, v18;
	v9 =	vor.u32 v9, v13;
	v13 =	vshll.u32 v19, $0x3;
	[tilespmem:s17+$0xFFFFFFB0] =	vst v17  }
0x19f: {  	v28 =	vshll.u32 v23, $0x3;
	v17 =	vand.u32 $0x7E, v19;
	v18 =	vld.idx.msk [tilespmem:v15+s23+$0x0], $0xffff;
	v15 =	vand.u32 $0xC00, v13  }
0x1a0: {  	v10 =	vor.u32 v1, v10;
	[tilespmem:s17+$0xFFFFFF30] =	vst v24;
	v24 =	vand.u32 $0xC00, v28;
	v15 =	vor.u32 v17, v15  }
0x1a1: {  	s19 =	sor.u32 $0x1, s6;
	v19 =	vld.idx.msk [tilespmem:v16+s23+$0x0], $0xffff;
	v16 =	vand.u32 $0x7B, v23;
	v13 =	vor.u32 v0, v9;
	[tilespmem:s30+$0xFFFFFFE0] =	vst v12;
	v21 =	vor.u32 v0, v15  }
0x1a2: {  	s7 =	simm.s32 $0xC2F0;
	v23 =	vmov s19;
	v9 =	vor.u32 v1, v9;
	v17 =	vor.u32 v16, v24;
	[tilespmem:s30+$0xFFFFFF60] =	vst v14;
	v12 =	vld.idx.msk [tilespmem:v26+s23+$0x0], $0xffff  }
0x1a3: {  	s13 =	simm.s32 $0x1C;
	s11 =	simm.s32 $0x4;
	v24 =	vshll.u32 v23, $0x3;
	v16 =	vor.u32 v0, v17;
	[tilespmem:s7+$0xFFFFFF90] =	vst v27;
	v14 =	vor.u32 v1, v25;
	v11 =	vld.idx.msk [tilespmem:v11+s23+$0x0], $0xffff  }
.LBB2_9:
0x1a4: {  	s14 =	sadd.s32 $0xFFFFFFFC, s13;
	s15 =	sadd.s32 $0xFFFFFFFD, s13;
	s11 =	sadd.s32 $0x2, s11;
	[tilespmem:s7+$0xFFFFFF10] =	vst v20;
	v17 =	vor.u32 v1, v17;
	v20 =	vld.idx.msk [tilespmem:v22+s23+$0x0], $0xffff;
	v22 =	vand.u32 $0x7D, v23;
	v23 =	vand.u32 $0xC00, v24;
	v25 =	vmovc v5  }
0x1a5: {  	v5 =	vmovc v16;
	s18 =	sand.u32 $0x180, s14;
	v24 =	vmov s14;
	v26 =	vmov s15;
	s15 =	sand.u32 $0x7C, s13;
	p2 =	slt.u32 s11, $0x7E;
	v27 =	vld.idx.msk [tilespmem:v10+s23+$0x0], $0xffff;
	v22 =	vor.u32 v22, v23;
	[tilespmem:s17+$0xFFFFFFC0] =	vst v18  }
0x1a6: {  	s19 =	sadd.s32 $0xFFFFFFFE, s13;
	s14 =	sadd.s32 $0xFFFFFFFF, s13;
	v10 =	vand.u32 $0x78, v24;
	v16 =	vshll.u32 v24, $0x3;
	s15 =	sor.u32 s18, s15;
	v18 =	vor.u32 v0, v22;
	[tilespmem:s17+$0xFFFFFF40] =	vst v19;
	v19 =	vld.idx.msk [tilespmem:v21+s23+$0x0], $0xffff  }
0x1a7: {  	v21 =	vshll.u32 v26, $0x3;
	v16 =	vand.u32 $0xC00, v16;
	v23 =	vmov s15;
	v24 =	vld.idx.msk [tilespmem:v6+s23+$0x0], $0xffff;
	[tilespmem:s30+$0xFFFFFFF0] =	vst v12;
	v6 =	vmovc v13  }
0x1a8: {  	v13 =	vor.u32 v1, v15;
	v10 =	vor.u32 v10, v16;
	v12 =	vshll.u32 v23, $0x3;
	v14 =	vld.idx.msk [tilespmem:v14+s23+$0x0], $0xffff  }
0x1a9: {  	v16 =	vand.u32 $0x7C, v23;
	v15 =	vor.u32 v0, v10;
	v12 =	vand.u32 $0xC00, v12;
	[tilespmem:s30+$0xFFFFFF70] =	vst v11  }
0x1aa: {  	s18 =	sor.u32 $0x3, s3;
	s3 =	smov.u32 s6;
	s6 =	smov.u32 s15;
	v10 =	vor.u32 v1, v10;
	v11 =	vand.u32 $0xC00, v21;
	v12 =	vor.u32 v16, v12;
	[tilespmem:s7+$0xFFFFFFA0] =	vst v20;
	v16 =	vld.idx.msk [tilespmem:v2+s23+$0x0], $0xffff  }
0x1ab: {  	v23 =	vmov s18;
	v20 =	vand.u32 $0x79, v26;
	v2 =	vmovc v3;
	v3 =	vmovc v17;
	v21 =	vor.u32 v0, v12;
	[tilespmem:s7+$0xFFFFFF20] =	vst v27;
	v18 =	vld.idx.msk [tilespmem:v18+s23+$0x0], $0xffff  }
0x1ac: {  	v17 =	vmov s19;
	v11 =	vor.u32 v20, v11;
	v26 =	vld.idx.msk [tilespmem:v8+s23+$0x0], $0xffff;
	[tilespmem:s17+$0xFFFFFFD0] =	vst v19;
	v8 =	vshll.u32 v23, $0x3  }
0x1ad: {  	v19 =	vor.u32 v1, v22;
	[tilespmem:s17+$0xFFFFFF50] =	vst v24;
	v24 =	vld.idx.msk [tilespmem:v13+s23+$0x0], $0xffff;
	v13 =	vand.u32 $0x7F, v23;
	v22 =	vand.u32 $0xC00, v8  }
0x1ae: {  	v8 =	vor.u32 v0, v11;
	v20 =	vld.idx.msk [tilespmem:v15+s23+$0x0], $0xffff;
	v15 =	vshll.u32 v17, $0x3;
	v27 =	vor.u32 v13, v22;
	[tilespmem:s30+$0x0] =	vst v14  }
0x1af: {  	s15 =	sor.u32 $0x2, s3;
	v11 =	vor.u32 v1, v11;
	v13 =	vand.u32 $0xC00, v15;
	v14 =	vld.idx.msk [tilespmem:v4+s23+$0x0], $0xffff;
	v23 =	vor.u32 v0, v27;
	v4 =	vmovc v9  }
0x1b0: {  	v9 =	vand.u32 $0x7A, v17;
	v17 =	vmov s14;
	v15 =	vmov s15;
	v28 =	vld.idx.msk [tilespmem:v21+s23+$0x0], $0xffff;
	[tilespmem:s30+$0xFFFFFF80] =	vst v16;
	s30 =	smov.u32 s17;
	s17 =	smov.u32 s7  }
0x1b1: {  	v9 =	vor.u32 v9, v13;
	v16 =	vshll.u32 v17, $0x3;
	v13 =	vshll.u32 v15, $0x3;
	[tilespmem:s7+$0xFFFFFFB0] =	vst v18  }
.Ltmp5:
0x1b2: {  	v22 =	vor.u32 v1, v12;
	v12 =	vand.u32 $0x7E, v15;
	v15 =	vand.u32 $0xC00, v13;
	[tilespmem:s7+$0xFFFFFF30] =	vst v26;
	v18 =	vld.idx.msk [tilespmem:v19+s23+$0x0], $0xffff;
	(pc) =	sbr.rel @p2 .LBB2_9-.Ltmp5, $4  }
0x1b3: {  	v13 =	vor.u32 v0, v9;
	v16 =	vand.u32 $0xC00, v16;
	v15 =	vor.u32 v12, v15;
	v19 =	vld.idx.msk [tilespmem:v7+s23+$0x0], $0xffff;
	[tilespmem:s30+$0xFFFFFFE0] =	vst v24  }
0x1b4: {  	s14 =	sor.u32 $0x1, s6;
	v17 =	vand.u32 $0x7B, v17;
	v9 =	vor.u32 v1, v9;
	v21 =	vor.u32 v0, v15;
	v7 =	vmovc v11;
	v12 =	vld.idx.msk [tilespmem:v23+s23+$0x0], $0xffff  }
0x1b5: {  	v17 =	vor.u32 v17, v16;
	s7 =	sadd.s32 $0x100, s7;
	v23 =	vmov s14;
	[tilespmem:s30+$0xFFFFFF60] =	vst v14  }
0x1b6: {  	s13 =	sadd.s32 $0x8, s13;
	v16 =	vor.u32 v0, v17;
	v24 =	vshll.u32 v23, $0x3;
	v14 =	vor.u32 v1, v27;
	[tilespmem:s7+$0xFFFFFF90] =	vst v28;
	v11 =	vld.idx.msk [tilespmem:v25+s23+$0x0], $0xffff  }
0x1b7: {  	_ =	sdelay $0x2  }
0x1b8: {  	v23 =	vand.u32 $0x7D, v23;
	v24 =	vand.u32 $0xC00, v24  }
0x1b9: {  	[tilespmem:s7+$0xFFFFFF10] =	vst v20;
	v40 =	vld.idx.msk [tilespmem:v22+s23+$0x0], $0xffff;
	v41 =	vor.u32 v23, v24  }
0x1ba: {  	v10 =	vld.idx.msk [tilespmem:v10+s23+$0x0], $0xffff;
	v23 =	vor.u32 v0, v41;
	_ =	sdelay $0x3  }
0x1bb: {  	[tilespmem:s7+$0xFFFFFFA0] =	vst v40  }
0x1bc: {  	[tilespmem:s7+$0xFFFFFF20] =	vst v10;
	v42 =	vld.idx.msk [tilespmem:v23+s23+$0x0], $0xffff  }
0x1bd: {  	v43 =	vor.u32 v1, v41;
	v8 =	vld.idx.msk [tilespmem:v8+s23+$0x0], $0xffff  }
0x1be: {  	s11 =	sor.u32 $0x2, s6  }
0x1bf: {  	v44 =	vmov s11  }
0x1c0: {  	v45 =	vshll.u32 v44, $0x3  }
0x1c1: {  	v46 =	vand.u32 $0x7E, v44;
	v47 =	vand.u32 $0xC00, v45;
	[tilespmem:s7+$0xFFFFFFB0] =	vst v42  }
0x1c2: {  	v10 =	vor.u32 v46, v47;
	[tilespmem:s7+$0xFFFFFF30] =	vst v8;
	v48 =	vld.idx.msk [tilespmem:v43+s23+$0x0], $0xffff  }
0x1c3: {  	v49 =	vor.u32 v0, v10;
	v7 =	vld.idx.msk [tilespmem:v7+s23+$0x0], $0xffff;
	_ =	sdelay $0x1  }
0x1c4: {  	[tilespmem:s17+$0xFFFFFF40] =	vst v19  }
0x1c5: {  	[tilespmem:s17+$0xFFFFFFC0] =	vst v18;
	v6 =	vld.idx.msk [tilespmem:v6+s23+$0x0], $0xffff  }
0x1c6: {  	v18 =	vld.idx.msk [tilespmem:v21+s23+$0x0], $0xffff;
	[tilespmem:s7+$0xFFFFFFC0] =	vst v48  }
0x1c7: {  	v15 =	vor.u32 v1, v15;
	[tilespmem:s7+$0xFFFFFF40] =	vst v7;
	v50 =	vld.idx.msk [tilespmem:v49+s23+$0x0], $0xffff  }
0x1c8: {  	s3 =	sor.u32 $0x3, s3;
	v10 =	vor.u32 v1, v10;
	v13 =	vld.idx.msk [tilespmem:v13+s23+$0x0], $0xffff  }
0x1c9: {  	s19 =	sor.u32 $0x3, s6;
	v51 =	vmov s3  }
0x1ca: {  	v54 =	vmov s19;
	v52 =	vshll.u32 v51, $0x3;
	[tilespmem:s17+$0xFFFFFF50] =	vst v6  }
0x1cb: {  	v56 =	vshll.u32 v54, $0x3;
	v53 =	vand.u32 $0xC00, v52;
	[tilespmem:s17+$0xFFFFFFD0] =	vst v18;
	v4 =	vld.idx.msk [tilespmem:v4+s23+$0x0], $0xffff;
	v8 =	vand.u32 $0x7F, v51  }
0x1cc: {  	v57 =	vand.u32 $0x7F, v54;
	v55 =	vld.idx.msk [tilespmem:v15+s23+$0x0], $0xffff;
	v15 =	vand.u32 $0xC00, v56;
	v8 =	vor.u32 v8, v53;
	[tilespmem:s7+$0xFFFFFFD0] =	vst v50  }
0x1cd: {  	v18 =	vor.u32 v0, v8;
	v7 =	vor.u32 v57, v15;
	[tilespmem:s7+$0xFFFFFF50] =	vst v13;
	v10 =	vld.idx.msk [tilespmem:v10+s23+$0x0], $0xffff  }
0x1ce: {  	v58 =	vor.u32 v0, v7;
	v9 =	vld.idx.msk [tilespmem:v9+s23+$0x0], $0xffff;
	_ =	sdelay $0x1  }
0x1cf: {  	[tilespmem:s17+$0xFFFFFF60] =	vst v4  }
0x1d0: {  	[tilespmem:s17+$0xFFFFFFE0] =	vst v55;
	v4 =	vld.idx.msk [tilespmem:v5+s23+$0x0], $0xffff  }
0x1d1: {  	v6 =	vld.idx.msk [tilespmem:v18+s23+$0x0], $0xffff;
	[tilespmem:s7+$0xFFFFFFE0] =	vst v10  }
0x1d2: {  	v59 =	vor.u32 v1, v8;
	[tilespmem:s7+$0xFFFFFF60] =	vst v9;
	v60 =	vld.idx.msk [tilespmem:v58+s23+$0x0], $0xffff  }
0x1d3: {  	[tilespmem:s30+$0xFFFFFFF0] =	vst v12;
	v7 =	vor.u32 v1, v7;
	v9 =	vld.idx.msk [tilespmem:v16+s23+$0x0], $0xffff  }
0x1d4: {  	v61 =	vor.u32 v1, v17;
	v12 =	vld.idx.msk [tilespmem:v14+s23+$0x0], $0xffff;
	[tilespmem:s30+$0xFFFFFF70] =	vst v11  }
0x1d5: {  	v2 =	vld.idx.msk [tilespmem:v2+s23+$0x0], $0xffff;
	[tilespmem:s17+$0xFFFFFF70] =	vst v4  }
0x1d6: {  	v3 =	vld.idx.msk [tilespmem:v3+s23+$0x0], $0xffff;
	[tilespmem:s17+$0xFFFFFFF0] =	vst v6  }
0x1d7: {  	v5 =	vld.idx.msk [tilespmem:v59+s23+$0x0], $0xffff;
	[tilespmem:s7+$0xFFFFFFF0] =	vst v60  }
0x1d8: {  	[tilespmem:s7+$0xFFFFFF70] =	vst v9;
	v62 =	vld.idx.msk [tilespmem:v7+s23+$0x0], $0xffff  }
0x1d9: {  	[tilespmem:s30+$0x0] =	vst v12;
	v63 =	vld.idx.msk [tilespmem:v61+s23+$0x0], $0xffff  }
0x1da: {  	p2 =	seq.s32 s2, $0x1D;
	[tilespmem:s30+$0xFFFFFF80] =	vst v2  }
.Ltmp6:
0x1db: {  	[tilespmem:s17+$0xFFFFFF80] =	vst v3;
	(pc) =	sbr.rel @p2 .LBB2_12-.Ltmp6, $4  }
0x1dc: {  	[tilespmem:s17+$0x0] =	vst v5  }
0x1dd: {  	s30 =	sshll.u32 s2, $0xC;
	[tilespmem:s7+$0x0] =	vst v62  }
0x1de: {  	s3 =	sadd.s32 s20, s30;
	[tilespmem:s7+$0xFFFFFF80] =	vst v63  }
0x1df: {  	[hbm4b:s3+s4] =	stream.linear.scatter [tilespmem:s26], [sflag:$0x2], $0x4000, $0x38;
	[tilespmem:$0x10000] =	vst v63  }
.Ltmp7:
0x1e0: {  	(pc) =	sbr.rel .LBB2_6-.Ltmp7, $4  }
0x1e1: {  	s3 =	sadd.s32 s29, s12  }
0x1e2: {  	s3 =	sshrl.u32 s3, $0x3  }
0x1e3: {  	s2 =	sadd.s32 $0x1, s2;
	s3 =	sadd.s32 s1, s3  }
0x1e4: {  	[tilespmem:s23], [sflag:$0x1] =	stream.strided.gather [hbm4b:s3+s21], $0x4000, s22, s21, $0x38;
	[tilespmem:$0x10000] =	vst v63  }
.LBB2_12:
0x1e5: {  	s2 =	simm.s32 $0x0;
	s3 =	simm.s32 $0x4  }
0x1e6: {  	s6 =	sand.u32 $0x180, s2;
	s3 =	sand.u32 $0x7C, s3  }
0x1e7: {  	s7 =	sor.u32 s6, s3  }
0x1e8: {  	v3 =	vmov s2;
	v2 =	vmov s7  }
0x1e9: {  	v5 =	vand.u32 $0x78, v3;
	v4 =	vshll.u32 v2, $0x3  }
0x1ea: {  	s11 =	simm.s32 $0x1;
	v3 =	vshll.u32 v3, $0x3;
	v2 =	vand.u32 $0x7C, v2;
	v4 =	vand.u32 $0xC00, v4  }
0x1eb: {  	_ =	swait.ge [sflag:s28], $0x4000;
	v6 =	vmov s11;
	v3 =	vand.u32 $0xC00, v3;
	v2 =	vor.u32 v2, v4  }
0x1ec: {  	[sflag:s28] =	ssyncset.done $0x0;
	v3 =	vor.u32 v5, v3;
	v4 =	vshll.u32 v6, $0x3;
	v7 =	vor.u32 v0, v2  }
0x1ed: {  	s14 =	simm.s32 $0x3;
	[sflag:s28] =	ssyncadd.s32 $0xFFFFC000;
	v5 =	vand.u32 $0x79, v6;
	v6 =	vor.u32 v0, v3;
	v4 =	vand.u32 $0xC00, v4  }
0x1ee: {  	s13 =	simm.s32 $0x2;
	s17 =	simm.s32 $0x8;
	v10 =	vmov s14;
	_ =	swait.ge [sflag:s24], $0x4000;
	v4 =	vor.u32 v5, v4  }
0x1ef: {  	v14 =	vmov s17;
	[sflag:s24] =	ssyncset.done $0x0;
	v5 =	vmov s13;
	v8 =	vor.u32 v0, v4  }
0x1f0: {  	[sflag:s24] =	ssyncadd.s32 $0xFFFFC000;
	v9 =	vshll.u32 v5, $0x3;
	v11 =	vor.u32 v1, v4;
	v4 =	vshll.u32 v10, $0x3  }
0x1f1: {  	v5 =	vand.u32 $0x7A, v5;
	v9 =	vand.u32 $0xC00, v9;
	v4 =	vand.u32 $0xC00, v4;
	v13 =	vld.idx.msk [tilespmem:v7+s4+$0x0], $0xffff  }
0x1f2: {  	s15 =	sor.u32 $0x1, s7;
	v5 =	vor.u32 v5, v9;
	v9 =	vor.u32 v1, v2;
	v2 =	vand.u32 $0x7B, v10;
	v6 =	vld.idx.msk [tilespmem:v6+s4+$0x0], $0xffff  }
0x1f3: {  	v3 =	vor.u32 v1, v3;
	v2 =	vor.u32 v2, v4;
	v4 =	vmov s15  }
0x1f4: {  	s14 =	simm.s32 $0x10;
	v10 =	vor.u32 v0, v5;
	v7 =	vor.u32 v1, v5;
	v5 =	vshll.u32 v4, $0x3  }
0x1f5: {  	s18 =	simm.s32 $0xC;
	s2 =	simm.s32 $0x8080;
	v22 =	vmov s14;
	v4 =	vand.u32 $0x7D, v4;
	v5 =	vand.u32 $0xC00, v5  }
0x1f6: {  	s3 =	sand.u32 $0x180, s17;
	s6 =	sand.u32 $0x7C, s18;
	s18 =	simm.s32 $0x13;
	v4 =	vor.u32 v4, v5;
	[tilespmem:s2+$0x0] =	vst v13;
	v13 =	vand.u32 $0x78, v14;
	v14 =	vshll.u32 v14, $0x3  }
0x1f7: {  	s11 =	simm.s32 $0x9;
	s3 =	sor.u32 s3, s6;
	v25 =	vmov s18;
	[tilespmem:s2+$0xFFFFFF80] =	vst v6;
	v6 =	vor.u32 v0, v4;
	v9 =	vld.idx.msk [tilespmem:v9+s4+$0x0], $0xffff;
	v5 =	vand.u32 $0xC00, v14  }
0x1f8: {  	v3 =	vld.idx.msk [tilespmem:v3+s4+$0x0], $0xffff;
	v14 =	vmov s11;
	v5 =	vor.u32 v13, v5;
	v13 =	vmov s3  }
0x1f9: {  	v12 =	vor.u32 v0, v2;
	v15 =	vshll.u32 v14, $0x3;
	v16 =	vshll.u32 v13, $0x3  }
0x1fa: {  	v14 =	vand.u32 $0x79, v14;
	v13 =	vand.u32 $0x7C, v13;
	v16 =	vand.u32 $0xC00, v16  }
0x1fb: {  	v15 =	vand.u32 $0xC00, v15;
	v17 =	vor.u32 v0, v5;
	v13 =	vor.u32 v13, v16  }
0x1fc: {  	s11 =	sor.u32 $0x2, s7;
	v14 =	vor.u32 v14, v15;
	v15 =	vor.u32 v1, v5;
	[tilespmem:s2+$0x10] =	vst v9;
	v5 =	vor.u32 v0, v13  }
0x1fd: {  	s19 =	simm.s32 $0xA;
	v2 =	vor.u32 v1, v2;
	v4 =	vor.u32 v1, v4;
	v20 =	vmov s11;
	[tilespmem:s2+$0xFFFFFF90] =	vst v3;
	v6 =	vld.idx.msk [tilespmem:v6+s4+$0x0], $0xffff  }
0x1fe: {  	s30 =	simm.s32 $0xB;
	v16 =	vor.u32 v0, v14;
	v14 =	vor.u32 v1, v14;
	v9 =	vmov s19;
	v8 =	vld.idx.msk [tilespmem:v8+s4+$0x0], $0xffff  }
0x1ff: {  	v3 =	vmov s30;
	v18 =	vand.u32 $0x7A, v9;
	v9 =	vshll.u32 v9, $0x3  }
0x200: {  	v19 =	vshll.u32 v3, $0x3;
	v13 =	vor.u32 v1, v13;
	v9 =	vand.u32 $0xC00, v9;
	v17 =	vld.idx.msk [tilespmem:v17+s4+$0x0], $0xffff  }
0x201: {  	v9 =	vor.u32 v18, v9;
	v18 =	vand.u32 $0xC00, v19;
	v19 =	vshll.u32 v20, $0x3;
	v21 =	vld.idx.msk [tilespmem:v5+s4+$0x0], $0xffff  }
0x202: {  	s13 =	sor.u32 $0x1, s3;
	v3 =	vand.u32 $0x7B, v3;
	v19 =	vand.u32 $0xC00, v19;
	v5 =	vand.u32 $0x7E, v20;
	[tilespmem:s2+$0x20] =	vst v6  }
0x203: {  	v3 =	vor.u32 v3, v18;
	[tilespmem:s2+$0xFFFFFFA0] =	vst v8;
	v8 =	vmov s13;
	v19 =	vor.u32 v5, v19;
	v20 =	vld.idx.msk [tilespmem:v4+s4+$0x0], $0xffff  }
0x204: {  	s29 =	simm.s32 $0x8180;
	v6 =	vor.u32 v0, v9;
	v5 =	vor.u32 v1, v9;
	v11 =	vld.idx.msk [tilespmem:v11+s4+$0x0], $0xffff;
	v9 =	vor.u32 v0, v19  }
0x205: {  	s15 =	simm.s32 $0x14;
	v18 =	vshll.u32 v8, $0x3;
	v8 =	vand.u32 $0x7D, v8;
	v4 =	vor.u32 v0, v3;
	[tilespmem:s29+$0xFFFFFF80] =	vst v17  }
0x206: {  	s6 =	sand.u32 $0x180, s14;
	s11 =	sand.u32 $0x7C, s15;
	v18 =	vand.u32 $0xC00, v18;
	v15 =	vld.idx.msk [tilespmem:v15+s4+$0x0], $0xffff;
	[tilespmem:s29+$0x0] =	vst v21;
	v21 =	vand.u32 $0x78, v22;
	v22 =	vshll.u32 v22, $0x3  }
0x207: {  	s6 =	sor.u32 s6, s11;
	v3 =	vor.u32 v1, v3;
	v17 =	vor.u32 v8, v18;
	v13 =	vld.idx.msk [tilespmem:v13+s4+$0x0], $0xffff;
	v8 =	vand.u32 $0xC00, v22  }
0x208: {  	s13 =	simm.s32 $0x11;
	[tilespmem:s2+$0x30] =	vst v20;
	v20 =	vor.u32 v0, v17;
	v8 =	vor.u32 v21, v8;
	v21 =	vmov s6  }
0x209: {  	v18 =	vmov s13;
	[tilespmem:s2+$0xFFFFFFB0] =	vst v11;
	v11 =	vor.u32 v1, v19;
	v22 =	vld.idx.msk [tilespmem:v9+s4+$0x0], $0xffff;
	v24 =	vshll.u32 v21, $0x3  }
0x20a: {  	v9 =	vshll.u32 v18, $0x3;
	v19 =	vand.u32 $0x7C, v21;
	v21 =	vand.u32 $0xC00, v24;
	v24 =	vld.idx.msk [tilespmem:v10+s4+$0x0], $0xffff  }
0x20b: {  	s7 =	sor.u32 $0x3, s7;
	v18 =	vand.u32 $0x79, v18;
	[tilespmem:s29+$0xFFFFFF90] =	vst v15;
	v9 =	vand.u32 $0xC00, v9;
	v19 =	vor.u32 v19, v21  }
0x20c: {  	v16 =	vld.idx.msk [tilespmem:v16+s4+$0x0], $0xffff;
	v9 =	vor.u32 v18, v9;
	v18 =	vmov s7;
	[tilespmem:s29+$0x10] =	vst v13;
	v13 =	vor.u32 v0, v19  }
0x20d: {  	v23 =	vor.u32 v0, v8;
	v10 =	vor.u32 v1, v8;
	v15 =	vld.idx.msk [tilespmem:v20+s4+$0x0], $0xffff;
	v20 =	vshll.u32 v18, $0x3  }
0x20e: {  	s17 =	simm.s32 $0x12;
	v21 =	vor.u32 v1, v17;
	v18 =	vand.u32 $0x7F, v18;
	[tilespmem:s2+$0x40] =	vst v22;
	v20 =	vand.u32 $0xC00, v20  }
0x20f: {  	v8 =	vor.u32 v0, v9;
	v22 =	vmov s17;
	v11 =	vld.idx.msk [tilespmem:v11+s4+$0x0], $0xffff;
	[tilespmem:s2+$0xFFFFFFC0] =	vst v24;
	v26 =	vor.u32 v18, v20  }
0x210: {  	s19 =	sor.u32 $0x2, s3;
	v18 =	vand.u32 $0x7A, v22;
	v20 =	vshll.u32 v22, $0x3;
	v22 =	vshll.u32 v25, $0x3;
	v24 =	vld.idx.msk [tilespmem:v7+s4+$0x0], $0xffff  }
0x211: {  	[tilespmem:s29+$0xFFFFFFA0] =	vst v16;
	v7 =	vor.u32 v0, v26;
	v20 =	vand.u32 $0xC00, v20;
	v27 =	vld.idx.msk [tilespmem:v13+s4+$0x0], $0xffff;
	v13 =	vmov s19  }
0x212: {  	v17 =	vld.idx.msk [tilespmem:v23+s4+$0x0], $0xffff;
	v28 =	vand.u32 $0xC00, v22;
	v22 =	vor.u32 v1, v19;
	[tilespmem:s29+$0x20] =	vst v15;
	v15 =	vshll.u32 v13, $0x3  }
0x213: {  	v23 =	vor.u32 v18, v20;
	v20 =	vld.idx.msk [tilespmem:v14+s4+$0x0], $0xffff;
	v13 =	vand.u32 $0x7E, v13;
	v16 =	vand.u32 $0xC00, v15  }
0x214: {  	v9 =	vor.u32 v1, v9;
	v19 =	vld.idx.msk [tilespmem:v21+s4+$0x0], $0xffff;
	v21 =	vand.u32 $0x7B, v25;
	v18 =	vor.u32 v13, v16  }
0x215: {  	s30 =	sor.u32 $0x1, s6;
	v15 =	vor.u32 v0, v23;
	[tilespmem:s2+$0x50] =	vst v11;
	v13 =	vor.u32 v21, v28;
	v21 =	vor.u32 v0, v18  }
0x216: {  	s7 =	simm.s32 $0x8280;
	v11 =	vor.u32 v1, v23;
	v23 =	vmov s30;
	v16 =	vor.u32 v1, v26;
	v14 =	vld.idx.msk [tilespmem:v7+s4+$0x0], $0xffff;
	[tilespmem:s2+$0xFFFFFFD0] =	vst v24  }
0x217: {  	s11 =	simm.s32 $0x4;
	s13 =	simm.s32 $0x18;
	v7 =	vor.u32 v0, v13;
	v13 =	vor.u32 v1, v13;
	v24 =	vshll.u32 v23, $0x3;
	[tilespmem:s7+$0x0] =	vst v27;
	v12 =	vld.idx.msk [tilespmem:v12+s4+$0x0], $0xffff  }
.LBB2_13:
0x218: {  	v25 =	vmov s13;
	s14 =	sadd.s32 $0x1, s13;
	s15 =	sadd.s32 $0x4, s13;
	s11 =	sadd.s32 $0x2, s11;
	[tilespmem:s7+$0xFFFFFF80] =	vst v17;
	v17 =	vld.idx.msk [tilespmem:v22+s4+$0x0], $0xffff;
	v22 =	vand.u32 $0x7D, v23;
	v23 =	vand.u32 $0xC00, v24  }
0x219: {  	s17 =	sand.u32 $0x180, s13;
	v24 =	vand.u32 $0x78, v25;
	v25 =	vshll.u32 v25, $0x3;
	s15 =	sand.u32 $0x7C, s15;
	p2 =	slt.u32 s11, $0x7E;
	v26 =	vld.idx.msk [tilespmem:v10+s4+$0x0], $0xffff;
	v22 =	vor.u32 v22, v23;
	[tilespmem:s29+$0x30] =	vst v19  }
0x21a: {  	s18 =	sadd.s32 $0x3, s13;
	v19 =	vmov s14;
	s14 =	sadd.s32 $0x2, s13;
	v10 =	vand.u32 $0xC00, v25;
	s15 =	sor.u32 s17, s15;
	v23 =	vor.u32 v0, v22;
	[tilespmem:s29+$0xFFFFFFB0] =	vst v20;
	v20 =	vld.idx.msk [tilespmem:v21+s4+$0x0], $0xffff  }
0x21b: {  	v21 =	vshll.u32 v19, $0x3;
	v10 =	vor.u32 v24, v10;
	v24 =	vmov s15;
	v25 =	vld.idx.msk [tilespmem:v6+s4+$0x0], $0xffff;
	[tilespmem:s2+$0x60] =	vst v14;
	v6 =	vmovc v15  }
0x21c: {  	v18 =	vor.u32 v1, v18;
	v14 =	vor.u32 v0, v10;
	v15 =	vshll.u32 v24, $0x3;
	v16 =	vld.idx.msk [tilespmem:v16+s4+$0x0], $0xffff  }
0x21d: {  	v10 =	vor.u32 v1, v10;
	v24 =	vand.u32 $0x7C, v24;
	v15 =	vand.u32 $0xC00, v15;
	[tilespmem:s2+$0xFFFFFFE0] =	vst v12  }
0x21e: {  	s17 =	sor.u32 $0x3, s3;
	s3 =	smov.u32 s6;
	s6 =	smov.u32 s15;
	v12 =	vand.u32 $0x79, v19;
	v19 =	vand.u32 $0xC00, v21;
	v15 =	vor.u32 v24, v15;
	[tilespmem:s7+$0x10] =	vst v17;
	v21 =	vld.idx.msk [tilespmem:v2+s4+$0x0], $0xffff;
	v2 =	vmovc v3  }
0x21f: {  	v12 =	vor.u32 v12, v19;
	v17 =	vmov s17;
	v3 =	vmovc v13;
	v19 =	vor.u32 v0, v15;
	[tilespmem:s7+$0xFFFFFF90] =	vst v26;
	v23 =	vld.idx.msk [tilespmem:v23+s4+$0x0], $0xffff  }
0x220: {  	v24 =	vor.u32 v1, v12;
	v13 =	vld.idx.msk [tilespmem:v8+s4+$0x0], $0xffff;
	v8 =	vor.u32 v0, v12;
	[tilespmem:s29+$0x40] =	vst v20;
	v12 =	vshll.u32 v17, $0x3  }
0x221: {  	v20 =	vor.u32 v1, v22;
	[tilespmem:s29+$0xFFFFFFC0] =	vst v25;
	v25 =	vld.idx.msk [tilespmem:v18+s4+$0x0], $0xffff;
	v18 =	vand.u32 $0x7F, v17;
	v12 =	vand.u32 $0xC00, v12  }
0x222: {  	v26 =	vmov s18;
	v17 =	vld.idx.msk [tilespmem:v14+s4+$0x0], $0xffff;
	v14 =	vmov s14;
	v27 =	vor.u32 v18, v12;
	[tilespmem:s2+$0x70] =	vst v16  }
0x223: {  	s14 =	sor.u32 $0x2, s3;
	v12 =	vand.u32 $0x7A, v14;
	v14 =	vshll.u32 v14, $0x3;
	v16 =	vld.idx.msk [tilespmem:v5+s4+$0x0], $0xffff;
	v28 =	vor.u32 v0, v27;
	v5 =	vmovc v11  }
0x224: {  	v18 =	vmov s14;
	v11 =	vand.u32 $0xC00, v14;
	v14 =	vshll.u32 v26, $0x3;
	v29 =	vld.idx.msk [tilespmem:v19+s4+$0x0], $0xffff;
	[tilespmem:s2+$0xFFFFFFF0] =	vst v21;
	s2 =	smov.u32 s29;
	s29 =	smov.u32 s7  }
0x225: {  	v11 =	vor.u32 v12, v11;
	v12 =	vand.u32 $0xC00, v14;
	[tilespmem:s7+$0x20] =	vst v23;
	v14 =	vshll.u32 v18, $0x3  }
.Ltmp8:
0x226: {  	v22 =	vor.u32 v1, v15;
	[tilespmem:s7+$0xFFFFFFA0] =	vst v13;
	v19 =	vld.idx.msk [tilespmem:v20+s4+$0x0], $0xffff;
	v13 =	vand.u32 $0x7E, v18;
	v14 =	vand.u32 $0xC00, v14;
	(pc) =	sbr.rel @p2 .LBB2_13-.Ltmp8, $4  }
0x227: {  	v21 =	vand.u32 $0x7B, v26;
	v15 =	vor.u32 v0, v11;
	v20 =	vld.idx.msk [tilespmem:v9+s4+$0x0], $0xffff;
	v18 =	vor.u32 v13, v14;
	[tilespmem:s2+$0x50] =	vst v25  }
0x228: {  	s14 =	sor.u32 $0x1, s6;
	v11 =	vor.u32 v1, v11;
	v12 =	vor.u32 v21, v12;
	v21 =	vor.u32 v0, v18;
	v14 =	vld.idx.msk [tilespmem:v28+s4+$0x0], $0xffff  }
0x229: {  	v23 =	vmov s14;
	s7 =	sadd.s32 $0x100, s7;
	v25 =	vor.u32 v0, v12;
	v13 =	vor.u32 v1, v12;
	v9 =	vmovc v24;
	[tilespmem:s2+$0xFFFFFFD0] =	vst v16  }
0x22a: {  	s13 =	sadd.s32 $0x8, s13;
	v24 =	vshll.u32 v23, $0x3;
	v16 =	vor.u32 v1, v27;
	[tilespmem:s7+$0x0] =	vst v29;
	v12 =	vld.idx.msk [tilespmem:v4+s4+$0x0], $0xffff;
	v4 =	vmovc v7;
	v7 =	vmov v25  }
0x22b: {  	_ =	sdelay $0x2  }
0x22c: {  	v23 =	vand.u32 $0x7D, v23;
	v24 =	vand.u32 $0xC00, v24  }
0x22d: {  	[tilespmem:s7+$0xFFFFFF80] =	vst v17;
	v41 =	vld.idx.msk [tilespmem:v22+s4+$0x0], $0xffff;
	v42 =	vor.u32 v23, v24  }
0x22e: {  	v10 =	vld.idx.msk [tilespmem:v10+s4+$0x0], $0xffff;
	v23 =	vor.u32 v0, v42;
	_ =	sdelay $0x3  }
0x22f: {  	[tilespmem:s7+$0x10] =	vst v41  }
0x230: {  	[tilespmem:s7+$0xFFFFFF90] =	vst v10;
	v43 =	vld.idx.msk [tilespmem:v23+s4+$0x0], $0xffff  }
0x231: {  	v44 =	vor.u32 v1, v42;
	v8 =	vld.idx.msk [tilespmem:v8+s4+$0x0], $0xffff  }
0x232: {  	s11 =	sor.u32 $0x2, s6  }
0x233: {  	v45 =	vmov s11  }
0x234: {  	v46 =	vshll.u32 v45, $0x3  }
0x235: {  	v47 =	vand.u32 $0x7E, v45;
	v48 =	vand.u32 $0xC00, v46;
	[tilespmem:s7+$0x20] =	vst v43  }
0x236: {  	v10 =	vor.u32 v47, v48;
	[tilespmem:s7+$0xFFFFFFA0] =	vst v8;
	v49 =	vld.idx.msk [tilespmem:v44+s4+$0x0], $0xffff  }
0x237: {  	v50 =	vor.u32 v0, v10;
	v9 =	vld.idx.msk [tilespmem:v9+s4+$0x0], $0xffff;
	_ =	sdelay $0x1  }
0x238: {  	[tilespmem:s29+$0xFFFFFFB0] =	vst v20  }
0x239: {  	[tilespmem:s29+$0x30] =	vst v19;
	v6 =	vld.idx.msk [tilespmem:v6+s4+$0x0], $0xffff  }
0x23a: {  	v19 =	vld.idx.msk [tilespmem:v21+s4+$0x0], $0xffff;
	[tilespmem:s7+$0x30] =	vst v49  }
0x23b: {  	v18 =	vor.u32 v1, v18;
	[tilespmem:s7+$0xFFFFFFB0] =	vst v9;
	v8 =	vld.idx.msk [tilespmem:v50+s4+$0x0], $0xffff  }
0x23c: {  	s3 =	sor.u32 $0x3, s3;
	v10 =	vor.u32 v1, v10;
	v15 =	vld.idx.msk [tilespmem:v15+s4+$0x0], $0xffff  }
0x23d: {  	s30 =	sor.u32 $0x3, s6;
	v51 =	vmov s3  }
0x23e: {  	v53 =	vmov s30;
	v52 =	vshll.u32 v51, $0x3;
	[tilespmem:s29+$0xFFFFFFC0] =	vst v6  }
0x23f: {  	v55 =	vshll.u32 v53, $0x3;
	v17 =	vand.u32 $0xC00, v52;
	[tilespmem:s29+$0x40] =	vst v19;
	v5 =	vld.idx.msk [tilespmem:v5+s4+$0x0], $0xffff;
	v9 =	vand.u32 $0x7F, v51  }
0x240: {  	v57 =	vand.u32 $0x7F, v53;
	v54 =	vld.idx.msk [tilespmem:v18+s4+$0x0], $0xffff;
	v9 =	vor.u32 v9, v17;
	v17 =	vand.u32 $0xC00, v55;
	[tilespmem:s7+$0x40] =	vst v8  }
0x241: {  	v56 =	vor.u32 v0, v9;
	[tilespmem:s7+$0xFFFFFFC0] =	vst v15;
	v8 =	vor.u32 v57, v17;
	v10 =	vld.idx.msk [tilespmem:v10+s4+$0x0], $0xffff  }
0x242: {  	v11 =	vld.idx.msk [tilespmem:v11+s4+$0x0], $0xffff;
	v58 =	vor.u32 v0, v8;
	_ =	sdelay $0x1  }
0x243: {  	[tilespmem:s29+$0xFFFFFFD0] =	vst v5  }
0x244: {  	[tilespmem:s29+$0x50] =	vst v54;
	v4 =	vld.idx.msk [tilespmem:v4+s4+$0x0], $0xffff  }
0x245: {  	v6 =	vld.idx.msk [tilespmem:v56+s4+$0x0], $0xffff;
	[tilespmem:s7+$0x50] =	vst v10  }
0x246: {  	v59 =	vor.u32 v1, v9;
	[tilespmem:s7+$0xFFFFFFD0] =	vst v11;
	v60 =	vld.idx.msk [tilespmem:v58+s4+$0x0], $0xffff  }
0x247: {  	[tilespmem:s2+$0x60] =	vst v14;
	v8 =	vor.u32 v1, v8;
	v7 =	vld.idx.msk [tilespmem:v7+s4+$0x0], $0xffff  }
0x248: {  	v61 =	vld.idx.msk [tilespmem:v16+s4+$0x0], $0xffff;
	[tilespmem:s2+$0xFFFFFFE0] =	vst v12  }
0x249: {  	v2 =	vld.idx.msk [tilespmem:v2+s4+$0x0], $0xffff;
	[tilespmem:s29+$0xFFFFFFE0] =	vst v4  }
0x24a: {  	v3 =	vld.idx.msk [tilespmem:v3+s4+$0x0], $0xffff;
	[tilespmem:s29+$0x60] =	vst v6  }
0x24b: {  	v5 =	vld.idx.msk [tilespmem:v59+s4+$0x0], $0xffff;
	[tilespmem:s7+$0x60] =	vst v60  }
0x24c: {  	[tilespmem:s7+$0xFFFFFFE0] =	vst v7;
	v62 =	vld.idx.msk [tilespmem:v8+s4+$0x0], $0xffff  }
0x24d: {  	[tilespmem:s2+$0x70] =	vst v61;
	v63 =	vld.idx.msk [tilespmem:v13+s4+$0x0], $0xffff  }
0x24e: {  	[tilespmem:s2+$0xFFFFFFF0] =	vst v2  }
0x24f: {  	[tilespmem:s29+$0xFFFFFFF0] =	vst v3  }
0x250: {  	[tilespmem:s29+$0x70] =	vst v5  }
0x251: {  	[tilespmem:s7+$0x70] =	vst v62  }
0x252: {  	[tilespmem:s7+$0xFFFFFFF0] =	vst v63  }
0x253: {  	s2 =	rddreg [dreg:$0x9]  }
0x254: {  	[hbm4b:s2+s4] =	stream.linear.scatter [tilespmem:s25], [sflag:$0x2], $0x4000, $0x38;
	[tilespmem:$0x10000] =	vst v63  }
0x255: {  	_ =	swait.ge [sflag:s28], $0x4000  }
.Ltmp9:
0x256: {  	[sflag:s28] =	ssyncset.done $0x0;
	(pc) =	sbr.rel @p1 .LBB2_18-.Ltmp9, $4  }
0x257: {  	[sflag:s28] =	ssyncadd.s32 $0xFFFFC000  }
0x258: {  	_ =	swait.ge [sflag:s28], $0x4000  }
0x259: {  	[sflag:s28] =	ssyncset.done $0x0  }
0x25a: {  	[sflag:s28] =	ssyncadd.s32 $0xFFFFC000  }
0x25b: {  	s2 =	simm.s32 $0x0  }
0x25c: {  	[tilespmem:s2], [sflag:$0x3] =	stream.linear.gather [hbm4b:s16+s2], $0x400, $0x38;
	[tilespmem:$0x10000] =	vst v63  }
0x25d: {  	s3 =	sadd.s32 $0xF4280, s16  }
0x25e: {  	[tilespmem:s21], [sflag:$0x3] =	stream.linear.gather [hbm4b:s3+s2], $0x400, $0x38;
	[tilespmem:$0x10000] =	vst v63  }
0x25f: {  	s15 =	sadd.s32 $0x1E8500, s16;
	s6 =	simm.s32 $0x2000  }
0x260: {  	[tilespmem:s6], [sflag:$0x3] =	stream.linear.gather [hbm4b:s15+s2], $0x400, $0x38;
	[tilespmem:$0x10000] =	vst v63  }
0x261: {  	s17 =	sadd.s32 $0x2DC780, s16;
	s18 =	simm.s32 $0x3000;
	v2 =	vor.u32 s2, v0  }
0x262: {  	[tilespmem:s18], [sflag:$0x3] =	stream.linear.gather [hbm4b:s17+s2], $0x400, $0x38;
	[tilespmem:$0x10000] =	vst v63  }
0x263: {  	_ =	swait.ge [sflag:s31], $0x1000  }
0x264: {  	[sflag:s31] =	ssyncset.done $0x0  }
0x265: {  	[sflag:s31] =	ssyncadd.s32 $0xFFFFF000  }
0x266: {  	v2 =	vld.idx.msk [tilespmem:v2+s4+$0x0], $0xffff  }
0x267: {  	v3 =	vor.u32 s2, v1;
	_ =	sdelay $0x2  }
0x268: {  	s2 =	simm.s32 $0x8040  }
0x269: {  	[tilespmem:s2+$0xFFFFFFC0] =	vst v2  }
0x26a: {  	s19 =	simm.s32 $0x1;
	v2 =	vld.idx.msk [tilespmem:v3+s4+$0x0], $0xffff  }
0x26b: {  	v3 =	vor.u32 s19, v0;
	_ =	sdelay $0x3  }
0x26c: {  	[tilespmem:s2+$0xFFFFFFD0] =	vst v2  }
0x26d: {  	v2 =	vld.idx.msk [tilespmem:v3+s4+$0x0], $0xffff  }
0x26e: {  	v3 =	vor.u32 s19, v1;
	_ =	sdelay $0x3  }
0x26f: {  	[tilespmem:s2+$0xFFFFFFE0] =	vst v2  }
0x270: {  	s29 =	simm.s32 $0x2;
	v2 =	vld.idx.msk [tilespmem:v3+s4+$0x0], $0xffff  }
0x271: {  	v3 =	vor.u32 s29, v0;
	_ =	sdelay $0x3  }
0x272: {  	[tilespmem:s2+$0xFFFFFFF0] =	vst v2  }
0x273: {  	v2 =	vld.idx.msk [tilespmem:v3+s4+$0x0], $0xffff  }
0x274: {  	v3 =	vor.u32 s29, v1;
	_ =	sdelay $0x3  }
0x275: {  	[tilespmem:s2+$0x0] =	vst v2  }
0x276: {  	s30 =	simm.s32 $0x3;
	v2 =	vld.idx.msk [tilespmem:v3+s4+$0x0], $0xffff  }
0x277: {  	v3 =	vor.u32 s30, v0;
	_ =	sdelay $0x3  }
0x278: {  	[tilespmem:s2+$0x10] =	vst v2  }
0x279: {  	v2 =	vld.idx.msk [tilespmem:v3+s4+$0x0], $0xffff  }
0x27a: {  	v3 =	vor.u32 s30, v1;
	_ =	sdelay $0x3  }
0x27b: {  	[tilespmem:s2+$0x20] =	vst v2  }
0x27c: {  	s3 =	simm.s32 $0x4;
	v2 =	vld.idx.msk [tilespmem:v3+s4+$0x0], $0xffff  }
0x27d: {  	s6 =	simm.s32 $0x8;
	v3 =	vor.u32 s3, v0  }
.LBB2_16:
0x27e: {  	p2 =	sne.s32 s6, $0x7C;
	_ =	sdelay $0x2  }
0x27f: {  	[tilespmem:s2+$0x30] =	vst v2  }
0x280: {  	v2 =	vld.idx.msk [tilespmem:v3+s4+$0x0], $0xffff;
	_ =	sdelay $0x1  }
0x281: {  	v3 =	vor.u32 s3, v1;
	_ =	sdelay $0x2  }
0x282: {  	s2 =	sadd.s32 $0x80, s2  }
0x283: {  	[tilespmem:s2+$0xFFFFFFC0] =	vst v2  }
0x284: {  	v2 =	vld.idx.msk [tilespmem:v3+s4+$0x0], $0xffff  }
0x285: {  	s7 =	sadd.s32 $0x1, s3  }
0x286: {  	v3 =	vor.u32 s7, v0;
	_ =	sdelay $0x3  }
0x287: {  	[tilespmem:s2+$0xFFFFFFD0] =	vst v2  }
0x288: {  	v2 =	vld.idx.msk [tilespmem:v3+s4+$0x0], $0xffff;
	_ =	sdelay $0x1  }
0x289: {  	v3 =	vor.u32 s7, v1;
	_ =	sdelay $0x3  }
0x28a: {  	[tilespmem:s2+$0xFFFFFFE0] =	vst v2  }
0x28b: {  	v2 =	vld.idx.msk [tilespmem:v3+s4+$0x0], $0xffff  }
0x28c: {  	s7 =	sadd.s32 $0x2, s3  }
0x28d: {  	v3 =	vor.u32 s7, v0;
	_ =	sdelay $0x3  }
0x28e: {  	[tilespmem:s2+$0xFFFFFFF0] =	vst v2  }
0x28f: {  	v2 =	vld.idx.msk [tilespmem:v3+s4+$0x0], $0xffff;
	_ =	sdelay $0x1  }
0x290: {  	v3 =	vor.u32 s7, v1;
	_ =	sdelay $0x3  }
0x291: {  	[tilespmem:s2+$0x0] =	vst v2  }
0x292: {  	v2 =	vld.idx.msk [tilespmem:v3+s4+$0x0], $0xffff  }
0x293: {  	s7 =	sadd.s32 $0x3, s3;
	s3 =	smov.u32 s6  }
0x294: {  	v3 =	vor.u32 s7, v0;
	_ =	sdelay $0x3  }
0x295: {  	[tilespmem:s2+$0x10] =	vst v2  }
0x296: {  	v2 =	vld.idx.msk [tilespmem:v3+s4+$0x0], $0xffff;
	_ =	sdelay $0x1  }
0x297: {  	v3 =	vor.u32 s7, v1;
	_ =	sdelay $0x2  }
.Ltmp10:
0x298: {  	(pc) =	sbr.rel @p2 .LBB2_16-.Ltmp10, $3  }
0x299: {  	[tilespmem:s2+$0x20] =	vst v2  }
0x29a: {  	v2 =	vld.idx.msk [tilespmem:v3+s4+$0x0], $0xffff;
	_ =	sdelay $0x1  }
0x29b: {  	s6 =	sadd.s32 $0x4, s6;
	v3 =	vor.u32 s3, v0  }
0x29c: {  	_ =	sdelay $0x2  }
0x29d: {  	[tilespmem:s2+$0x30] =	vst v2  }
0x29e: {  	v2 =	vld.idx.msk [tilespmem:v3+s4+$0x0], $0xffff  }
0x29f: {  	v3 =	vor.u32 s3, v1;
	_ =	sdelay $0x2  }
0x2a0: {  	s18 =	sadd.s32 $0x80, s2  }
0x2a1: {  	[tilespmem:s18+$0xFFFFFFC0] =	vst v2  }
0x2a2: {  	s6 =	sadd.s32 $0x1, s3;
	v2 =	vld.idx.msk [tilespmem:v3+s4+$0x0], $0xffff  }
0x2a3: {  	v3 =	vor.u32 s6, v0;
	_ =	sdelay $0x3  }
0x2a4: {  	[tilespmem:s18+$0xFFFFFFD0] =	vst v2  }
0x2a5: {  	v2 =	vld.idx.msk [tilespmem:v3+s4+$0x0], $0xffff  }
0x2a6: {  	v3 =	vor.u32 s6, v1;
	_ =	sdelay $0x3  }
0x2a7: {  	[tilespmem:s18+$0xFFFFFFE0] =	vst v2  }
0x2a8: {  	s19 =	sadd.s32 $0x2, s3;
	v2 =	vld.idx.msk [tilespmem:v3+s4+$0x0], $0xffff  }
0x2a9: {  	v3 =	vor.u32 s19, v0;
	_ =	sdelay $0x3  }
0x2aa: {  	[tilespmem:s18+$0xFFFFFFF0] =	vst v2  }
0x2ab: {  	v2 =	vld.idx.msk [tilespmem:v3+s4+$0x0], $0xffff  }
0x2ac: {  	v3 =	vor.u32 s19, v1;
	_ =	sdelay $0x3  }
0x2ad: {  	[tilespmem:s18+$0x0] =	vst v2  }
0x2ae: {  	s29 =	sadd.s32 $0x3, s3;
	v2 =	vld.idx.msk [tilespmem:v3+s4+$0x0], $0xffff  }
0x2af: {  	v3 =	vor.u32 s29, v0;
	_ =	sdelay $0x3  }
0x2b0: {  	[tilespmem:s18+$0x10] =	vst v2  }
0x2b1: {  	v2 =	vld.idx.msk [tilespmem:v3+s4+$0x0], $0xffff  }
0x2b2: {  	v3 =	vor.u32 s29, v1;
	_ =	sdelay $0x3  }
0x2b3: {  	[tilespmem:s18+$0x20] =	vst v2  }
0x2b4: {  	v2 =	vld.idx.msk [tilespmem:v3+s4+$0x0], $0xffff;
	_ =	sdelay $0x4  }
.Ltmp11:
0x2b5: {  	s30 =	rddreg [dreg:$0xa];
	[tilespmem:s18+$0x30] =	vst v2;
	(pc) =	sbr.rel .LBB2_18-.Ltmp11, $4  }
0x2b6: {  	[hbm4b:s30+s4] =	stream.linear.scatter [tilespmem:s25], [sflag:$0x3], $0x1000, $0x38;
	[tilespmem:$0x10000] =	vst v63  }
0x2b7: {  	_ =	swait.ge [sflag:s31], $0x1000  }
0x2b8: {  	[sflag:s31] =	ssyncset.done $0x0  }
0x2b9: {  	[sflag:s31] =	ssyncadd.s32 $0xFFFFF000  }
.LBB2_19:
0x2ba: {  	_ =	sfence.sel $0x180000  }
0x2bb: {  	[bflag:$0x0] =	sbarrier.arrive $0xFFFF  }
0x2bc: {  	_ =	strace $0x90000047  }
0x2bd: {  	s0 =	stileid.u32;
	[bflag:$0x2] =	sbarrier.arrive $0xFFFF  }
0x2be: {  	p0 =	sne.s32 s0, $0x0;
	s0 =	rddreg [dreg:$0x3]  }
0x2bf: {  	s0 =	sadd.s32 @!p0 $0x100000, s0  }
0x2c0: {  	[sflag:s0] =	ssyncadd.tile.s32 @!p0 $0x1;
	_ =	shalt  }
.Lfunc_end2:
_tile_overlayer_lowered:
.L_overlay_start_2:
0x2c1: {  	(tag) =	ssettag $0x2  }
0x2c2: {  	s0 =	rddreg [dreg:$0x0];
	s2 =	stileid.u32  }
0x2c3: {  	s1 =	rddreg [dreg:$0x1];
	p0 =	sne.s32 s2, $0x0  }
0x2c4: {  	s3 =	rddreg [dreg:$0x2];
	[bflag:$0x3] =	sbarrier.arrive $0xFFFF;
	s2 =	simm.s32 @!p0 $0x1C03  }
0x2c5: {  	[timem:s3], [sflag:s2] =	dma.local @!p0 [hbm:s0], s1  }
0x2c6: {  	s0 =	simm.s32 @!p0 $0x3  }
0x2c7: {  	_ =	swait.ge @!p0 [sflag:s0], s1  }
0x2c8: {  	s1 =	ssub.s32 @!p0 $0x0, s1;
	[sflag:s0] =	ssyncset.done @!p0 $0x0  }
0x2c9: {  	[sflag:s0] =	ssyncadd.s32 @!p0 s1  }
0x2ca: {  	[bflag:$0x3] =	sbarrier.arrive $0xFFFF  }
0x2cb: {  	_ =	shalt  }

// kernel: _run.7.cloned.1.call-start
scs
__scs_entry_jumppad:
0x0: {  	(pc) =	sbr.rel $0x88, $3  }
0x1: {  	(tag) =	ssettag $0x0;
	lr =	simm.s32 $0x1  }
0x2: {  	[smem:$0x3F9E] =	sst lr;
	_ =	strace $0xD0000000  }
0x3: {  	_ = 	snop  }
0x4: {  	_ = 	snop  }
0x5: {  	_ = 	snop  }
0x6: {  	_ = 	snop  }
0x7: {  	_ = 	snop  }
__scs_overlays_trampoline_lowered:
0x8: {  	[smem:$0x3FAD] =	sst s0  }
0x9: {  	[smem:$0x3FAE] =	sst s1  }
0xa: {  	[smem:$0x3FAF] =	sst s2  }
0xb: {  	[smem:$0x3FB0] =	sst s3  }
0xc: {  	[smem:$0x3FB1] =	sst s4  }
0xd: {  	[smem:$0x3FB2] =	sst s5  }
0xe: {  	[smem:$0x3FB3] =	sst s6  }
0xf: {  	[smem:$0x3FB4] =	sst s7  }
0x10: {  	[smem:$0x3FB5] =	sst s8  }
0x11: {  	[smem:$0x3FB6] =	sst s9;
	s0 =	simm.s32 @!p0 $0x0  }
0x12: {  	s1 =	sld [smem:$0x3F9C];
	s0 =	simm.s32 @p0 $0x1  }
0x13: {  	[smem:$0x3FB7] =	sst s0;
	s0 =	simm.s32 @!p1 $0x0  }
0x14: {  	s2 =	sld [smem:$0x3F9B];
	s0 =	simm.s32 @p1 $0x1  }
0x15: {  	[smem:$0x3FB8] =	sst s0;
	s0 =	simm.s32 @!p2 $0x0  }
0x16: {  	s3 =	sld [smem:$0x3FDB];
	s0 =	simm.s32 @p2 $0x1  }
0x17: {  	s4 =	simm.s32 $0x1BF5;
	[smem:$0x3FBA] =	sst s0  }
0x18: {  	s0 =	sld [smem:$0x3F9D];
	_ =	swait.ge [sflag:s4], $0x0  }
0x19: {  	s7 =	sld [smem:$0x3F9E]  }
0x1a: {  	s8 =	sadd.s32 $0xFFFFE003, lr  }
0x1b: {  	s9 =	sadd.s32 $0xFFFFFEF7, lr;
	s5 =	simm.s32 $0xFFFFFFFF;
	p2 =	slt.u32 s8, $0xFFFFF086  }
0x1c: {  	p1 =	slt.u32 s9, $0xF7A;
	s5 =	simm.s32 @!p2 $0x0  }
0x1d: {  	s5 =	simm.s32 @p1 $0x1;
	p0 =	seq.s32 s7, s2  }
0x1e: {  	s7 =	smul.u32 @!p0 $0xF7A, s2;
	p2 =	seq.s32 @!p0 s5, $0x0  }
0x1f: {  	s9 =	smul.u32 $0xF7A, s1;
	s8 =	simm.s32 @!p0 $0x1BF5;
	p2 =	por !p2, p0  }
0x20: {  	[sflag:s8] =	ssyncset.s32 @!p0 $0xFFFFF086;
	s6 =	sadd.s32 @!p0 s3, s7;
	s7 =	simm.s32 @!p0 $0x108  }
0x21: {  	s3 =	sadd.s32 s3, s9;
	s6 =	sadd.s32 @!p0 $0x88, s6;
	s7 =	simm.s32 @p2 $0x1082  }
0x22: {  	[simem:s7], [sflag:s8] =	dma.local @!p0 [hbm:s6], $0xF7A  }
0x23: {  	s9 =	sor.u32 $0xD0000000, s2;
	s6 =	simm.s32 $0x108;
	_ =	swait.ge @!p0 [sflag:s8], $0x0  }
0x24: {  	s3 =	sadd.s32 $0x88, s3;
	s6 =	simm.s32 @!p1 $0x1082;
	[sflag:s4] =	ssyncset.s32 $0xFFFFF086  }
0x25: {  	[simem:s6], [sflag:s4] =	dma.local [hbm:s3], $0xF7A  }
0x26: {  	[smem:$0x3F9E] =	sst s1;
	(tag) =	ssettag s2;
	_ =	strace s9  }
0x27: {  	s1 =	sld [smem:$0x3FAE]  }
0x28: {  	s2 =	sld [smem:$0x3FAF]  }
0x29: {  	s4 =	sld [smem:$0x3FB1]  }
0x2a: {  	p0 =	seq.s32 s5, $0x0;
	s5 =	sld [smem:$0x3FB2]  }
0x2b: {  	s6 =	sld [smem:$0x3FB3]  }
0x2c: {  	s7 =	sld [smem:$0x3FB4]  }
0x2d: {  	s3 =	simm.s32 $0x108;
	s8 =	sld [smem:$0x3FB5]  }
0x2e: {  	s3 =	simm.s32 @!p0 $0x1082;
	s9 =	sld [smem:$0x3FB6]  }
0x2f: {  	lr =	sadd.s32 s0, s3;
	s0 =	sld [smem:$0x3FAD]  }
0x30: {  	s3 =	sld [smem:$0x3FB0]  }
0x31: {  	[smem:$0x3FB9] =	sst s10  }
0x32: {  	s10 =	sld [smem:$0x3FB7];
	_ =	sdelay $0x3  }
0x33: {  	p0 =	seq.s32 s10, $0x1;
	s10 =	sld [smem:$0x3FB9];
	_ =	sdelay $0x3  }
0x34: {  	[smem:$0x3FB9] =	sst s10  }
0x35: {  	s10 =	sld [smem:$0x3FB8];
	_ =	sdelay $0x3  }
0x36: {  	p1 =	seq.s32 s10, $0x1;
	s10 =	sld [smem:$0x3FB9];
	_ =	sdelay $0x3  }
0x37: {  	[smem:$0x3FB9] =	sst s10  }
0x38: {  	s10 =	sld [smem:$0x3FBA]  }
0x39: {  	_ = 	snop;
	(pc) =	sbr.ind lr, $3  }
0x3a: {  	_ = 	snop  }
0x3b: {  	_ = 	snop  }
0x3c: {  	p2 =	seq.s32 s10, $0x1;
	s10 =	sld [smem:$0x3FB9]  }
0x3d: {  	_ =	shalt  }
0x3e: {  	_ =	shalt  }
0x3f: {  	_ =	shalt  }
0x40: {  	_ =	shalt  }
0x41: {  	_ =	shalt  }
0x42: {  	_ =	shalt  }
0x43: {  	_ =	shalt  }
0x44: {  	_ =	shalt  }
0x45: {  	_ =	shalt  }
0x46: {  	_ =	shalt  }
0x47: {  	_ =	shalt  }
0x48: {  	_ =	shalt  }
0x49: {  	_ =	shalt  }
0x4a: {  	_ =	shalt  }
0x4b: {  	_ =	shalt  }
0x4c: {  	_ =	shalt  }
0x4d: {  	_ =	shalt  }
0x4e: {  	_ =	shalt  }
0x4f: {  	_ =	shalt  }
0x50: {  	_ =	shalt  }
0x51: {  	_ =	shalt  }
0x52: {  	_ =	shalt  }
0x53: {  	_ =	shalt  }
0x54: {  	_ =	shalt  }
0x55: {  	_ =	shalt  }
0x56: {  	_ =	shalt  }
0x57: {  	_ =	shalt  }
0x58: {  	_ =	shalt  }
0x59: {  	_ =	shalt  }
0x5a: {  	_ =	shalt  }
0x5b: {  	_ =	shalt  }
0x5c: {  	_ =	shalt  }
0x5d: {  	_ =	shalt  }
0x5e: {  	_ =	shalt  }
0x5f: {  	_ =	shalt  }
0x60: {  	_ =	shalt  }
0x61: {  	_ =	shalt  }
0x62: {  	_ =	shalt  }
0x63: {  	_ =	shalt  }
0x64: {  	_ =	shalt  }
0x65: {  	_ =	shalt  }
0x66: {  	_ =	shalt  }
0x67: {  	_ =	shalt  }
0x68: {  	_ =	shalt  }
0x69: {  	_ =	shalt  }
0x6a: {  	_ =	shalt  }
0x6b: {  	_ =	shalt  }
0x6c: {  	_ =	shalt  }
0x6d: {  	_ =	shalt  }
0x6e: {  	_ =	shalt  }
0x6f: {  	_ =	shalt  }
0x70: {  	_ =	shalt  }
0x71: {  	_ =	shalt  }
0x72: {  	_ =	shalt  }
0x73: {  	_ =	shalt  }
0x74: {  	_ =	shalt  }
0x75: {  	_ =	shalt  }
0x76: {  	_ =	shalt  }
0x77: {  	_ =	shalt  }
0x78: {  	_ =	shalt  }
0x79: {  	_ =	shalt  }
0x7a: {  	_ =	shalt  }
0x7b: {  	_ =	shalt  }
0x7c: {  	_ =	shalt  }
0x7d: {  	_ =	shalt  }
0x7e: {  	_ =	shalt  }
0x7f: {  	_ =	shalt  }
0x80: {  	_ =	shalt  }
0x81: {  	_ =	shalt  }
0x82: {  	_ =	shalt  }
0x83: {  	_ =	shalt  }
0x84: {  	_ =	shalt  }
0x85: {  	_ =	shalt  }
0x86: {  	_ =	shalt  }
0x87: {  	_ =	shalt  }
.Lfunc_end0:
.L_simem_size_0:
called_computation.1_lowered:
.L_overlay_start_0:
0x88: {  	s2 =	sld [smem:$0x3FD9]  }
0x89: {  	s3 =	sld [smem:$0x3FFE];
	_ =	sdelay $0x1  }
0x8a: {  	s1 =	srdreg.scid  }
0x8b: {  	s0 =	sand.u32 $0x1, s1  }
0x8c: {  	s17 =	sshll.u32 s0, $0xA;
	s2 =	sadd.s32 s3, s2  }
0x8d: {  	s2 =	sadd.s32 s2, s17  }
0x8e: {  	[smem:$0x3FC5] =	sst s2  }
0x8f: {  	_ = 	snop  }
0x90: {  	s2 =	sld [smem:$0x3FC9]  }
0x91: {  	s18 =	sld [smem:$0x3FD0];
	(tm) =	ssettm $0x1  }
0x92: {  	s4 =	sld [smem:$0x3FFB];
	_ =	sdelay $0x3  }
0x93: {  	_ =	strace s4  }
0x94: {  	s4 =	sld [smem:$0x3FFC];
	_ =	sdelay $0x3  }
0x95: {  	_ =	strace s4  }
0x96: {  	s4 =	sld [smem:$0x3FFD];
	_ =	sdelay $0x3  }
0x97: {  	_ =	strace s4  }
0x98: {  	_ =	strace $0x8FFFFFFF  }
0x99: {  	s19 =	sld [smem:$0x3FDB];
	_ =	sdelay $0x1  }
0x9a: {  	s5 =	simm.s32 $_scs_section_size  }
0x9b: {  	s6 =	simm.s32 $_size__tile_overlayer_lowered;
	s7 =	simm.s32 $_tile_overlayer_lowered  }
0x9c: {  	s22 =	simm.s32 $0x1BFF;
	s21 =	sshll.u32 s7, $0x1;
	s4 =	sadd.s32 s5, s19  }
0x9d: {  	s8 =	simm.s32 $0x0;
	s20 =	sshll.u32 s6, $0x1;
	s6 =	sadd.s32 s21, s4  }
0x9e: {  	[timem:s8], [sflag:s22] =	dma.local [hbm:s6], s20  }
0x9f: {  	_ =	swait.ge [sflag:s22], s20  }
0xa0: {  	s5 =	ssub.s32 $0x0, s20;
	[sflag:s22] =	ssyncset.done $0x0  }
0xa1: {  	[sflag:s22] =	ssyncadd.s32 s5;
	_ =	sdelay $0x1  }
0xa2: {  	s23 =	simm.s32 $0x1B8B  }
0xa3: {  	_ =	swait.ge [sflag:s23], $0x1  }
0xa4: {  	[sflag:s23] =	ssyncset.done $0x0  }
0xa5: {  	s25 =	simm.s32 $0x1B8E;
	s24 =	sld [smem:$0x3FFE];
	[sflag:s23] =	ssyncadd.s32 $0xFFFFFFFF  }
0xa6: {  	s26 =	simm.s32 $execute0_lowered;
	[smem:$0x3FD2] =	sst s25  }
0xa7: {  	s6 =	sshll.u32 s26, $0x1;
	_ =	strace $0x80000049;
	[dreg:$0x1] =	wrdreg $0xFFFFFFFF  }
0xa8: {  	s28 =	simm.s32 $_size_execute0_lowered;
	s4 =	sadd.s32 s4, s6;
	[dreg:$0x0] =	wrdreg $0x0  }
0xa9: {  	s6 =	sshll.u32 s28, $0x1;
	[dreg:$0x2] =	wrdreg s4  }
0xaa: {  	[dreg:$0x3] =	wrdreg s6  }
0xab: {  	[dreg:$0x4] =	wrdreg $0xC0  }
0xac: {  	_ =	task [dreg:s8], $0x5FFFF  }
0xad: {  	[dreg:$0x1] =	wrdreg $0xFFFFFFFF  }
0xae: {  	[dreg:$0x0] =	wrdreg $0x60  }
0xaf: {  	[dreg:$0x2] =	wrdreg s2  }
0xb0: {  	[dreg:$0x3] =	wrdreg s24  }
0xb1: {  	[dreg:$0x4] =	wrdreg s18  }
0xb2: {  	[dreg:$0x5] =	wrdreg $0x9  }
0xb3: {  	_ =	task.clear_ibuf [dreg:s8], $0x6FFFF;
	_ =	strace $0x90000049  }
0xb4: {  	s29 =	simm.s32 $0x9;
	_ =	strace $0x8000004B  }
0xb5: {  	_ =	swait.ge [sflag:s29], $0x1  }
0xb6: {  	[sflag:s29] =	ssyncadd.s32 $0xFFFFFFFF  }
0xb7: {  	_ =	strace $0x9000004B  }
0xb8: {  	_ =	sfence  }
0xb9: {  	s30 =	sld [smem:$0x0];
	_ =	sdelay $0x2  }
0xba: {  	s31 =	sshll.u32 s1, $0xD;
	s1 =	sshrl.u32 s1, $0x2  }
0xbb: {  	s3 =	sand.u32 $0x4000, s31;
	s1 =	sadd.s32 s1, s30  }
0xbc: {  	s0 =	sor.u32 s3, s0;
	s1 =	sshll.u32 s1, $0x11  }
0xbd: {  	s0 =	sor.u32 s1, s0  }
0xbe: {  	s0 =	sadd.s32 $0x8F2B, s0  }
0xbf: {  	[sflag:s0] =	ssyncadd.remote.s32 $0x1  }
0xc0: {  	_ =	sfence.sel $0xFFFF  }
0xc1: {  	[dreg:$0x0] =	wrdreg $0xFFFFFFFF;
	(pc) =	sbr.abs _section_cstart, $3  }
0xc2: {  	[dreg:$0x1] =	wrdreg $0xFFFFFFFF  }
0xc3: {  	_ =	task.clear_ibuf [dreg:s8], $0x2FFFF;
	_ =	strace $0x9FFFFFFF  }
0xc4: {  	(tm) =	ssettm $0x7FFFFFFF  }
0xc5: {  	_ =	shalt  }
tec
execute0_lowered:
.L_overlay_start_1:
0x0: {  	(tag) =	ssettag $0x1  }
0x1: {  	s0 =	rddreg [dreg:$0x0]  }
0x2: {  	s1 =	rddreg [dreg:$0x1]  }
0x3: {  	s5 =	rddreg [dreg:$0x2];
	s2 =	simm.s32 $0x0  }
0x4: {  	s3 =	srdreg.scid;
	s6 =	stileid.u32;
	s8 =	simm.s32 $0x80  }
0x5: {  	s10 =	simm.s32 $0x600;
	[smem:$0x7FF] =	sst s2;
	s3 =	sand.u32 $0x1, s3  }
0x6: {  	s6 =	sshll.u32 s6, $0xA;
	s4 =	ssub.s32 $0x2, s3;
	s3 =	sshll.u32 s3, $0x9  }
0x7: {  	s17 =	simm.s32 $0x1;
	_ =	strace $0x8000004A;
	s6 =	sor.u32 s3, s6  }
0x8: {  	s7 =	sshrl.u32 s4, $0x1;
	s29 =	sshrl.u32 s6, $0x3;
	s30 =	sadd.s32 s5, s6  }
0x9: {  	s28 =	ssub.s32 s4, s7;
	s0 =	sadd.s32 s0, s29;
	[dreg:$0x5] =	wrdreg s30  }
0xa: {  	v0 =	vlaneseq.u32;
	s21 =	simm.s32 $0x0;
	s31 =	smax.u32 s28, $0x1;
	[dreg:$0x4] =	wrdreg s0  }
0xb: {  	v0 =	vmul.u32 $0x80, v0;
	s3 =	sadd.s32 $0x800, s1;
	s7 =	simm.s32 $0x2;
	[dreg:$0x6] =	wrdreg s31  }
.LBB2_1:
0xc: {  	s0 =	rddreg [dreg:$0x4]  }
0xd: {  	[tilespmem:s2], [sflag:$0x2] =	stream.linear.gather [hbm4b:s0+s2], $0x200, $0x38;
	[tilespmem:$0x14600] =	vst v63  }
0xe: {  	_ =	swait.ge [sflag:s7], $0x200  }
0xf: {  	[sflag:s7] =	ssyncset.done $0x0  }
0x10: {  	[sflag:s7] =	ssyncadd.s32 $0xFFFFFE00  }
0x11: {  	v1 =	vld [tilespmem:$0x0];
	_ =	sdelay $0x1  }
0x12: {  	v2 =	vld [tilespmem:$0x10];
	_ =	sdelay $0x1  }
0x13: {  	v3 =	vld [tilespmem:$0x20]  }
0x14: {  	v4 =	vshra.s32 v1, $0x2;
	v1 =	vshll.u32 v1, $0x5  }
0x15: {  	[tilespmem:$0x200] =	vst v4;
	v1 =	vand.u32 $0x60, v1;
	v4 =	vld [tilespmem:$0x30]  }
0x16: {  	[tilespmem:$0x400] =	vst v1;
	v1 =	vshra.s32 v2, $0x2;
	v2 =	vshll.u32 v2, $0x5  }
0x17: {  	[tilespmem:$0x210] =	vst v1;
	v1 =	vand.u32 $0x60, v2;
	v2 =	vld [tilespmem:$0x40]  }
0x18: {  	[tilespmem:$0x410] =	vst v1;
	v1 =	vshra.s32 v3, $0x2;
	v3 =	vshll.u32 v3, $0x5  }
0x19: {  	[tilespmem:$0x220] =	vst v1;
	v1 =	vand.u32 $0x60, v3;
	v3 =	vld [tilespmem:$0x50]  }
0x1a: {  	[tilespmem:$0x420] =	vst v1;
	v1 =	vshra.s32 v4, $0x2;
	v4 =	vshll.u32 v4, $0x5  }
0x1b: {  	[tilespmem:$0x230] =	vst v1;
	v1 =	vand.u32 $0x60, v4;
	v4 =	vld [tilespmem:$0x60]  }
0x1c: {  	[tilespmem:$0x430] =	vst v1;
	v1 =	vshra.s32 v2, $0x2;
	v2 =	vshll.u32 v2, $0x5  }
0x1d: {  	[tilespmem:$0x240] =	vst v1;
	v1 =	vand.u32 $0x60, v2;
	v2 =	vld [tilespmem:$0x70]  }
0x1e: {  	[tilespmem:$0x440] =	vst v1;
	v1 =	vshra.s32 v3, $0x2;
	v3 =	vshll.u32 v3, $0x5  }
0x1f: {  	[tilespmem:$0x250] =	vst v1;
	v1 =	vand.u32 $0x60, v3;
	v3 =	vld [tilespmem:$0x80]  }
0x20: {  	[tilespmem:$0x450] =	vst v1;
	v1 =	vshra.s32 v4, $0x2;
	v4 =	vshll.u32 v4, $0x5  }
0x21: {  	[tilespmem:$0x260] =	vst v1;
	v1 =	vand.u32 $0x60, v4;
	v4 =	vld [tilespmem:$0x90]  }
0x22: {  	[tilespmem:$0x460] =	vst v1;
	v1 =	vshra.s32 v2, $0x2;
	v2 =	vshll.u32 v2, $0x5  }
0x23: {  	[tilespmem:$0x270] =	vst v1;
	v1 =	vand.u32 $0x60, v2;
	v2 =	vld [tilespmem:$0xA0]  }
0x24: {  	[tilespmem:$0x470] =	vst v1;
	v1 =	vshra.s32 v3, $0x2;
	v3 =	vshll.u32 v3, $0x5  }
0x25: {  	[tilespmem:$0x280] =	vst v1;
	v1 =	vand.u32 $0x60, v3;
	v3 =	vld [tilespmem:$0xB0]  }
0x26: {  	[tilespmem:$0x480] =	vst v1;
	v1 =	vshra.s32 v4, $0x2;
	v4 =	vshll.u32 v4, $0x5  }
0x27: {  	[tilespmem:$0x290] =	vst v1;
	v1 =	vand.u32 $0x60, v4;
	v4 =	vld [tilespmem:$0xC0]  }
0x28: {  	[tilespmem:$0x490] =	vst v1;
	v1 =	vshra.s32 v2, $0x2;
	v2 =	vshll.u32 v2, $0x5  }
0x29: {  	[tilespmem:$0x2A0] =	vst v1;
	v1 =	vand.u32 $0x60, v2;
	v2 =	vld [tilespmem:$0xD0]  }
0x2a: {  	[tilespmem:$0x4A0] =	vst v1;
	v1 =	vshra.s32 v3, $0x2;
	v3 =	vshll.u32 v3, $0x5  }
0x2b: {  	[tilespmem:$0x2B0] =	vst v1;
	v1 =	vand.u32 $0x60, v3;
	v3 =	vld [tilespmem:$0xE0]  }
0x2c: {  	[tilespmem:$0x4B0] =	vst v1;
	v1 =	vshra.s32 v4, $0x2;
	v4 =	vshll.u32 v4, $0x5  }
0x2d: {  	[tilespmem:$0x2C0] =	vst v1;
	v1 =	vand.u32 $0x60, v4;
	v4 =	vld [tilespmem:$0xF0]  }
0x2e: {  	[tilespmem:$0x4C0] =	vst v1;
	v1 =	vshra.s32 v2, $0x2;
	v2 =	vshll.u32 v2, $0x5  }
0x2f: {  	[tilespmem:$0x2D0] =	vst v1;
	v1 =	vand.u32 $0x60, v2;
	v2 =	vld [tilespmem:$0x100]  }
0x30: {  	[tilespmem:$0x4D0] =	vst v1;
	v1 =	vshra.s32 v3, $0x2;
	v3 =	vshll.u32 v3, $0x5  }
0x31: {  	[tilespmem:$0x2E0] =	vst v1;
	v1 =	vand.u32 $0x60, v3;
	v3 =	vld [tilespmem:$0x110]  }
0x32: {  	[tilespmem:$0x4E0] =	vst v1;
	v1 =	vshra.s32 v4, $0x2;
	v4 =	vshll.u32 v4, $0x5  }
0x33: {  	[tilespmem:$0x2F0] =	vst v1;
	v1 =	vand.u32 $0x60, v4;
	v4 =	vld [tilespmem:$0x120]  }
0x34: {  	[tilespmem:$0x4F0] =	vst v1;
	v1 =	vshra.s32 v2, $0x2;
	v2 =	vshll.u32 v2, $0x5  }
0x35: {  	[tilespmem:$0x300] =	vst v1;
	v1 =	vand.u32 $0x60, v2;
	v2 =	vld [tilespmem:$0x130]  }
0x36: {  	[tilespmem:$0x500] =	vst v1;
	v1 =	vshra.s32 v3, $0x2;
	v3 =	vshll.u32 v3, $0x5  }
0x37: {  	[tilespmem:$0x310] =	vst v1;
	v1 =	vand.u32 $0x60, v3;
	v3 =	vld [tilespmem:$0x140]  }
0x38: {  	[tilespmem:$0x510] =	vst v1;
	v1 =	vshra.s32 v4, $0x2;
	v4 =	vshll.u32 v4, $0x5  }
0x39: {  	[tilespmem:$0x320] =	vst v1;
	v1 =	vand.u32 $0x60, v4;
	v4 =	vld [tilespmem:$0x150]  }
0x3a: {  	[tilespmem:$0x520] =	vst v1;
	v1 =	vshra.s32 v2, $0x2;
	v2 =	vshll.u32 v2, $0x5  }
0x3b: {  	[tilespmem:$0x330] =	vst v1;
	v1 =	vand.u32 $0x60, v2;
	v2 =	vld [tilespmem:$0x160]  }
0x3c: {  	[tilespmem:$0x530] =	vst v1;
	v1 =	vshra.s32 v3, $0x2;
	v3 =	vshll.u32 v3, $0x5  }
0x3d: {  	[tilespmem:$0x340] =	vst v1;
	v1 =	vand.u32 $0x60, v3;
	v3 =	vld [tilespmem:$0x170]  }
0x3e: {  	[tilespmem:$0x540] =	vst v1;
	v1 =	vshra.s32 v4, $0x2;
	v4 =	vshll.u32 v4, $0x5  }
0x3f: {  	[tilespmem:$0x350] =	vst v1;
	v1 =	vand.u32 $0x60, v4;
	v4 =	vld [tilespmem:$0x180]  }
0x40: {  	[tilespmem:$0x550] =	vst v1;
	v1 =	vshra.s32 v2, $0x2;
	v2 =	vshll.u32 v2, $0x5  }
0x41: {  	[tilespmem:$0x360] =	vst v1;
	v1 =	vand.u32 $0x60, v2;
	v2 =	vld [tilespmem:$0x190]  }
0x42: {  	[tilespmem:$0x560] =	vst v1;
	v1 =	vshra.s32 v3, $0x2;
	v3 =	vshll.u32 v3, $0x5  }
0x43: {  	[tilespmem:$0x370] =	vst v1;
	v1 =	vand.u32 $0x60, v3;
	v3 =	vld [tilespmem:$0x1A0]  }
0x44: {  	[tilespmem:$0x570] =	vst v1;
	v1 =	vshra.s32 v4, $0x2;
	v4 =	vshll.u32 v4, $0x5  }
0x45: {  	[tilespmem:$0x380] =	vst v1;
	v1 =	vand.u32 $0x60, v4;
	v4 =	vld [tilespmem:$0x1B0]  }
0x46: {  	[tilespmem:$0x580] =	vst v1;
	v1 =	vshra.s32 v2, $0x2;
	v2 =	vshll.u32 v2, $0x5  }
0x47: {  	[tilespmem:$0x390] =	vst v1;
	v1 =	vand.u32 $0x60, v2;
	v2 =	vld [tilespmem:$0x1C0]  }
0x48: {  	[tilespmem:$0x590] =	vst v1;
	v1 =	vshra.s32 v3, $0x2;
	v3 =	vshll.u32 v3, $0x5  }
0x49: {  	[tilespmem:$0x3A0] =	vst v1;
	v1 =	vand.u32 $0x60, v3;
	v3 =	vld [tilespmem:$0x1D0]  }
0x4a: {  	[tilespmem:$0x5A0] =	vst v1;
	v1 =	vshra.s32 v4, $0x2;
	v4 =	vshll.u32 v4, $0x5  }
0x4b: {  	[tilespmem:$0x3B0] =	vst v1;
	v1 =	vand.u32 $0x60, v4;
	v4 =	vld [tilespmem:$0x1E0]  }
0x4c: {  	[tilespmem:$0x5B0] =	vst v1;
	v1 =	vshra.s32 v2, $0x2;
	v2 =	vshll.u32 v2, $0x5  }
0x4d: {  	[tilespmem:$0x3C0] =	vst v1;
	v1 =	vand.u32 $0x60, v2;
	v2 =	vld [tilespmem:$0x1F0]  }
0x4e: {  	[tilespmem:$0x5C0] =	vst v1;
	v1 =	vshra.s32 v3, $0x2;
	v3 =	vshll.u32 v3, $0x5  }
0x4f: {  	[tilespmem:$0x3D0] =	vst v1;
	v1 =	vand.u32 $0x60, v3  }
0x50: {  	[tilespmem:$0x5D0] =	vst v1;
	v1 =	vshra.s32 v4, $0x2;
	v3 =	vshll.u32 v4, $0x5  }
0x51: {  	[tilespmem:$0x3E0] =	vst v1;
	v1 =	vand.u32 $0x60, v3  }
0x52: {  	[tilespmem:$0x5E0] =	vst v1;
	v1 =	vshra.s32 v2, $0x2;
	v2 =	vshll.u32 v2, $0x5  }
0x53: {  	[tilespmem:$0x3F0] =	vst v1;
	v1 =	vand.u32 $0x60, v2  }
0x54: {  	s25 =	simm.s32 $0x200;
	[tilespmem:$0x5F0] =	vst v1  }
0x55: {  	[tilespmem:s10], [sflag:$0x1] =	stream.indirect.gather [hbm4b:s3+s8], $0x80, s25, s8, $0xb8;
	[tilespmem:$0x14600] =	vst v63  }
0x56: {  	s26 =	simm.s32 $0x280;
	s1 =	simm.s32 $0x4600  }
0x57: {  	[tilespmem:s1], [sflag:$0x1] =	stream.indirect.gather [hbm4b:s3+s8], $0x80, s26, s8, $0xb8;
	[tilespmem:$0x14600] =	vst v63  }
0x58: {  	s4 =	simm.s32 $0x300;
	s5 =	simm.s32 $0x8600  }
0x59: {  	[tilespmem:s5], [sflag:$0x1] =	stream.indirect.gather [hbm4b:s3+s8], $0x80, s4, s8, $0xb8;
	[tilespmem:$0x14600] =	vst v63  }
0x5a: {  	s6 =	simm.s32 $0x380;
	s9 =	simm.s32 $0xC600  }
0x5b: {  	[tilespmem:s9], [sflag:$0x1] =	stream.indirect.gather [hbm4b:s3+s8], $0x80, s6, s8, $0xb8;
	[tilespmem:$0x14600] =	vst v63  }
0x5c: {  	_ =	swait.ge [sflag:s17], $0x4000  }
0x5d: {  	[sflag:s17] =	ssyncset.done $0x0  }
0x5e: {  	[sflag:s17] =	ssyncadd.s32 $0xFFFFC000  }
0x5f: {  	_ =	swait.ge [sflag:s17], $0x4000  }
0x60: {  	[sflag:s17] =	ssyncset.done $0x0  }
0x61: {  	[sflag:s17] =	ssyncadd.s32 $0xFFFFC000  }
0x62: {  	_ =	swait.ge [sflag:s17], $0x4000  }
0x63: {  	[sflag:s17] =	ssyncset.done $0x0  }
0x64: {  	[sflag:s17] =	ssyncadd.s32 $0xFFFFC000  }
0x65: {  	_ =	swait.ge [sflag:s17], $0x4000  }
0x66: {  	[sflag:s17] =	ssyncset.done $0x0  }
0x67: {  	s11 =	simm.s32 $0x410;
	[sflag:s17] =	ssyncadd.s32 $0xFFFFC000  }
0x68: {  	v1 =	vld [tilespmem:s11+$0x0];
	_ =	sdelay $0x1  }
0x69: {  	s12 =	simm.s32 $0x10  }
0x6a: {  	v2 =	vmov s12;
	v4 =	vld [tilespmem:s11+$0xFFFFFFF0]  }
0x6b: {  	v2 =	vshll.u32 v2, $0x7  }
0x6c: {  	v2 =	vor.u32 v0, v2;
	v5 =	vand.u32 $0xFFFFFF80, v1  }
0x6d: {  	v3 =	vmov s2;
	v6 =	vand.u32 $0x7F, v1;
	v5 =	vadd.s32 v2, v5  }
0x6e: {  	v3 =	vshll.u32 v3, $0x7;
	v5 =	vor.u32 v6, v5  }
0x6f: {  	v3 =	vor.u32 v0, v3;
	v7 =	vand.u32 $0xFFFFFF80, v4;
	v9 =	vadd.s32 $0x2, v4  }
0x70: {  	v8 =	vand.u32 $0x7F, v4;
	v7 =	vadd.s32 v3, v7;
	v12 =	vand.u32 $0xFFFFFF80, v9  }
0x71: {  	v6 =	vor.u32 v8, v7;
	v7 =	vadd.s32 $0x1, v1;
	v8 =	vadd.s32 $0x1, v4  }
0x72: {  	v9 =	vand.u32 $0x7F, v9;
	v10 =	vand.u32 $0xFFFFFF80, v7;
	v11 =	vand.u32 $0xFFFFFF80, v8  }
0x73: {  	v7 =	vand.u32 $0x7F, v7;
	v8 =	vand.u32 $0x7F, v8;
	v10 =	vadd.s32 v2, v10;
	v5 =	vld.idx.msk [tilespmem:v5+s10+$0x0], $0xffff  }
0x74: {  	v11 =	vadd.s32 v3, v11;
	v7 =	vor.u32 v7, v10;
	v10 =	vadd.s32 v3, v12  }
0x75: {  	s22 =	sand.u32 $0xC00, s2;
	v11 =	vor.u32 v8, v11;
	v8 =	vadd.s32 $0x3, v4;
	v9 =	vor.u32 v9, v10  }
0x76: {  	s13 =	sadd.s32 $0x10600, s22;
	s23 =	sand.u32 $0x70, s12;
	v10 =	vadd.s32 $0x2, v1;
	v12 =	vand.u32 $0xFFFFFF80, v8;
	v8 =	vand.u32 $0x7F, v8  }
0x77: {  	s9 =	sor.u32 s23, s13;
	v13 =	vand.u32 $0xFFFFFF80, v10;
	v12 =	vadd.s32 v3, v12;
	v10 =	vand.u32 $0x7F, v10  }
0x78: {  	v13 =	vadd.s32 v2, v13;
	v12 =	vor.u32 v8, v12;
	v8 =	vadd.s32 $0x4, v4;
	[tilespmem:s9+$0x0] =	vst v5  }
0x79: {  	v14 =	vadd.s32 $0x5, v4;
	v13 =	vor.u32 v10, v13;
	v10 =	vand.u32 $0xFFFFFF80, v8;
	v7 =	vld.idx.msk [tilespmem:v7+s10+$0x0], $0xffff  }
0x7a: {  	v6 =	vld.idx.msk [tilespmem:v6+s10+$0x0], $0xffff;
	v5 =	vand.u32 $0x7F, v8;
	v8 =	vadd.s32 v3, v10;
	v10 =	vand.u32 $0xFFFFFF80, v14  }
0x7b: {  	v15 =	vadd.s32 $0x3, v1;
	v14 =	vand.u32 $0x7F, v14;
	v10 =	vadd.s32 v3, v10  }
0x7c: {  	v16 =	vor.u32 v5, v8;
	v5 =	vand.u32 $0xFFFFFF80, v15;
	v8 =	vand.u32 $0x7F, v15  }
0x7d: {  	s24 =	sand.u32 $0x60, s2;
	v14 =	vor.u32 v14, v10;
	v5 =	vadd.s32 v2, v5;
	v10 =	vadd.s32 $0x6, v4  }
0x7e: {  	s1 =	sor.u32 s24, s13;
	v15 =	vadd.s32 $0x7, v4;
	v5 =	vor.u32 v8, v5;
	v8 =	vand.u32 $0xFFFFFF80, v10;
	[tilespmem:s9+$0x80] =	vst v7  }
0x7f: {  	[tilespmem:s1+$0x0] =	vst v6;
	v17 =	vand.u32 $0xFFFFFF80, v15;
	v10 =	vand.u32 $0x7F, v10;
	v8 =	vadd.s32 v3, v8;
	v13 =	vld.idx.msk [tilespmem:v13+s10+$0x0], $0xffff  }
0x80: {  	v11 =	vld.idx.msk [tilespmem:v11+s10+$0x0], $0xffff;
	v10 =	vor.u32 v10, v8;
	v8 =	vand.u32 $0x7F, v15;
	v15 =	vadd.s32 $0x8, v4  }
0x81: {  	v7 =	vadd.s32 v3, v17;
	v17 =	vadd.s32 $0x4, v1;
	v6 =	vand.u32 $0xFFFFFF80, v15  }
0x82: {  	v15 =	vand.u32 $0x7F, v15;
	v18 =	vand.u32 $0xFFFFFF80, v17;
	v8 =	vor.u32 v8, v7  }
0x83: {  	v7 =	vand.u32 $0x7F, v17;
	v17 =	vadd.s32 v2, v18;
	v18 =	vadd.s32 $0x9, v4  }
0x84: {  	v6 =	vadd.s32 v3, v6;
	v17 =	vor.u32 v7, v17;
	v19 =	vand.u32 $0xFFFFFF80, v18;
	[tilespmem:s9+$0x100] =	vst v13  }
0x85: {  	[tilespmem:s1+$0x80] =	vst v11;
	v7 =	vor.u32 v15, v6;
	v15 =	vand.u32 $0x7F, v18;
	v6 =	vadd.s32 v3, v19;
	v18 =	vld.idx.msk [tilespmem:v5+s10+$0x0], $0xffff  }
0x86: {  	v20 =	vadd.s32 $0xB, v4;
	v21 =	vld.idx.msk [tilespmem:v9+s10+$0x0], $0xffff;
	v6 =	vor.u32 v15, v6;
	v15 =	vadd.s32 $0xA, v4  }
0x87: {  	v9 =	vand.u32 $0x7F, v20;
	v13 =	vadd.s32 $0x5, v1;
	v19 =	vand.u32 $0xFFFFFF80, v15  }
0x88: {  	v15 =	vand.u32 $0x7F, v15;
	v5 =	vand.u32 $0xFFFFFF80, v13;
	v13 =	vand.u32 $0x7F, v13  }
0x89: {  	v11 =	vadd.s32 v3, v19;
	v19 =	vand.u32 $0xFFFFFF80, v20;
	v5 =	vadd.s32 v2, v5  }
0x8a: {  	v13 =	vor.u32 v13, v5;
	v5 =	vor.u32 v15, v11;
	v11 =	vadd.s32 v3, v19;
	[tilespmem:s9+$0x180] =	vst v18  }
0x8b: {  	[tilespmem:s1+$0x100] =	vst v21;
	v15 =	vadd.s32 $0xC, v4;
	v9 =	vor.u32 v9, v11;
	v11 =	vadd.s32 $0x6, v1;
	v17 =	vld.idx.msk [tilespmem:v17+s10+$0x0], $0xffff  }
0x8c: {  	v12 =	vld.idx.msk [tilespmem:v12+s10+$0x0], $0xffff;
	v20 =	vand.u32 $0xFFFFFF80, v15;
	v15 =	vand.u32 $0x7F, v15;
	v19 =	vand.u32 $0xFFFFFF80, v11  }
0x8d: {  	v11 =	vand.u32 $0x7F, v11;
	v18 =	vadd.s32 $0xD, v4;
	v19 =	vadd.s32 v2, v19  }
0x8e: {  	v20 =	vadd.s32 v3, v20;
	v11 =	vor.u32 v11, v19;
	v19 =	vand.u32 $0xFFFFFF80, v18  }
0x8f: {  	v23 =	vor.u32 v15, v20;
	v15 =	vand.u32 $0x7F, v18;
	v18 =	vadd.s32 v3, v19  }
0x90: {  	v22 =	vor.u32 v15, v18;
	v15 =	vadd.s32 $0xE, v4;
	v18 =	vadd.s32 $0x7, v1;
	[tilespmem:s9+$0x200] =	vst v17  }
0x91: {  	[tilespmem:s1+$0x180] =	vst v12;
	v19 =	vand.u32 $0xFFFFFF80, v15;
	v15 =	vand.u32 $0x7F, v15;
	v20 =	vand.u32 $0xFFFFFF80, v18;
	v13 =	vld.idx.msk [tilespmem:v13+s10+$0x0], $0xffff  }
0x92: {  	v16 =	vld.idx.msk [tilespmem:v16+s10+$0x0], $0xffff;
	v18 =	vand.u32 $0x7F, v18;
	v17 =	vadd.s32 v3, v19;
	v19 =	vadd.s32 $0xF, v4  }
0x93: {  	v20 =	vadd.s32 v2, v20;
	v21 =	vor.u32 v15, v17;
	v15 =	vand.u32 $0xFFFFFF80, v19  }
0x94: {  	v17 =	vand.u32 $0x7F, v19;
	v19 =	vadd.s32 $0x10, v4;
	v15 =	vadd.s32 v3, v15  }
0x95: {  	v12 =	vor.u32 v18, v20;
	v20 =	vor.u32 v17, v15;
	v15 =	vand.u32 $0xFFFFFF80, v19  }
0x96: {  	v18 =	vand.u32 $0x7F, v19;
	v17 =	vadd.s32 $0x8, v1;
	v15 =	vadd.s32 v3, v15;
	[tilespmem:s9+$0x280] =	vst v13  }
0x97: {  	s14 =	sand.u32 $0x7, s2;
	[tilespmem:s1+$0x200] =	vst v16;
	v16 =	vadd.s32 $0x9, v1;
	v24 =	vand.u32 $0xFFFFFF80, v17;
	v19 =	vor.u32 v18, v15;
	v11 =	vld.idx.msk [tilespmem:v11+s10+$0x0], $0xffff  }
0x98: {  	v15 =	vadd.s32 $0x11, v4;
	v13 =	vand.u32 $0x7F, v17;
	v17 =	vadd.s32 v2, v24;
	s9 =	sshll.u32 s14, $0x4  }
0x99: {  	v18 =	vand.u32 $0xFFFFFF80, v15;
	v24 =	vadd.s32 $0x12, v4;
	v15 =	vand.u32 $0x7F, v15;
	s9 =	sadd.s32 $0x0, s9  }
0x9a: {  	v18 =	vadd.s32 v3, v18;
	v13 =	vor.u32 v13, v17;
	v17 =	vand.u32 $0xFFFFFF80, v24;
	s9 =	sadd.s32 $0x10, s9  }
0x9b: {  	v14 =	vld.idx.msk [tilespmem:v14+s10+$0x0], $0xffff;
	v18 =	vor.u32 v15, v18;
	v15 =	vadd.s32 v3, v17;
	v17 =	vand.u32 $0x7F, v24;
	s9 =	sor.u32 $0x300, s9  }
0x9c: {  	v25 =	vand.u32 $0xFFFFFF80, v16;
	v24 =	vadd.s32 $0x13, v4;
	v17 =	vor.u32 v17, v15;
	[tilespmem:s9+$0x10600] =	vst v11  }
0x9d: {  	v15 =	vand.u32 $0x7F, v16;
	v16 =	vadd.s32 v2, v25;
	v25 =	vand.u32 $0xFFFFFF80, v24;
	v12 =	vld.idx.msk [tilespmem:v12+s10+$0x0], $0xffff  }
0x9e: {  	v11 =	vand.u32 $0x7F, v24;
	v24 =	vadd.s32 v3, v25;
	v25 =	vadd.s32 $0x14, v4  }
0x9f: {  	v26 =	vor.u32 v15, v16;
	v16 =	vor.u32 v11, v24;
	v11 =	vand.u32 $0xFFFFFF80, v25  }
0xa0: {  	s0 =	sor.u32 s12, s2;
	v27 =	vadd.s32 $0x16, v4;
	[tilespmem:s1+$0x280] =	vst v14;
	v15 =	vand.u32 $0x7F, v25;
	v11 =	vadd.s32 v3, v11  }
0xa1: {  	s0 =	sor.u32 $0x380, s0;
	v30 =	vadd.s32 $0x1A, v4;
	v10 =	vld.idx.msk [tilespmem:v10+s10+$0x0], $0xffff;
	v15 =	vor.u32 v15, v11;
	v11 =	vadd.s32 $0x15, v4  }
0xa2: {  	s15 =	sand.u32 $0x3, s2;
	v40 =	vadd.s32 $0x10, v1;
	v28 =	vand.u32 $0xFFFFFF80, v27;
	v25 =	vand.u32 $0xFFFFFF80, v11;
	[tilespmem:s0+$0x10600] =	vst v12  }
0xa3: {  	s1 =	sshll.u32 s15, $0x5;
	v12 =	vadd.s32 v3, v25;
	v25 =	vand.u32 $0x7F, v27;
	v27 =	vadd.s32 v3, v28;
	v28 =	vld.idx.msk [tilespmem:v13+s10+$0x0], $0xffff  }
0xa4: {  	v47 =	vadd.s32 $0x11, v1;
	v59 =	vadd.s32 $0x12, v1;
	s16 =	sadd.s32 $0x0, s1;
	v24 =	vadd.s32 $0xA, v1  }
0xa5: {  	v41 =	vand.u32 $0x7F, v40;
	v49 =	vand.u32 $0xFFFFFF80, v47;
	v14 =	vand.u32 $0xFFFFFF80, v24;
	s0 =	sor.u32 $0x300, s16  }
0xa6: {  	s18 =	sadd.s32 $0x11600, s22;
	v50 =	vand.u32 $0x7F, v47;
	v24 =	vand.u32 $0x7F, v24;
	v14 =	vadd.s32 v2, v14;
	[tilespmem:s0+$0x10600] =	vst v10  }
0xa7: {  	s19 =	sor.u32 s23, s18;
	v51 =	vadd.s32 v2, v49;
	v11 =	vand.u32 $0x7F, v11;
	v24 =	vor.u32 v24, v14;
	v8 =	vld.idx.msk [tilespmem:v8+s10+$0x0], $0xffff  }
0xa8: {  	v14 =	vor.u32 v11, v12;
	v13 =	vor.u32 v25, v27;
	v11 =	vadd.s32 $0xB, v1;
	[tilespmem:s19+$0x0] =	vst v28  }
0xa9: {  	v12 =	vadd.s32 $0x17, v4;
	v25 =	vadd.s32 $0x18, v4;
	v10 =	vand.u32 $0xFFFFFF80, v11;
	v26 =	vld.idx.msk [tilespmem:v26+s10+$0x0], $0xffff  }
0xaa: {  	s20 =	sor.u32 s2, s2;
	v27 =	vand.u32 $0xFFFFFF80, v12;
	v11 =	vand.u32 $0x7F, v11;
	v10 =	vadd.s32 v2, v10  }
0xab: {  	s1 =	sor.u32 $0x380, s20;
	v12 =	vand.u32 $0x7F, v12;
	v29 =	vor.u32 v11, v10;
	v10 =	vand.u32 $0xFFFFFF80, v25  }
0xac: {  	s25 =	sadd.s32 $0x11680, s22;
	v27 =	vadd.s32 v3, v27;
	v11 =	vand.u32 $0x7F, v25;
	v10 =	vadd.s32 v3, v10;
	[tilespmem:s1+$0x10600] =	vst v8  }
0xad: {  	s26 =	sor.u32 s23, s25;
	v25 =	vadd.s32 $0x19, v4;
	v11 =	vor.u32 v11, v10;
	v10 =	vadd.s32 $0xC, v1;
	v7 =	vld.idx.msk [tilespmem:v7+s10+$0x0], $0xffff  }
0xae: {  	v12 =	vor.u32 v12, v27;
	v27 =	vand.u32 $0xFFFFFF80, v25;
	v28 =	vand.u32 $0xFFFFFF80, v10;
	[tilespmem:s26+$0x0] =	vst v26  }
0xaf: {  	v25 =	vand.u32 $0x7F, v25;
	v8 =	vand.u32 $0x7F, v10;
	v28 =	vadd.s32 v2, v28;
	v24 =	vld.idx.msk [tilespmem:v24+s10+$0x0], $0xffff  }
0xb0: {  	v27 =	vadd.s32 v3, v27;
	v28 =	vor.u32 v8, v28;
	v8 =	vand.u32 $0xFFFFFF80, v30  }
0xb1: {  	s0 =	sor.u32 s24, s18;
	v10 =	vor.u32 v25, v27;
	v25 =	vand.u32 $0x7F, v30;
	v8 =	vadd.s32 v3, v8  }
0xb2: {  	s4 =	sadd.s32 $0x11700, s22;
	v27 =	vadd.s32 $0x1B, v4;
	v30 =	vadd.s32 $0xD, v1;
	v26 =	vor.u32 v25, v8;
	[tilespmem:s0+$0x0] =	vst v7  }
0xb3: {  	s5 =	sor.u32 s23, s4;
	v8 =	vand.u32 $0xFFFFFF80, v27;
	v25 =	vand.u32 $0x7F, v27;
	v27 =	vand.u32 $0xFFFFFF80, v30;
	v32 =	vld.idx.msk [tilespmem:v6+s10+$0x0], $0xffff  }
0xb4: {  	v8 =	vadd.s32 v3, v8;
	v7 =	vadd.s32 v2, v27;
	v27 =	vadd.s32 $0x1D, v4;
	[tilespmem:s5+$0x0] =	vst v24  }
0xb5: {  	v25 =	vor.u32 v25, v8;
	v8 =	vand.u32 $0x7F, v30;
	v30 =	vadd.s32 $0x1C, v4;
	v29 =	vld.idx.msk [tilespmem:v29+s10+$0x0], $0xffff  }
0xb6: {  	v31 =	vand.u32 $0xFFFFFF80, v30;
	v6 =	vand.u32 $0x7F, v30;
	v33 =	vor.u32 v8, v7  }
0xb7: {  	s1 =	sor.u32 s24, s25;
	v7 =	vadd.s32 $0xE, v1;
	v30 =	vadd.s32 v3, v31;
	v31 =	vand.u32 $0xFFFFFF80, v27  }
0xb8: {  	s11 =	sadd.s32 $0x11780, s22;
	v8 =	vor.u32 v6, v30;
	v6 =	vadd.s32 v3, v31;
	v30 =	vand.u32 $0xFFFFFF80, v7;
	[tilespmem:s1+$0x0] =	vst v32  }
0xb9: {  	s6 =	simm.s32 $0x430;
	s12 =	sor.u32 s23, s11;
	v7 =	vand.u32 $0x7F, v7;
	v31 =	vadd.s32 $0x1F, v4;
	v24 =	vand.u32 $0x7F, v27;
	v34 =	vld.idx.msk [tilespmem:v5+s10+$0x0], $0xffff  }
0xba: {  	v27 =	vadd.s32 $0x1E, v4;
	v60 =	vand.u32 $0xFFFFFF80, v31;
	v4 =	vld [tilespmem:s6+$0x0];
	v6 =	vor.u32 v24, v6;
	[tilespmem:s12+$0x0] =	vst v29  }
0xbb: {  	v24 =	vadd.s32 v2, v30;
	v30 =	vand.u32 $0xFFFFFF80, v27;
	v27 =	vand.u32 $0x7F, v27;
	v28 =	vld.idx.msk [tilespmem:v28+s10+$0x0], $0xffff  }
0xbc: {  	v30 =	vadd.s32 v3, v30;
	v24 =	vor.u32 v7, v24;
	v3 =	vadd.s32 v3, v60  }
0xbd: {  	s0 =	sor.u32 s24, s4;
	v7 =	vand.u32 $0x7F, v31;
	v5 =	vor.u32 v27, v30;
	v30 =	vadd.s32 $0xF, v1  }
0xbe: {  	s29 =	simm.s32 $0x20;
	v39 =	vor.u32 v50, v51;
	v3 =	vor.u32 v7, v3;
	v7 =	vand.u32 $0xFFFFFF80, v30;
	s12 =	sadd.s32 $0x11800, s22;
	[tilespmem:s0+$0x0] =	vst v34  }
0xbf: {  	v31 =	vmov s29;
	v30 =	vand.u32 $0x7F, v30;
	v61 =	vadd.s32 v2, v7;
	s13 =	sor.u32 s23, s12;
	v35 =	vld.idx.msk [tilespmem:v9+s10+$0x0], $0xffff  }
0xc0: {  	s1 =	simm.s32 $0x30;
	v27 =	vld [tilespmem:s6+$0xFFFFFFF0];
	v62 =	vand.u32 $0x7F, v4;
	v42 =	vadd.s32 $0x1, v4;
	v53 =	vadd.s32 $0x2, v4;
	[tilespmem:s13+$0x0] =	vst v28  }
0xc1: {  	v29 =	vmov s1;
	v30 =	vor.u32 v30, v61;
	v37 =	vand.u32 $0xFFFFFF80, v42;
	v33 =	vld.idx.msk [tilespmem:v33+s10+$0x0], $0xffff  }
0xc2: {  	v56 =	vand.u32 $0xFFFFFF80, v53;
	v57 =	vand.u32 $0x7F, v53;
	v53 =	vadd.s32 $0x4, v4  }
0xc3: {  	s14 =	sor.u32 s24, s11;
	v7 =	vshll.u32 v29, $0x7;
	v29 =	vshll.u32 v31, $0x7;
	v31 =	vand.u32 $0xFFFFFF80, v4  }
0xc4: {  	s15 =	sadd.s32 $0x11880, s22;
	v34 =	vand.u32 $0x7F, v42;
	v42 =	vadd.s32 $0x13, v1;
	v7 =	vor.u32 v0, v7;
	[tilespmem:s14+$0x0] =	vst v35  }
0xc5: {  	s16 =	sor.u32 s23, s15;
	v63 =	vand.u32 $0xFFFFFF80, v27;
	v36 =	vand.u32 $0x7F, v27;
	v9 =	vor.u32 v0, v29;
	v23 =	vld.idx.msk [tilespmem:v23+s10+$0x0], $0xffff  }
0xc6: {  	v29 =	vand.u32 $0xFFFFFF80, v40;
	v43 =	vadd.s32 $0x1, v27;
	v44 =	vadd.s32 $0x2, v27;
	[tilespmem:s16+$0x0] =	vst v33  }
0xc7: {  	v52 =	vadd.s32 $0x3, v27;
	v60 =	vadd.s32 $0x5, v27;
	v40 =	vand.u32 $0xFFFFFF80, v59;
	v24 =	vld.idx.msk [tilespmem:v24+s10+$0x0], $0xffff  }
0xc8: {  	v49 =	vadd.s32 $0x7, v27;
	v31 =	vadd.s32 v7, v31;
	v29 =	vadd.s32 v2, v29  }
0xc9: {  	s0 =	sor.u32 s24, s12;
	v38 =	vand.u32 $0xFFFFFF80, v43;
	v37 =	vadd.s32 v7, v37;
	v32 =	vand.u32 $0x7F, v43  }
0xca: {  	s18 =	sadd.s32 $0x11900, s22;
	v46 =	vand.u32 $0xFFFFFF80, v44;
	v48 =	vand.u32 $0x7F, v44;
	v54 =	vand.u32 $0xFFFFFF80, v52;
	[tilespmem:s0+$0x0] =	vst v23  }
0xcb: {  	s19 =	sor.u32 s23, s18;
	v55 =	vand.u32 $0x7F, v52;
	v61 =	vadd.s32 v2, v40;
	v51 =	vand.u32 $0xFFFFFF80, v49;
	v58 =	vld.idx.msk [tilespmem:v22+s10+$0x0], $0xffff  }
0xcc: {  	v52 =	vand.u32 $0x7F, v42;
	v31 =	vor.u32 v62, v31;
	v29 =	vor.u32 v41, v29;
	[tilespmem:s19+$0x0] =	vst v24  }
0xcd: {  	v45 =	vadd.s32 v9, v38;
	v37 =	vor.u32 v34, v37;
	v34 =	vadd.s32 v9, v46;
	v30 =	vld.idx.msk [tilespmem:v30+s10+$0x0], $0xffff  }
0xce: {  	v62 =	vand.u32 $0xFFFFFF80, v60;
	v41 =	vadd.s32 $0x3, v4;
	v28 =	vadd.s32 v9, v63  }
0xcf: {  	s9 =	sor.u32 s24, s15;
	v32 =	vor.u32 v32, v45;
	v38 =	vor.u32 v48, v34;
	v28 =	vor.u32 v36, v28  }
0xd0: {  	s20 =	sadd.s32 $0x11980, s22;
	v44 =	vadd.s32 v9, v62;
	v45 =	vand.u32 $0xFFFFFF80, v41;
	v48 =	vadd.s32 $0x6, v27;
	[tilespmem:s9+$0x0] =	vst v58  }
0xd1: {  	s4 =	sor.u32 s23, s20;
	v47 =	vand.u32 $0x7F, v41;
	v63 =	vand.u32 $0x7F, v60;
	v50 =	vand.u32 $0xFFFFFF80, v48;
	v46 =	vld.idx.msk [tilespmem:v21+s10+$0x0], $0xffff  }
0xd2: {  	v34 =	vand.u32 $0x7F, v48;
	v48 =	vadd.s32 $0x10, v27;
	v35 =	vadd.s32 v7, v56;
	v31 =	vld.idx.msk [tilespmem:v31+s10+$0x0], $0xffff;
	[tilespmem:s4+$0x0] =	vst v30  }
0xd3: {  	s30 =	simm.s32 $0x100;
	v41 =	vadd.s32 v9, v50;
	v35 =	vor.u32 v57, v35;
	v57 =	vadd.s32 $0x9, v27;
	v29 =	vld.idx.msk [tilespmem:v29+s10+$0x0], $0xffff  }
0xd4: {  	s25 =	sand.u32 $0xC00, s30;
	v34 =	vor.u32 v34, v41;
	v36 =	vand.u32 $0x7F, v57;
	v28 =	vld.idx.msk [tilespmem:v28+s10+$0x0], $0xffff;
	v33 =	vadd.s32 v9, v51  }
0xd5: {  	s5 =	sadd.s32 $0x10600, s25;
	s26 =	sand.u32 $0x70, s1;
	v23 =	vadd.s32 v9, v54;
	s0 =	sor.u32 s24, s18;
	v54 =	vand.u32 $0xFFFFFF80, v53;
	v22 =	vadd.s32 $0x4, v27  }
0xd6: {  	s13 =	sadd.s32 $0x12600, s22;
	v23 =	vor.u32 v55, v23;
	v24 =	vand.u32 $0xFFFFFF80, v22;
	v22 =	vand.u32 $0x7F, v22;
	s9 =	sor.u32 s26, s5;
	[tilespmem:s0+$0x0] =	vst v46  }
0xd7: {  	s28 =	sand.u32 $0x60, s29;
	s14 =	sor.u32 s23, s13;
	v24 =	vadd.s32 v9, v24;
	v58 =	vadd.s32 $0x14, v1;
	[tilespmem:s9+$0x0] =	vst v31;
	v30 =	vadd.s32 v7, v45;
	v20 =	vld.idx.msk [tilespmem:v20+s10+$0x0], $0xffff  }
0xd8: {  	v22 =	vor.u32 v22, v24;
	v37 =	vld.idx.msk [tilespmem:v37+s10+$0x0], $0xffff;
	v43 =	vor.u32 v47, v30;
	v30 =	vand.u32 $0xFFFFFF80, v42;
	s0 =	sor.u32 s28, s5;
	[tilespmem:s14+$0x0] =	vst v29  }
0xd9: {  	v24 =	vand.u32 $0x7F, v59;
	v21 =	vor.u32 v63, v44;
	v30 =	vadd.s32 v2, v30;
	[tilespmem:s0+$0x0] =	vst v28;
	v28 =	vld.idx.msk [tilespmem:v39+s10+$0x0], $0xffff  }
0xda: {  	v24 =	vor.u32 v24, v61;
	v41 =	vor.u32 v52, v30;
	v30 =	vand.u32 $0x7F, v49  }
0xdb: {  	s11 =	sor.u32 s24, s20;
	v33 =	vor.u32 v30, v33;
	v30 =	vadd.s32 v7, v54;
	v29 =	vand.u32 $0x7F, v53  }
0xdc: {  	s6 =	sadd.s32 $0x12680, s22;
	v31 =	vadd.s32 $0x8, v27;
	v59 =	vadd.s32 $0x5, v4;
	v56 =	vor.u32 v29, v30;
	v29 =	vld.idx.msk [tilespmem:v32+s10+$0x0], $0xffff;
	[tilespmem:s11+$0x0] =	vst v20  }
0xdd: {  	v63 =	vadd.s32 $0xC, v27;
	v55 =	vand.u32 $0xFFFFFF80, v31;
	v31 =	vand.u32 $0x7F, v31;
	[tilespmem:s9+$0x80] =	vst v37;
	s14 =	sor.u32 s23, s6;
	v19 =	vld.idx.msk [tilespmem:v19+s10+$0x0], $0xffff  }
0xde: {  	v61 =	vadd.s32 $0x6, v4;
	v45 =	vadd.s32 $0x7, v4;
	v35 =	vld.idx.msk [tilespmem:v35+s10+$0x0], $0xffff;
	v30 =	vadd.s32 v9, v55;
	[tilespmem:s14+$0x0] =	vst v28  }
0xdf: {  	v32 =	vor.u32 v31, v30;
	v30 =	vand.u32 $0xFFFFFF80, v57;
	v31 =	vand.u32 $0xFFFFFF80, v58;
	v24 =	vld.idx.msk [tilespmem:v24+s10+$0x0], $0xffff  }
0xe0: {  	v20 =	vadd.s32 v9, v30;
	v30 =	vand.u32 $0x7F, v58;
	v31 =	vadd.s32 v2, v31  }
0xe1: {  	s15 =	sor.u32 s24, s13;
	v40 =	vor.u32 v30, v31;
	v31 =	vor.u32 v36, v20;
	v20 =	vadd.s32 $0xA, v27;
	[tilespmem:s0+$0x80] =	vst v29  }
0xe2: {  	s16 =	sadd.s32 $0x12700, s22;
	v30 =	vand.u32 $0x7F, v59;
	v28 =	vand.u32 $0xFFFFFF80, v59;
	v29 =	vand.u32 $0xFFFFFF80, v20;
	v60 =	vld.idx.msk [tilespmem:v38+s10+$0x0], $0xffff;
	[tilespmem:s15+$0x0] =	vst v19  }
0xe3: {  	s18 =	sor.u32 s23, s16;
	[tilespmem:s9+$0x100] =	vst v35;
	v20 =	vand.u32 $0x7F, v20;
	v28 =	vadd.s32 v7, v28;
	v29 =	vadd.s32 v9, v29;
	v18 =	vld.idx.msk [tilespmem:v18+s10+$0x0], $0xffff  }
0xe4: {  	v37 =	vor.u32 v30, v28;
	v30 =	vor.u32 v20, v29;
	v20 =	vadd.s32 $0xB, v27;
	[tilespmem:s18+$0x0] =	vst v24;
	v24 =	vld.idx.msk [tilespmem:v43+s10+$0x0], $0xffff  }
0xe5: {  	v47 =	vadd.s32 $0x17, v1;
	v28 =	vadd.s32 $0x15, v1;
	v19 =	vand.u32 $0xFFFFFF80, v20  }
0xe6: {  	v20 =	vand.u32 $0x7F, v20;
	v29 =	vand.u32 $0xFFFFFF80, v28;
	v19 =	vadd.s32 v9, v19  }
0xe7: {  	v52 =	vadd.s32 $0x8, v4;
	s11 =	sor.u32 s24, s6;
	v62 =	vadd.s32 v2, v29;
	v29 =	vor.u32 v20, v19;
	[tilespmem:s0+$0x100] =	vst v60;
	v20 =	vld.idx.msk [tilespmem:v41+s10+$0x0], $0xffff  }
0xe8: {  	v42 =	vadd.s32 $0x16, v1;
	v49 =	vand.u32 $0xFFFFFF80, v47;
	v53 =	vand.u32 $0xFFFFFF80, v52;
	v23 =	vld.idx.msk [tilespmem:v23+s10+$0x0], $0xffff;
	[tilespmem:s11+$0x0] =	vst v18  }
0xe9: {  	v46 =	vand.u32 $0xFFFFFF80, v45;
	v50 =	vadd.s32 v2, v49;
	v54 =	vadd.s32 v7, v53;
	v17 =	vld.idx.msk [tilespmem:v17+s10+$0x0], $0xffff;
	[tilespmem:s9+$0x180] =	vst v24  }
0xea: {  	s19 =	sadd.s32 $0x12780, s22;
	v55 =	vadd.s32 $0x11, v27;
	v35 =	vand.u32 $0x7F, v61;
	v41 =	vadd.s32 $0xD, v27;
	v39 =	vld.idx.msk [tilespmem:v56+s10+$0x0], $0xffff  }
0xeb: {  	s20 =	sor.u32 s23, s19;
	v57 =	vand.u32 $0x7F, v55;
	v28 =	vand.u32 $0x7F, v28;
	v18 =	vand.u32 $0xFFFFFF80, v41  }
0xec: {  	v43 =	vand.u32 $0xFFFFFF80, v42;
	v18 =	vadd.s32 v9, v18;
	v24 =	vand.u32 $0x7F, v41;
	[tilespmem:s20+$0x0] =	vst v20  }
0xed: {  	s12 =	sor.u32 s24, s16;
	v24 =	vor.u32 v24, v18;
	v18 =	vand.u32 $0x7F, v42;
	v20 =	vadd.s32 v2, v43;
	[tilespmem:s0+$0x180] =	vst v23;
	v44 =	vld.idx.msk [tilespmem:v40+s10+$0x0], $0xffff  }
0xee: {  	v58 =	vadd.s32 $0x18, v1;
	v38 =	vor.u32 v28, v62;
	v18 =	vor.u32 v18, v20;
	v20 =	vld.idx.msk [tilespmem:v22+s10+$0x0], $0xffff;
	[tilespmem:s12+$0x0] =	vst v17  }
0xef: {  	v36 =	vand.u32 $0x7F, v63;
	v19 =	vand.u32 $0xFFFFFF80, v61;
	v28 =	vand.u32 $0xFFFFFF80, v63;
	v16 =	vld.idx.msk [tilespmem:v16+s10+$0x0], $0xffff;
	[tilespmem:s9+$0x200] =	vst v39  }
0xf0: {  	s4 =	sadd.s32 $0x12800, s22;
	v61 =	vand.u32 $0x7F, v58;
	v63 =	vadd.s32 $0x9, v4;
	v19 =	vadd.s32 v7, v19;
	v37 =	vld.idx.msk [tilespmem:v37+s10+$0x0], $0xffff  }
0xf1: {  	s5 =	sor.u32 s23, s4;
	v28 =	vadd.s32 v9, v28;
	v60 =	vand.u32 $0xFFFFFF80, v58;
	v19 =	vor.u32 v35, v19  }
0xf2: {  	v28 =	vor.u32 v36, v28;
	v36 =	vand.u32 $0x7F, v45;
	v35 =	vand.u32 $0x7F, v48;
	[tilespmem:s5+$0x0] =	vst v44  }
0xf3: {  	s11 =	sor.u32 s24, s19;
	v62 =	vadd.s32 v2, v60;
	v45 =	vadd.s32 $0x19, v1;
	v60 =	vadd.s32 $0x1B, v1;
	[tilespmem:s0+$0x200] =	vst v20;
	v20 =	vld.idx.msk [tilespmem:v38+s10+$0x0], $0xffff  }
0xf4: {  	v41 =	vadd.s32 $0x1A, v27;
	v23 =	vadd.s32 $0xE, v27;
	v56 =	vadd.s32 $0x12, v27;
	v51 =	vld.idx.msk [tilespmem:v21+s10+$0x0], $0xffff;
	[tilespmem:s11+$0x0] =	vst v16  }
0xf5: {  	s31 =	simm.s32 $0x2;
	v42 =	vadd.s32 $0x13, v27;
	v22 =	vand.u32 $0xFFFFFF80, v23;
	v23 =	vand.u32 $0x7F, v23;
	v15 =	vld.idx.msk [tilespmem:v15+s10+$0x0], $0xffff;
	[tilespmem:s9+$0x280] =	vst v37  }
0xf6: {  	s6 =	sadd.s32 $0x12880, s22;
	s15 =	sand.u32 $0x7, s31;
	v40 =	vadd.s32 v7, v46;
	v17 =	vadd.s32 $0xF, v27;
	v22 =	vadd.s32 v9, v22;
	v19 =	vld.idx.msk [tilespmem:v19+s10+$0x0], $0xffff  }
0xf7: {  	s14 =	sor.u32 s23, s6;
	s16 =	sshll.u32 s15, $0x4;
	v36 =	vor.u32 v36, v40;
	v23 =	vor.u32 v23, v22;
	v22 =	vand.u32 $0xFFFFFF80, v17  }
0xf8: {  	v43 =	vand.u32 $0xFFFFFF80, v63;
	v17 =	vand.u32 $0x7F, v17;
	v22 =	vadd.s32 v9, v22;
	s9 =	sadd.s32 $0x100, s16;
	[tilespmem:s14+$0x0] =	vst v20  }
0xf9: {  	v59 =	vand.u32 $0xFFFFFF80, v56;
	s12 =	sor.u32 s24, s4;
	v22 =	vor.u32 v17, v22;
	v17 =	vand.u32 $0x7F, v47;
	[tilespmem:s0+$0x280] =	vst v51;
	s9 =	sadd.s32 $0x10, s9;
	v18 =	vld.idx.msk [tilespmem:v18+s10+$0x0], $0xffff  }
0xfa: {  	v46 =	vand.u32 $0xFFFFFF80, v45;
	v39 =	vadd.s32 v9, v59;
	v17 =	vor.u32 v17, v50;
	s0 =	simm.s32 $0x1;
	v34 =	vld.idx.msk [tilespmem:v34+s10+$0x0], $0xffff;
	s9 =	sor.u32 $0x300, s9;
	[tilespmem:s12+$0x0] =	vst v15  }
0xfb: {  	v47 =	vadd.s32 $0xA, v4;
	v44 =	vadd.s32 $0x14, v27;
	v21 =	vand.u32 $0xFFFFFF80, v48;
	s18 =	sand.u32 $0x3, s0;
	v14 =	vld.idx.msk [tilespmem:v14+s10+$0x0], $0xffff;
	[tilespmem:s9+$0x10600] =	vst v19  }
0xfc: {  	s19 =	sadd.s32 $0x12900, s22;
	v16 =	vand.u32 $0x7F, v52;
	v38 =	vadd.s32 v7, v43;
	v48 =	vand.u32 $0xFFFFFF80, v47;
	s13 =	sshll.u32 s18, $0x5;
	v36 =	vld.idx.msk [tilespmem:v36+s10+$0x0], $0xffff  }
0xfd: {  	s4 =	sor.u32 s23, s19;
	v43 =	vadd.s32 $0x1C, v1;
	v16 =	vor.u32 v16, v54;
	v15 =	vand.u32 $0x7F, v56;
	s20 =	sadd.s32 $0x100, s13  }
0xfe: {  	v21 =	vadd.s32 v9, v21;
	v19 =	vor.u32 v15, v39;
	v15 =	vand.u32 $0x7F, v63;
	s9 =	sor.u32 $0x300, s20;
	[tilespmem:s4+$0x0] =	vst v18  }
0xff: {  	s1 =	sor.u32 s1, s30;
	s5 =	sor.u32 s24, s6;
	v50 =	vadd.s32 v7, v48;
	v48 =	vadd.s32 $0xD, v4;
	v38 =	vor.u32 v15, v38;
	[tilespmem:s9+$0x10600] =	vst v34;
	v15 =	vld.idx.msk [tilespmem:v17+s10+$0x0], $0xffff  }
0x100: {  	s1 =	sor.u32 $0x380, s1;
	v21 =	vor.u32 v35, v21;
	v35 =	vor.u32 v61, v62;
	v20 =	vand.u32 $0xFFFFFF80, v55;
	v33 =	vld.idx.msk [tilespmem:v33+s10+$0x0], $0xffff;
	[tilespmem:s5+$0x0] =	vst v14  }
0x101: {  	v61 =	vand.u32 $0xFFFFFF80, v60;
	v37 =	vand.u32 $0x7F, v42;
	v20 =	vadd.s32 v9, v20;
	v13 =	vld.idx.msk [tilespmem:v13+s10+$0x0], $0xffff;
	[tilespmem:s1+$0x10600] =	vst v36  }
0x102: {  	s6 =	sadd.s32 $0x12980, s22;
	v56 =	vadd.s32 $0x18, v27;
	v20 =	vor.u32 v57, v20;
	v18 =	vand.u32 $0xFFFFFF80, v42;
	v49 =	vld.idx.msk [tilespmem:v16+s10+$0x0], $0xffff  }
0x103: {  	s14 =	sor.u32 s23, s6;
	s13 =	sor.u32 s29, s30;
	v39 =	vand.u32 $0x7F, v45;
	v45 =	vadd.s32 $0x1B, v27;
	v17 =	vadd.s32 v9, v18  }
0x104: {  	s11 =	sor.u32 $0x380, s13;
	v42 =	vand.u32 $0xFFFFFF80, v41;
	v18 =	vor.u32 v37, v17;
	v17 =	vand.u32 $0xFFFFFF80, v44;
	[tilespmem:s14+$0x0] =	vst v15  }
0x105: {  	s15 =	sor.u32 s24, s19;
	s16 =	sadd.s32 $0x11600, s25;
	v14 =	vand.u32 $0x7F, v44;
	v37 =	vadd.s32 v2, v46;
	v17 =	vadd.s32 v9, v17;
	[tilespmem:s11+$0x10600] =	vst v33;
	v51 =	vld.idx.msk [tilespmem:v35+s10+$0x0], $0xffff  }
0x106: {  	s18 =	sor.u32 s26, s16;
	v37 =	vor.u32 v39, v37;
	v17 =	vor.u32 v14, v17;
	v14 =	vadd.s32 $0x15, v27;
	v32 =	vld.idx.msk [tilespmem:v32+s10+$0x0], $0xffff;
	[tilespmem:s15+$0x0] =	vst v13  }
0x107: {  	v39 =	vadd.s32 $0xC, v4;
	v15 =	vand.u32 $0xFFFFFF80, v14;
	v16 =	vand.u32 $0x7F, v47;
	v12 =	vld.idx.msk [tilespmem:v12+s10+$0x0], $0xffff;
	[tilespmem:s18+$0x0] =	vst v49  }
0x108: {  	s19 =	sadd.s32 $0x13600, s22;
	v14 =	vand.u32 $0x7F, v14;
	v15 =	vadd.s32 v9, v15;
	v34 =	vor.u32 v16, v50;
	v55 =	vld.idx.msk [tilespmem:v38+s10+$0x0], $0xffff  }
0x109: {  	s20 =	sor.u32 s23, s19;
	v16 =	vor.u32 v14, v15;
	v14 =	vadd.s32 $0x16, v27;
	v15 =	vadd.s32 $0x1A, v1  }
0x10a: {  	s11 =	sor.u32 s28, s16;
	v52 =	vand.u32 $0xFFFFFF80, v14;
	v14 =	vand.u32 $0x7F, v14;
	v53 =	vand.u32 $0xFFFFFF80, v15;
	[tilespmem:s20+$0x0] =	vst v51  }
0x10b: {  	s4 =	sor.u32 s24, s6;
	s5 =	sadd.s32 $0x11680, s25;
	v54 =	vand.u32 $0x7F, v15;
	v13 =	vadd.s32 v9, v52;
	v36 =	vadd.s32 v2, v53;
	[tilespmem:s11+$0x0] =	vst v32;
	v58 =	vld.idx.msk [tilespmem:v37+s10+$0x0], $0xffff  }
0x10c: {  	s6 =	sor.u32 s26, s5;
	v15 =	vor.u32 v14, v13;
	v13 =	vadd.s32 $0xB, v4;
	v35 =	vor.u32 v54, v36;
	v31 =	vld.idx.msk [tilespmem:v31+s10+$0x0], $0xffff;
	[tilespmem:s4+$0x0] =	vst v12  }
0x10d: {  	v46 =	vand.u32 $0xFFFFFF80, v43;
	v40 =	vand.u32 $0xFFFFFF80, v39;
	v57 =	vand.u32 $0xFFFFFF80, v13;
	v62 =	vld.idx.msk [tilespmem:v11+s10+$0x0], $0xffff;
	[tilespmem:s6+$0x0] =	vst v55  }
0x10e: {  	s13 =	sadd.s32 $0x13680, s22;
	v47 =	vadd.s32 v2, v46;
	v13 =	vand.u32 $0x7F, v13;
	v38 =	vadd.s32 v7, v57;
	v63 =	vld.idx.msk [tilespmem:v34+s10+$0x0], $0xffff  }
0x10f: {  	s14 =	sor.u32 s23, s13;
	v50 =	vand.u32 $0xFFFFFF80, v48;
	v38 =	vor.u32 v13, v38;
	v13 =	vand.u32 $0xFFFFFF80, v56  }
0x110: {  	s9 =	sor.u32 s28, s5;
	v52 =	vadd.s32 $0x1C, v27;
	v12 =	vand.u32 $0x7F, v56;
	v13 =	vadd.s32 v9, v13;
	[tilespmem:s14+$0x0] =	vst v58  }
0x111: {  	s16 =	sadd.s32 $0x11700, s25;
	s15 =	sor.u32 s24, s19;
	v11 =	vand.u32 $0x7F, v60;
	v13 =	vor.u32 v12, v13;
	v12 =	vadd.s32 v2, v61;
	[tilespmem:s9+$0x0] =	vst v31;
	v31 =	vld.idx.msk [tilespmem:v35+s10+$0x0], $0xffff  }
0x112: {  	v53 =	vadd.s32 $0x1D, v27;
	v14 =	vadd.s32 $0x17, v27;
	s18 =	sor.u32 s26, s16;
	v12 =	vor.u32 v11, v12;
	v30 =	vld.idx.msk [tilespmem:v30+s10+$0x0], $0xffff;
	[tilespmem:s15+$0x0] =	vst v62  }
0x113: {  	v49 =	vand.u32 $0x7F, v45;
	v54 =	vand.u32 $0xFFFFFF80, v52;
	v33 =	vand.u32 $0x7F, v52;
	v44 =	vld.idx.msk [tilespmem:v10+s10+$0x0], $0xffff;
	[tilespmem:s18+$0x0] =	vst v63  }
0x114: {  	s19 =	sadd.s32 $0x13700, s22;
	v59 =	vand.u32 $0xFFFFFF80, v14;
	v34 =	vand.u32 $0x7F, v39;
	v35 =	vadd.s32 v7, v40;
	v38 =	vld.idx.msk [tilespmem:v38+s10+$0x0], $0xffff  }
0x115: {  	v14 =	vand.u32 $0x7F, v14;
	s20 =	sor.u32 s23, s19;
	v37 =	vadd.s32 v9, v59;
	v34 =	vor.u32 v34, v35  }
0x116: {  	s11 =	sor.u32 s28, s16;
	v51 =	vand.u32 $0x7F, v48;
	v14 =	vor.u32 v14, v37;
	v37 =	vadd.s32 $0x19, v27;
	[tilespmem:s20+$0x0] =	vst v31  }
0x117: {  	s1 =	sor.u32 s24, s13;
	s4 =	sadd.s32 $0x11780, s25;
	v56 =	vand.u32 $0xFFFFFF80, v53;
	v11 =	vand.u32 $0xFFFFFF80, v37;
	v31 =	vand.u32 $0x7F, v43;
	[tilespmem:s11+$0x0] =	vst v30;
	v30 =	vld.idx.msk [tilespmem:v12+s10+$0x0], $0xffff  }
0x118: {  	s5 =	sor.u32 s26, s4;
	v32 =	vand.u32 $0x7F, v37;
	v11 =	vadd.s32 v9, v11;
	v31 =	vor.u32 v31, v47;
	v29 =	vld.idx.msk [tilespmem:v29+s10+$0x0], $0xffff;
	[tilespmem:s1+$0x0] =	vst v44  }
0x119: {  	v60 =	vadd.s32 $0xE, v4;
	v61 =	vadd.s32 $0x1E, v27;
	v11 =	vor.u32 v32, v11;
	v26 =	vld.idx.msk [tilespmem:v26+s10+$0x0], $0xffff;
	[tilespmem:s5+$0x0] =	vst v38  }
0x11a: {  	s6 =	sadd.s32 $0x13780, s22;
	v32 =	vand.u32 $0x7F, v41;
	v10 =	vadd.s32 v9, v42;
	v35 =	vadd.s32 v7, v50;
	v34 =	vld.idx.msk [tilespmem:v34+s10+$0x0], $0xffff  }
0x11b: {  	v55 =	vadd.s32 $0x1D, v1;
	s14 =	sor.u32 s23, s6;
	v10 =	vor.u32 v32, v10;
	v32 =	vor.u32 v51, v35  }
0x11c: {  	v27 =	vadd.s32 $0x1F, v27;
	v57 =	vand.u32 $0xFFFFFF80, v55;
	s11 =	sor.u32 s28, s4;
	[tilespmem:s14+$0x0] =	vst v30;
	v30 =	vadd.s32 v9, v54  }
0x11d: {  	s16 =	sadd.s32 $0x11800, s25;
	s15 =	sor.u32 s24, s19;
	[tilespmem:s11+$0x0] =	vst v29;
	v58 =	vld.idx.msk [tilespmem:v31+s10+$0x0], $0xffff;
	v29 =	vor.u32 v33, v30;
	v30 =	vand.u32 $0x7F, v55;
	v31 =	vadd.s32 v2, v57  }
0x11e: {  	s18 =	sor.u32 s26, s16;
	v59 =	vld.idx.msk [tilespmem:v28+s10+$0x0], $0xffff;
	v28 =	vadd.s32 v9, v56;
	[tilespmem:s15+$0x0] =	vst v26;
	v30 =	vor.u32 v30, v31;
	v31 =	vand.u32 $0x7F, v53  }
0x11f: {  	v36 =	vand.u32 $0x7F, v61;
	v62 =	vand.u32 $0xFFFFFF80, v60;
	v28 =	vor.u32 v31, v28;
	v31 =	vld.idx.msk [tilespmem:v25+s10+$0x0], $0xffff;
	[tilespmem:s18+$0x0] =	vst v34  }
0x120: {  	s19 =	sadd.s32 $0x13800, s22;
	v63 =	vadd.s32 v7, v62;
	v12 =	vand.u32 $0xFFFFFF80, v45;
	v26 =	vand.u32 $0x7F, v60;
	v35 =	vld.idx.msk [tilespmem:v32+s10+$0x0], $0xffff  }
0x121: {  	s20 =	sor.u32 s23, s19;
	v12 =	vadd.s32 v9, v12;
	v25 =	vand.u32 $0xFFFFFF80, v61;
	v34 =	vor.u32 v26, v63  }
0x122: {  	s9 =	sor.u32 s28, s16;
	s12 =	sor.u32 s24, s19;
	s1 =	simm.s32 $0x2;
	v12 =	vor.u32 v49, v12;
	v25 =	vadd.s32 v9, v25;
	[tilespmem:s20+$0x0] =	vst v58;
	v32 =	vadd.s32 $0x1E, v1  }
0x123: {  	s11 =	sor.u32 s24, s6;
	s14 =	sadd.s32 $0x11880, s25;
	v26 =	vor.u32 v36, v25;
	v25 =	vand.u32 $0xFFFFFF80, v27;
	[tilespmem:s9+$0x0] =	vst v59;
	s9 =	simm.s32 $0x450;
	v30 =	vld.idx.msk [tilespmem:v30+s10+$0x0], $0xffff;
	v33 =	vand.u32 $0xFFFFFF80, v32  }
.LBB2_2:
0x124: {  	v36 =	vld [tilespmem:s9+$0x0];
	s1 =	sadd.s32 $0x2, s1;
	s13 =	sor.u32 s28, s14;
	v9 =	vadd.s32 v9, v25;
	s14 =	sor.u32 s26, s14;
	[tilespmem:s11+$0x0] =	vst v31;
	v31 =	vand.u32 $0x7F, v32;
	v32 =	vadd.s32 v2, v33  }
0x125: {  	v27 =	vand.u32 $0x7F, v27;
	v33 =	vadd.s32 $0xF, v4;
	s29 =	sadd.s32 $0x20, s29;
	v25 =	vld [tilespmem:s9+$0xFFFFFFF0];
	p0 =	slt.u32 s1, $0x1E;
	[tilespmem:s14+$0x0] =	vst v35;
	v31 =	vor.u32 v31, v32  }
0x126: {  	v32 =	vmov s29;
	s16 =	sand.u32 $0x60, s29;
	s11 =	sadd.s32 $0x10, s29;
	v27 =	vor.u32 v27, v9;
	v9 =	vld.idx.msk [tilespmem:v34+s10+$0x0], $0xffff;
	v34 =	vand.u32 $0xFFFFFF80, v33  }
0x127: {  	s14 =	sadd.s32 $0x13880, s22;
	v35 =	vmov s11;
	v33 =	vand.u32 $0x7F, v33;
	v24 =	vld.idx.msk [tilespmem:v24+s10+$0x0], $0xffff;
	v34 =	vadd.s32 v7, v34  }
0x128: {  	v32 =	vshll.u32 v32, $0x7;
	s19 =	sor.u32 s24, s14;
	s14 =	sor.u32 s23, s14;
	v35 =	vshll.u32 v35, $0x7;
	v33 =	vor.u32 v33, v34;
	v34 =	vld.idx.msk [tilespmem:v8+s10+$0x0], $0xffff;
	v8 =	vmovc v29  }
0x129: {  	v35 =	vor.u32 v0, v35;
	v29 =	vand.u32 $0xFFFFFF80, v36;
	[tilespmem:s14+$0x0] =	vst v30;
	v30 =	vadd.s32 $0x1F, v1;
	v1 =	vmovc v4;
	v4 =	vmovc v36  }
0x12a: {  	s15 =	sadd.s32 $0x11900, s25;
	v36 =	vand.u32 $0x7F, v4;
	v29 =	vadd.s32 v35, v29;
	v31 =	vld.idx.msk [tilespmem:v31+s10+$0x0], $0xffff;
	v37 =	vand.u32 $0xFFFFFF80, v30  }
0x12b: {  	s14 =	sor.u32 s28, s15;
	s15 =	sor.u32 s26, s15;
	v30 =	vand.u32 $0x7F, v30;
	v29 =	vor.u32 v36, v29;
	v36 =	vadd.s32 v2, v37;
	v2 =	vmovc v7;
	v7 =	vmovc v35  }
0x12c: {  	v35 =	vand.u32 $0xFFFFFF80, v25;
	v37 =	vadd.s32 $0x10, v1;
	[tilespmem:s15+$0x0] =	vst v9;
	v30 =	vor.u32 v30, v36  }
0x12d: {  	v36 =	vand.u32 $0x7F, v25;
	v9 =	vor.u32 v0, v32;
	v32 =	vand.u32 $0xFFFFFF80, v37;
	[tilespmem:s13+$0x0] =	vst v24;
	v24 =	vld.idx.msk [tilespmem:v33+s10+$0x0], $0xffff  }
0x12e: {  	v33 =	vadd.s32 v9, v35;
	v35 =	vand.u32 $0x7F, v37;
	v32 =	vadd.s32 v2, v32;
	v23 =	vld.idx.msk [tilespmem:v23+s10+$0x0], $0xffff;
	[tilespmem:s12+$0x0] =	vst v34;
	s12 =	sadd.s32 $0x13900, s22  }
0x12f: {  	s0 =	sadd.s32 $0x1, s0;
	v33 =	vor.u32 v36, v33;
	v34 =	vadd.s32 $0x1, v4;
	v32 =	vor.u32 v35, v32;
	v35 =	vld.idx.msk [tilespmem:v6+s10+$0x0], $0xffff;
	s18 =	sor.u32 s24, s12;
	s12 =	sor.u32 s23, s12;
	v6 =	vmovc v28  }
0x130: {  	s13 =	sand.u32 $0x3, s0;
	v36 =	vadd.s32 $0x2, v25;
	v28 =	vadd.s32 $0x1, v25;
	v37 =	vand.u32 $0xFFFFFF80, v34;
	v29 =	vld.idx.msk [tilespmem:v29+s10+$0x0], $0xffff;
	[tilespmem:s12+$0x0] =	vst v31  }
0x131: {  	v34 =	vand.u32 $0x7F, v34;
	s12 =	sshll.u32 s13, $0x5;
	v31 =	vand.u32 $0xFFFFFF80, v28;
	v37 =	vadd.s32 v7, v37;
	s13 =	sadd.s32 $0x11980, s25;
	v30 =	vld.idx.msk [tilespmem:v30+s10+$0x0], $0xffff  }
0x132: {  	s30 =	sadd.s32 $0x100, s30;
	v28 =	vand.u32 $0x7F, v28;
	v31 =	vadd.s32 v9, v31;
	v34 =	vor.u32 v34, v37;
	s20 =	sor.u32 s28, s13;
	s13 =	sor.u32 s26, s13  }
0x133: {  	s4 =	sand.u32 $0xC00, s30;
	s5 =	sor.u32 s29, s30;
	s12 =	sadd.s32 s12, s30;
	v28 =	vor.u32 v28, v31;
	v31 =	vand.u32 $0xFFFFFF80, v36;
	[tilespmem:s13+$0x0] =	vst v24;
	v24 =	vadd.s32 $0x11, v1  }
0x134: {  	s6 =	sand.u32 $0x70, s11;
	s15 =	sadd.s32 $0x10600, s4;
	v36 =	vand.u32 $0x7F, v36;
	v31 =	vadd.s32 v9, v31;
	s13 =	sor.u32 $0x300, s12;
	[tilespmem:s14+$0x0] =	vst v23;
	v23 =	vld.idx.msk [tilespmem:v32+s10+$0x0], $0xffff;
	v32 =	vand.u32 $0xFFFFFF80, v24  }
0x135: {  	s22 =	sadd.s32 $0x13980, s22;
	s14 =	sor.u32 s16, s15;
	v31 =	vor.u32 v36, v31;
	s15 =	sor.u32 s6, s15;
	v24 =	vand.u32 $0x7F, v24;
	v33 =	vld.idx.msk [tilespmem:v33+s10+$0x0], $0xffff;
	v32 =	vadd.s32 v2, v32;
	[tilespmem:s19+$0x0] =	vst v35  }
0x136: {  	s12 =	sor.u32 $0x380, s5;
	s5 =	sor.u32 s23, s22;
	v35 =	vadd.s32 $0x3, v25;
	s19 =	sor.u32 s24, s22;
	[tilespmem:s15+$0x0] =	vst v29;
	v29 =	vadd.s32 $0x2, v4;
	v22 =	vld.idx.msk [tilespmem:v22+s10+$0x0], $0xffff;
	v24 =	vor.u32 v24, v32  }
0x137: {  	s24 =	smov.u32 s28;
	s28 =	smov.u32 s16;
	s22 =	smov.u32 s25;
	v32 =	vand.u32 $0xFFFFFF80, v35;
	v35 =	vand.u32 $0x7F, v35;
	v34 =	vld.idx.msk [tilespmem:v34+s10+$0x0], $0xffff;
	v36 =	vand.u32 $0xFFFFFF80, v29;
	[tilespmem:s5+$0x0] =	vst v30  }
0x138: {  	s23 =	smov.u32 s26;
	s25 =	smov.u32 s4;
	v30 =	vadd.s32 v9, v32;
	v29 =	vand.u32 $0x7F, v29;
	s5 =	sadd.s32 $0x12600, s22;
	v32 =	vadd.s32 v7, v36;
	v36 =	vld.idx.msk [tilespmem:v5+s10+$0x0], $0xffff;
	v5 =	vmovc v26  }
0x139: {  	s26 =	smov.u32 s6;
	v26 =	vor.u32 v35, v30;
	v30 =	vadd.s32 $0x4, v25;
	s4 =	sor.u32 s24, s5;
	s5 =	sor.u32 s23, s5;
	v29 =	vor.u32 v29, v32  }
0x13a: {  	v32 =	vand.u32 $0xFFFFFF80, v30;
	v30 =	vand.u32 $0x7F, v30;
	[tilespmem:s5+$0x0] =	vst v23;
	v23 =	vadd.s32 $0x12, v1  }
0x13b: {  	v32 =	vadd.s32 v9, v32;
	[tilespmem:s14+$0x0] =	vst v33;
	v33 =	vadd.s32 $0x5, v25;
	v24 =	vld.idx.msk [tilespmem:v24+s10+$0x0], $0xffff;
	v35 =	vand.u32 $0xFFFFFF80, v23  }
0x13c: {  	v32 =	vor.u32 v30, v32;
	v28 =	vld.idx.msk [tilespmem:v28+s10+$0x0], $0xffff;
	[tilespmem:s20+$0x0] =	vst v22;
	v22 =	vand.u32 $0x7F, v23;
	v23 =	vadd.s32 v2, v35  }
0x13d: {  	v30 =	vand.u32 $0xFFFFFF80, v33;
	[tilespmem:s15+$0x80] =	vst v34;
	v34 =	vadd.s32 $0x3, v4;
	v35 =	vld.idx.msk [tilespmem:v21+s10+$0x0], $0xffff;
	v21 =	vor.u32 v22, v23  }
0x13e: {  	v22 =	vand.u32 $0x7F, v33;
	v23 =	vadd.s32 v9, v30;
	v29 =	vld.idx.msk [tilespmem:v29+s10+$0x0], $0xffff;
	v30 =	vand.u32 $0xFFFFFF80, v34;
	[tilespmem:s18+$0x0] =	vst v36  }
0x13f: {  	s5 =	sadd.s32 $0x12680, s22;
	v22 =	vor.u32 v22, v23;
	v23 =	vand.u32 $0x7F, v34;
	v30 =	vadd.s32 v7, v30;
	v33 =	vld.idx.msk [tilespmem:v3+s10+$0x0], $0xffff;
	v3 =	vmovc v27  }
0x140: {  	s6 =	sor.u32 s24, s5;
	s5 =	sor.u32 s23, s5;
	v34 =	vadd.s32 $0x7, v25;
	v27 =	vadd.s32 $0x6, v25;
	v23 =	vor.u32 v23, v30  }
0x141: {  	v30 =	vand.u32 $0xFFFFFF80, v27;
	v27 =	vand.u32 $0x7F, v27;
	[tilespmem:s5+$0x0] =	vst v24;
	v24 =	vadd.s32 $0x13, v1  }
0x142: {  	[tilespmem:s14+$0x80] =	vst v28;
	v28 =	vadd.s32 v9, v30;
	v30 =	vand.u32 $0xFFFFFF80, v34;
	v36 =	vld.idx.msk [tilespmem:v21+s10+$0x0], $0xffff;
	v37 =	vand.u32 $0xFFFFFF80, v24  }
0x143: {  	v24 =	vand.u32 $0x7F, v24;
	v31 =	vld.idx.msk [tilespmem:v31+s10+$0x0], $0xffff;
	v21 =	vor.u32 v27, v28;
	[tilespmem:s4+$0x0] =	vst v35;
	v27 =	vadd.s32 v2, v37  }
0x144: {  	v28 =	vadd.s32 v9, v30;
	[tilespmem:s15+$0x100] =	vst v29;
	v29 =	vadd.s32 $0x4, v4;
	v35 =	vld.idx.msk [tilespmem:v20+s10+$0x0], $0xffff;
	v24 =	vor.u32 v24, v27  }
0x145: {  	v20 =	vand.u32 $0x7F, v34;
	v27 =	vadd.s32 $0x8, v25;
	v23 =	vld.idx.msk [tilespmem:v23+s10+$0x0], $0xffff;
	v30 =	vand.u32 $0xFFFFFF80, v29;
	[tilespmem:s19+$0x0] =	vst v33  }
0x146: {  	s4 =	sadd.s32 $0x12700, s22;
	v20 =	vor.u32 v20, v28;
	v28 =	vand.u32 $0x7F, v29;
	v29 =	vadd.s32 v7, v30  }
0x147: {  	s5 =	sor.u32 s24, s4;
	s4 =	sor.u32 s23, s4;
	v30 =	vand.u32 $0xFFFFFF80, v27;
	v27 =	vand.u32 $0x7F, v27;
	v28 =	vor.u32 v28, v29  }
0x148: {  	v34 =	vadd.s32 $0x14, v1;
	v33 =	vadd.s32 $0x9, v25;
	v29 =	vadd.s32 v9, v30;
	[tilespmem:s4+$0x0] =	vst v36  }
0x149: {  	v30 =	vor.u32 v27, v29;
	v27 =	vand.u32 $0xFFFFFF80, v33;
	v29 =	vand.u32 $0xFFFFFF80, v34;
	[tilespmem:s14+$0x100] =	vst v31;
	v24 =	vld.idx.msk [tilespmem:v24+s10+$0x0], $0xffff  }
0x14a: {  	v27 =	vadd.s32 v9, v27;
	v31 =	vand.u32 $0x7F, v34;
	v29 =	vadd.s32 v2, v29;
	v26 =	vld.idx.msk [tilespmem:v26+s10+$0x0], $0xffff;
	[tilespmem:s6+$0x0] =	vst v35  }
0x14b: {  	v33 =	vand.u32 $0x7F, v33;
	v31 =	vor.u32 v31, v29;
	[tilespmem:s15+$0x180] =	vst v23;
	v23 =	vadd.s32 $0x5, v4;
	v19 =	vld.idx.msk [tilespmem:v19+s10+$0x0], $0xffff  }
0x14c: {  	v29 =	vor.u32 v33, v27;
	v27 =	vadd.s32 $0xA, v25;
	v33 =	vld.idx.msk [tilespmem:v28+s10+$0x0], $0xffff;
	v28 =	vand.u32 $0xFFFFFF80, v23  }
0x14d: {  	s4 =	sadd.s32 $0x12780, s22;
	v34 =	vand.u32 $0xFFFFFF80, v27;
	v23 =	vand.u32 $0x7F, v23;
	v28 =	vadd.s32 v7, v28  }
0x14e: {  	s6 =	sor.u32 s24, s4;
	s4 =	sor.u32 s23, s4;
	v27 =	vand.u32 $0x7F, v27;
	v34 =	vadd.s32 v9, v34;
	v23 =	vor.u32 v23, v28  }
0x14f: {  	v28 =	vor.u32 v27, v34;
	v27 =	vadd.s32 $0xB, v25;
	[tilespmem:s4+$0x0] =	vst v24;
	v24 =	vadd.s32 $0x15, v1  }
0x150: {  	[tilespmem:s14+$0x180] =	vst v26;
	v26 =	vand.u32 $0xFFFFFF80, v27;
	v27 =	vand.u32 $0x7F, v27;
	v31 =	vld.idx.msk [tilespmem:v31+s10+$0x0], $0xffff;
	v34 =	vand.u32 $0xFFFFFF80, v24  }
0x151: {  	v32 =	vld.idx.msk [tilespmem:v32+s10+$0x0], $0xffff;
	v26 =	vadd.s32 v9, v26;
	[tilespmem:s5+$0x0] =	vst v19;
	v19 =	vand.u32 $0x7F, v24;
	v24 =	vadd.s32 v2, v34  }
0x152: {  	v27 =	vor.u32 v27, v26;
	[tilespmem:s15+$0x200] =	vst v33;
	v26 =	vadd.s32 $0x6, v4;
	v18 =	vld.idx.msk [tilespmem:v18+s10+$0x0], $0xffff;
	v19 =	vor.u32 v19, v24  }
0x153: {  	v24 =	vadd.s32 $0xC, v25;
	v33 =	vadd.s32 $0xD, v25;
	v23 =	vld.idx.msk [tilespmem:v23+s10+$0x0], $0xffff;
	v34 =	vand.u32 $0xFFFFFF80, v26  }
0x154: {  	s4 =	sadd.s32 $0x12800, s22;
	v35 =	vand.u32 $0xFFFFFF80, v24;
	v26 =	vand.u32 $0x7F, v26;
	v34 =	vadd.s32 v7, v34  }
0x155: {  	s5 =	sor.u32 s24, s4;
	s4 =	sor.u32 s23, s4;
	v24 =	vand.u32 $0x7F, v24;
	v35 =	vadd.s32 v9, v35;
	v34 =	vor.u32 v26, v34  }
0x156: {  	v26 =	vor.u32 v24, v35;
	v24 =	vand.u32 $0xFFFFFF80, v33;
	[tilespmem:s4+$0x0] =	vst v31;
	v31 =	vadd.s32 $0x16, v1  }
0x157: {  	v24 =	vadd.s32 v9, v24;
	[tilespmem:s14+$0x200] =	vst v32;
	v32 =	vand.u32 $0x7F, v33;
	v19 =	vld.idx.msk [tilespmem:v19+s10+$0x0], $0xffff;
	v33 =	vand.u32 $0xFFFFFF80, v31  }
0x158: {  	v22 =	vld.idx.msk [tilespmem:v22+s10+$0x0], $0xffff;
	v24 =	vor.u32 v32, v24;
	[tilespmem:s6+$0x0] =	vst v18;
	v18 =	vand.u32 $0x7F, v31;
	v31 =	vadd.s32 v2, v33  }
0x159: {  	v32 =	vadd.s32 $0xE, v25;
	[tilespmem:s15+$0x280] =	vst v23;
	v23 =	vadd.s32 $0x7, v4;
	v17 =	vld.idx.msk [tilespmem:v17+s10+$0x0], $0xffff;
	v18 =	vor.u32 v18, v31  }
0x15a: {  	s31 =	sadd.s32 $0x2, s31;
	v31 =	vand.u32 $0xFFFFFF80, v32;
	v32 =	vand.u32 $0x7F, v32;
	v33 =	vld.idx.msk [tilespmem:v34+s10+$0x0], $0xffff;
	v34 =	vand.u32 $0xFFFFFF80, v23  }
0x15b: {  	s4 =	sand.u32 $0x7, s31;
	s6 =	sadd.s32 $0x12880, s22;
	v31 =	vadd.s32 v9, v31;
	v35 =	vand.u32 $0x7F, v23;
	v34 =	vadd.s32 v7, v34  }
0x15c: {  	s4 =	sshll.u32 s4, $0x4;
	s15 =	sor.u32 s24, s6;
	s6 =	sor.u32 s23, s6;
	v23 =	vor.u32 v32, v31;
	v31 =	vadd.s32 $0xF, v25;
	v32 =	vor.u32 v35, v34  }
0x15d: {  	s4 =	sadd.s32 s30, s4;
	v34 =	vand.u32 $0xFFFFFF80, v31;
	v31 =	vand.u32 $0x7F, v31;
	[tilespmem:s6+$0x0] =	vst v19;
	v19 =	vadd.s32 $0x17, v1  }
0x15e: {  	s4 =	sadd.s32 $0x10, s4;
	[tilespmem:s14+$0x280] =	vst v22;
	v22 =	vadd.s32 v9, v34;
	v34 =	vadd.s32 $0x10, v25;
	v18 =	vld.idx.msk [tilespmem:v18+s10+$0x0], $0xffff;
	v35 =	vand.u32 $0xFFFFFF80, v19  }
0x15f: {  	s4 =	sor.u32 $0x300, s4;
	v36 =	vld.idx.msk [tilespmem:v21+s10+$0x0], $0xffff;
	v22 =	vor.u32 v31, v22;
	[tilespmem:s5+$0x0] =	vst v17;
	v17 =	vand.u32 $0x7F, v19;
	v19 =	vadd.s32 v2, v35  }
0x160: {  	v21 =	vand.u32 $0xFFFFFF80, v34;
	v31 =	vadd.s32 $0x8, v4;
	[tilespmem:s4+$0x10600] =	vst v33;
	v16 =	vld.idx.msk [tilespmem:v16+s10+$0x0], $0xffff;
	v17 =	vor.u32 v17, v19  }
0x161: {  	v19 =	vand.u32 $0x7F, v34;
	v21 =	vadd.s32 v9, v21;
	v33 =	vand.u32 $0xFFFFFF80, v31;
	v32 =	vld.idx.msk [tilespmem:v32+s10+$0x0], $0xffff  }
0x162: {  	s4 =	sadd.s32 $0x12900, s22;
	v21 =	vor.u32 v19, v21;
	v19 =	vand.u32 $0x7F, v31;
	v31 =	vadd.s32 v7, v33  }
0x163: {  	v34 =	vadd.s32 $0x12, v25;
	v33 =	vadd.s32 $0x11, v25;
	s5 =	sor.u32 s24, s4;
	s4 =	sor.u32 s23, s4;
	v19 =	vor.u32 v19, v31  }
0x164: {  	v31 =	vand.u32 $0xFFFFFF80, v33;
	v33 =	vand.u32 $0x7F, v33;
	[tilespmem:s4+$0x0] =	vst v18;
	v18 =	vadd.s32 $0x18, v1  }
0x165: {  	v35 =	vand.u32 $0xFFFFFF80, v34;
	v31 =	vadd.s32 v9, v31;
	s4 =	sor.u32 s11, s30;
	[tilespmem:s13+$0x10600] =	vst v36;
	v17 =	vld.idx.msk [tilespmem:v17+s10+$0x0], $0xffff;
	v36 =	vand.u32 $0xFFFFFF80, v18  }
0x166: {  	s4 =	sor.u32 $0x380, s4;
	v37 =	vld.idx.msk [tilespmem:v20+s10+$0x0], $0xffff;
	v20 =	vor.u32 v33, v31;
	[tilespmem:s15+$0x0] =	vst v16;
	v16 =	vand.u32 $0x7F, v18;
	v18 =	vadd.s32 v2, v36  }
0x167: {  	v31 =	vadd.s32 v9, v35;
	[tilespmem:s4+$0x10600] =	vst v32;
	v32 =	vadd.s32 $0x9, v4;
	v15 =	vld.idx.msk [tilespmem:v15+s10+$0x0], $0xffff;
	v16 =	vor.u32 v16, v18  }
0x168: {  	v33 =	vadd.s32 $0x13, v25;
	v18 =	vand.u32 $0x7F, v34;
	v34 =	vld.idx.msk [tilespmem:v19+s10+$0x0], $0xffff;
	v35 =	vand.u32 $0xFFFFFF80, v32  }
0x169: {  	s4 =	sadd.s32 $0x12980, s22;
	v19 =	vor.u32 v18, v31;
	v18 =	vand.u32 $0x7F, v32;
	v31 =	vadd.s32 v7, v35  }
0x16a: {  	v32 =	vand.u32 $0xFFFFFF80, v33;
	v33 =	vand.u32 $0x7F, v33;
	s6 =	sor.u32 s24, s4;
	s4 =	sor.u32 s23, s4;
	v31 =	vor.u32 v18, v31  }
0x16b: {  	v18 =	vadd.s32 v9, v32;
	v32 =	vadd.s32 $0x14, v25;
	[tilespmem:s4+$0x0] =	vst v17;
	v17 =	vadd.s32 $0x19, v1  }
0x16c: {  	s4 =	sadd.s32 $0x11600, s25;
	v18 =	vor.u32 v33, v18;
	v33 =	vand.u32 $0xFFFFFF80, v32;
	[tilespmem:s12+$0x10600] =	vst v37;
	v35 =	vld.idx.msk [tilespmem:v16+s10+$0x0], $0xffff;
	v16 =	vand.u32 $0xFFFFFF80, v17  }
0x16d: {  	s11 =	sor.u32 s28, s4;
	v33 =	vadd.s32 v9, v33;
	s4 =	sor.u32 s26, s4;
	v30 =	vld.idx.msk [tilespmem:v30+s10+$0x0], $0xffff;
	[tilespmem:s5+$0x0] =	vst v15;
	v15 =	vand.u32 $0x7F, v17;
	v16 =	vadd.s32 v2, v16  }
0x16e: {  	v17 =	vand.u32 $0x7F, v32;
	v32 =	vadd.s32 $0xA, v4;
	[tilespmem:s4+$0x0] =	vst v34;
	v14 =	vld.idx.msk [tilespmem:v14+s10+$0x0], $0xffff;
	v15 =	vor.u32 v15, v16  }
0x16f: {  	v17 =	vor.u32 v17, v33;
	v16 =	vadd.s32 $0x15, v25;
	v33 =	vand.u32 $0xFFFFFF80, v32;
	v31 =	vld.idx.msk [tilespmem:v31+s10+$0x0], $0xffff  }
0x170: {  	v32 =	vand.u32 $0x7F, v32;
	s4 =	sadd.s32 $0x13600, s22;
	v34 =	vand.u32 $0xFFFFFF80, v16;
	v33 =	vadd.s32 v7, v33  }
0x171: {  	v16 =	vand.u32 $0x7F, v16;
	s5 =	sor.u32 s24, s4;
	s4 =	sor.u32 s23, s4;
	v34 =	vadd.s32 v9, v34;
	v32 =	vor.u32 v32, v33  }
0x172: {  	v33 =	vadd.s32 $0x16, v25;
	v16 =	vor.u32 v16, v34;
	v34 =	vadd.s32 $0x1A, v1;
	[tilespmem:s4+$0x0] =	vst v35  }
0x173: {  	s4 =	sadd.s32 $0x11680, s25;
	[tilespmem:s11+$0x0] =	vst v30;
	v30 =	vand.u32 $0xFFFFFF80, v33;
	v33 =	vand.u32 $0x7F, v33;
	v35 =	vld.idx.msk [tilespmem:v15+s10+$0x0], $0xffff;
	v15 =	vand.u32 $0xFFFFFF80, v34  }
0x174: {  	s11 =	sor.u32 s28, s4;
	s4 =	sor.u32 s26, s4;
	v29 =	vld.idx.msk [tilespmem:v29+s10+$0x0], $0xffff;
	v30 =	vadd.s32 v9, v30;
	[tilespmem:s6+$0x0] =	vst v14;
	v14 =	vand.u32 $0x7F, v34;
	v34 =	vadd.s32 v2, v15  }
0x175: {  	v15 =	vor.u32 v33, v30;
	[tilespmem:s4+$0x0] =	vst v31;
	v30 =	vadd.s32 $0xB, v4;
	v31 =	vld.idx.msk [tilespmem:v13+s10+$0x0], $0xffff;
	v13 =	vor.u32 v14, v34  }
0x176: {  	v14 =	vadd.s32 $0x17, v25;
	v33 =	vadd.s32 $0x18, v25;
	v32 =	vld.idx.msk [tilespmem:v32+s10+$0x0], $0xffff;
	v34 =	vand.u32 $0xFFFFFF80, v30  }
0x177: {  	s4 =	sadd.s32 $0x13680, s22;
	v36 =	vand.u32 $0xFFFFFF80, v14;
	v30 =	vand.u32 $0x7F, v30;
	v34 =	vadd.s32 v7, v34  }
0x178: {  	v14 =	vand.u32 $0x7F, v14;
	s6 =	sor.u32 s24, s4;
	s4 =	sor.u32 s23, s4;
	v36 =	vadd.s32 v9, v36;
	v30 =	vor.u32 v30, v34  }
0x179: {  	v14 =	vor.u32 v14, v36;
	v34 =	vand.u32 $0xFFFFFF80, v33;
	[tilespmem:s4+$0x0] =	vst v35;
	v35 =	vadd.s32 $0x1B, v1  }
0x17a: {  	s4 =	sadd.s32 $0x11700, s25;
	[tilespmem:s11+$0x0] =	vst v29;
	v29 =	vand.u32 $0x7F, v33;
	v33 =	vadd.s32 v9, v34;
	v34 =	vld.idx.msk [tilespmem:v13+s10+$0x0], $0xffff;
	v36 =	vand.u32 $0xFFFFFF80, v35  }
0x17b: {  	s11 =	sor.u32 s28, s4;
	s4 =	sor.u32 s26, s4;
	v28 =	vld.idx.msk [tilespmem:v28+s10+$0x0], $0xffff;
	v13 =	vor.u32 v29, v33;
	[tilespmem:s5+$0x0] =	vst v31;
	v29 =	vand.u32 $0x7F, v35;
	v31 =	vadd.s32 v2, v36  }
0x17c: {  	v33 =	vadd.s32 $0x19, v25;
	[tilespmem:s4+$0x0] =	vst v32;
	v32 =	vadd.s32 $0xC, v4;
	v35 =	vld.idx.msk [tilespmem:v11+s10+$0x0], $0xffff;
	v29 =	vor.u32 v29, v31  }
0x17d: {  	v11 =	vand.u32 $0xFFFFFF80, v33;
	v31 =	vand.u32 $0x7F, v33;
	v30 =	vld.idx.msk [tilespmem:v30+s10+$0x0], $0xffff;
	v33 =	vand.u32 $0xFFFFFF80, v32  }
0x17e: {  	s4 =	sadd.s32 $0x13700, s22;
	v11 =	vadd.s32 v9, v11;
	v32 =	vand.u32 $0x7F, v32;
	v33 =	vadd.s32 v7, v33  }
0x17f: {  	s5 =	sor.u32 s24, s4;
	s4 =	sor.u32 s23, s4;
	v11 =	vor.u32 v31, v11;
	v31 =	vadd.s32 $0x1A, v25;
	v32 =	vor.u32 v32, v33  }
0x180: {  	v33 =	vand.u32 $0xFFFFFF80, v31;
	v31 =	vand.u32 $0x7F, v31;
	[tilespmem:s4+$0x0] =	vst v34;
	v34 =	vadd.s32 $0x1C, v1  }
0x181: {  	s4 =	sadd.s32 $0x11780, s25;
	[tilespmem:s11+$0x0] =	vst v28;
	v28 =	vadd.s32 v9, v33;
	v33 =	vadd.s32 $0x1B, v25;
	v29 =	vld.idx.msk [tilespmem:v29+s10+$0x0], $0xffff;
	v36 =	vand.u32 $0xFFFFFF80, v34  }
0x182: {  	s12 =	sor.u32 s28, s4;
	s4 =	sor.u32 s26, s4;
	v27 =	vld.idx.msk [tilespmem:v27+s10+$0x0], $0xffff;
	v28 =	vor.u32 v31, v28;
	[tilespmem:s6+$0x0] =	vst v35;
	v31 =	vand.u32 $0x7F, v34;
	v34 =	vadd.s32 v2, v36  }
0x183: {  	v35 =	vand.u32 $0xFFFFFF80, v33;
	[tilespmem:s4+$0x0] =	vst v30;
	v30 =	vadd.s32 $0xD, v4;
	v36 =	vld.idx.msk [tilespmem:v10+s10+$0x0], $0xffff;
	v31 =	vor.u32 v31, v34;
	v10 =	vmovc v28  }
0x184: {  	v28 =	vand.u32 $0x7F, v33;
	v33 =	vadd.s32 v9, v35;
	v32 =	vld.idx.msk [tilespmem:v32+s10+$0x0], $0xffff;
	v34 =	vand.u32 $0xFFFFFF80, v30  }
0x185: {  	s4 =	sadd.s32 $0x13780, s22;
	v28 =	vor.u32 v28, v33;
	v30 =	vand.u32 $0x7F, v30;
	v33 =	vadd.s32 v7, v34  }
0x186: {  	v35 =	vadd.s32 $0x1D, v25;
	s11 =	sor.u32 s24, s4;
	s4 =	sor.u32 s23, s4;
	v34 =	vadd.s32 $0x1C, v25;
	v30 =	vor.u32 v30, v33  }
0x187: {  	v37 =	vadd.s32 $0x1D, v1;
	v33 =	vand.u32 $0xFFFFFF80, v34;
	v34 =	vand.u32 $0x7F, v34;
	[tilespmem:s4+$0x0] =	vst v29  }
0x188: {  	s4 =	sadd.s32 $0x11800, s25;
	[tilespmem:s12+$0x0] =	vst v27;
	v27 =	vadd.s32 v9, v33;
	v33 =	vand.u32 $0xFFFFFF80, v35;
	v38 =	vld.idx.msk [tilespmem:v31+s10+$0x0], $0xffff;
	v31 =	vand.u32 $0xFFFFFF80, v37  }
0x189: {  	s6 =	sor.u32 s28, s4;
	s4 =	sor.u32 s26, s4;
	v26 =	vld.idx.msk [tilespmem:v26+s10+$0x0], $0xffff;
	v29 =	vor.u32 v34, v27;
	[tilespmem:s5+$0x0] =	vst v36;
	v27 =	vand.u32 $0x7F, v37;
	v34 =	vadd.s32 v2, v31  }
0x18a: {  	v33 =	vadd.s32 v9, v33;
	[tilespmem:s4+$0x0] =	vst v32;
	v32 =	vadd.s32 $0xE, v4;
	v31 =	vld.idx.msk [tilespmem:v12+s10+$0x0], $0xffff;
	v36 =	vor.u32 v27, v34  }
.Ltmp0:
0x18b: {  	v27 =	vand.u32 $0x7F, v35;
	v34 =	vadd.s32 $0x1E, v25;
	v12 =	vmovc v28;
	v35 =	vld.idx.msk [tilespmem:v30+s10+$0x0], $0xffff;
	v30 =	vand.u32 $0xFFFFFF80, v32;
	(pc) =	sbr.rel @p0 .LBB2_2-.Ltmp0, $4  }
0x18c: {  	s4 =	sadd.s32 $0x13800, s22;
	v28 =	vor.u32 v27, v33;
	v27 =	vand.u32 $0x7F, v32;
	v30 =	vadd.s32 v7, v30  }
0x18d: {  	v32 =	vand.u32 $0xFFFFFF80, v34;
	v33 =	vand.u32 $0x7F, v34;
	s12 =	sor.u32 s24, s4;
	s4 =	sor.u32 s23, s4;
	v34 =	vor.u32 v27, v30  }
0x18e: {  	v30 =	vadd.s32 v9, v32;
	v27 =	vadd.s32 $0x1F, v25;
	v32 =	vadd.s32 $0x1E, v1;
	[tilespmem:s4+$0x0] =	vst v38  }
0x18f: {  	s9 =	sadd.s32 $0x20, s9;
	s14 =	sadd.s32 $0x11880, s25;
	v25 =	vand.u32 $0xFFFFFF80, v27;
	[tilespmem:s6+$0x0] =	vst v26;
	v26 =	vor.u32 v33, v30;
	v30 =	vld.idx.msk [tilespmem:v36+s10+$0x0], $0xffff;
	v33 =	vand.u32 $0xFFFFFF80, v32  }
0x190: {  	_ =	sdelay $0x3  }
0x191: {  	v24 =	vld.idx.msk [tilespmem:v24+s10+$0x0], $0xffff;
	_ =	sdelay $0x2  }
0x192: {  	s0 =	sor.u32 s26, s14;
	v36 =	vadd.s32 $0xF, v4  }
0x193: {  	s1 =	sor.u32 s28, s14;
	[tilespmem:s0+$0x0] =	vst v35;
	v41 =	vand.u32 $0xFFFFFF80, v36  }
0x194: {  	v43 =	vand.u32 $0x7F, v36;
	v42 =	vld.idx.msk [tilespmem:v34+s10+$0x0], $0xffff;
	v35 =	vadd.s32 v7, v41;
	[tilespmem:s1+$0x0] =	vst v24  }
0x195: {  	v34 =	vor.u32 v43, v35;
	v23 =	vld.idx.msk [tilespmem:v23+s10+$0x0], $0xffff;
	_ =	sdelay $0x1  }
0x196: {  	s13 =	sadd.s32 $0x11900, s25  }
0x197: {  	v44 =	vadd.s32 $0x10, v4;
	s14 =	sor.u32 s26, s13  }
0x198: {  	s0 =	sor.u32 s28, s13;
	v45 =	vand.u32 $0xFFFFFF80, v44;
	[tilespmem:s14+$0x0] =	vst v42  }
0x199: {  	v35 =	vand.u32 $0x7F, v44;
	v24 =	vadd.s32 v7, v45;
	v34 =	vld.idx.msk [tilespmem:v34+s10+$0x0], $0xffff;
	[tilespmem:s0+$0x0] =	vst v23  }
0x19a: {  	v46 =	vor.u32 v35, v24;
	v22 =	vld.idx.msk [tilespmem:v22+s10+$0x0], $0xffff;
	_ =	sdelay $0x1  }
0x19b: {  	s15 =	sadd.s32 $0x11980, s25  }
0x19c: {  	v47 =	vadd.s32 $0x11, v4;
	s16 =	sor.u32 s26, s15  }
0x19d: {  	v48 =	vand.u32 $0xFFFFFF80, v47;
	s0 =	sor.u32 s28, s15;
	[tilespmem:s16+$0x0] =	vst v34  }
0x19e: {  	v24 =	vand.u32 $0x7F, v47;
	v34 =	vadd.s32 v7, v48;
	v23 =	vld.idx.msk [tilespmem:v46+s10+$0x0], $0xffff;
	[tilespmem:s0+$0x0] =	vst v22  }
0x19f: {  	v49 =	vor.u32 v24, v34;
	v21 =	vld.idx.msk [tilespmem:v21+s10+$0x0], $0xffff;
	_ =	sdelay $0x1  }
0x1a0: {  	s18 =	sadd.s32 $0x12600, s25  }
0x1a1: {  	v50 =	vadd.s32 $0x12, v4;
	s19 =	sor.u32 s26, s18  }
0x1a2: {  	v51 =	vand.u32 $0xFFFFFF80, v50;
	s0 =	sor.u32 s28, s18;
	[tilespmem:s19+$0x0] =	vst v23  }
0x1a3: {  	v24 =	vand.u32 $0x7F, v50;
	v23 =	vadd.s32 v7, v51;
	v22 =	vld.idx.msk [tilespmem:v49+s10+$0x0], $0xffff;
	[tilespmem:s0+$0x0] =	vst v21  }
0x1a4: {  	v52 =	vor.u32 v24, v23;
	v20 =	vld.idx.msk [tilespmem:v20+s10+$0x0], $0xffff;
	_ =	sdelay $0x1  }
0x1a5: {  	s20 =	sadd.s32 $0x12680, s25  }
0x1a6: {  	v53 =	vadd.s32 $0x13, v4;
	s29 =	sor.u32 s26, s20  }
0x1a7: {  	v54 =	vand.u32 $0xFFFFFF80, v53;
	s0 =	sor.u32 s28, s20;
	[tilespmem:s29+$0x0] =	vst v22  }
0x1a8: {  	v23 =	vand.u32 $0x7F, v53;
	v22 =	vadd.s32 v7, v54;
	v21 =	vld.idx.msk [tilespmem:v52+s10+$0x0], $0xffff;
	[tilespmem:s0+$0x0] =	vst v20  }
0x1a9: {  	v55 =	vor.u32 v23, v22;
	v19 =	vld.idx.msk [tilespmem:v19+s10+$0x0], $0xffff;
	_ =	sdelay $0x1  }
0x1aa: {  	s30 =	sadd.s32 $0x12700, s25  }
0x1ab: {  	v56 =	vadd.s32 $0x14, v4;
	s31 =	sor.u32 s26, s30  }
0x1ac: {  	v57 =	vand.u32 $0xFFFFFF80, v56;
	s0 =	sor.u32 s28, s30;
	[tilespmem:s31+$0x0] =	vst v21  }
0x1ad: {  	v22 =	vand.u32 $0x7F, v56;
	v21 =	vadd.s32 v7, v57;
	v20 =	vld.idx.msk [tilespmem:v55+s10+$0x0], $0xffff;
	[tilespmem:s0+$0x0] =	vst v19  }
0x1ae: {  	v58 =	vor.u32 v22, v21;
	v18 =	vld.idx.msk [tilespmem:v18+s10+$0x0], $0xffff;
	_ =	sdelay $0x1  }
0x1af: {  	s4 =	sadd.s32 $0x12780, s25  }
0x1b0: {  	v59 =	vadd.s32 $0x15, v4;
	s5 =	sor.u32 s26, s4  }
0x1b1: {  	v60 =	vand.u32 $0xFFFFFF80, v59;
	s0 =	sor.u32 s28, s4;
	[tilespmem:s5+$0x0] =	vst v20  }
0x1b2: {  	v21 =	vand.u32 $0x7F, v59;
	v20 =	vadd.s32 v7, v60;
	v19 =	vld.idx.msk [tilespmem:v58+s10+$0x0], $0xffff;
	[tilespmem:s0+$0x0] =	vst v18  }
0x1b3: {  	v61 =	vor.u32 v21, v20;
	v17 =	vld.idx.msk [tilespmem:v17+s10+$0x0], $0xffff;
	_ =	sdelay $0x1  }
0x1b4: {  	s6 =	sadd.s32 $0x12800, s25  }
0x1b5: {  	v62 =	vadd.s32 $0x16, v4;
	s9 =	sor.u32 s26, s6  }
0x1b6: {  	v63 =	vand.u32 $0xFFFFFF80, v62;
	s0 =	sor.u32 s28, s6;
	[tilespmem:s9+$0x0] =	vst v19  }
0x1b7: {  	v20 =	vand.u32 $0x7F, v62;
	v19 =	vadd.s32 v7, v63;
	v18 =	vld.idx.msk [tilespmem:v61+s10+$0x0], $0xffff;
	[tilespmem:s0+$0x0] =	vst v17  }
0x1b8: {  	v21 =	vor.u32 v20, v19;
	v16 =	vld.idx.msk [tilespmem:v16+s10+$0x0], $0xffff;
	_ =	sdelay $0x1  }
0x1b9: {  	s13 =	sadd.s32 $0x12880, s25  }
0x1ba: {  	s14 =	sor.u32 s26, s13;
	v22 =	vadd.s32 $0x17, v4  }
0x1bb: {  	v23 =	vand.u32 $0xFFFFFF80, v22;
	s0 =	sor.u32 s28, s13;
	[tilespmem:s14+$0x0] =	vst v18  }
0x1bc: {  	v19 =	vand.u32 $0x7F, v22;
	v18 =	vadd.s32 v7, v23;
	v17 =	vld.idx.msk [tilespmem:v21+s10+$0x0], $0xffff;
	[tilespmem:s0+$0x0] =	vst v16  }
0x1bd: {  	v24 =	vor.u32 v19, v18;
	v15 =	vld.idx.msk [tilespmem:v15+s10+$0x0], $0xffff;
	_ =	sdelay $0x1  }
0x1be: {  	s15 =	sadd.s32 $0x12900, s25  }
0x1bf: {  	s16 =	sor.u32 s26, s15;
	v34 =	vadd.s32 $0x18, v4  }
0x1c0: {  	v35 =	vand.u32 $0xFFFFFF80, v34;
	s0 =	sor.u32 s28, s15;
	[tilespmem:s16+$0x0] =	vst v17  }
0x1c1: {  	v18 =	vand.u32 $0x7F, v34;
	v17 =	vadd.s32 v7, v35;
	v16 =	vld.idx.msk [tilespmem:v24+s10+$0x0], $0xffff;
	[tilespmem:s0+$0x0] =	vst v15  }
0x1c2: {  	v36 =	vor.u32 v18, v17;
	v14 =	vld.idx.msk [tilespmem:v14+s10+$0x0], $0xffff;
	_ =	sdelay $0x1  }
0x1c3: {  	s18 =	sadd.s32 $0x12980, s25  }
0x1c4: {  	v37 =	vadd.s32 $0x19, v4;
	s19 =	sor.u32 s26, s18  }
0x1c5: {  	v38 =	vand.u32 $0xFFFFFF80, v37;
	s0 =	sor.u32 s28, s18;
	[tilespmem:s19+$0x0] =	vst v16  }
0x1c6: {  	v17 =	vand.u32 $0x7F, v37;
	v16 =	vadd.s32 v7, v38;
	v15 =	vld.idx.msk [tilespmem:v36+s10+$0x0], $0xffff;
	[tilespmem:s0+$0x0] =	vst v14  }
0x1c7: {  	v39 =	vor.u32 v17, v16;
	v13 =	vld.idx.msk [tilespmem:v13+s10+$0x0], $0xffff;
	_ =	sdelay $0x1  }
0x1c8: {  	s20 =	sadd.s32 $0x13600, s25  }
0x1c9: {  	v40 =	vadd.s32 $0x1A, v4;
	s29 =	sor.u32 s26, s20  }
0x1ca: {  	v41 =	vand.u32 $0xFFFFFF80, v40;
	s0 =	sor.u32 s28, s20;
	[tilespmem:s29+$0x0] =	vst v15  }
0x1cb: {  	v16 =	vand.u32 $0x7F, v40;
	v15 =	vadd.s32 v7, v41;
	v14 =	vld.idx.msk [tilespmem:v39+s10+$0x0], $0xffff;
	[tilespmem:s0+$0x0] =	vst v13  }
0x1cc: {  	v42 =	vor.u32 v16, v15;
	v11 =	vld.idx.msk [tilespmem:v11+s10+$0x0], $0xffff;
	_ =	sdelay $0x1  }
0x1cd: {  	s30 =	sadd.s32 $0x13680, s25  }
0x1ce: {  	v43 =	vadd.s32 $0x1B, v4;
	s31 =	sor.u32 s26, s30  }
0x1cf: {  	v44 =	vand.u32 $0xFFFFFF80, v43;
	s0 =	sor.u32 s28, s30;
	[tilespmem:s31+$0x0] =	vst v14  }
0x1d0: {  	v15 =	vand.u32 $0x7F, v43;
	v14 =	vadd.s32 v7, v44;
	v13 =	vld.idx.msk [tilespmem:v42+s10+$0x0], $0xffff;
	[tilespmem:s0+$0x0] =	vst v11  }
0x1d1: {  	v45 =	vor.u32 v15, v14;
	v10 =	vld.idx.msk [tilespmem:v10+s10+$0x0], $0xffff;
	_ =	sdelay $0x1  }
0x1d2: {  	s1 =	sadd.s32 $0x13700, s25  }
0x1d3: {  	v46 =	vadd.s32 $0x1C, v4;
	s4 =	sor.u32 s26, s1  }
0x1d4: {  	v47 =	vand.u32 $0xFFFFFF80, v46;
	s0 =	sor.u32 s28, s1;
	[tilespmem:s4+$0x0] =	vst v13  }
0x1d5: {  	v14 =	vand.u32 $0x7F, v46;
	v13 =	vadd.s32 v7, v47;
	v11 =	vld.idx.msk [tilespmem:v45+s10+$0x0], $0xffff;
	[tilespmem:s0+$0x0] =	vst v10  }
0x1d6: {  	v48 =	vor.u32 v14, v13;
	v12 =	vld.idx.msk [tilespmem:v12+s10+$0x0], $0xffff;
	_ =	sdelay $0x1  }
0x1d7: {  	s5 =	sadd.s32 $0x13780, s25  }
0x1d8: {  	[tilespmem:s11+$0x0] =	vst v31;
	v49 =	vadd.s32 $0x1D, v4;
	s6 =	sor.u32 s26, s5  }
0x1d9: {  	v8 =	vld.idx.msk [tilespmem:v8+s10+$0x0], $0xffff;
	v50 =	vand.u32 $0xFFFFFF80, v49;
	s0 =	sor.u32 s28, s5;
	[tilespmem:s6+$0x0] =	vst v11  }
0x1da: {  	v13 =	vand.u32 $0x7F, v49;
	v11 =	vadd.s32 v7, v50;
	v10 =	vld.idx.msk [tilespmem:v48+s10+$0x0], $0xffff;
	[tilespmem:s0+$0x0] =	vst v12  }
0x1db: {  	v11 =	vor.u32 v13, v11;
	v12 =	vld.idx.msk [tilespmem:v29+s10+$0x0], $0xffff;
	_ =	sdelay $0x1  }
0x1dc: {  	s9 =	sadd.s32 $0x13800, s25  }
0x1dd: {  	[tilespmem:s12+$0x0] =	vst v8;
	v51 =	vand.u32 $0x7F, v32;
	v53 =	vadd.s32 $0x1E, v4;
	v52 =	vadd.s32 v2, v33;
	s11 =	sor.u32 s26, s9  }
0x1de: {  	v6 =	vld.idx.msk [tilespmem:v6+s10+$0x0], $0xffff;
	v54 =	vand.u32 $0xFFFFFF80, v53;
	v13 =	vor.u32 v51, v52;
	s0 =	sor.u32 s28, s9;
	[tilespmem:s11+$0x0] =	vst v10  }
0x1df: {  	v8 =	vand.u32 $0x7F, v53;
	v10 =	vadd.s32 v7, v54;
	v11 =	vld.idx.msk [tilespmem:v11+s10+$0x0], $0xffff;
	[tilespmem:s0+$0x0] =	vst v12  }
0x1e0: {  	s12 =	sadd.s32 $0x13880, s22;
	v8 =	vor.u32 v8, v10;
	v55 =	vld.idx.msk [tilespmem:v28+s10+$0x0], $0xffff  }
0x1e1: {  	v1 =	vadd.s32 $0x1F, v1;
	s13 =	sor.u32 s23, s12  }
0x1e2: {  	v56 =	vand.u32 $0xFFFFFF80, v1;
	[tilespmem:s13+$0x0] =	vst v30;
	s14 =	sadd.s32 $0x13880, s25;
	s0 =	sor.u32 s24, s12  }
0x1e3: {  	v1 =	vand.u32 $0x7F, v1;
	v2 =	vadd.s32 v2, v56;
	v57 =	vadd.s32 $0x1F, v4;
	s15 =	sor.u32 s26, s14;
	v13 =	vld.idx.msk [tilespmem:v13+s10+$0x0], $0xffff;
	[tilespmem:s0+$0x0] =	vst v6  }
0x1e4: {  	v1 =	vor.u32 v1, v2;
	v58 =	vand.u32 $0xFFFFFF80, v57;
	s1 =	sor.u32 s28, s14;
	v2 =	vld.idx.msk [tilespmem:v5+s10+$0x0], $0xffff;
	[tilespmem:s15+$0x0] =	vst v11  }
0x1e5: {  	v4 =	vand.u32 $0x7F, v57;
	v5 =	vadd.s32 v7, v58;
	v59 =	vld.idx.msk [tilespmem:v8+s10+$0x0], $0xffff;
	[tilespmem:s1+$0x0] =	vst v55  }
0x1e6: {  	v60 =	vadd.s32 v9, v25;
	v61 =	vand.u32 $0x7F, v27;
	s16 =	sadd.s32 $0x13900, s22;
	v4 =	vor.u32 v4, v5;
	v62 =	vld.idx.msk [tilespmem:v26+s10+$0x0], $0xffff  }
0x1e7: {  	s18 =	sor.u32 s23, s16;
	v7 =	vor.u32 v61, v60  }
0x1e8: {  	s19 =	sadd.s32 $0x13900, s25;
	s0 =	sor.u32 s24, s16;
	[tilespmem:s18+$0x0] =	vst v13  }
0x1e9: {  	s20 =	sor.u32 s26, s19;
	v1 =	vld.idx.msk [tilespmem:v1+s10+$0x0], $0xffff;
	[tilespmem:s0+$0x0] =	vst v2  }
0x1ea: {  	s1 =	sor.u32 s28, s19;
	v2 =	vld.idx.msk [tilespmem:v3+s10+$0x0], $0xffff;
	[tilespmem:s20+$0x0] =	vst v59  }
0x1eb: {  	v3 =	vld.idx.msk [tilespmem:v4+s10+$0x0], $0xffff;
	[tilespmem:s1+$0x0] =	vst v62  }
0x1ec: {  	s22 =	sadd.s32 $0x13980, s22;
	v63 =	vld.idx.msk [tilespmem:v7+s10+$0x0], $0xffff  }
0x1ed: {  	s23 =	sor.u32 s23, s22  }
0x1ee: {  	s25 =	sadd.s32 $0x13980, s25;
	s0 =	sor.u32 s24, s22;
	[tilespmem:s23+$0x0] =	vst v1  }
0x1ef: {  	s29 =	sor.u32 s26, s25;
	[tilespmem:s0+$0x0] =	vst v2  }
0x1f0: {  	s1 =	sor.u32 s28, s25;
	[tilespmem:s29+$0x0] =	vst v3  }
0x1f1: {  	s30 =	simm.s32 $0x1000;
	[tilespmem:s1+$0x0] =	vst v63  }
0x1f2: {  	s4 =	simm.s32 $0x20000;
	s5 =	simm.s32 $0x10600;
	s0 =	rddreg [dreg:$0x5]  }
0x1f3: {  	[hbm4b:s0+s30] =	stream.strided.scatter [tilespmem:s5], [sflag:$0x2], $0x4000, s4, s30, $0x38;
	[tilespmem:$0x14600] =	vst v63  }
0x1f4: {  	_ =	swait.ge [sflag:s7], $0x4000  }
0x1f5: {  	s21 =	sadd.s32 $0x1, s21;
	s31 =	rddreg [dreg:$0x6]  }
0x1f6: {  	p0 =	sne.s32 s21, s31  }
.Ltmp1:
0x1f7: {  	_ = 	snop;
	(pc) =	sbr.rel @p0 .LBB2_1-.Ltmp1, $3  }
0x1f8: {  	_ =	sdelay $0x1  }
0x1f9: {  	[sflag:s7] =	ssyncset.done $0x0  }
0x1fa: {  	[sflag:s7] =	ssyncadd.s32 $0xFFFFC000  }
0x1fb: {  	_ =	sfence.sel $0x180000  }
0x1fc: {  	[bflag:$0x0] =	sbarrier.arrive $0xFFFF  }
0x1fd: {  	_ =	strace $0x9000004A  }
0x1fe: {  	s0 =	stileid.u32;
	[bflag:$0x2] =	sbarrier.arrive $0xFFFF  }
0x1ff: {  	p0 =	sne.s32 s0, $0x0;
	s0 =	rddreg [dreg:$0x3]  }
0x200: {  	s0 =	sadd.s32 @!p0 $0x100000, s0  }
0x201: {  	[sflag:s0] =	ssyncadd.tile.s32 @!p0 $0x1;
	_ =	shalt  }
.Lfunc_end2:
_tile_overlayer_lowered:
.L_overlay_start_2:
0x202: {  	(tag) =	ssettag $0x2  }
0x203: {  	s0 =	rddreg [dreg:$0x0];
	s2 =	stileid.u32  }
0x204: {  	s1 =	rddreg [dreg:$0x1];
	p0 =	sne.s32 s2, $0x0  }
0x205: {  	s3 =	rddreg [dreg:$0x2];
	[bflag:$0x3] =	sbarrier.arrive $0xFFFF;
	s2 =	simm.s32 @!p0 $0x1C02  }
0x206: {  	[timem:s3], [sflag:s2] =	dma.local @!p0 [hbm:s0], s1  }
0x207: {  	s0 =	simm.s32 @!p0 $0x2  }
0x208: {  	_ =	swait.ge @!p0 [sflag:s0], s1  }
0x209: {  	s1 =	ssub.s32 @!p0 $0x0, s1;
	[sflag:s0] =	ssyncset.done @!p0 $0x0  }
0x20a: {  	[sflag:s0] =	ssyncadd.s32 @!p0 s1  }
0x20b: {  	[bflag:$0x3] =	sbarrier.arrive $0xFFFF  }
0x20c: {  	_ =	shalt  }

</sc_bundles>
